<compile_context>
chip_gen: v7x
topology: tpu7x:2x2x1
jax: 0.10.2.dev20260603
libtpu: 0.0.44.dev20260713+nightly
codegen_flags: <defaults>
</compile_context>

<pallas_src>
import jax
import jax.numpy as jnp
from jax import lax
from jax.experimental import pallas as pl
from jax.experimental.pallas import tpu as pltpu
from jax.experimental.pallas import tpu_sc as plsc

N = 10000
E = 160000
D = 256
DH = 128
NC = 2
NS = 16
CH = 80
EPT = 10000
PAD = EPT - E // NS
EPAD = EPT * NS
NCHUNK = EPT // CH
ZROW = 2 * N
ACH = 80
NZ = N // ACH
ZK = (NZ + NS - 1) // NS


DEPTH = 4


def _segsum_body(gidx_hbm, dst_hbm, z_hbm, zeros_hbm, out_hbm, *rest):
    idxv = rest[0:4]
    dstv = rest[4:8]
    rowsv = rest[8:12]
    acc_sh = rest[12]
    sem_i = rest[13:17]
    sem_d = rest[17:21]
    sem_g = rest[21:25]
    sem_s = rest[25:29]

    c = lax.axis_index("c")
    s = lax.axis_index("s")

    stgv = rowsv[0].at[pl.ds(0, ACH)]
    pltpu.sync_copy(zeros_hbm, stgv)
    for k in range(ZK):
        cid = s + k * NS

        @pl.when(cid < NZ)
        def _():
            pltpu.sync_copy(stgv, acc_sh.at[pl.ds(cid * ACH, ACH)])
    plsc.subcore_barrier()

    def fire_idx(k, b):
        base = pl.multiple_of(s * EPT + k * CH, 8)
        pltpu.async_copy(gidx_hbm.at[pl.ds(c * EPAD + base, CH)], idxv[b],
                         sem_i[b])
        pltpu.async_copy(dst_hbm.at[pl.ds(base, CH)], dstv[b], sem_d[b])

    def wait_idx(b):
        pltpu.make_async_copy(gidx_hbm.at[pl.ds(0, CH)], idxv[b],
                              sem_i[b]).wait()
        pltpu.make_async_copy(dst_hbm.at[pl.ds(0, CH)], dstv[b],
                              sem_d[b]).wait()

    def fire_gather(b):
        pltpu.async_copy(z_hbm.at[idxv[b]], rowsv[b], sem_g[b])

    def wait_gather(b):
        pltpu.make_async_copy(z_hbm.at[idxv[b]], rowsv[b], sem_g[b]).wait()

    def fire_scatter(b):
        pltpu.async_copy(rowsv[b], acc_sh.at[dstv[b]], sem_s[b], add=True)

    def wait_scatter(b):
        pltpu.make_async_copy(rowsv[b], acc_sh.at[dstv[b]],
                              sem_s[b]).wait()

    fire_idx(0, 0)
    fire_idx(1, 1)
    wait_idx(0)
    fire_gather(0)

    @pl.loop(0, NCHUNK, step=DEPTH)
    def _(g):
        for b in range(DEPTH):
            k = g + b
            b1 = (b + 1) % DEPTH
            b2 = (b + 2) % DEPTH

            @pl.when(k < NCHUNK)
            def _():
                @pl.when(k + 2 < NCHUNK)
                def _():
                    @pl.when(k >= 2)
                    def _():
                        wait_scatter(b2)
                    fire_idx(k + 2, b2)

                @pl.when(k + 1 < NCHUNK)
                def _():
                    wait_idx(b1)
                    fire_gather(b1)
                wait_gather(b)
                fire_scatter(b)

    for j in range(DEPTH):
        wait_scatter((NCHUNK - DEPTH + j) % DEPTH)
    plsc.subcore_barrier()

    for k in range(ZK):
        cid = s + k * NS

        @pl.when(cid < NZ)
        def _():
            pltpu.sync_copy(acc_sh.at[pl.ds(cid * ACH, ACH)], stgv)
            pltpu.sync_copy(stgv, out_hbm.at[pl.ds(c * N + cid * ACH, ACH)])


def _segment_sum(gidx, dstp, z_pad):
    mesh = plsc.VectorSubcoreMesh(core_axis_name="c", subcore_axis_name="s")
    zeros = jnp.zeros((ACH, DH), jnp.float32)
    kern = pl.kernel(
        _segsum_body,
        out_type=jax.ShapeDtypeStruct((2 * N, DH), jnp.float32),
        mesh=mesh,
        scratch_types=(
            [pltpu.VMEM((CH,), jnp.int32)] * DEPTH
            + [pltpu.VMEM((CH,), jnp.int32)] * DEPTH
            + [pltpu.VMEM((CH, DH), jnp.float32)] * DEPTH
            + [pltpu.VMEM_SHARED((N, DH), jnp.float32)]
            + [pltpu.SemaphoreType.DMA] * (4 * DEPTH)
        ),
    )
    return kern(gidx, dstp, z_pad, zeros)


CHD = 40
EPW = E // (NC * NS)
NCHD = EPW // CHD
NZD = N // CHD
ZKD = (NZD + NS - 1) // NS


def _deg_body(dst_hbm, ones_hbm, zeros_hbm, out_hbm, *rest):
    dstv = rest[0:4]
    onesv = rest[4]
    rowsv = rest[5]
    deg_sh = rest[6]
    sem_d = rest[7:11]
    sem_s = rest[11:15]

    c = lax.axis_index("c")
    s = lax.axis_index("s")

    pltpu.sync_copy(zeros_hbm, rowsv)
    for k in range(ZKD):
        cid = s + k * NS

        @pl.when(cid < NZD)
        def _():
            pltpu.sync_copy(rowsv, deg_sh.at[pl.ds(cid * CHD, CHD)])
    pltpu.sync_copy(ones_hbm, onesv)
    plsc.subcore_barrier()

    w = c * NS + s

    def fire_dst(k, b):
        base = pl.multiple_of(w * EPW + k * CHD, 8)
        pltpu.async_copy(dst_hbm.at[pl.ds(base, CHD)], dstv[b], sem_d[b])

    def wait_dst(b):
        pltpu.make_async_copy(dst_hbm.at[pl.ds(0, CHD)], dstv[b],
                              sem_d[b]).wait()

    def fire_scatter(b):
        pltpu.async_copy(onesv, deg_sh.at[dstv[b]], sem_s[b], add=True)

    def wait_scatter(b):
        pltpu.make_async_copy(onesv, deg_sh.at[dstv[b]], sem_s[b]).wait()

    fire_dst(0, 0)
    fire_dst(1, 1)

    @pl.loop(0, NCHD, step=DEPTH)
    def _(g):
        for b in range(DEPTH):
            k = g + b
            b2 = (b + 2) % DEPTH

            @pl.when(k < NCHD)
            def _():
                @pl.when(k + 2 < NCHD)
                def _():
                    @pl.when(k >= 2)
                    def _():
                        wait_scatter(b2)
                    fire_dst(k + 2, b2)
                wait_dst(b)
                fire_scatter(b)

    for j in range(DEPTH):
        wait_scatter((NCHD - DEPTH + j) % DEPTH)
    plsc.subcore_barrier()

    for k in range(ZKD):
        cid = s + k * NS

        @pl.when(cid < NZD)
        def _():
            pltpu.sync_copy(deg_sh.at[pl.ds(cid * CHD, CHD)], rowsv)
            pltpu.sync_copy(rowsv, out_hbm.at[pl.ds(c * N + cid * CHD, CHD)])


def _degree(dst):
    mesh = plsc.VectorSubcoreMesh(core_axis_name="c", subcore_axis_name="s")
    ones = jnp.ones((CHD, DH), jnp.float32)
    zeros = jnp.zeros((CHD, DH), jnp.float32)
    kern = pl.kernel(
        _deg_body,
        out_type=jax.ShapeDtypeStruct((2 * N, DH), jnp.float32),
        mesh=mesh,
        scratch_types=(
            [pltpu.VMEM((CHD,), jnp.int32)] * DEPTH
            + [pltpu.VMEM((CHD, DH), jnp.float32)]
            + [pltpu.VMEM((CHD, DH), jnp.float32)]
            + [pltpu.VMEM_SHARED((N, DH), jnp.float32)]
            + [pltpu.SemaphoreType.DMA] * (2 * DEPTH)
        ),
    )
    return kern(dst, ones, zeros)


def _mm_split(x, w):
    def body(x_ref, w_ref, o_ref):
        xv = x_ref[...]
        o_ref[0:N, :] = jnp.dot(xv, w_ref[:, 0:DH],
                                preferred_element_type=jnp.float32)
        o_ref[N:2 * N, :] = jnp.dot(xv, w_ref[:, DH:D],
                                    preferred_element_type=jnp.float32)
        o_ref[2 * N:, :] = jnp.zeros((8, DH), jnp.float32)
    return pl.pallas_call(
        body,
        out_shape=jax.ShapeDtypeStruct((2 * N + 8, DH), jnp.float32))(x, w)


def _combine_parts(x_ref, s_ref, d_ref, w_ref, b_ref, relu):
    a = jnp.dot(x_ref[...], w_ref[...],
                preferred_element_type=jnp.float32) + b_ref[...]
    deg = d_ref[0:N, 0:1] + d_ref[N:2 * N, 0:1]
    inv = 1.0 / jnp.maximum(deg, 1.0)
    lo = a[:, 0:DH] + s_ref[0:N, :] * inv
    hi = a[:, DH:D] + s_ref[N:2 * N, :] * inv
    if relu:
        lo = jnp.maximum(lo, 0.0)
        hi = jnp.maximum(hi, 0.0)
    return lo, hi


def _combine_relu(x, s_full, deg_full, w_self, b):
    def body(x_ref, s_ref, d_ref, w_ref, b_ref, o_ref):
        lo, hi = _combine_parts(x_ref, s_ref, d_ref, w_ref, b_ref, True)
        o_ref[:, 0:DH] = lo
        o_ref[:, DH:D] = hi
    return pl.pallas_call(
        body, out_shape=jax.ShapeDtypeStruct((N, D), jnp.float32))(
            x, s_full, deg_full, w_self, b.reshape(1, D))


def _combine(x, s_full, deg_full, w_self, b):
    def body(x_ref, s_ref, d_ref, w_ref, b_ref, o_ref):
        lo, hi = _combine_parts(x_ref, s_ref, d_ref, w_ref, b_ref, False)
        o_ref[:, 0:DH] = lo
        o_ref[:, DH:D] = hi
    return pl.pallas_call(
        body, out_shape=jax.ShapeDtypeStruct((N, D), jnp.float32))(
            x, s_full, deg_full, w_self, b.reshape(1, D))


def kernel(in_feat, edge_index, W_self1, W_neigh1, b1, W_self2, W_neigh2, b2):
    src = edge_index[0].astype(jnp.int32)
    dst = edge_index[1].astype(jnp.int32)

    if PAD:
        src2 = src.reshape(NS, E // NS)
        idx_pad = jnp.full((NS, PAD), ZROW, jnp.int32)
        gidx = jnp.concatenate([
            jnp.concatenate([src2, idx_pad], axis=1).reshape(-1),
            jnp.concatenate([src2 + N, idx_pad], axis=1).reshape(-1)])
        dstp = jnp.concatenate([dst.reshape(NS, E // NS),
                                jnp.zeros((NS, PAD), jnp.int32)],
                               axis=1).reshape(-1)
    else:
        gidx = jnp.concatenate([src, src + N])
        dstp = dst

    deg_full = _degree(dst)
    z1 = _mm_split(in_feat, W_neigh1)
    s1 = _segment_sum(gidx, dstp, z1)
    h = _combine_relu(in_feat, s1, deg_full, W_self1, b1)
    z2 = _mm_split(h, W_neigh2)
    s2 = _segment_sum(gidx, dstp, z2)
    return _combine(h, s2, deg_full, W_self2, b2)

# --- scband reference (transcript-rebuilt; emitter-appended) ---
"""Pipeline reference for scband-sage-27187142984031 (READ-ONLY COPY).

The authoritative reference and input builder live on the scoring server;
editing this copy changes nothing except your own understanding.
"""

import jax, jax.numpy as jnp
import numpy as np

N_NODES = 10000
N_EDGES = 160000
D_IN = 256
D_H = 256
D_OUT = 256


def setup_inputs(seed: int = 0) -> dict:
    key = jax.random.key(seed)
    ks = jax.random.split(key, 8)
    in_feat = jax.random.normal(ks[0], (N_NODES, D_IN), dtype=jnp.float32)
    edge_index = jax.random.randint(ks[1], (2, N_EDGES), 0, N_NODES, dtype=jnp.int64)
    s1 = 1.0 / np.sqrt(D_IN)
    s2 = 1.0 / np.sqrt(D_H)
    W_self1 = jax.random.uniform(ks[2], (D_IN, D_H), jnp.float32, -s1, s1)
    W_neigh1 = jax.random.uniform(ks[3], (D_IN, D_H), jnp.float32, -s1, s1)
    b1 = jnp.zeros((D_H,), jnp.float32)
    W_self2 = jax.random.uniform(ks[4], (D_H, D_OUT), jnp.float32, -s2, s2)
    W_neigh2 = jax.random.uniform(ks[5], (D_H, D_OUT), jnp.float32, -s2, s2)
    b2 = jnp.zeros((D_OUT,), jnp.float32)
    return {"in_feat": in_feat, "edge_index": edge_index,
            "W_self1": W_self1, "W_neigh1": W_neigh1, "b1": b1,
            "W_self2": W_self2, "W_neigh2": W_neigh2, "b2": b2}


def _sage_conv(x, edge_index, W_self, W_neigh, b):
    src = edge_index[0]
    dst = edge_index[1]
    n = x.shape[0]
    msgs = jnp.take(x, src, axis=0)
    summed = jax.ops.segment_sum(msgs, dst, num_segments=n)
    deg = jax.ops.segment_sum(jnp.ones((edge_index.shape[1],), x.dtype), dst, num_segments=n)
    h_neigh = summed / jnp.maximum(deg, 1.0)[:, None]
    return x @ W_self + h_neigh @ W_neigh + b


def reference(in_feat, edge_index, W_self1, W_neigh1, b1, W_self2, W_neigh2, b2):
    h = _sage_conv(in_feat, edge_index, W_self1, W_neigh1, b1)
    h = jax.nn.relu(h)
    h = _sage_conv(h, edge_index, W_self2, W_neigh2, b2)
    return h

if __name__ == "__main__":
    import jax
    _d = setup_inputs()
    print(jax.jit(kernel)(*tuple(_d.values())))

</pallas_src>

<mosaic_0001>
#map = affine_map<(d0, d1) -> (0)>
#map1 = affine_map<(d0, d1) -> (0, 0)>
module attributes {stable_mosaic.version = 14 : i64} {
  func.func @_segsum_body(%arg0: i32, %arg1: i32, %arg2: memref<320000xi32, #tpu.memory_space<hbm>>, %arg3: memref<160000xi32, #tpu.memory_space<hbm>>, %arg4: memref<20008x128xf32, #tpu.memory_space<hbm>>, %arg5: memref<80x128xf32, #tpu.memory_space<hbm>>, %arg6: memref<20000x128xf32, #tpu.memory_space<hbm>>, %arg7: memref<80xi32, #tpu.memory_space<vmem>>, %arg8: memref<80xi32, #tpu.memory_space<vmem>>, %arg9: memref<80xi32, #tpu.memory_space<vmem>>, %arg10: memref<80xi32, #tpu.memory_space<vmem>>, %arg11: memref<80xi32, #tpu.memory_space<vmem>>, %arg12: memref<80xi32, #tpu.memory_space<vmem>>, %arg13: memref<80xi32, #tpu.memory_space<vmem>>, %arg14: memref<80xi32, #tpu.memory_space<vmem>>, %arg15: memref<80x128xf32, #tpu.memory_space<vmem>>, %arg16: memref<80x128xf32, #tpu.memory_space<vmem>>, %arg17: memref<80x128xf32, #tpu.memory_space<vmem>>, %arg18: memref<80x128xf32, #tpu.memory_space<vmem>>, %arg19: memref<10000x128xf32, #tpu.memory_space<vmem_shared>>, %arg20: memref<!tpu.dma_semaphore, #tpu.memory_space<semaphore_mem>>, %arg21: memref<!tpu.dma_semaphore, #tpu.memory_space<semaphore_mem>>, %arg22: memref<!tpu.dma_semaphore, #tpu.memory_space<semaphore_mem>>, %arg23: memref<!tpu.dma_semaphore, #tpu.memory_space<semaphore_mem>>, %arg24: memref<!tpu.dma_semaphore, #tpu.memory_space<semaphore_mem>>, %arg25: memref<!tpu.dma_semaphore, #tpu.memory_space<semaphore_mem>>, %arg26: memref<!tpu.dma_semaphore, #tpu.memory_space<semaphore_mem>>, %arg27: memref<!tpu.dma_semaphore, #tpu.memory_space<semaphore_mem>>, %arg28: memref<!tpu.dma_semaphore, #tpu.memory_space<semaphore_mem>>, %arg29: memref<!tpu.dma_semaphore, #tpu.memory_space<semaphore_mem>>, %arg30: memref<!tpu.dma_semaphore, #tpu.memory_space<semaphore_mem>>, %arg31: memref<!tpu.dma_semaphore, #tpu.memory_space<semaphore_mem>>, %arg32: memref<!tpu.dma_semaphore, #tpu.memory_space<semaphore_mem>>, %arg33: memref<!tpu.dma_semaphore, #tpu.memory_space<semaphore_mem>>, %arg34: memref<!tpu.dma_semaphore, #tpu.memory_space<semaphore_mem>>, %arg35: memref<!tpu.dma_semaphore, #tpu.memory_space<semaphore_mem>>) attributes {dimension_semantics = [#tpu.dimension_semantics<core_parallel>, #tpu.dimension_semantics<subcore_parallel>], iteration_bounds = array<i64: 2, 16>, scalar_prefetch = 0 : i64, scratch_operands = 29 : i64, tpu.core_type = #tpu.core_type<sc_vector_subcore>, window_params = [{transform_indices = #map}, {transform_indices = #map}, {transform_indices = #map1}, {transform_indices = #map1}, {transform_indices = #map1}]} {
    "tpu.region"() ({
      %run_scoped3A = tpu.sem_alloc : memref<!tpu.dma_semaphore, #tpu.memory_space<semaphore_mem>>
      %dma_start3A_156 = arith.constant 0 : i32
      %dma_start3A_157 = arith.constant 0 : i32
      %dma_start3A_158 = tpu.memref_slice %arg15[%dma_start3A_156, %dma_start3A_157] : memref<80x128xf32, #tpu.memory_space<vmem>> -> memref<80x128xf32, #tpu.memory_space<vmem>>
      %dma_start3A_159 = arith.constant 0 : i32
      %dma_start3A_160 = arith.constant 0 : i32
      %dma_start3A_161 = tpu.memref_slice %arg15[%dma_start3A_159, %dma_start3A_160] : memref<80x128xf32, #tpu.memory_space<vmem>> -> memref<80x128xf32, #tpu.memory_space<vmem>>
      tpu.enqueue_dma source(%arg5 : memref<80x128xf32, #tpu.memory_space<hbm>>) target(%dma_start3A_161 : memref<80x128xf32, #tpu.memory_space<vmem>>) target_semaphore(%run_scoped3A : memref<!tpu.dma_semaphore, #tpu.memory_space<semaphore_mem>>)
      %dma_wait3A_162 = arith.constant 0 : i32
      %dma_wait3A_163 = arith.constant 0 : i32
      %dma_wait3A_164 = tpu.memref_slice %arg15[%dma_wait3A_162, %dma_wait3A_163] : memref<80x128xf32, #tpu.memory_space<vmem>> -> memref<80x128xf32, #tpu.memory_space<vmem>>
      %dma_wait3A_165 = arith.constant 0 : i32
      %dma_wait3A_166 = arith.constant 0 : i32
      %dma_wait3A_167 = tpu.memref_slice %arg15[%dma_wait3A_165, %dma_wait3A_166] : memref<80x128xf32, #tpu.memory_space<vmem>> -> memref<80x128xf32, #tpu.memory_space<vmem>>
      tpu.wait_dma2 semaphore(%run_scoped3A : memref<!tpu.dma_semaphore, #tpu.memory_space<semaphore_mem>>) src(%arg5 : memref<80x128xf32, #tpu.memory_space<hbm>>) dst(%dma_wait3A_167 : memref<80x128xf32, #tpu.memory_space<vmem>>)
      tpu.yield
    }) : () -> ()
    %add3A = arith.constant 0 : i32
    %add3A_0 = arith.addi %arg1, %add3A : i32
    %lt3A = arith.constant 125 : i32
    %lt3A_1 = arith.cmpi slt, %add3A_0, %lt3A : i32
    %convert_element_type3A = arith.extui %lt3A_1 : i1 to i32
    %cond3A = arith.constant 0 : i32
    %cond3A_2 = arith.cmpi ne, %convert_element_type3A, %cond3A : i32
    scf.if %cond3A_2 {
      %mul3A_156 = arith.constant 80 : i32
      %mul3A_157 = arith.muli %add3A_0, %mul3A_156 : i32
      "tpu.region"() ({
        %run_scoped3A = tpu.sem_alloc : memref<!tpu.dma_semaphore, #tpu.memory_space<semaphore_mem>>
        %dma_start3A_158 = arith.constant 0 : i32
        %dma_start3A_159 = arith.constant 0 : i32
        %dma_start3A_160 = tpu.memref_slice %arg15[%dma_start3A_158, %dma_start3A_159] : memref<80x128xf32, #tpu.memory_space<vmem>> -> memref<80x128xf32, #tpu.memory_space<vmem>>
        %dma_start3A_161 = arith.constant 0 : i32
        %dma_start3A_162 = tpu.memref_slice %arg19[%mul3A_157, %dma_start3A_161] : memref<10000x128xf32, #tpu.memory_space<vmem_shared>> -> memref<80x128xf32, #tpu.memory_space<vmem_shared>>
        %dma_start3A_163 = arith.constant 0 : i32
        %dma_start3A_164 = tpu.memref_slice %arg19[%mul3A_157, %dma_start3A_163] : memref<10000x128xf32, #tpu.memory_space<vmem_shared>> -> memref<80x128xf32, #tpu.memory_space<vmem_shared>>
        %dma_start3A_165 = arith.constant 0 : i32
        %dma_start3A_166 = arith.constant 0 : i32
        %dma_start3A_167 = tpu.memref_slice %arg15[%dma_start3A_165, %dma_start3A_166] : memref<80x128xf32, #tpu.memory_space<vmem>> -> memref<80x128xf32, #tpu.memory_space<vmem>>
        tpu.enqueue_dma source(%dma_start3A_167 : memref<80x128xf32, #tpu.memory_space<vmem>>) target(%dma_start3A_164 : memref<80x128xf32, #tpu.memory_space<vmem_shared>>) target_semaphore(%run_scoped3A : memref<!tpu.dma_semaphore, #tpu.memory_space<semaphore_mem>>)
        %dma_wait3A_168 = arith.constant 0 : i32
        %dma_wait3A_169 = arith.constant 0 : i32
        %dma_wait3A_170 = tpu.memref_slice %arg15[%dma_wait3A_168, %dma_wait3A_169] : memref<80x128xf32, #tpu.memory_space<vmem>> -> memref<80x128xf32, #tpu.memory_space<vmem>>
        %dma_wait3A_171 = arith.constant 0 : i32
        %dma_wait3A_172 = tpu.memref_slice %arg19[%mul3A_157, %dma_wait3A_171] : memref<10000x128xf32, #tpu.memory_space<vmem_shared>> -> memref<80x128xf32, #tpu.memory_space<vmem_shared>>
        %dma_wait3A_173 = arith.constant 0 : i32
        %dma_wait3A_174 = tpu.memref_slice %arg19[%mul3A_157, %dma_wait3A_173] : memref<10000x128xf32, #tpu.memory_space<vmem_shared>> -> memref<80x128xf32, #tpu.memory_space<vmem_shared>>
        %dma_wait3A_175 = arith.constant 0 : i32
        %dma_wait3A_176 = arith.constant 0 : i32
        %dma_wait3A_177 = tpu.memref_slice %arg15[%dma_wait3A_175, %dma_wait3A_176] : memref<80x128xf32, #tpu.memory_space<vmem>> -> memref<80x128xf32, #tpu.memory_space<vmem>>
        tpu.wait_dma2 semaphore(%run_scoped3A : memref<!tpu.dma_semaphore, #tpu.memory_space<semaphore_mem>>) src(%dma_wait3A_177 : memref<80x128xf32, #tpu.memory_space<vmem>>) dst(%dma_wait3A_174 : memref<80x128xf32, #tpu.memory_space<vmem_shared>>)
        tpu.yield
      }) : () -> ()
    } else {
    }
    %add3A_3 = arith.constant 16 : i32
    %add3A_4 = arith.addi %arg1, %add3A_3 : i32
    %lt3A_5 = arith.constant 125 : i32
    %lt3A_6 = arith.cmpi slt, %add3A_4, %lt3A_5 : i32
    %convert_element_type3A_7 = arith.extui %lt3A_6 : i1 to i32
    %cond3A_8 = arith.constant 0 : i32
    %cond3A_9 = arith.cmpi ne, %convert_element_type3A_7, %cond3A_8 : i32
    scf.if %cond3A_9 {
      %mul3A_156 = arith.constant 80 : i32
      %mul3A_157 = arith.muli %add3A_4, %mul3A_156 : i32
      "tpu.region"() ({
        %run_scoped3A = tpu.sem_alloc : memref<!tpu.dma_semaphore, #tpu.memory_space<semaphore_mem>>
        %dma_start3A_158 = arith.constant 0 : i32
        %dma_start3A_159 = arith.constant 0 : i32
        %dma_start3A_160 = tpu.memref_slice %arg15[%dma_start3A_158, %dma_start3A_159] : memref<80x128xf32, #tpu.memory_space<vmem>> -> memref<80x128xf32, #tpu.memory_space<vmem>>
        %dma_start3A_161 = arith.constant 0 : i32
        %dma_start3A_162 = tpu.memref_slice %arg19[%mul3A_157, %dma_start3A_161] : memref<10000x128xf32, #tpu.memory_space<vmem_shared>> -> memref<80x128xf32, #tpu.memory_space<vmem_shared>>
        %dma_start3A_163 = arith.constant 0 : i32
        %dma_start3A_164 = tpu.memref_slice %arg19[%mul3A_157, %dma_start3A_163] : memref<10000x128xf32, #tpu.memory_space<vmem_shared>> -> memref<80x128xf32, #tpu.memory_space<vmem_shared>>
        %dma_start3A_165 = arith.constant 0 : i32
        %dma_start3A_166 = arith.constant 0 : i32
        %dma_start3A_167 = tpu.memref_slice %arg15[%dma_start3A_165, %dma_start3A_166] : memref<80x128xf32, #tpu.memory_space<vmem>> -> memref<80x128xf32, #tpu.memory_space<vmem>>
        tpu.enqueue_dma source(%dma_start3A_167 : memref<80x128xf32, #tpu.memory_space<vmem>>) target(%dma_start3A_164 : memref<80x128xf32, #tpu.memory_space<vmem_shared>>) target_semaphore(%run_scoped3A : memref<!tpu.dma_semaphore, #tpu.memory_space<semaphore_mem>>)
        %dma_wait3A_168 = arith.constant 0 : i32
        %dma_wait3A_169 = arith.constant 0 : i32
        %dma_wait3A_170 = tpu.memref_slice %arg15[%dma_wait3A_168, %dma_wait3A_169] : memref<80x128xf32, #tpu.memory_space<vmem>> -> memref<80x128xf32, #tpu.memory_space<vmem>>
        %dma_wait3A_171 = arith.constant 0 : i32
        %dma_wait3A_172 = tpu.memref_slice %arg19[%mul3A_157, %dma_wait3A_171] : memref<10000x128xf32, #tpu.memory_space<vmem_shared>> -> memref<80x128xf32, #tpu.memory_space<vmem_shared>>
        %dma_wait3A_173 = arith.constant 0 : i32
        %dma_wait3A_174 = tpu.memref_slice %arg19[%mul3A_157, %dma_wait3A_173] : memref<10000x128xf32, #tpu.memory_space<vmem_shared>> -> memref<80x128xf32, #tpu.memory_space<vmem_shared>>
        %dma_wait3A_175 = arith.constant 0 : i32
        %dma_wait3A_176 = arith.constant 0 : i32
        %dma_wait3A_177 = tpu.memref_slice %arg15[%dma_wait3A_175, %dma_wait3A_176] : memref<80x128xf32, #tpu.memory_space<vmem>> -> memref<80x128xf32, #tpu.memory_space<vmem>>
        tpu.wait_dma2 semaphore(%run_scoped3A : memref<!tpu.dma_semaphore, #tpu.memory_space<semaphore_mem>>) src(%dma_wait3A_177 : memref<80x128xf32, #tpu.memory_space<vmem>>) dst(%dma_wait3A_174 : memref<80x128xf32, #tpu.memory_space<vmem_shared>>)
        tpu.yield
      }) : () -> ()
    } else {
    }
    %add3A_10 = arith.constant 32 : i32
    %add3A_11 = arith.addi %arg1, %add3A_10 : i32
    %lt3A_12 = arith.constant 125 : i32
    %lt3A_13 = arith.cmpi slt, %add3A_11, %lt3A_12 : i32
    %convert_element_type3A_14 = arith.extui %lt3A_13 : i1 to i32
    %cond3A_15 = arith.constant 0 : i32
    %cond3A_16 = arith.cmpi ne, %convert_element_type3A_14, %cond3A_15 : i32
    scf.if %cond3A_16 {
      %mul3A_156 = arith.constant 80 : i32
      %mul3A_157 = arith.muli %add3A_11, %mul3A_156 : i32
      "tpu.region"() ({
        %run_scoped3A = tpu.sem_alloc : memref<!tpu.dma_semaphore, #tpu.memory_space<semaphore_mem>>
        %dma_start3A_158 = arith.constant 0 : i32
        %dma_start3A_159 = arith.constant 0 : i32
        %dma_start3A_160 = tpu.memref_slice %arg15[%dma_start3A_158, %dma_start3A_159] : memref<80x128xf32, #tpu.memory_space<vmem>> -> memref<80x128xf32, #tpu.memory_space<vmem>>
        %dma_start3A_161 = arith.constant 0 : i32
        %dma_start3A_162 = tpu.memref_slice %arg19[%mul3A_157, %dma_start3A_161] : memref<10000x128xf32, #tpu.memory_space<vmem_shared>> -> memref<80x128xf32, #tpu.memory_space<vmem_shared>>
        %dma_start3A_163 = arith.constant 0 : i32
        %dma_start3A_164 = tpu.memref_slice %arg19[%mul3A_157, %dma_start3A_163] : memref<10000x128xf32, #tpu.memory_space<vmem_shared>> -> memref<80x128xf32, #tpu.memory_space<vmem_shared>>
        %dma_start3A_165 = arith.constant 0 : i32
        %dma_start3A_166 = arith.constant 0 : i32
        %dma_start3A_167 = tpu.memref_slice %arg15[%dma_start3A_165, %dma_start3A_166] : memref<80x128xf32, #tpu.memory_space<vmem>> -> memref<80x128xf32, #tpu.memory_space<vmem>>
        tpu.enqueue_dma source(%dma_start3A_167 : memref<80x128xf32, #tpu.memory_space<vmem>>) target(%dma_start3A_164 : memref<80x128xf32, #tpu.memory_space<vmem_shared>>) target_semaphore(%run_scoped3A : memref<!tpu.dma_semaphore, #tpu.memory_space<semaphore_mem>>)
        %dma_wait3A_168 = arith.constant 0 : i32
        %dma_wait3A_169 = arith.constant 0 : i32
        %dma_wait3A_170 = tpu.memref_slice %arg15[%dma_wait3A_168, %dma_wait3A_169] : memref<80x128xf32, #tpu.memory_space<vmem>> -> memref<80x128xf32, #tpu.memory_space<vmem>>
        %dma_wait3A_171 = arith.constant 0 : i32
        %dma_wait3A_172 = tpu.memref_slice %arg19[%mul3A_157, %dma_wait3A_171] : memref<10000x128xf32, #tpu.memory_space<vmem_shared>> -> memref<80x128xf32, #tpu.memory_space<vmem_shared>>
        %dma_wait3A_173 = arith.constant 0 : i32
        %dma_wait3A_174 = tpu.memref_slice %arg19[%mul3A_157, %dma_wait3A_173] : memref<10000x128xf32, #tpu.memory_space<vmem_shared>> -> memref<80x128xf32, #tpu.memory_space<vmem_shared>>
        %dma_wait3A_175 = arith.constant 0 : i32
        %dma_wait3A_176 = arith.constant 0 : i32
        %dma_wait3A_177 = tpu.memref_slice %arg15[%dma_wait3A_175, %dma_wait3A_176] : memref<80x128xf32, #tpu.memory_space<vmem>> -> memref<80x128xf32, #tpu.memory_space<vmem>>
        tpu.wait_dma2 semaphore(%run_scoped3A : memref<!tpu.dma_semaphore, #tpu.memory_space<semaphore_mem>>) src(%dma_wait3A_177 : memref<80x128xf32, #tpu.memory_space<vmem>>) dst(%dma_wait3A_174 : memref<80x128xf32, #tpu.memory_space<vmem_shared>>)
        tpu.yield
      }) : () -> ()
    } else {
    }
    %add3A_17 = arith.constant 48 : i32
    %add3A_18 = arith.addi %arg1, %add3A_17 : i32
    %lt3A_19 = arith.constant 125 : i32
    %lt3A_20 = arith.cmpi slt, %add3A_18, %lt3A_19 : i32
    %convert_element_type3A_21 = arith.extui %lt3A_20 : i1 to i32
    %cond3A_22 = arith.constant 0 : i32
    %cond3A_23 = arith.cmpi ne, %convert_element_type3A_21, %cond3A_22 : i32
    scf.if %cond3A_23 {
      %mul3A_156 = arith.constant 80 : i32
      %mul3A_157 = arith.muli %add3A_18, %mul3A_156 : i32
      "tpu.region"() ({
        %run_scoped3A = tpu.sem_alloc : memref<!tpu.dma_semaphore, #tpu.memory_space<semaphore_mem>>
        %dma_start3A_158 = arith.constant 0 : i32
        %dma_start3A_159 = arith.constant 0 : i32
        %dma_start3A_160 = tpu.memref_slice %arg15[%dma_start3A_158, %dma_start3A_159] : memref<80x128xf32, #tpu.memory_space<vmem>> -> memref<80x128xf32, #tpu.memory_space<vmem>>
        %dma_start3A_161 = arith.constant 0 : i32
        %dma_start3A_162 = tpu.memref_slice %arg19[%mul3A_157, %dma_start3A_161] : memref<10000x128xf32, #tpu.memory_space<vmem_shared>> -> memref<80x128xf32, #tpu.memory_space<vmem_shared>>
        %dma_start3A_163 = arith.constant 0 : i32
        %dma_start3A_164 = tpu.memref_slice %arg19[%mul3A_157, %dma_start3A_163] : memref<10000x128xf32, #tpu.memory_space<vmem_shared>> -> memref<80x128xf32, #tpu.memory_space<vmem_shared>>
        %dma_start3A_165 = arith.constant 0 : i32
        %dma_start3A_166 = arith.constant 0 : i32
        %dma_start3A_167 = tpu.memref_slice %arg15[%dma_start3A_165, %dma_start3A_166] : memref<80x128xf32, #tpu.memory_space<vmem>> -> memref<80x128xf32, #tpu.memory_space<vmem>>
        tpu.enqueue_dma source(%dma_start3A_167 : memref<80x128xf32, #tpu.memory_space<vmem>>) target(%dma_start3A_164 : memref<80x128xf32, #tpu.memory_space<vmem_shared>>) target_semaphore(%run_scoped3A : memref<!tpu.dma_semaphore, #tpu.memory_space<semaphore_mem>>)
        %dma_wait3A_168 = arith.constant 0 : i32
        %dma_wait3A_169 = arith.constant 0 : i32
        %dma_wait3A_170 = tpu.memref_slice %arg15[%dma_wait3A_168, %dma_wait3A_169] : memref<80x128xf32, #tpu.memory_space<vmem>> -> memref<80x128xf32, #tpu.memory_space<vmem>>
        %dma_wait3A_171 = arith.constant 0 : i32
        %dma_wait3A_172 = tpu.memref_slice %arg19[%mul3A_157, %dma_wait3A_171] : memref<10000x128xf32, #tpu.memory_space<vmem_shared>> -> memref<80x128xf32, #tpu.memory_space<vmem_shared>>
        %dma_wait3A_173 = arith.constant 0 : i32
        %dma_wait3A_174 = tpu.memref_slice %arg19[%mul3A_157, %dma_wait3A_173] : memref<10000x128xf32, #tpu.memory_space<vmem_shared>> -> memref<80x128xf32, #tpu.memory_space<vmem_shared>>
        %dma_wait3A_175 = arith.constant 0 : i32
        %dma_wait3A_176 = arith.constant 0 : i32
        %dma_wait3A_177 = tpu.memref_slice %arg15[%dma_wait3A_175, %dma_wait3A_176] : memref<80x128xf32, #tpu.memory_space<vmem>> -> memref<80x128xf32, #tpu.memory_space<vmem>>
        tpu.wait_dma2 semaphore(%run_scoped3A : memref<!tpu.dma_semaphore, #tpu.memory_space<semaphore_mem>>) src(%dma_wait3A_177 : memref<80x128xf32, #tpu.memory_space<vmem>>) dst(%dma_wait3A_174 : memref<80x128xf32, #tpu.memory_space<vmem_shared>>)
        tpu.yield
      }) : () -> ()
    } else {
    }
    %add3A_24 = arith.constant 64 : i32
    %add3A_25 = arith.addi %arg1, %add3A_24 : i32
    %lt3A_26 = arith.constant 125 : i32
    %lt3A_27 = arith.cmpi slt, %add3A_25, %lt3A_26 : i32
    %convert_element_type3A_28 = arith.extui %lt3A_27 : i1 to i32
    %cond3A_29 = arith.constant 0 : i32
    %cond3A_30 = arith.cmpi ne, %convert_element_type3A_28, %cond3A_29 : i32
    scf.if %cond3A_30 {
      %mul3A_156 = arith.constant 80 : i32
      %mul3A_157 = arith.muli %add3A_25, %mul3A_156 : i32
      "tpu.region"() ({
        %run_scoped3A = tpu.sem_alloc : memref<!tpu.dma_semaphore, #tpu.memory_space<semaphore_mem>>
        %dma_start3A_158 = arith.constant 0 : i32
        %dma_start3A_159 = arith.constant 0 : i32
        %dma_start3A_160 = tpu.memref_slice %arg15[%dma_start3A_158, %dma_start3A_159] : memref<80x128xf32, #tpu.memory_space<vmem>> -> memref<80x128xf32, #tpu.memory_space<vmem>>
        %dma_start3A_161 = arith.constant 0 : i32
        %dma_start3A_162 = tpu.memref_slice %arg19[%mul3A_157, %dma_start3A_161] : memref<10000x128xf32, #tpu.memory_space<vmem_shared>> -> memref<80x128xf32, #tpu.memory_space<vmem_shared>>
        %dma_start3A_163 = arith.constant 0 : i32
        %dma_start3A_164 = tpu.memref_slice %arg19[%mul3A_157, %dma_start3A_163] : memref<10000x128xf32, #tpu.memory_space<vmem_shared>> -> memref<80x128xf32, #tpu.memory_space<vmem_shared>>
        %dma_start3A_165 = arith.constant 0 : i32
        %dma_start3A_166 = arith.constant 0 : i32
        %dma_start3A_167 = tpu.memref_slice %arg15[%dma_start3A_165, %dma_start3A_166] : memref<80x128xf32, #tpu.memory_space<vmem>> -> memref<80x128xf32, #tpu.memory_space<vmem>>
        tpu.enqueue_dma source(%dma_start3A_167 : memref<80x128xf32, #tpu.memory_space<vmem>>) target(%dma_start3A_164 : memref<80x128xf32, #tpu.memory_space<vmem_shared>>) target_semaphore(%run_scoped3A : memref<!tpu.dma_semaphore, #tpu.memory_space<semaphore_mem>>)
        %dma_wait3A_168 = arith.constant 0 : i32
        %dma_wait3A_169 = arith.constant 0 : i32
        %dma_wait3A_170 = tpu.memref_slice %arg15[%dma_wait3A_168, %dma_wait3A_169] : memref<80x128xf32, #tpu.memory_space<vmem>> -> memref<80x128xf32, #tpu.memory_space<vmem>>
        %dma_wait3A_171 = arith.constant 0 : i32
        %dma_wait3A_172 = tpu.memref_slice %arg19[%mul3A_157, %dma_wait3A_171] : memref<10000x128xf32, #tpu.memory_space<vmem_shared>> -> memref<80x128xf32, #tpu.memory_space<vmem_shared>>
        %dma_wait3A_173 = arith.constant 0 : i32
        %dma_wait3A_174 = tpu.memref_slice %arg19[%mul3A_157, %dma_wait3A_173] : memref<10000x128xf32, #tpu.memory_space<vmem_shared>> -> memref<80x128xf32, #tpu.memory_space<vmem_shared>>
        %dma_wait3A_175 = arith.constant 0 : i32
        %dma_wait3A_176 = arith.constant 0 : i32
        %dma_wait3A_177 = tpu.memref_slice %arg15[%dma_wait3A_175, %dma_wait3A_176] : memref<80x128xf32, #tpu.memory_space<vmem>> -> memref<80x128xf32, #tpu.memory_space<vmem>>
        tpu.wait_dma2 semaphore(%run_scoped3A : memref<!tpu.dma_semaphore, #tpu.memory_space<semaphore_mem>>) src(%dma_wait3A_177 : memref<80x128xf32, #tpu.memory_space<vmem>>) dst(%dma_wait3A_174 : memref<80x128xf32, #tpu.memory_space<vmem_shared>>)
        tpu.yield
      }) : () -> ()
    } else {
    }
    %add3A_31 = arith.constant 80 : i32
    %add3A_32 = arith.addi %arg1, %add3A_31 : i32
    %lt3A_33 = arith.constant 125 : i32
    %lt3A_34 = arith.cmpi slt, %add3A_32, %lt3A_33 : i32
    %convert_element_type3A_35 = arith.extui %lt3A_34 : i1 to i32
    %cond3A_36 = arith.constant 0 : i32
    %cond3A_37 = arith.cmpi ne, %convert_element_type3A_35, %cond3A_36 : i32
    scf.if %cond3A_37 {
      %mul3A_156 = arith.constant 80 : i32
      %mul3A_157 = arith.muli %add3A_32, %mul3A_156 : i32
      "tpu.region"() ({
        %run_scoped3A = tpu.sem_alloc : memref<!tpu.dma_semaphore, #tpu.memory_space<semaphore_mem>>
        %dma_start3A_158 = arith.constant 0 : i32
        %dma_start3A_159 = arith.constant 0 : i32
        %dma_start3A_160 = tpu.memref_slice %arg15[%dma_start3A_158, %dma_start3A_159] : memref<80x128xf32, #tpu.memory_space<vmem>> -> memref<80x128xf32, #tpu.memory_space<vmem>>
        %dma_start3A_161 = arith.constant 0 : i32
        %dma_start3A_162 = tpu.memref_slice %arg19[%mul3A_157, %dma_start3A_161] : memref<10000x128xf32, #tpu.memory_space<vmem_shared>> -> memref<80x128xf32, #tpu.memory_space<vmem_shared>>
        %dma_start3A_163 = arith.constant 0 : i32
        %dma_start3A_164 = tpu.memref_slice %arg19[%mul3A_157, %dma_start3A_163] : memref<10000x128xf32, #tpu.memory_space<vmem_shared>> -> memref<80x128xf32, #tpu.memory_space<vmem_shared>>
        %dma_start3A_165 = arith.constant 0 : i32
        %dma_start3A_166 = arith.constant 0 : i32
        %dma_start3A_167 = tpu.memref_slice %arg15[%dma_start3A_165, %dma_start3A_166] : memref<80x128xf32, #tpu.memory_space<vmem>> -> memref<80x128xf32, #tpu.memory_space<vmem>>
        tpu.enqueue_dma source(%dma_start3A_167 : memref<80x128xf32, #tpu.memory_space<vmem>>) target(%dma_start3A_164 : memref<80x128xf32, #tpu.memory_space<vmem_shared>>) target_semaphore(%run_scoped3A : memref<!tpu.dma_semaphore, #tpu.memory_space<semaphore_mem>>)
        %dma_wait3A_168 = arith.constant 0 : i32
        %dma_wait3A_169 = arith.constant 0 : i32
        %dma_wait3A_170 = tpu.memref_slice %arg15[%dma_wait3A_168, %dma_wait3A_169] : memref<80x128xf32, #tpu.memory_space<vmem>> -> memref<80x128xf32, #tpu.memory_space<vmem>>
        %dma_wait3A_171 = arith.constant 0 : i32
        %dma_wait3A_172 = tpu.memref_slice %arg19[%mul3A_157, %dma_wait3A_171] : memref<10000x128xf32, #tpu.memory_space<vmem_shared>> -> memref<80x128xf32, #tpu.memory_space<vmem_shared>>
        %dma_wait3A_173 = arith.constant 0 : i32
        %dma_wait3A_174 = tpu.memref_slice %arg19[%mul3A_157, %dma_wait3A_173] : memref<10000x128xf32, #tpu.memory_space<vmem_shared>> -> memref<80x128xf32, #tpu.memory_space<vmem_shared>>
        %dma_wait3A_175 = arith.constant 0 : i32
        %dma_wait3A_176 = arith.constant 0 : i32
        %dma_wait3A_177 = tpu.memref_slice %arg15[%dma_wait3A_175, %dma_wait3A_176] : memref<80x128xf32, #tpu.memory_space<vmem>> -> memref<80x128xf32, #tpu.memory_space<vmem>>
        tpu.wait_dma2 semaphore(%run_scoped3A : memref<!tpu.dma_semaphore, #tpu.memory_space<semaphore_mem>>) src(%dma_wait3A_177 : memref<80x128xf32, #tpu.memory_space<vmem>>) dst(%dma_wait3A_174 : memref<80x128xf32, #tpu.memory_space<vmem_shared>>)
        tpu.yield
      }) : () -> ()
    } else {
    }
    %add3A_38 = arith.constant 96 : i32
    %add3A_39 = arith.addi %arg1, %add3A_38 : i32
    %lt3A_40 = arith.constant 125 : i32
    %lt3A_41 = arith.cmpi slt, %add3A_39, %lt3A_40 : i32
    %convert_element_type3A_42 = arith.extui %lt3A_41 : i1 to i32
    %cond3A_43 = arith.constant 0 : i32
    %cond3A_44 = arith.cmpi ne, %convert_element_type3A_42, %cond3A_43 : i32
    scf.if %cond3A_44 {
      %mul3A_156 = arith.constant 80 : i32
      %mul3A_157 = arith.muli %add3A_39, %mul3A_156 : i32
      "tpu.region"() ({
        %run_scoped3A = tpu.sem_alloc : memref<!tpu.dma_semaphore, #tpu.memory_space<semaphore_mem>>
        %dma_start3A_158 = arith.constant 0 : i32
        %dma_start3A_159 = arith.constant 0 : i32
        %dma_start3A_160 = tpu.memref_slice %arg15[%dma_start3A_158, %dma_start3A_159] : memref<80x128xf32, #tpu.memory_space<vmem>> -> memref<80x128xf32, #tpu.memory_space<vmem>>
        %dma_start3A_161 = arith.constant 0 : i32
        %dma_start3A_162 = tpu.memref_slice %arg19[%mul3A_157, %dma_start3A_161] : memref<10000x128xf32, #tpu.memory_space<vmem_shared>> -> memref<80x128xf32, #tpu.memory_space<vmem_shared>>
        %dma_start3A_163 = arith.constant 0 : i32
        %dma_start3A_164 = tpu.memref_slice %arg19[%mul3A_157, %dma_start3A_163] : memref<10000x128xf32, #tpu.memory_space<vmem_shared>> -> memref<80x128xf32, #tpu.memory_space<vmem_shared>>
        %dma_start3A_165 = arith.constant 0 : i32
        %dma_start3A_166 = arith.constant 0 : i32
        %dma_start3A_167 = tpu.memref_slice %arg15[%dma_start3A_165, %dma_start3A_166] : memref<80x128xf32, #tpu.memory_space<vmem>> -> memref<80x128xf32, #tpu.memory_space<vmem>>
        tpu.enqueue_dma source(%dma_start3A_167 : memref<80x128xf32, #tpu.memory_space<vmem>>) target(%dma_start3A_164 : memref<80x128xf32, #tpu.memory_space<vmem_shared>>) target_semaphore(%run_scoped3A : memref<!tpu.dma_semaphore, #tpu.memory_space<semaphore_mem>>)
        %dma_wait3A_168 = arith.constant 0 : i32
        %dma_wait3A_169 = arith.constant 0 : i32
        %dma_wait3A_170 = tpu.memref_slice %arg15[%dma_wait3A_168, %dma_wait3A_169] : memref<80x128xf32, #tpu.memory_space<vmem>> -> memref<80x128xf32, #tpu.memory_space<vmem>>
        %dma_wait3A_171 = arith.constant 0 : i32
        %dma_wait3A_172 = tpu.memref_slice %arg19[%mul3A_157, %dma_wait3A_171] : memref<10000x128xf32, #tpu.memory_space<vmem_shared>> -> memref<80x128xf32, #tpu.memory_space<vmem_shared>>
        %dma_wait3A_173 = arith.constant 0 : i32
        %dma_wait3A_174 = tpu.memref_slice %arg19[%mul3A_157, %dma_wait3A_173] : memref<10000x128xf32, #tpu.memory_space<vmem_shared>> -> memref<80x128xf32, #tpu.memory_space<vmem_shared>>
        %dma_wait3A_175 = arith.constant 0 : i32
        %dma_wait3A_176 = arith.constant 0 : i32
        %dma_wait3A_177 = tpu.memref_slice %arg15[%dma_wait3A_175, %dma_wait3A_176] : memref<80x128xf32, #tpu.memory_space<vmem>> -> memref<80x128xf32, #tpu.memory_space<vmem>>
        tpu.wait_dma2 semaphore(%run_scoped3A : memref<!tpu.dma_semaphore, #tpu.memory_space<semaphore_mem>>) src(%dma_wait3A_177 : memref<80x128xf32, #tpu.memory_space<vmem>>) dst(%dma_wait3A_174 : memref<80x128xf32, #tpu.memory_space<vmem_shared>>)
        tpu.yield
      }) : () -> ()
    } else {
    }
    %add3A_45 = arith.constant 112 : i32
    %add3A_46 = arith.addi %arg1, %add3A_45 : i32
    %lt3A_47 = arith.constant 125 : i32
    %lt3A_48 = arith.cmpi slt, %add3A_46, %lt3A_47 : i32
    %convert_element_type3A_49 = arith.extui %lt3A_48 : i1 to i32
    %cond3A_50 = arith.constant 0 : i32
    %cond3A_51 = arith.cmpi ne, %convert_element_type3A_49, %cond3A_50 : i32
    scf.if %cond3A_51 {
      %mul3A_156 = arith.constant 80 : i32
      %mul3A_157 = arith.muli %add3A_46, %mul3A_156 : i32
      "tpu.region"() ({
        %run_scoped3A = tpu.sem_alloc : memref<!tpu.dma_semaphore, #tpu.memory_space<semaphore_mem>>
        %dma_start3A_158 = arith.constant 0 : i32
        %dma_start3A_159 = arith.constant 0 : i32
        %dma_start3A_160 = tpu.memref_slice %arg15[%dma_start3A_158, %dma_start3A_159] : memref<80x128xf32, #tpu.memory_space<vmem>> -> memref<80x128xf32, #tpu.memory_space<vmem>>
        %dma_start3A_161 = arith.constant 0 : i32
        %dma_start3A_162 = tpu.memref_slice %arg19[%mul3A_157, %dma_start3A_161] : memref<10000x128xf32, #tpu.memory_space<vmem_shared>> -> memref<80x128xf32, #tpu.memory_space<vmem_shared>>
        %dma_start3A_163 = arith.constant 0 : i32
        %dma_start3A_164 = tpu.memref_slice %arg19[%mul3A_157, %dma_start3A_163] : memref<10000x128xf32, #tpu.memory_space<vmem_shared>> -> memref<80x128xf32, #tpu.memory_space<vmem_shared>>
        %dma_start3A_165 = arith.constant 0 : i32
        %dma_start3A_166 = arith.constant 0 : i32
        %dma_start3A_167 = tpu.memref_slice %arg15[%dma_start3A_165, %dma_start3A_166] : memref<80x128xf32, #tpu.memory_space<vmem>> -> memref<80x128xf32, #tpu.memory_space<vmem>>
        tpu.enqueue_dma source(%dma_start3A_167 : memref<80x128xf32, #tpu.memory_space<vmem>>) target(%dma_start3A_164 : memref<80x128xf32, #tpu.memory_space<vmem_shared>>) target_semaphore(%run_scoped3A : memref<!tpu.dma_semaphore, #tpu.memory_space<semaphore_mem>>)
        %dma_wait3A_168 = arith.constant 0 : i32
        %dma_wait3A_169 = arith.constant 0 : i32
        %dma_wait3A_170 = tpu.memref_slice %arg15[%dma_wait3A_168, %dma_wait3A_169] : memref<80x128xf32, #tpu.memory_space<vmem>> -> memref<80x128xf32, #tpu.memory_space<vmem>>
        %dma_wait3A_171 = arith.constant 0 : i32
        %dma_wait3A_172 = tpu.memref_slice %arg19[%mul3A_157, %dma_wait3A_171] : memref<10000x128xf32, #tpu.memory_space<vmem_shared>> -> memref<80x128xf32, #tpu.memory_space<vmem_shared>>
        %dma_wait3A_173 = arith.constant 0 : i32
        %dma_wait3A_174 = tpu.memref_slice %arg19[%mul3A_157, %dma_wait3A_173] : memref<10000x128xf32, #tpu.memory_space<vmem_shared>> -> memref<80x128xf32, #tpu.memory_space<vmem_shared>>
        %dma_wait3A_175 = arith.constant 0 : i32
        %dma_wait3A_176 = arith.constant 0 : i32
        %dma_wait3A_177 = tpu.memref_slice %arg15[%dma_wait3A_175, %dma_wait3A_176] : memref<80x128xf32, #tpu.memory_space<vmem>> -> memref<80x128xf32, #tpu.memory_space<vmem>>
        tpu.wait_dma2 semaphore(%run_scoped3A : memref<!tpu.dma_semaphore, #tpu.memory_space<semaphore_mem>>) src(%dma_wait3A_177 : memref<80x128xf32, #tpu.memory_space<vmem>>) dst(%dma_wait3A_174 : memref<80x128xf32, #tpu.memory_space<vmem_shared>>)
        tpu.yield
      }) : () -> ()
    } else {
    }
    %barrier3A = arith.constant 0 : index
    tpu.barrier barrier_id(%barrier3A)
    %mul3A = arith.constant 10000 : i32
    %mul3A_52 = arith.muli %arg1, %mul3A : i32
    %add3A_53 = arith.constant 0 : i32
    %add3A_54 = arith.addi %mul3A_52, %add3A_53 : i32
    %multiple_of3A = tpu.assume_multiple %add3A_54, 8 : i32
    %mul3A_55 = arith.constant 160000 : i32
    %mul3A_56 = arith.muli %arg0, %mul3A_55 : i32
    %add3A_57 = arith.addi %mul3A_56, %multiple_of3A : i32
    %dma_start3A = tpu.memref_slice %arg2[%add3A_57] : memref<320000xi32, #tpu.memory_space<hbm>> -> memref<80xi32, #tpu.memory_space<hbm>>
    %dma_start3A_58 = tpu.memref_slice %arg2[%add3A_57] : memref<320000xi32, #tpu.memory_space<hbm>> -> memref<80xi32, #tpu.memory_space<hbm>>
    tpu.enqueue_dma source(%dma_start3A_58 : memref<80xi32, #tpu.memory_space<hbm>>) target(%arg7 : memref<80xi32, #tpu.memory_space<vmem>>) target_semaphore(%arg20 : memref<!tpu.dma_semaphore, #tpu.memory_space<semaphore_mem>>)
    %dma_start3A_59 = tpu.memref_slice %arg3[%multiple_of3A] : memref<160000xi32, #tpu.memory_space<hbm>> -> memref<80xi32, #tpu.memory_space<hbm>>
    %dma_start3A_60 = tpu.memref_slice %arg3[%multiple_of3A] : memref<160000xi32, #tpu.memory_space<hbm>> -> memref<80xi32, #tpu.memory_space<hbm>>
    tpu.enqueue_dma source(%dma_start3A_60 : memref<80xi32, #tpu.memory_space<hbm>>) target(%arg11 : memref<80xi32, #tpu.memory_space<vmem>>) target_semaphore(%arg24 : memref<!tpu.dma_semaphore, #tpu.memory_space<semaphore_mem>>)
    %mul3A_61 = arith.constant 10000 : i32
    %mul3A_62 = arith.muli %arg1, %mul3A_61 : i32
    %add3A_63 = arith.constant 80 : i32
    %add3A_64 = arith.addi %mul3A_62, %add3A_63 : i32
    %multiple_of3A_65 = tpu.assume_multiple %add3A_64, 8 : i32
    %mul3A_66 = arith.constant 160000 : i32
    %mul3A_67 = arith.muli %arg0, %mul3A_66 : i32
    %add3A_68 = arith.addi %mul3A_67, %multiple_of3A_65 : i32
    %dma_start3A_69 = tpu.memref_slice %arg2[%add3A_68] : memref<320000xi32, #tpu.memory_space<hbm>> -> memref<80xi32, #tpu.memory_space<hbm>>
    %dma_start3A_70 = tpu.memref_slice %arg2[%add3A_68] : memref<320000xi32, #tpu.memory_space<hbm>> -> memref<80xi32, #tpu.memory_space<hbm>>
    tpu.enqueue_dma source(%dma_start3A_70 : memref<80xi32, #tpu.memory_space<hbm>>) target(%arg8 : memref<80xi32, #tpu.memory_space<vmem>>) target_semaphore(%arg21 : memref<!tpu.dma_semaphore, #tpu.memory_space<semaphore_mem>>)
    %dma_start3A_71 = tpu.memref_slice %arg3[%multiple_of3A_65] : memref<160000xi32, #tpu.memory_space<hbm>> -> memref<80xi32, #tpu.memory_space<hbm>>
    %dma_start3A_72 = tpu.memref_slice %arg3[%multiple_of3A_65] : memref<160000xi32, #tpu.memory_space<hbm>> -> memref<80xi32, #tpu.memory_space<hbm>>
    tpu.enqueue_dma source(%dma_start3A_72 : memref<80xi32, #tpu.memory_space<hbm>>) target(%arg12 : memref<80xi32, #tpu.memory_space<vmem>>) target_semaphore(%arg25 : memref<!tpu.dma_semaphore, #tpu.memory_space<semaphore_mem>>)
    %dma_wait3A = arith.constant 0 : i32
    %dma_wait3A_73 = tpu.memref_slice %arg2[%dma_wait3A] : memref<320000xi32, #tpu.memory_space<hbm>> -> memref<80xi32, #tpu.memory_space<hbm>>
    %dma_wait3A_74 = arith.constant 0 : i32
    %dma_wait3A_75 = tpu.memref_slice %arg2[%dma_wait3A_74] : memref<320000xi32, #tpu.memory_space<hbm>> -> memref<80xi32, #tpu.memory_space<hbm>>
    tpu.wait_dma2 semaphore(%arg20 : memref<!tpu.dma_semaphore, #tpu.memory_space<semaphore_mem>>) src(%dma_wait3A_75 : memref<80xi32, #tpu.memory_space<hbm>>) dst(%arg7 : memref<80xi32, #tpu.memory_space<vmem>>)
    %dma_wait3A_76 = arith.constant 0 : i32
    %dma_wait3A_77 = tpu.memref_slice %arg3[%dma_wait3A_76] : memref<160000xi32, #tpu.memory_space<hbm>> -> memref<80xi32, #tpu.memory_space<hbm>>
    %dma_wait3A_78 = arith.constant 0 : i32
    %dma_wait3A_79 = tpu.memref_slice %arg3[%dma_wait3A_78] : memref<160000xi32, #tpu.memory_space<hbm>> -> memref<80xi32, #tpu.memory_space<hbm>>
    tpu.wait_dma2 semaphore(%arg24 : memref<!tpu.dma_semaphore, #tpu.memory_space<semaphore_mem>>) src(%dma_wait3A_79 : memref<80xi32, #tpu.memory_space<hbm>>) dst(%arg11 : memref<80xi32, #tpu.memory_space<vmem>>)
    %dma_start3A_80 = arith.constant 0 : i32
    %dma_start3A_81 = arith.constant 0 : i32
    %dma_start3A_82 = tpu.memref_slice %arg4[%dma_start3A_80, %dma_start3A_81] : memref<20008x128xf32, #tpu.memory_space<hbm>> -> memref<20008x128xf32, #tpu.memory_space<hbm>>
    tpu.enqueue_indirect_dma source(%dma_start3A_82 : memref<20008x128xf32, #tpu.memory_space<hbm>>) target(%arg15 : memref<80x128xf32, #tpu.memory_space<vmem>>) offsets(%arg7 : memref<80xi32, #tpu.memory_space<vmem>>) semaphore(%arg28 : memref<!tpu.dma_semaphore, #tpu.memory_space<semaphore_mem>>)
    %scan3A = arith.constant 0 : i32
    %scan3A_83 = arith.constant 32 : i32
    %scan3A_84 = arith.addi %scan3A, %scan3A_83 : i32
    %scan3A_85 = arith.constant 1 : i32
    scf.for %scan3A_156 = %scan3A to %scan3A_84 step %scan3A_85  : i32 {
      %mul3A_157 = arith.constant 4 : i32
      %mul3A_158 = arith.muli %scan3A_156, %mul3A_157 : i32
      %add3A_159 = arith.constant 0 : i32
      %add3A_160 = arith.addi %add3A_159, %mul3A_158 : i32
      %add3A_161 = arith.constant 0 : i32
      %add3A_162 = arith.addi %add3A_160, %add3A_161 : i32
      %lt3A_163 = arith.constant 125 : i32
      %lt3A_164 = arith.cmpi slt, %add3A_162, %lt3A_163 : i32
      %convert_element_type3A_165 = arith.extui %lt3A_164 : i1 to i32
      %cond3A_166 = arith.constant 0 : i32
      %cond3A_167 = arith.cmpi ne, %convert_element_type3A_165, %cond3A_166 : i32
      scf.if %cond3A_167 {
        %add3A_189 = arith.constant 2 : i32
        %add3A_190 = arith.addi %add3A_162, %add3A_189 : i32
        %lt3A_191 = arith.constant 125 : i32
        %lt3A_192 = arith.cmpi slt, %add3A_190, %lt3A_191 : i32
        %convert_element_type3A_193 = arith.extui %lt3A_192 : i1 to i32
        %cond3A_194 = arith.constant 0 : i32
        %cond3A_195 = arith.cmpi ne, %convert_element_type3A_193, %cond3A_194 : i32
        scf.if %cond3A_195 {
          %ge3A = arith.constant 2 : i32
          %ge3A_209 = arith.cmpi sge, %add3A_162, %ge3A : i32
          %convert_element_type3A_210 = arith.extui %ge3A_209 : i1 to i32
          %cond3A_211 = arith.constant 0 : i32
          %cond3A_212 = arith.cmpi ne, %convert_element_type3A_210, %cond3A_211 : i32
          scf.if %cond3A_212 {
            %dma_wait3A_228 = arith.constant 0 : i32
            %dma_wait3A_229 = arith.constant 0 : i32
            %dma_wait3A_230 = tpu.memref_slice %arg19[%dma_wait3A_228, %dma_wait3A_229] : memref<10000x128xf32, #tpu.memory_space<vmem_shared>> -> memref<10000x128xf32, #tpu.memory_space<vmem_shared>>
            tpu.wait_indirect_dma semaphore(%arg34 : memref<!tpu.dma_semaphore, #tpu.memory_space<semaphore_mem>>) src(%arg17 : memref<80x128xf32, #tpu.memory_space<vmem>>) dst(%dma_wait3A_230 : memref<10000x128xf32, #tpu.memory_space<vmem_shared>>)
          } else {
          }
          %add3A_213 = arith.constant 2 : i32
          %add3A_214 = arith.addi %add3A_162, %add3A_213 : i32
          %mul3A_215 = arith.constant 10000 : i32
          %mul3A_216 = arith.muli %arg1, %mul3A_215 : i32
          %mul3A_217 = arith.constant 80 : i32
          %mul3A_218 = arith.muli %add3A_214, %mul3A_217 : i32
          %add3A_219 = arith.addi %mul3A_216, %mul3A_218 : i32
          %multiple_of3A_220 = tpu.assume_multiple %add3A_219, 8 : i32
          %mul3A_221 = arith.constant 160000 : i32
          %mul3A_222 = arith.muli %arg0, %mul3A_221 : i32
          %add3A_223 = arith.addi %mul3A_222, %multiple_of3A_220 : i32
          %dma_start3A_224 = tpu.memref_slice %arg2[%add3A_223] : memref<320000xi32, #tpu.memory_space<hbm>> -> memref<80xi32, #tpu.memory_space<hbm>>
          %dma_start3A_225 = tpu.memref_slice %arg2[%add3A_223] : memref<320000xi32, #tpu.memory_space<hbm>> -> memref<80xi32, #tpu.memory_space<hbm>>
          tpu.enqueue_dma source(%dma_start3A_225 : memref<80xi32, #tpu.memory_space<hbm>>) target(%arg9 : memref<80xi32, #tpu.memory_space<vmem>>) target_semaphore(%arg22 : memref<!tpu.dma_semaphore, #tpu.memory_space<semaphore_mem>>)
          %dma_start3A_226 = tpu.memref_slice %arg3[%multiple_of3A_220] : memref<160000xi32, #tpu.memory_space<hbm>> -> memref<80xi32, #tpu.memory_space<hbm>>
          %dma_start3A_227 = tpu.memref_slice %arg3[%multiple_of3A_220] : memref<160000xi32, #tpu.memory_space<hbm>> -> memref<80xi32, #tpu.memory_space<hbm>>
          tpu.enqueue_dma source(%dma_start3A_227 : memref<80xi32, #tpu.memory_space<hbm>>) target(%arg13 : memref<80xi32, #tpu.memory_space<vmem>>) target_semaphore(%arg26 : memref<!tpu.dma_semaphore, #tpu.memory_space<semaphore_mem>>)
        } else {
        }
        %add3A_196 = arith.constant 1 : i32
        %add3A_197 = arith.addi %add3A_162, %add3A_196 : i32
        %lt3A_198 = arith.constant 125 : i32
        %lt3A_199 = arith.cmpi slt, %add3A_197, %lt3A_198 : i32
        %convert_element_type3A_200 = arith.extui %lt3A_199 : i1 to i32
        %cond3A_201 = arith.constant 0 : i32
        %cond3A_202 = arith.cmpi ne, %convert_element_type3A_200, %cond3A_201 : i32
        scf.if %cond3A_202 {
          %dma_wait3A_209 = arith.constant 0 : i32
          %dma_wait3A_210 = tpu.memref_slice %arg2[%dma_wait3A_209] : memref<320000xi32, #tpu.memory_space<hbm>> -> memref<80xi32, #tpu.memory_space<hbm>>
          %dma_wait3A_211 = arith.constant 0 : i32
          %dma_wait3A_212 = tpu.memref_slice %arg2[%dma_wait3A_211] : memref<320000xi32, #tpu.memory_space<hbm>> -> memref<80xi32, #tpu.memory_space<hbm>>
          tpu.wait_dma2 semaphore(%arg21 : memref<!tpu.dma_semaphore, #tpu.memory_space<semaphore_mem>>) src(%dma_wait3A_212 : memref<80xi32, #tpu.memory_space<hbm>>) dst(%arg8 : memref<80xi32, #tpu.memory_space<vmem>>)
          %dma_wait3A_213 = arith.constant 0 : i32
          %dma_wait3A_214 = tpu.memref_slice %arg3[%dma_wait3A_213] : memref<160000xi32, #tpu.memory_space<hbm>> -> memref<80xi32, #tpu.memory_space<hbm>>
          %dma_wait3A_215 = arith.constant 0 : i32
          %dma_wait3A_216 = tpu.memref_slice %arg3[%dma_wait3A_215] : memref<160000xi32, #tpu.memory_space<hbm>> -> memref<80xi32, #tpu.memory_space<hbm>>
          tpu.wait_dma2 semaphore(%arg25 : memref<!tpu.dma_semaphore, #tpu.memory_space<semaphore_mem>>) src(%dma_wait3A_216 : memref<80xi32, #tpu.memory_space<hbm>>) dst(%arg12 : memref<80xi32, #tpu.memory_space<vmem>>)
          %dma_start3A_217 = arith.constant 0 : i32
          %dma_start3A_218 = arith.constant 0 : i32
          %dma_start3A_219 = tpu.memref_slice %arg4[%dma_start3A_217, %dma_start3A_218] : memref<20008x128xf32, #tpu.memory_space<hbm>> -> memref<20008x128xf32, #tpu.memory_space<hbm>>
          tpu.enqueue_indirect_dma source(%dma_start3A_219 : memref<20008x128xf32, #tpu.memory_space<hbm>>) target(%arg16 : memref<80x128xf32, #tpu.memory_space<vmem>>) offsets(%arg8 : memref<80xi32, #tpu.memory_space<vmem>>) semaphore(%arg29 : memref<!tpu.dma_semaphore, #tpu.memory_space<semaphore_mem>>)
        } else {
        }
        %dma_wait3A_203 = arith.constant 0 : i32
        %dma_wait3A_204 = arith.constant 0 : i32
        %dma_wait3A_205 = tpu.memref_slice %arg4[%dma_wait3A_203, %dma_wait3A_204] : memref<20008x128xf32, #tpu.memory_space<hbm>> -> memref<20008x128xf32, #tpu.memory_space<hbm>>
        tpu.wait_indirect_dma semaphore(%arg28 : memref<!tpu.dma_semaphore, #tpu.memory_space<semaphore_mem>>) src(%dma_wait3A_205 : memref<20008x128xf32, #tpu.memory_space<hbm>>) dst(%arg15 : memref<80x128xf32, #tpu.memory_space<vmem>>)
        %dma_start3A_206 = arith.constant 0 : i32
        %dma_start3A_207 = arith.constant 0 : i32
        %dma_start3A_208 = tpu.memref_slice %arg19[%dma_start3A_206, %dma_start3A_207] : memref<10000x128xf32, #tpu.memory_space<vmem_shared>> -> memref<10000x128xf32, #tpu.memory_space<vmem_shared>>
        tpu.enqueue_indirect_dma source(%arg15 : memref<80x128xf32, #tpu.memory_space<vmem>>) target(%dma_start3A_208 : memref<10000x128xf32, #tpu.memory_space<vmem_shared>>) offsets(%arg11 : memref<80xi32, #tpu.memory_space<vmem>>) semaphore(%arg32 : memref<!tpu.dma_semaphore, #tpu.memory_space<semaphore_mem>>) {add = true}
      } else {
      }
      %add3A_168 = arith.constant 1 : i32
      %add3A_169 = arith.addi %add3A_160, %add3A_168 : i32
      %lt3A_170 = arith.constant 125 : i32
      %lt3A_171 = arith.cmpi slt, %add3A_169, %lt3A_170 : i32
      %convert_element_type3A_172 = arith.extui %lt3A_171 : i1 to i32
      %cond3A_173 = arith.constant 0 : i32
      %cond3A_174 = arith.cmpi ne, %convert_element_type3A_172, %cond3A_173 : i32
      scf.if %cond3A_174 {
        %add3A_189 = arith.constant 2 : i32
        %add3A_190 = arith.addi %add3A_169, %add3A_189 : i32
        %lt3A_191 = arith.constant 125 : i32
        %lt3A_192 = arith.cmpi slt, %add3A_190, %lt3A_191 : i32
        %convert_element_type3A_193 = arith.extui %lt3A_192 : i1 to i32
        %cond3A_194 = arith.constant 0 : i32
        %cond3A_195 = arith.cmpi ne, %convert_element_type3A_193, %cond3A_194 : i32
        scf.if %cond3A_195 {
          %ge3A = arith.constant 2 : i32
          %ge3A_209 = arith.cmpi sge, %add3A_169, %ge3A : i32
          %convert_element_type3A_210 = arith.extui %ge3A_209 : i1 to i32
          %cond3A_211 = arith.constant 0 : i32
          %cond3A_212 = arith.cmpi ne, %convert_element_type3A_210, %cond3A_211 : i32
          scf.if %cond3A_212 {
            %dma_wait3A_228 = arith.constant 0 : i32
            %dma_wait3A_229 = arith.constant 0 : i32
            %dma_wait3A_230 = tpu.memref_slice %arg19[%dma_wait3A_228, %dma_wait3A_229] : memref<10000x128xf32, #tpu.memory_space<vmem_shared>> -> memref<10000x128xf32, #tpu.memory_space<vmem_shared>>
            tpu.wait_indirect_dma semaphore(%arg35 : memref<!tpu.dma_semaphore, #tpu.memory_space<semaphore_mem>>) src(%arg18 : memref<80x128xf32, #tpu.memory_space<vmem>>) dst(%dma_wait3A_230 : memref<10000x128xf32, #tpu.memory_space<vmem_shared>>)
          } else {
          }
          %add3A_213 = arith.constant 2 : i32
          %add3A_214 = arith.addi %add3A_169, %add3A_213 : i32
          %mul3A_215 = arith.constant 10000 : i32
          %mul3A_216 = arith.muli %arg1, %mul3A_215 : i32
          %mul3A_217 = arith.constant 80 : i32
          %mul3A_218 = arith.muli %add3A_214, %mul3A_217 : i32
          %add3A_219 = arith.addi %mul3A_216, %mul3A_218 : i32
          %multiple_of3A_220 = tpu.assume_multiple %add3A_219, 8 : i32
          %mul3A_221 = arith.constant 160000 : i32
          %mul3A_222 = arith.muli %arg0, %mul3A_221 : i32
          %add3A_223 = arith.addi %mul3A_222, %multiple_of3A_220 : i32
          %dma_start3A_224 = tpu.memref_slice %arg2[%add3A_223] : memref<320000xi32, #tpu.memory_space<hbm>> -> memref<80xi32, #tpu.memory_space<hbm>>
          %dma_start3A_225 = tpu.memref_slice %arg2[%add3A_223] : memref<320000xi32, #tpu.memory_space<hbm>> -> memref<80xi32, #tpu.memory_space<hbm>>
          tpu.enqueue_dma source(%dma_start3A_225 : memref<80xi32, #tpu.memory_space<hbm>>) target(%arg10 : memref<80xi32, #tpu.memory_space<vmem>>) target_semaphore(%arg23 : memref<!tpu.dma_semaphore, #tpu.memory_space<semaphore_mem>>)
          %dma_start3A_226 = tpu.memref_slice %arg3[%multiple_of3A_220] : memref<160000xi32, #tpu.memory_space<hbm>> -> memref<80xi32, #tpu.memory_space<hbm>>
          %dma_start3A_227 = tpu.memref_slice %arg3[%multiple_of3A_220] : memref<160000xi32, #tpu.memory_space<hbm>> -> memref<80xi32, #tpu.memory_space<hbm>>
          tpu.enqueue_dma source(%dma_start3A_227 : memref<80xi32, #tpu.memory_space<hbm>>) target(%arg14 : memref<80xi32, #tpu.memory_space<vmem>>) target_semaphore(%arg27 : memref<!tpu.dma_semaphore, #tpu.memory_space<semaphore_mem>>)
        } else {
        }
        %add3A_196 = arith.constant 1 : i32
        %add3A_197 = arith.addi %add3A_169, %add3A_196 : i32
        %lt3A_198 = arith.constant 125 : i32
        %lt3A_199 = arith.cmpi slt, %add3A_197, %lt3A_198 : i32
        %convert_element_type3A_200 = arith.extui %lt3A_199 : i1 to i32
        %cond3A_201 = arith.constant 0 : i32
        %cond3A_202 = arith.cmpi ne, %convert_element_type3A_200, %cond3A_201 : i32
        scf.if %cond3A_202 {
          %dma_wait3A_209 = arith.constant 0 : i32
          %dma_wait3A_210 = tpu.memref_slice %arg2[%dma_wait3A_209] : memref<320000xi32, #tpu.memory_space<hbm>> -> memref<80xi32, #tpu.memory_space<hbm>>
          %dma_wait3A_211 = arith.constant 0 : i32
          %dma_wait3A_212 = tpu.memref_slice %arg2[%dma_wait3A_211] : memref<320000xi32, #tpu.memory_space<hbm>> -> memref<80xi32, #tpu.memory_space<hbm>>
          tpu.wait_dma2 semaphore(%arg22 : memref<!tpu.dma_semaphore, #tpu.memory_space<semaphore_mem>>) src(%dma_wait3A_212 : memref<80xi32, #tpu.memory_space<hbm>>) dst(%arg9 : memref<80xi32, #tpu.memory_space<vmem>>)
          %dma_wait3A_213 = arith.constant 0 : i32
          %dma_wait3A_214 = tpu.memref_slice %arg3[%dma_wait3A_213] : memref<160000xi32, #tpu.memory_space<hbm>> -> memref<80xi32, #tpu.memory_space<hbm>>
          %dma_wait3A_215 = arith.constant 0 : i32
          %dma_wait3A_216 = tpu.memref_slice %arg3[%dma_wait3A_215] : memref<160000xi32, #tpu.memory_space<hbm>> -> memref<80xi32, #tpu.memory_space<hbm>>
          tpu.wait_dma2 semaphore(%arg26 : memref<!tpu.dma_semaphore, #tpu.memory_space<semaphore_mem>>) src(%dma_wait3A_216 : memref<80xi32, #tpu.memory_space<hbm>>) dst(%arg13 : memref<80xi32, #tpu.memory_space<vmem>>)
          %dma_start3A_217 = arith.constant 0 : i32
          %dma_start3A_218 = arith.constant 0 : i32
          %dma_start3A_219 = tpu.memref_slice %arg4[%dma_start3A_217, %dma_start3A_218] : memref<20008x128xf32, #tpu.memory_space<hbm>> -> memref<20008x128xf32, #tpu.memory_space<hbm>>
          tpu.enqueue_indirect_dma source(%dma_start3A_219 : memref<20008x128xf32, #tpu.memory_space<hbm>>) target(%arg17 : memref<80x128xf32, #tpu.memory_space<vmem>>) offsets(%arg9 : memref<80xi32, #tpu.memory_space<vmem>>) semaphore(%arg30 : memref<!tpu.dma_semaphore, #tpu.memory_space<semaphore_mem>>)
        } else {
        }
        %dma_wait3A_203 = arith.constant 0 : i32
        %dma_wait3A_204 = arith.constant 0 : i32
        %dma_wait3A_205 = tpu.memref_slice %arg4[%dma_wait3A_203, %dma_wait3A_204] : memref<20008x128xf32, #tpu.memory_space<hbm>> -> memref<20008x128xf32, #tpu.memory_space<hbm>>
        tpu.wait_indirect_dma semaphore(%arg29 : memref<!tpu.dma_semaphore, #tpu.memory_space<semaphore_mem>>) src(%dma_wait3A_205 : memref<20008x128xf32, #tpu.memory_space<hbm>>) dst(%arg16 : memref<80x128xf32, #tpu.memory_space<vmem>>)
        %dma_start3A_206 = arith.constant 0 : i32
        %dma_start3A_207 = arith.constant 0 : i32
        %dma_start3A_208 = tpu.memref_slice %arg19[%dma_start3A_206, %dma_start3A_207] : memref<10000x128xf32, #tpu.memory_space<vmem_shared>> -> memref<10000x128xf32, #tpu.memory_space<vmem_shared>>
        tpu.enqueue_indirect_dma source(%arg16 : memref<80x128xf32, #tpu.memory_space<vmem>>) target(%dma_start3A_208 : memref<10000x128xf32, #tpu.memory_space<vmem_shared>>) offsets(%arg12 : memref<80xi32, #tpu.memory_space<vmem>>) semaphore(%arg33 : memref<!tpu.dma_semaphore, #tpu.memory_space<semaphore_mem>>) {add = true}
      } else {
      }
      %add3A_175 = arith.constant 2 : i32
      %add3A_176 = arith.addi %add3A_160, %add3A_175 : i32
      %lt3A_177 = arith.constant 125 : i32
      %lt3A_178 = arith.cmpi slt, %add3A_176, %lt3A_177 : i32
      %convert_element_type3A_179 = arith.extui %lt3A_178 : i1 to i32
      %cond3A_180 = arith.constant 0 : i32
      %cond3A_181 = arith.cmpi ne, %convert_element_type3A_179, %cond3A_180 : i32
      scf.if %cond3A_181 {
        %add3A_189 = arith.constant 2 : i32
        %add3A_190 = arith.addi %add3A_176, %add3A_189 : i32
        %lt3A_191 = arith.constant 125 : i32
        %lt3A_192 = arith.cmpi slt, %add3A_190, %lt3A_191 : i32
        %convert_element_type3A_193 = arith.extui %lt3A_192 : i1 to i32
        %cond3A_194 = arith.constant 0 : i32
        %cond3A_195 = arith.cmpi ne, %convert_element_type3A_193, %cond3A_194 : i32
        scf.if %cond3A_195 {
          %ge3A = arith.constant 2 : i32
          %ge3A_209 = arith.cmpi sge, %add3A_176, %ge3A : i32
          %convert_element_type3A_210 = arith.extui %ge3A_209 : i1 to i32
          %cond3A_211 = arith.constant 0 : i32
          %cond3A_212 = arith.cmpi ne, %convert_element_type3A_210, %cond3A_211 : i32
          scf.if %cond3A_212 {
            %dma_wait3A_228 = arith.constant 0 : i32
            %dma_wait3A_229 = arith.constant 0 : i32
            %dma_wait3A_230 = tpu.memref_slice %arg19[%dma_wait3A_228, %dma_wait3A_229] : memref<10000x128xf32, #tpu.memory_space<vmem_shared>> -> memref<10000x128xf32, #tpu.memory_space<vmem_shared>>
            tpu.wait_indirect_dma semaphore(%arg32 : memref<!tpu.dma_semaphore, #tpu.memory_space<semaphore_mem>>) src(%arg15 : memref<80x128xf32, #tpu.memory_space<vmem>>) dst(%dma_wait3A_230 : memref<10000x128xf32, #tpu.memory_space<vmem_shared>>)
          } else {
          }
          %add3A_213 = arith.constant 2 : i32
          %add3A_214 = arith.addi %add3A_176, %add3A_213 : i32
          %mul3A_215 = arith.constant 10000 : i32
          %mul3A_216 = arith.muli %arg1, %mul3A_215 : i32
          %mul3A_217 = arith.constant 80 : i32
          %mul3A_218 = arith.muli %add3A_214, %mul3A_217 : i32
          %add3A_219 = arith.addi %mul3A_216, %mul3A_218 : i32
          %multiple_of3A_220 = tpu.assume_multiple %add3A_219, 8 : i32
          %mul3A_221 = arith.constant 160000 : i32
          %mul3A_222 = arith.muli %arg0, %mul3A_221 : i32
          %add3A_223 = arith.addi %mul3A_222, %multiple_of3A_220 : i32
          %dma_start3A_224 = tpu.memref_slice %arg2[%add3A_223] : memref<320000xi32, #tpu.memory_space<hbm>> -> memref<80xi32, #tpu.memory_space<hbm>>
          %dma_start3A_225 = tpu.memref_slice %arg2[%add3A_223] : memref<320000xi32, #tpu.memory_space<hbm>> -> memref<80xi32, #tpu.memory_space<hbm>>
          tpu.enqueue_dma source(%dma_start3A_225 : memref<80xi32, #tpu.memory_space<hbm>>) target(%arg7 : memref<80xi32, #tpu.memory_space<vmem>>) target_semaphore(%arg20 : memref<!tpu.dma_semaphore, #tpu.memory_space<semaphore_mem>>)
          %dma_start3A_226 = tpu.memref_slice %arg3[%multiple_of3A_220] : memref<160000xi32, #tpu.memory_space<hbm>> -> memref<80xi32, #tpu.memory_space<hbm>>
          %dma_start3A_227 = tpu.memref_slice %arg3[%multiple_of3A_220] : memref<160000xi32, #tpu.memory_space<hbm>> -> memref<80xi32, #tpu.memory_space<hbm>>
          tpu.enqueue_dma source(%dma_start3A_227 : memref<80xi32, #tpu.memory_space<hbm>>) target(%arg11 : memref<80xi32, #tpu.memory_space<vmem>>) target_semaphore(%arg24 : memref<!tpu.dma_semaphore, #tpu.memory_space<semaphore_mem>>)
        } else {
        }
        %add3A_196 = arith.constant 1 : i32
        %add3A_197 = arith.addi %add3A_176, %add3A_196 : i32
        %lt3A_198 = arith.constant 125 : i32
        %lt3A_199 = arith.cmpi slt, %add3A_197, %lt3A_198 : i32
        %convert_element_type3A_200 = arith.extui %lt3A_199 : i1 to i32
        %cond3A_201 = arith.constant 0 : i32
        %cond3A_202 = arith.cmpi ne, %convert_element_type3A_200, %cond3A_201 : i32
        scf.if %cond3A_202 {
          %dma_wait3A_209 = arith.constant 0 : i32
          %dma_wait3A_210 = tpu.memref_slice %arg2[%dma_wait3A_209] : memref<320000xi32, #tpu.memory_space<hbm>> -> memref<80xi32, #tpu.memory_space<hbm>>
          %dma_wait3A_211 = arith.constant 0 : i32
          %dma_wait3A_212 = tpu.memref_slice %arg2[%dma_wait3A_211] : memref<320000xi32, #tpu.memory_space<hbm>> -> memref<80xi32, #tpu.memory_space<hbm>>
          tpu.wait_dma2 semaphore(%arg23 : memref<!tpu.dma_semaphore, #tpu.memory_space<semaphore_mem>>) src(%dma_wait3A_212 : memref<80xi32, #tpu.memory_space<hbm>>) dst(%arg10 : memref<80xi32, #tpu.memory_space<vmem>>)
          %dma_wait3A_213 = arith.constant 0 : i32
          %dma_wait3A_214 = tpu.memref_slice %arg3[%dma_wait3A_213] : memref<160000xi32, #tpu.memory_space<hbm>> -> memref<80xi32, #tpu.memory_space<hbm>>
          %dma_wait3A_215 = arith.constant 0 : i32
          %dma_wait3A_216 = tpu.memref_slice %arg3[%dma_wait3A_215] : memref<160000xi32, #tpu.memory_space<hbm>> -> memref<80xi32, #tpu.memory_space<hbm>>
          tpu.wait_dma2 semaphore(%arg27 : memref<!tpu.dma_semaphore, #tpu.memory_space<semaphore_mem>>) src(%dma_wait3A_216 : memref<80xi32, #tpu.memory_space<hbm>>) dst(%arg14 : memref<80xi32, #tpu.memory_space<vmem>>)
          %dma_start3A_217 = arith.constant 0 : i32
          %dma_start3A_218 = arith.constant 0 : i32
          %dma_start3A_219 = tpu.memref_slice %arg4[%dma_start3A_217, %dma_start3A_218] : memref<20008x128xf32, #tpu.memory_space<hbm>> -> memref<20008x128xf32, #tpu.memory_space<hbm>>
          tpu.enqueue_indirect_dma source(%dma_start3A_219 : memref<20008x128xf32, #tpu.memory_space<hbm>>) target(%arg18 : memref<80x128xf32, #tpu.memory_space<vmem>>) offsets(%arg10 : memref<80xi32, #tpu.memory_space<vmem>>) semaphore(%arg31 : memref<!tpu.dma_semaphore, #tpu.memory_space<semaphore_mem>>)
        } else {
        }
        %dma_wait3A_203 = arith.constant 0 : i32
        %dma_wait3A_204 = arith.constant 0 : i32
        %dma_wait3A_205 = tpu.memref_slice %arg4[%dma_wait3A_203, %dma_wait3A_204] : memref<20008x128xf32, #tpu.memory_space<hbm>> -> memref<20008x128xf32, #tpu.memory_space<hbm>>
        tpu.wait_indirect_dma semaphore(%arg30 : memref<!tpu.dma_semaphore, #tpu.memory_space<semaphore_mem>>) src(%dma_wait3A_205 : memref<20008x128xf32, #tpu.memory_space<hbm>>) dst(%arg17 : memref<80x128xf32, #tpu.memory_space<vmem>>)
        %dma_start3A_206 = arith.constant 0 : i32
        %dma_start3A_207 = arith.constant 0 : i32
        %dma_start3A_208 = tpu.memref_slice %arg19[%dma_start3A_206, %dma_start3A_207] : memref<10000x128xf32, #tpu.memory_space<vmem_shared>> -> memref<10000x128xf32, #tpu.memory_space<vmem_shared>>
        tpu.enqueue_indirect_dma source(%arg17 : memref<80x128xf32, #tpu.memory_space<vmem>>) target(%dma_start3A_208 : memref<10000x128xf32, #tpu.memory_space<vmem_shared>>) offsets(%arg13 : memref<80xi32, #tpu.memory_space<vmem>>) semaphore(%arg34 : memref<!tpu.dma_semaphore, #tpu.memory_space<semaphore_mem>>) {add = true}
      } else {
      }
      %add3A_182 = arith.constant 3 : i32
      %add3A_183 = arith.addi %add3A_160, %add3A_182 : i32
      %lt3A_184 = arith.constant 125 : i32
      %lt3A_185 = arith.cmpi slt, %add3A_183, %lt3A_184 : i32
      %convert_element_type3A_186 = arith.extui %lt3A_185 : i1 to i32
      %cond3A_187 = arith.constant 0 : i32
      %cond3A_188 = arith.cmpi ne, %convert_element_type3A_186, %cond3A_187 : i32
      scf.if %cond3A_188 {
        %add3A_189 = arith.constant 2 : i32
        %add3A_190 = arith.addi %add3A_183, %add3A_189 : i32
        %lt3A_191 = arith.constant 125 : i32
        %lt3A_192 = arith.cmpi slt, %add3A_190, %lt3A_191 : i32
        %convert_element_type3A_193 = arith.extui %lt3A_192 : i1 to i32
        %cond3A_194 = arith.constant 0 : i32
        %cond3A_195 = arith.cmpi ne, %convert_element_type3A_193, %cond3A_194 : i32
        scf.if %cond3A_195 {
          %ge3A = arith.constant 2 : i32
          %ge3A_209 = arith.cmpi sge, %add3A_183, %ge3A : i32
          %convert_element_type3A_210 = arith.extui %ge3A_209 : i1 to i32
          %cond3A_211 = arith.constant 0 : i32
          %cond3A_212 = arith.cmpi ne, %convert_element_type3A_210, %cond3A_211 : i32
          scf.if %cond3A_212 {
            %dma_wait3A_228 = arith.constant 0 : i32
            %dma_wait3A_229 = arith.constant 0 : i32
            %dma_wait3A_230 = tpu.memref_slice %arg19[%dma_wait3A_228, %dma_wait3A_229] : memref<10000x128xf32, #tpu.memory_space<vmem_shared>> -> memref<10000x128xf32, #tpu.memory_space<vmem_shared>>
            tpu.wait_indirect_dma semaphore(%arg33 : memref<!tpu.dma_semaphore, #tpu.memory_space<semaphore_mem>>) src(%arg16 : memref<80x128xf32, #tpu.memory_space<vmem>>) dst(%dma_wait3A_230 : memref<10000x128xf32, #tpu.memory_space<vmem_shared>>)
          } else {
          }
          %add3A_213 = arith.constant 2 : i32
          %add3A_214 = arith.addi %add3A_183, %add3A_213 : i32
          %mul3A_215 = arith.constant 10000 : i32
          %mul3A_216 = arith.muli %arg1, %mul3A_215 : i32
          %mul3A_217 = arith.constant 80 : i32
          %mul3A_218 = arith.muli %add3A_214, %mul3A_217 : i32
          %add3A_219 = arith.addi %mul3A_216, %mul3A_218 : i32
          %multiple_of3A_220 = tpu.assume_multiple %add3A_219, 8 : i32
          %mul3A_221 = arith.constant 160000 : i32
          %mul3A_222 = arith.muli %arg0, %mul3A_221 : i32
          %add3A_223 = arith.addi %mul3A_222, %multiple_of3A_220 : i32
          %dma_start3A_224 = tpu.memref_slice %arg2[%add3A_223] : memref<320000xi32, #tpu.memory_space<hbm>> -> memref<80xi32, #tpu.memory_space<hbm>>
          %dma_start3A_225 = tpu.memref_slice %arg2[%add3A_223] : memref<320000xi32, #tpu.memory_space<hbm>> -> memref<80xi32, #tpu.memory_space<hbm>>
          tpu.enqueue_dma source(%dma_start3A_225 : memref<80xi32, #tpu.memory_space<hbm>>) target(%arg8 : memref<80xi32, #tpu.memory_space<vmem>>) target_semaphore(%arg21 : memref<!tpu.dma_semaphore, #tpu.memory_space<semaphore_mem>>)
          %dma_start3A_226 = tpu.memref_slice %arg3[%multiple_of3A_220] : memref<160000xi32, #tpu.memory_space<hbm>> -> memref<80xi32, #tpu.memory_space<hbm>>
          %dma_start3A_227 = tpu.memref_slice %arg3[%multiple_of3A_220] : memref<160000xi32, #tpu.memory_space<hbm>> -> memref<80xi32, #tpu.memory_space<hbm>>
          tpu.enqueue_dma source(%dma_start3A_227 : memref<80xi32, #tpu.memory_space<hbm>>) target(%arg12 : memref<80xi32, #tpu.memory_space<vmem>>) target_semaphore(%arg25 : memref<!tpu.dma_semaphore, #tpu.memory_space<semaphore_mem>>)
        } else {
        }
        %add3A_196 = arith.constant 1 : i32
        %add3A_197 = arith.addi %add3A_183, %add3A_196 : i32
        %lt3A_198 = arith.constant 125 : i32
        %lt3A_199 = arith.cmpi slt, %add3A_197, %lt3A_198 : i32
        %convert_element_type3A_200 = arith.extui %lt3A_199 : i1 to i32
        %cond3A_201 = arith.constant 0 : i32
        %cond3A_202 = arith.cmpi ne, %convert_element_type3A_200, %cond3A_201 : i32
        scf.if %cond3A_202 {
          %dma_wait3A_209 = arith.constant 0 : i32
          %dma_wait3A_210 = tpu.memref_slice %arg2[%dma_wait3A_209] : memref<320000xi32, #tpu.memory_space<hbm>> -> memref<80xi32, #tpu.memory_space<hbm>>
          %dma_wait3A_211 = arith.constant 0 : i32
          %dma_wait3A_212 = tpu.memref_slice %arg2[%dma_wait3A_211] : memref<320000xi32, #tpu.memory_space<hbm>> -> memref<80xi32, #tpu.memory_space<hbm>>
          tpu.wait_dma2 semaphore(%arg20 : memref<!tpu.dma_semaphore, #tpu.memory_space<semaphore_mem>>) src(%dma_wait3A_212 : memref<80xi32, #tpu.memory_space<hbm>>) dst(%arg7 : memref<80xi32, #tpu.memory_space<vmem>>)
          %dma_wait3A_213 = arith.constant 0 : i32
          %dma_wait3A_214 = tpu.memref_slice %arg3[%dma_wait3A_213] : memref<160000xi32, #tpu.memory_space<hbm>> -> memref<80xi32, #tpu.memory_space<hbm>>
          %dma_wait3A_215 = arith.constant 0 : i32
          %dma_wait3A_216 = tpu.memref_slice %arg3[%dma_wait3A_215] : memref<160000xi32, #tpu.memory_space<hbm>> -> memref<80xi32, #tpu.memory_space<hbm>>
          tpu.wait_dma2 semaphore(%arg24 : memref<!tpu.dma_semaphore, #tpu.memory_space<semaphore_mem>>) src(%dma_wait3A_216 : memref<80xi32, #tpu.memory_space<hbm>>) dst(%arg11 : memref<80xi32, #tpu.memory_space<vmem>>)
          %dma_start3A_217 = arith.constant 0 : i32
          %dma_start3A_218 = arith.constant 0 : i32
          %dma_start3A_219 = tpu.memref_slice %arg4[%dma_start3A_217, %dma_start3A_218] : memref<20008x128xf32, #tpu.memory_space<hbm>> -> memref<20008x128xf32, #tpu.memory_space<hbm>>
          tpu.enqueue_indirect_dma source(%dma_start3A_219 : memref<20008x128xf32, #tpu.memory_space<hbm>>) target(%arg15 : memref<80x128xf32, #tpu.memory_space<vmem>>) offsets(%arg7 : memref<80xi32, #tpu.memory_space<vmem>>) semaphore(%arg28 : memref<!tpu.dma_semaphore, #tpu.memory_space<semaphore_mem>>)
        } else {
        }
        %dma_wait3A_203 = arith.constant 0 : i32
        %dma_wait3A_204 = arith.constant 0 : i32
        %dma_wait3A_205 = tpu.memref_slice %arg4[%dma_wait3A_203, %dma_wait3A_204] : memref<20008x128xf32, #tpu.memory_space<hbm>> -> memref<20008x128xf32, #tpu.memory_space<hbm>>
        tpu.wait_indirect_dma semaphore(%arg31 : memref<!tpu.dma_semaphore, #tpu.memory_space<semaphore_mem>>) src(%dma_wait3A_205 : memref<20008x128xf32, #tpu.memory_space<hbm>>) dst(%arg18 : memref<80x128xf32, #tpu.memory_space<vmem>>)
        %dma_start3A_206 = arith.constant 0 : i32
        %dma_start3A_207 = arith.constant 0 : i32
        %dma_start3A_208 = tpu.memref_slice %arg19[%dma_start3A_206, %dma_start3A_207] : memref<10000x128xf32, #tpu.memory_space<vmem_shared>> -> memref<10000x128xf32, #tpu.memory_space<vmem_shared>>
        tpu.enqueue_indirect_dma source(%arg18 : memref<80x128xf32, #tpu.memory_space<vmem>>) target(%dma_start3A_208 : memref<10000x128xf32, #tpu.memory_space<vmem_shared>>) offsets(%arg14 : memref<80xi32, #tpu.memory_space<vmem>>) semaphore(%arg35 : memref<!tpu.dma_semaphore, #tpu.memory_space<semaphore_mem>>) {add = true}
      } else {
      }
    }
    %scan3A_86 = arith.constant 32 : i32
    %dma_wait3A_87 = arith.constant 0 : i32
    %dma_wait3A_88 = arith.constant 0 : i32
    %dma_wait3A_89 = tpu.memref_slice %arg19[%dma_wait3A_87, %dma_wait3A_88] : memref<10000x128xf32, #tpu.memory_space<vmem_shared>> -> memref<10000x128xf32, #tpu.memory_space<vmem_shared>>
    tpu.wait_indirect_dma semaphore(%arg33 : memref<!tpu.dma_semaphore, #tpu.memory_space<semaphore_mem>>) src(%arg16 : memref<80x128xf32, #tpu.memory_space<vmem>>) dst(%dma_wait3A_89 : memref<10000x128xf32, #tpu.memory_space<vmem_shared>>)
    %dma_wait3A_90 = arith.constant 0 : i32
    %dma_wait3A_91 = arith.constant 0 : i32
    %dma_wait3A_92 = tpu.memref_slice %arg19[%dma_wait3A_90, %dma_wait3A_91] : memref<10000x128xf32, #tpu.memory_space<vmem_shared>> -> memref<10000x128xf32, #tpu.memory_space<vmem_shared>>
    tpu.wait_indirect_dma semaphore(%arg34 : memref<!tpu.dma_semaphore, #tpu.memory_space<semaphore_mem>>) src(%arg17 : memref<80x128xf32, #tpu.memory_space<vmem>>) dst(%dma_wait3A_92 : memref<10000x128xf32, #tpu.memory_space<vmem_shared>>)
    %dma_wait3A_93 = arith.constant 0 : i32
    %dma_wait3A_94 = arith.constant 0 : i32
    %dma_wait3A_95 = tpu.memref_slice %arg19[%dma_wait3A_93, %dma_wait3A_94] : memref<10000x128xf32, #tpu.memory_space<vmem_shared>> -> memref<10000x128xf32, #tpu.memory_space<vmem_shared>>
    tpu.wait_indirect_dma semaphore(%arg35 : memref<!tpu.dma_semaphore, #tpu.memory_space<semaphore_mem>>) src(%arg18 : memref<80x128xf32, #tpu.memory_space<vmem>>) dst(%dma_wait3A_95 : memref<10000x128xf32, #tpu.memory_space<vmem_shared>>)
    %dma_wait3A_96 = arith.constant 0 : i32
    %dma_wait3A_97 = arith.constant 0 : i32
    %dma_wait3A_98 = tpu.memref_slice %arg19[%dma_wait3A_96, %dma_wait3A_97] : memref<10000x128xf32, #tpu.memory_space<vmem_shared>> -> memref<10000x128xf32, #tpu.memory_space<vmem_shared>>
    tpu.wait_indirect_dma semaphore(%arg32 : memref<!tpu.dma_semaphore, #tpu.memory_space<semaphore_mem>>) src(%arg15 : memref<80x128xf32, #tpu.memory_space<vmem>>) dst(%dma_wait3A_98 : memref<10000x128xf32, #tpu.memory_space<vmem_shared>>)
    %barrier3A_99 = arith.constant 0 : index
    tpu.barrier barrier_id(%barrier3A_99)
    %add3A_100 = arith.constant 0 : i32
    %add3A_101 = arith.addi %arg1, %add3A_100 : i32
    %lt3A_102 = arith.constant 125 : i32
    %lt3A_103 = arith.cmpi slt, %add3A_101, %lt3A_102 : i32
    %convert_element_type3A_104 = arith.extui %lt3A_103 : i1 to i32
    %cond3A_105 = arith.constant 0 : i32
    %cond3A_106 = arith.cmpi ne, %convert_element_type3A_104, %cond3A_105 : i32
    scf.if %cond3A_106 {
      %mul3A_156 = arith.constant 80 : i32
      %mul3A_157 = arith.muli %add3A_101, %mul3A_156 : i32
      "tpu.region"() ({
        %run_scoped3A = tpu.sem_alloc : memref<!tpu.dma_semaphore, #tpu.memory_space<semaphore_mem>>
        %dma_start3A_163 = arith.constant 0 : i32
        %dma_start3A_164 = arith.constant 0 : i32
        %dma_start3A_165 = tpu.memref_slice %arg15[%dma_start3A_163, %dma_start3A_164] : memref<80x128xf32, #tpu.memory_space<vmem>> -> memref<80x128xf32, #tpu.memory_space<vmem>>
        %dma_start3A_166 = arith.constant 0 : i32
        %dma_start3A_167 = tpu.memref_slice %arg19[%mul3A_157, %dma_start3A_166] : memref<10000x128xf32, #tpu.memory_space<vmem_shared>> -> memref<80x128xf32, #tpu.memory_space<vmem_shared>>
        %dma_start3A_168 = arith.constant 0 : i32
        %dma_start3A_169 = arith.constant 0 : i32
        %dma_start3A_170 = tpu.memref_slice %arg15[%dma_start3A_168, %dma_start3A_169] : memref<80x128xf32, #tpu.memory_space<vmem>> -> memref<80x128xf32, #tpu.memory_space<vmem>>
        %dma_start3A_171 = arith.constant 0 : i32
        %dma_start3A_172 = tpu.memref_slice %arg19[%mul3A_157, %dma_start3A_171] : memref<10000x128xf32, #tpu.memory_space<vmem_shared>> -> memref<80x128xf32, #tpu.memory_space<vmem_shared>>
        tpu.enqueue_dma source(%dma_start3A_172 : memref<80x128xf32, #tpu.memory_space<vmem_shared>>) target(%dma_start3A_170 : memref<80x128xf32, #tpu.memory_space<vmem>>) target_semaphore(%run_scoped3A : memref<!tpu.dma_semaphore, #tpu.memory_space<semaphore_mem>>)
        %dma_wait3A_173 = arith.constant 0 : i32
        %dma_wait3A_174 = arith.constant 0 : i32
        %dma_wait3A_175 = tpu.memref_slice %arg15[%dma_wait3A_173, %dma_wait3A_174] : memref<80x128xf32, #tpu.memory_space<vmem>> -> memref<80x128xf32, #tpu.memory_space<vmem>>
        %dma_wait3A_176 = arith.constant 0 : i32
        %dma_wait3A_177 = tpu.memref_slice %arg19[%mul3A_157, %dma_wait3A_176] : memref<10000x128xf32, #tpu.memory_space<vmem_shared>> -> memref<80x128xf32, #tpu.memory_space<vmem_shared>>
        %dma_wait3A_178 = arith.constant 0 : i32
        %dma_wait3A_179 = arith.constant 0 : i32
        %dma_wait3A_180 = tpu.memref_slice %arg15[%dma_wait3A_178, %dma_wait3A_179] : memref<80x128xf32, #tpu.memory_space<vmem>> -> memref<80x128xf32, #tpu.memory_space<vmem>>
        %dma_wait3A_181 = arith.constant 0 : i32
        %dma_wait3A_182 = tpu.memref_slice %arg19[%mul3A_157, %dma_wait3A_181] : memref<10000x128xf32, #tpu.memory_space<vmem_shared>> -> memref<80x128xf32, #tpu.memory_space<vmem_shared>>
        tpu.wait_dma2 semaphore(%run_scoped3A : memref<!tpu.dma_semaphore, #tpu.memory_space<semaphore_mem>>) src(%dma_wait3A_182 : memref<80x128xf32, #tpu.memory_space<vmem_shared>>) dst(%dma_wait3A_180 : memref<80x128xf32, #tpu.memory_space<vmem>>)
        tpu.yield
      }) : () -> ()
      %mul3A_158 = arith.constant 10000 : i32
      %mul3A_159 = arith.muli %arg0, %mul3A_158 : i32
      %mul3A_160 = arith.constant 80 : i32
      %mul3A_161 = arith.muli %add3A_101, %mul3A_160 : i32
      %add3A_162 = arith.addi %mul3A_159, %mul3A_161 : i32
      "tpu.region"() ({
        %run_scoped3A = tpu.sem_alloc : memref<!tpu.dma_semaphore, #tpu.memory_space<semaphore_mem>>
        %dma_start3A_163 = arith.constant 0 : i32
        %dma_start3A_164 = arith.constant 0 : i32
        %dma_start3A_165 = tpu.memref_slice %arg15[%dma_start3A_163, %dma_start3A_164] : memref<80x128xf32, #tpu.memory_space<vmem>> -> memref<80x128xf32, #tpu.memory_space<vmem>>
        %dma_start3A_166 = arith.constant 0 : i32
        %dma_start3A_167 = tpu.memref_slice %arg6[%add3A_162, %dma_start3A_166] : memref<20000x128xf32, #tpu.memory_space<hbm>> -> memref<80x128xf32, #tpu.memory_space<hbm>>
        %dma_start3A_168 = arith.constant 0 : i32
        %dma_start3A_169 = tpu.memref_slice %arg6[%add3A_162, %dma_start3A_168] : memref<20000x128xf32, #tpu.memory_space<hbm>> -> memref<80x128xf32, #tpu.memory_space<hbm>>
        %dma_start3A_170 = arith.constant 0 : i32
        %dma_start3A_171 = arith.constant 0 : i32
        %dma_start3A_172 = tpu.memref_slice %arg15[%dma_start3A_170, %dma_start3A_171] : memref<80x128xf32, #tpu.memory_space<vmem>> -> memref<80x128xf32, #tpu.memory_space<vmem>>
        tpu.enqueue_dma source(%dma_start3A_172 : memref<80x128xf32, #tpu.memory_space<vmem>>) target(%dma_start3A_169 : memref<80x128xf32, #tpu.memory_space<hbm>>) target_semaphore(%run_scoped3A : memref<!tpu.dma_semaphore, #tpu.memory_space<semaphore_mem>>)
        %dma_wait3A_173 = arith.constant 0 : i32
        %dma_wait3A_174 = arith.constant 0 : i32
        %dma_wait3A_175 = tpu.memref_slice %arg15[%dma_wait3A_173, %dma_wait3A_174] : memref<80x128xf32, #tpu.memory_space<vmem>> -> memref<80x128xf32, #tpu.memory_space<vmem>>
        %dma_wait3A_176 = arith.constant 0 : i32
        %dma_wait3A_177 = tpu.memref_slice %arg6[%add3A_162, %dma_wait3A_176] : memref<20000x128xf32, #tpu.memory_space<hbm>> -> memref<80x128xf32, #tpu.memory_space<hbm>>
        %dma_wait3A_178 = arith.constant 0 : i32
        %dma_wait3A_179 = tpu.memref_slice %arg6[%add3A_162, %dma_wait3A_178] : memref<20000x128xf32, #tpu.memory_space<hbm>> -> memref<80x128xf32, #tpu.memory_space<hbm>>
        %dma_wait3A_180 = arith.constant 0 : i32
        %dma_wait3A_181 = arith.constant 0 : i32
        %dma_wait3A_182 = tpu.memref_slice %arg15[%dma_wait3A_180, %dma_wait3A_181] : memref<80x128xf32, #tpu.memory_space<vmem>> -> memref<80x128xf32, #tpu.memory_space<vmem>>
        tpu.wait_dma2 semaphore(%run_scoped3A : memref<!tpu.dma_semaphore, #tpu.memory_space<semaphore_mem>>) src(%dma_wait3A_182 : memref<80x128xf32, #tpu.memory_space<vmem>>) dst(%dma_wait3A_179 : memref<80x128xf32, #tpu.memory_space<hbm>>)
        tpu.yield
      }) : () -> ()
    } else {
    }
    %add3A_107 = arith.constant 16 : i32
    %add3A_108 = arith.addi %arg1, %add3A_107 : i32
    %lt3A_109 = arith.constant 125 : i32
    %lt3A_110 = arith.cmpi slt, %add3A_108, %lt3A_109 : i32
    %convert_element_type3A_111 = arith.extui %lt3A_110 : i1 to i32
    %cond3A_112 = arith.constant 0 : i32
    %cond3A_113 = arith.cmpi ne, %convert_element_type3A_111, %cond3A_112 : i32
    scf.if %cond3A_113 {
      %mul3A_156 = arith.constant 80 : i32
      %mul3A_157 = arith.muli %add3A_108, %mul3A_156 : i32
      "tpu.region"() ({
        %run_scoped3A = tpu.sem_alloc : memref<!tpu.dma_semaphore, #tpu.memory_space<semaphore_mem>>
        %dma_start3A_163 = arith.constant 0 : i32
        %dma_start3A_164 = arith.constant 0 : i32
        %dma_start3A_165 = tpu.memref_slice %arg15[%dma_start3A_163, %dma_start3A_164] : memref<80x128xf32, #tpu.memory_space<vmem>> -> memref<80x128xf32, #tpu.memory_space<vmem>>
        %dma_start3A_166 = arith.constant 0 : i32
        %dma_start3A_167 = tpu.memref_slice %arg19[%mul3A_157, %dma_start3A_166] : memref<10000x128xf32, #tpu.memory_space<vmem_shared>> -> memref<80x128xf32, #tpu.memory_space<vmem_shared>>
        %dma_start3A_168 = arith.constant 0 : i32
        %dma_start3A_169 = arith.constant 0 : i32
        %dma_start3A_170 = tpu.memref_slice %arg15[%dma_start3A_168, %dma_start3A_169] : memref<80x128xf32, #tpu.memory_space<vmem>> -> memref<80x128xf32, #tpu.memory_space<vmem>>
        %dma_start3A_171 = arith.constant 0 : i32
        %dma_start3A_172 = tpu.memref_slice %arg19[%mul3A_157, %dma_start3A_171] : memref<10000x128xf32, #tpu.memory_space<vmem_shared>> -> memref<80x128xf32, #tpu.memory_space<vmem_shared>>
        tpu.enqueue_dma source(%dma_start3A_172 : memref<80x128xf32, #tpu.memory_space<vmem_shared>>) target(%dma_start3A_170 : memref<80x128xf32, #tpu.memory_space<vmem>>) target_semaphore(%run_scoped3A : memref<!tpu.dma_semaphore, #tpu.memory_space<semaphore_mem>>)
        %dma_wait3A_173 = arith.constant 0 : i32
        %dma_wait3A_174 = arith.constant 0 : i32
        %dma_wait3A_175 = tpu.memref_slice %arg15[%dma_wait3A_173, %dma_wait3A_174] : memref<80x128xf32, #tpu.memory_space<vmem>> -> memref<80x128xf32, #tpu.memory_space<vmem>>
        %dma_wait3A_176 = arith.constant 0 : i32
        %dma_wait3A_177 = tpu.memref_slice %arg19[%mul3A_157, %dma_wait3A_176] : memref<10000x128xf32, #tpu.memory_space<vmem_shared>> -> memref<80x128xf32, #tpu.memory_space<vmem_shared>>
        %dma_wait3A_178 = arith.constant 0 : i32
        %dma_wait3A_179 = arith.constant 0 : i32
        %dma_wait3A_180 = tpu.memref_slice %arg15[%dma_wait3A_178, %dma_wait3A_179] : memref<80x128xf32, #tpu.memory_space<vmem>> -> memref<80x128xf32, #tpu.memory_space<vmem>>
        %dma_wait3A_181 = arith.constant 0 : i32
        %dma_wait3A_182 = tpu.memref_slice %arg19[%mul3A_157, %dma_wait3A_181] : memref<10000x128xf32, #tpu.memory_space<vmem_shared>> -> memref<80x128xf32, #tpu.memory_space<vmem_shared>>
        tpu.wait_dma2 semaphore(%run_scoped3A : memref<!tpu.dma_semaphore, #tpu.memory_space<semaphore_mem>>) src(%dma_wait3A_182 : memref<80x128xf32, #tpu.memory_space<vmem_shared>>) dst(%dma_wait3A_180 : memref<80x128xf32, #tpu.memory_space<vmem>>)
        tpu.yield
      }) : () -> ()
      %mul3A_158 = arith.constant 10000 : i32
      %mul3A_159 = arith.muli %arg0, %mul3A_158 : i32
      %mul3A_160 = arith.constant 80 : i32
      %mul3A_161 = arith.muli %add3A_108, %mul3A_160 : i32
      %add3A_162 = arith.addi %mul3A_159, %mul3A_161 : i32
      "tpu.region"() ({
        %run_scoped3A = tpu.sem_alloc : memref<!tpu.dma_semaphore, #tpu.memory_space<semaphore_mem>>
        %dma_start3A_163 = arith.constant 0 : i32
        %dma_start3A_164 = arith.constant 0 : i32
        %dma_start3A_165 = tpu.memref_slice %arg15[%dma_start3A_163, %dma_start3A_164] : memref<80x128xf32, #tpu.memory_space<vmem>> -> memref<80x128xf32, #tpu.memory_space<vmem>>
        %dma_start3A_166 = arith.constant 0 : i32
        %dma_start3A_167 = tpu.memref_slice %arg6[%add3A_162, %dma_start3A_166] : memref<20000x128xf32, #tpu.memory_space<hbm>> -> memref<80x128xf32, #tpu.memory_space<hbm>>
        %dma_start3A_168 = arith.constant 0 : i32
        %dma_start3A_169 = tpu.memref_slice %arg6[%add3A_162, %dma_start3A_168] : memref<20000x128xf32, #tpu.memory_space<hbm>> -> memref<80x128xf32, #tpu.memory_space<hbm>>
        %dma_start3A_170 = arith.constant 0 : i32
        %dma_start3A_171 = arith.constant 0 : i32
        %dma_start3A_172 = tpu.memref_slice %arg15[%dma_start3A_170, %dma_start3A_171] : memref<80x128xf32, #tpu.memory_space<vmem>> -> memref<80x128xf32, #tpu.memory_space<vmem>>
        tpu.enqueue_dma source(%dma_start3A_172 : memref<80x128xf32, #tpu.memory_space<vmem>>) target(%dma_start3A_169 : memref<80x128xf32, #tpu.memory_space<hbm>>) target_semaphore(%run_scoped3A : memref<!tpu.dma_semaphore, #tpu.memory_space<semaphore_mem>>)
        %dma_wait3A_173 = arith.constant 0 : i32
        %dma_wait3A_174 = arith.constant 0 : i32
        %dma_wait3A_175 = tpu.memref_slice %arg15[%dma_wait3A_173, %dma_wait3A_174] : memref<80x128xf32, #tpu.memory_space<vmem>> -> memref<80x128xf32, #tpu.memory_space<vmem>>
        %dma_wait3A_176 = arith.constant 0 : i32
        %dma_wait3A_177 = tpu.memref_slice %arg6[%add3A_162, %dma_wait3A_176] : memref<20000x128xf32, #tpu.memory_space<hbm>> -> memref<80x128xf32, #tpu.memory_space<hbm>>
        %dma_wait3A_178 = arith.constant 0 : i32
        %dma_wait3A_179 = tpu.memref_slice %arg6[%add3A_162, %dma_wait3A_178] : memref<20000x128xf32, #tpu.memory_space<hbm>> -> memref<80x128xf32, #tpu.memory_space<hbm>>
        %dma_wait3A_180 = arith.constant 0 : i32
        %dma_wait3A_181 = arith.constant 0 : i32
        %dma_wait3A_182 = tpu.memref_slice %arg15[%dma_wait3A_180, %dma_wait3A_181] : memref<80x128xf32, #tpu.memory_space<vmem>> -> memref<80x128xf32, #tpu.memory_space<vmem>>
        tpu.wait_dma2 semaphore(%run_scoped3A : memref<!tpu.dma_semaphore, #tpu.memory_space<semaphore_mem>>) src(%dma_wait3A_182 : memref<80x128xf32, #tpu.memory_space<vmem>>) dst(%dma_wait3A_179 : memref<80x128xf32, #tpu.memory_space<hbm>>)
        tpu.yield
      }) : () -> ()
    } else {
    }
    %add3A_114 = arith.constant 32 : i32
    %add3A_115 = arith.addi %arg1, %add3A_114 : i32
    %lt3A_116 = arith.constant 125 : i32
    %lt3A_117 = arith.cmpi slt, %add3A_115, %lt3A_116 : i32
    %convert_element_type3A_118 = arith.extui %lt3A_117 : i1 to i32
    %cond3A_119 = arith.constant 0 : i32
    %cond3A_120 = arith.cmpi ne, %convert_element_type3A_118, %cond3A_119 : i32
    scf.if %cond3A_120 {
      %mul3A_156 = arith.constant 80 : i32
      %mul3A_157 = arith.muli %add3A_115, %mul3A_156 : i32
      "tpu.region"() ({
        %run_scoped3A = tpu.sem_alloc : memref<!tpu.dma_semaphore, #tpu.memory_space<semaphore_mem>>
        %dma_start3A_163 = arith.constant 0 : i32
        %dma_start3A_164 = arith.constant 0 : i32
        %dma_start3A_165 = tpu.memref_slice %arg15[%dma_start3A_163, %dma_start3A_164] : memref<80x128xf32, #tpu.memory_space<vmem>> -> memref<80x128xf32, #tpu.memory_space<vmem>>
        %dma_start3A_166 = arith.constant 0 : i32
        %dma_start3A_167 = tpu.memref_slice %arg19[%mul3A_157, %dma_start3A_166] : memref<10000x128xf32, #tpu.memory_space<vmem_shared>> -> memref<80x128xf32, #tpu.memory_space<vmem_shared>>
        %dma_start3A_168 = arith.constant 0 : i32
        %dma_start3A_169 = arith.constant 0 : i32
        %dma_start3A_170 = tpu.memref_slice %arg15[%dma_start3A_168, %dma_start3A_169] : memref<80x128xf32, #tpu.memory_space<vmem>> -> memref<80x128xf32, #tpu.memory_space<vmem>>
        %dma_start3A_171 = arith.constant 0 : i32
        %dma_start3A_172 = tpu.memref_slice %arg19[%mul3A_157, %dma_start3A_171] : memref<10000x128xf32, #tpu.memory_space<vmem_shared>> -> memref<80x128xf32, #tpu.memory_space<vmem_shared>>
        tpu.enqueue_dma source(%dma_start3A_172 : memref<80x128xf32, #tpu.memory_space<vmem_shared>>) target(%dma_start3A_170 : memref<80x128xf32, #tpu.memory_space<vmem>>) target_semaphore(%run_scoped3A : memref<!tpu.dma_semaphore, #tpu.memory_space<semaphore_mem>>)
        %dma_wait3A_173 = arith.constant 0 : i32
        %dma_wait3A_174 = arith.constant 0 : i32
        %dma_wait3A_175 = tpu.memref_slice %arg15[%dma_wait3A_173, %dma_wait3A_174] : memref<80x128xf32, #tpu.memory_space<vmem>> -> memref<80x128xf32, #tpu.memory_space<vmem>>
        %dma_wait3A_176 = arith.constant 0 : i32
        %dma_wait3A_177 = tpu.memref_slice %arg19[%mul3A_157, %dma_wait3A_176] : memref<10000x128xf32, #tpu.memory_space<vmem_shared>> -> memref<80x128xf32, #tpu.memory_space<vmem_shared>>
        %dma_wait3A_178 = arith.constant 0 : i32
        %dma_wait3A_179 = arith.constant 0 : i32
        %dma_wait3A_180 = tpu.memref_slice %arg15[%dma_wait3A_178, %dma_wait3A_179] : memref<80x128xf32, #tpu.memory_space<vmem>> -> memref<80x128xf32, #tpu.memory_space<vmem>>
        %dma_wait3A_181 = arith.constant 0 : i32
        %dma_wait3A_182 = tpu.memref_slice %arg19[%mul3A_157, %dma_wait3A_181] : memref<10000x128xf32, #tpu.memory_space<vmem_shared>> -> memref<80x128xf32, #tpu.memory_space<vmem_shared>>
        tpu.wait_dma2 semaphore(%run_scoped3A : memref<!tpu.dma_semaphore, #tpu.memory_space<semaphore_mem>>) src(%dma_wait3A_182 : memref<80x128xf32, #tpu.memory_space<vmem_shared>>) dst(%dma_wait3A_180 : memref<80x128xf32, #tpu.memory_space<vmem>>)
        tpu.yield
      }) : () -> ()
      %mul3A_158 = arith.constant 10000 : i32
      %mul3A_159 = arith.muli %arg0, %mul3A_158 : i32
      %mul3A_160 = arith.constant 80 : i32
      %mul3A_161 = arith.muli %add3A_115, %mul3A_160 : i32
      %add3A_162 = arith.addi %mul3A_159, %mul3A_161 : i32
      "tpu.region"() ({
        %run_scoped3A = tpu.sem_alloc : memref<!tpu.dma_semaphore, #tpu.memory_space<semaphore_mem>>
        %dma_start3A_163 = arith.constant 0 : i32
        %dma_start3A_164 = arith.constant 0 : i32
        %dma_start3A_165 = tpu.memref_slice %arg15[%dma_start3A_163, %dma_start3A_164] : memref<80x128xf32, #tpu.memory_space<vmem>> -> memref<80x128xf32, #tpu.memory_space<vmem>>
        %dma_start3A_166 = arith.constant 0 : i32
        %dma_start3A_167 = tpu.memref_slice %arg6[%add3A_162, %dma_start3A_166] : memref<20000x128xf32, #tpu.memory_space<hbm>> -> memref<80x128xf32, #tpu.memory_space<hbm>>
        %dma_start3A_168 = arith.constant 0 : i32
        %dma_start3A_169 = tpu.memref_slice %arg6[%add3A_162, %dma_start3A_168] : memref<20000x128xf32, #tpu.memory_space<hbm>> -> memref<80x128xf32, #tpu.memory_space<hbm>>
        %dma_start3A_170 = arith.constant 0 : i32
        %dma_start3A_171 = arith.constant 0 : i32
        %dma_start3A_172 = tpu.memref_slice %arg15[%dma_start3A_170, %dma_start3A_171] : memref<80x128xf32, #tpu.memory_space<vmem>> -> memref<80x128xf32, #tpu.memory_space<vmem>>
        tpu.enqueue_dma source(%dma_start3A_172 : memref<80x128xf32, #tpu.memory_space<vmem>>) target(%dma_start3A_169 : memref<80x128xf32, #tpu.memory_space<hbm>>) target_semaphore(%run_scoped3A : memref<!tpu.dma_semaphore, #tpu.memory_space<semaphore_mem>>)
        %dma_wait3A_173 = arith.constant 0 : i32
        %dma_wait3A_174 = arith.constant 0 : i32
        %dma_wait3A_175 = tpu.memref_slice %arg15[%dma_wait3A_173, %dma_wait3A_174] : memref<80x128xf32, #tpu.memory_space<vmem>> -> memref<80x128xf32, #tpu.memory_space<vmem>>
        %dma_wait3A_176 = arith.constant 0 : i32
        %dma_wait3A_177 = tpu.memref_slice %arg6[%add3A_162, %dma_wait3A_176] : memref<20000x128xf32, #tpu.memory_space<hbm>> -> memref<80x128xf32, #tpu.memory_space<hbm>>
        %dma_wait3A_178 = arith.constant 0 : i32
        %dma_wait3A_179 = tpu.memref_slice %arg6[%add3A_162, %dma_wait3A_178] : memref<20000x128xf32, #tpu.memory_space<hbm>> -> memref<80x128xf32, #tpu.memory_space<hbm>>
        %dma_wait3A_180 = arith.constant 0 : i32
        %dma_wait3A_181 = arith.constant 0 : i32
        %dma_wait3A_182 = tpu.memref_slice %arg15[%dma_wait3A_180, %dma_wait3A_181] : memref<80x128xf32, #tpu.memory_space<vmem>> -> memref<80x128xf32, #tpu.memory_space<vmem>>
        tpu.wait_dma2 semaphore(%run_scoped3A : memref<!tpu.dma_semaphore, #tpu.memory_space<semaphore_mem>>) src(%dma_wait3A_182 : memref<80x128xf32, #tpu.memory_space<vmem>>) dst(%dma_wait3A_179 : memref<80x128xf32, #tpu.memory_space<hbm>>)
        tpu.yield
      }) : () -> ()
    } else {
    }
    %add3A_121 = arith.constant 48 : i32
    %add3A_122 = arith.addi %arg1, %add3A_121 : i32
    %lt3A_123 = arith.constant 125 : i32
    %lt3A_124 = arith.cmpi slt, %add3A_122, %lt3A_123 : i32
    %convert_element_type3A_125 = arith.extui %lt3A_124 : i1 to i32
    %cond3A_126 = arith.constant 0 : i32
    %cond3A_127 = arith.cmpi ne, %convert_element_type3A_125, %cond3A_126 : i32
    scf.if %cond3A_127 {
      %mul3A_156 = arith.constant 80 : i32
      %mul3A_157 = arith.muli %add3A_122, %mul3A_156 : i32
      "tpu.region"() ({
        %run_scoped3A = tpu.sem_alloc : memref<!tpu.dma_semaphore, #tpu.memory_space<semaphore_mem>>
        %dma_start3A_163 = arith.constant 0 : i32
        %dma_start3A_164 = arith.constant 0 : i32
        %dma_start3A_165 = tpu.memref_slice %arg15[%dma_start3A_163, %dma_start3A_164] : memref<80x128xf32, #tpu.memory_space<vmem>> -> memref<80x128xf32, #tpu.memory_space<vmem>>
        %dma_start3A_166 = arith.constant 0 : i32
        %dma_start3A_167 = tpu.memref_slice %arg19[%mul3A_157, %dma_start3A_166] : memref<10000x128xf32, #tpu.memory_space<vmem_shared>> -> memref<80x128xf32, #tpu.memory_space<vmem_shared>>
        %dma_start3A_168 = arith.constant 0 : i32
        %dma_start3A_169 = arith.constant 0 : i32
        %dma_start3A_170 = tpu.memref_slice %arg15[%dma_start3A_168, %dma_start3A_169] : memref<80x128xf32, #tpu.memory_space<vmem>> -> memref<80x128xf32, #tpu.memory_space<vmem>>
        %dma_start3A_171 = arith.constant 0 : i32
        %dma_start3A_172 = tpu.memref_slice %arg19[%mul3A_157, %dma_start3A_171] : memref<10000x128xf32, #tpu.memory_space<vmem_shared>> -> memref<80x128xf32, #tpu.memory_space<vmem_shared>>
        tpu.enqueue_dma source(%dma_start3A_172 : memref<80x128xf32, #tpu.memory_space<vmem_shared>>) target(%dma_start3A_170 : memref<80x128xf32, #tpu.memory_space<vmem>>) target_semaphore(%run_scoped3A : memref<!tpu.dma_semaphore, #tpu.memory_space<semaphore_mem>>)
        %dma_wait3A_173 = arith.constant 0 : i32
        %dma_wait3A_174 = arith.constant 0 : i32
        %dma_wait3A_175 = tpu.memref_slice %arg15[%dma_wait3A_173, %dma_wait3A_174] : memref<80x128xf32, #tpu.memory_space<vmem>> -> memref<80x128xf32, #tpu.memory_space<vmem>>
        %dma_wait3A_176 = arith.constant 0 : i32
        %dma_wait3A_177 = tpu.memref_slice %arg19[%mul3A_157, %dma_wait3A_176] : memref<10000x128xf32, #tpu.memory_space<vmem_shared>> -> memref<80x128xf32, #tpu.memory_space<vmem_shared>>
        %dma_wait3A_178 = arith.constant 0 : i32
        %dma_wait3A_179 = arith.constant 0 : i32
        %dma_wait3A_180 = tpu.memref_slice %arg15[%dma_wait3A_178, %dma_wait3A_179] : memref<80x128xf32, #tpu.memory_space<vmem>> -> memref<80x128xf32, #tpu.memory_space<vmem>>
        %dma_wait3A_181 = arith.constant 0 : i32
        %dma_wait3A_182 = tpu.memref_slice %arg19[%mul3A_157, %dma_wait3A_181] : memref<10000x128xf32, #tpu.memory_space<vmem_shared>> -> memref<80x128xf32, #tpu.memory_space<vmem_shared>>
        tpu.wait_dma2 semaphore(%run_scoped3A : memref<!tpu.dma_semaphore, #tpu.memory_space<semaphore_mem>>) src(%dma_wait3A_182 : memref<80x128xf32, #tpu.memory_space<vmem_shared>>) dst(%dma_wait3A_180 : memref<80x128xf32, #tpu.memory_space<vmem>>)
        tpu.yield
      }) : () -> ()
      %mul3A_158 = arith.constant 10000 : i32
      %mul3A_159 = arith.muli %arg0, %mul3A_158 : i32
      %mul3A_160 = arith.constant 80 : i32
      %mul3A_161 = arith.muli %add3A_122, %mul3A_160 : i32
      %add3A_162 = arith.addi %mul3A_159, %mul3A_161 : i32
      "tpu.region"() ({
        %run_scoped3A = tpu.sem_alloc : memref<!tpu.dma_semaphore, #tpu.memory_space<semaphore_mem>>
        %dma_start3A_163 = arith.constant 0 : i32
        %dma_start3A_164 = arith.constant 0 : i32
        %dma_start3A_165 = tpu.memref_slice %arg15[%dma_start3A_163, %dma_start3A_164] : memref<80x128xf32, #tpu.memory_space<vmem>> -> memref<80x128xf32, #tpu.memory_space<vmem>>
        %dma_start3A_166 = arith.constant 0 : i32
        %dma_start3A_167 = tpu.memref_slice %arg6[%add3A_162, %dma_start3A_166] : memref<20000x128xf32, #tpu.memory_space<hbm>> -> memref<80x128xf32, #tpu.memory_space<hbm>>
        %dma_start3A_168 = arith.constant 0 : i32
        %dma_start3A_169 = tpu.memref_slice %arg6[%add3A_162, %dma_start3A_168] : memref<20000x128xf32, #tpu.memory_space<hbm>> -> memref<80x128xf32, #tpu.memory_space<hbm>>
        %dma_start3A_170 = arith.constant 0 : i32
        %dma_start3A_171 = arith.constant 0 : i32
        %dma_start3A_172 = tpu.memref_slice %arg15[%dma_start3A_170, %dma_start3A_171] : memref<80x128xf32, #tpu.memory_space<vmem>> -> memref<80x128xf32, #tpu.memory_space<vmem>>
        tpu.enqueue_dma source(%dma_start3A_172 : memref<80x128xf32, #tpu.memory_space<vmem>>) target(%dma_start3A_169 : memref<80x128xf32, #tpu.memory_space<hbm>>) target_semaphore(%run_scoped3A : memref<!tpu.dma_semaphore, #tpu.memory_space<semaphore_mem>>)
        %dma_wait3A_173 = arith.constant 0 : i32
        %dma_wait3A_174 = arith.constant 0 : i32
        %dma_wait3A_175 = tpu.memref_slice %arg15[%dma_wait3A_173, %dma_wait3A_174] : memref<80x128xf32, #tpu.memory_space<vmem>> -> memref<80x128xf32, #tpu.memory_space<vmem>>
        %dma_wait3A_176 = arith.constant 0 : i32
        %dma_wait3A_177 = tpu.memref_slice %arg6[%add3A_162, %dma_wait3A_176] : memref<20000x128xf32, #tpu.memory_space<hbm>> -> memref<80x128xf32, #tpu.memory_space<hbm>>
        %dma_wait3A_178 = arith.constant 0 : i32
        %dma_wait3A_179 = tpu.memref_slice %arg6[%add3A_162, %dma_wait3A_178] : memref<20000x128xf32, #tpu.memory_space<hbm>> -> memref<80x128xf32, #tpu.memory_space<hbm>>
        %dma_wait3A_180 = arith.constant 0 : i32
        %dma_wait3A_181 = arith.constant 0 : i32
        %dma_wait3A_182 = tpu.memref_slice %arg15[%dma_wait3A_180, %dma_wait3A_181] : memref<80x128xf32, #tpu.memory_space<vmem>> -> memref<80x128xf32, #tpu.memory_space<vmem>>
        tpu.wait_dma2 semaphore(%run_scoped3A : memref<!tpu.dma_semaphore, #tpu.memory_space<semaphore_mem>>) src(%dma_wait3A_182 : memref<80x128xf32, #tpu.memory_space<vmem>>) dst(%dma_wait3A_179 : memref<80x128xf32, #tpu.memory_space<hbm>>)
        tpu.yield
      }) : () -> ()
    } else {
    }
    %add3A_128 = arith.constant 64 : i32
    %add3A_129 = arith.addi %arg1, %add3A_128 : i32
    %lt3A_130 = arith.constant 125 : i32
    %lt3A_131 = arith.cmpi slt, %add3A_129, %lt3A_130 : i32
    %convert_element_type3A_132 = arith.extui %lt3A_131 : i1 to i32
    %cond3A_133 = arith.constant 0 : i32
    %cond3A_134 = arith.cmpi ne, %convert_element_type3A_132, %cond3A_133 : i32
    scf.if %cond3A_134 {
      %mul3A_156 = arith.constant 80 : i32
      %mul3A_157 = arith.muli %add3A_129, %mul3A_156 : i32
      "tpu.region"() ({
        %run_scoped3A = tpu.sem_alloc : memref<!tpu.dma_semaphore, #tpu.memory_space<semaphore_mem>>
        %dma_start3A_163 = arith.constant 0 : i32
        %dma_start3A_164 = arith.constant 0 : i32
        %dma_start3A_165 = tpu.memref_slice %arg15[%dma_start3A_163, %dma_start3A_164] : memref<80x128xf32, #tpu.memory_space<vmem>> -> memref<80x128xf32, #tpu.memory_space<vmem>>
        %dma_start3A_166 = arith.constant 0 : i32
        %dma_start3A_167 = tpu.memref_slice %arg19[%mul3A_157, %dma_start3A_166] : memref<10000x128xf32, #tpu.memory_space<vmem_shared>> -> memref<80x128xf32, #tpu.memory_space<vmem_shared>>
        %dma_start3A_168 = arith.constant 0 : i32
        %dma_start3A_169 = arith.constant 0 : i32
        %dma_start3A_170 = tpu.memref_slice %arg15[%dma_start3A_168, %dma_start3A_169] : memref<80x128xf32, #tpu.memory_space<vmem>> -> memref<80x128xf32, #tpu.memory_space<vmem>>
        %dma_start3A_171 = arith.constant 0 : i32
        %dma_start3A_172 = tpu.memref_slice %arg19[%mul3A_157, %dma_start3A_171] : memref<10000x128xf32, #tpu.memory_space<vmem_shared>> -> memref<80x128xf32, #tpu.memory_space<vmem_shared>>
        tpu.enqueue_dma source(%dma_start3A_172 : memref<80x128xf32, #tpu.memory_space<vmem_shared>>) target(%dma_start3A_170 : memref<80x128xf32, #tpu.memory_space<vmem>>) target_semaphore(%run_scoped3A : memref<!tpu.dma_semaphore, #tpu.memory_space<semaphore_mem>>)
        %dma_wait3A_173 = arith.constant 0 : i32
        %dma_wait3A_174 = arith.constant 0 : i32
        %dma_wait3A_175 = tpu.memref_slice %arg15[%dma_wait3A_173, %dma_wait3A_174] : memref<80x128xf32, #tpu.memory_space<vmem>> -> memref<80x128xf32, #tpu.memory_space<vmem>>
        %dma_wait3A_176 = arith.constant 0 : i32
        %dma_wait3A_177 = tpu.memref_slice %arg19[%mul3A_157, %dma_wait3A_176] : memref<10000x128xf32, #tpu.memory_space<vmem_shared>> -> memref<80x128xf32, #tpu.memory_space<vmem_shared>>
        %dma_wait3A_178 = arith.constant 0 : i32
        %dma_wait3A_179 = arith.constant 0 : i32
        %dma_wait3A_180 = tpu.memref_slice %arg15[%dma_wait3A_178, %dma_wait3A_179] : memref<80x128xf32, #tpu.memory_space<vmem>> -> memref<80x128xf32, #tpu.memory_space<vmem>>
        %dma_wait3A_181 = arith.constant 0 : i32
        %dma_wait3A_182 = tpu.memref_slice %arg19[%mul3A_157, %dma_wait3A_181] : memref<10000x128xf32, #tpu.memory_space<vmem_shared>> -> memref<80x128xf32, #tpu.memory_space<vmem_shared>>
        tpu.wait_dma2 semaphore(%run_scoped3A : memref<!tpu.dma_semaphore, #tpu.memory_space<semaphore_mem>>) src(%dma_wait3A_182 : memref<80x128xf32, #tpu.memory_space<vmem_shared>>) dst(%dma_wait3A_180 : memref<80x128xf32, #tpu.memory_space<vmem>>)
        tpu.yield
      }) : () -> ()
      %mul3A_158 = arith.constant 10000 : i32
      %mul3A_159 = arith.muli %arg0, %mul3A_158 : i32
      %mul3A_160 = arith.constant 80 : i32
      %mul3A_161 = arith.muli %add3A_129, %mul3A_160 : i32
      %add3A_162 = arith.addi %mul3A_159, %mul3A_161 : i32
      "tpu.region"() ({
        %run_scoped3A = tpu.sem_alloc : memref<!tpu.dma_semaphore, #tpu.memory_space<semaphore_mem>>
        %dma_start3A_163 = arith.constant 0 : i32
        %dma_start3A_164 = arith.constant 0 : i32
        %dma_start3A_165 = tpu.memref_slice %arg15[%dma_start3A_163, %dma_start3A_164] : memref<80x128xf32, #tpu.memory_space<vmem>> -> memref<80x128xf32, #tpu.memory_space<vmem>>
        %dma_start3A_166 = arith.constant 0 : i32
        %dma_start3A_167 = tpu.memref_slice %arg6[%add3A_162, %dma_start3A_166] : memref<20000x128xf32, #tpu.memory_space<hbm>> -> memref<80x128xf32, #tpu.memory_space<hbm>>
        %dma_start3A_168 = arith.constant 0 : i32
        %dma_start3A_169 = tpu.memref_slice %arg6[%add3A_162, %dma_start3A_168] : memref<20000x128xf32, #tpu.memory_space<hbm>> -> memref<80x128xf32, #tpu.memory_space<hbm>>
        %dma_start3A_170 = arith.constant 0 : i32
        %dma_start3A_171 = arith.constant 0 : i32
        %dma_start3A_172 = tpu.memref_slice %arg15[%dma_start3A_170, %dma_start3A_171] : memref<80x128xf32, #tpu.memory_space<vmem>> -> memref<80x128xf32, #tpu.memory_space<vmem>>
        tpu.enqueue_dma source(%dma_start3A_172 : memref<80x128xf32, #tpu.memory_space<vmem>>) target(%dma_start3A_169 : memref<80x128xf32, #tpu.memory_space<hbm>>) target_semaphore(%run_scoped3A : memref<!tpu.dma_semaphore, #tpu.memory_space<semaphore_mem>>)
        %dma_wait3A_173 = arith.constant 0 : i32
        %dma_wait3A_174 = arith.constant 0 : i32
        %dma_wait3A_175 = tpu.memref_slice %arg15[%dma_wait3A_173, %dma_wait3A_174] : memref<80x128xf32, #tpu.memory_space<vmem>> -> memref<80x128xf32, #tpu.memory_space<vmem>>
        %dma_wait3A_176 = arith.constant 0 : i32
        %dma_wait3A_177 = tpu.memref_slice %arg6[%add3A_162, %dma_wait3A_176] : memref<20000x128xf32, #tpu.memory_space<hbm>> -> memref<80x128xf32, #tpu.memory_space<hbm>>
        %dma_wait3A_178 = arith.constant 0 : i32
        %dma_wait3A_179 = tpu.memref_slice %arg6[%add3A_162, %dma_wait3A_178] : memref<20000x128xf32, #tpu.memory_space<hbm>> -> memref<80x128xf32, #tpu.memory_space<hbm>>
        %dma_wait3A_180 = arith.constant 0 : i32
        %dma_wait3A_181 = arith.constant 0 : i32
        %dma_wait3A_182 = tpu.memref_slice %arg15[%dma_wait3A_180, %dma_wait3A_181] : memref<80x128xf32, #tpu.memory_space<vmem>> -> memref<80x128xf32, #tpu.memory_space<vmem>>
        tpu.wait_dma2 semaphore(%run_scoped3A : memref<!tpu.dma_semaphore, #tpu.memory_space<semaphore_mem>>) src(%dma_wait3A_182 : memref<80x128xf32, #tpu.memory_space<vmem>>) dst(%dma_wait3A_179 : memref<80x128xf32, #tpu.memory_space<hbm>>)
        tpu.yield
      }) : () -> ()
    } else {
    }
    %add3A_135 = arith.constant 80 : i32
    %add3A_136 = arith.addi %arg1, %add3A_135 : i32
    %lt3A_137 = arith.constant 125 : i32
    %lt3A_138 = arith.cmpi slt, %add3A_136, %lt3A_137 : i32
    %convert_element_type3A_139 = arith.extui %lt3A_138 : i1 to i32
    %cond3A_140 = arith.constant 0 : i32
    %cond3A_141 = arith.cmpi ne, %convert_element_type3A_139, %cond3A_140 : i32
    scf.if %cond3A_141 {
      %mul3A_156 = arith.constant 80 : i32
      %mul3A_157 = arith.muli %add3A_136, %mul3A_156 : i32
      "tpu.region"() ({
        %run_scoped3A = tpu.sem_alloc : memref<!tpu.dma_semaphore, #tpu.memory_space<semaphore_mem>>
        %dma_start3A_163 = arith.constant 0 : i32
        %dma_start3A_164 = arith.constant 0 : i32
        %dma_start3A_165 = tpu.memref_slice %arg15[%dma_start3A_163, %dma_start3A_164] : memref<80x128xf32, #tpu.memory_space<vmem>> -> memref<80x128xf32, #tpu.memory_space<vmem>>
        %dma_start3A_166 = arith.constant 0 : i32
        %dma_start3A_167 = tpu.memref_slice %arg19[%mul3A_157, %dma_start3A_166] : memref<10000x128xf32, #tpu.memory_space<vmem_shared>> -> memref<80x128xf32, #tpu.memory_space<vmem_shared>>
        %dma_start3A_168 = arith.constant 0 : i32
        %dma_start3A_169 = arith.constant 0 : i32
        %dma_start3A_170 = tpu.memref_slice %arg15[%dma_start3A_168, %dma_start3A_169] : memref<80x128xf32, #tpu.memory_space<vmem>> -> memref<80x128xf32, #tpu.memory_space<vmem>>
        %dma_start3A_171 = arith.constant 0 : i32
        %dma_start3A_172 = tpu.memref_slice %arg19[%mul3A_157, %dma_start3A_171] : memref<10000x128xf32, #tpu.memory_space<vmem_shared>> -> memref<80x128xf32, #tpu.memory_space<vmem_shared>>
        tpu.enqueue_dma source(%dma_start3A_172 : memref<80x128xf32, #tpu.memory_space<vmem_shared>>) target(%dma_start3A_170 : memref<80x128xf32, #tpu.memory_space<vmem>>) target_semaphore(%run_scoped3A : memref<!tpu.dma_semaphore, #tpu.memory_space<semaphore_mem>>)
        %dma_wait3A_173 = arith.constant 0 : i32
        %dma_wait3A_174 = arith.constant 0 : i32
        %dma_wait3A_175 = tpu.memref_slice %arg15[%dma_wait3A_173, %dma_wait3A_174] : memref<80x128xf32, #tpu.memory_space<vmem>> -> memref<80x128xf32, #tpu.memory_space<vmem>>
        %dma_wait3A_176 = arith.constant 0 : i32
        %dma_wait3A_177 = tpu.memref_slice %arg19[%mul3A_157, %dma_wait3A_176] : memref<10000x128xf32, #tpu.memory_space<vmem_shared>> -> memref<80x128xf32, #tpu.memory_space<vmem_shared>>
        %dma_wait3A_178 = arith.constant 0 : i32
        %dma_wait3A_179 = arith.constant 0 : i32
        %dma_wait3A_180 = tpu.memref_slice %arg15[%dma_wait3A_178, %dma_wait3A_179] : memref<80x128xf32, #tpu.memory_space<vmem>> -> memref<80x128xf32, #tpu.memory_space<vmem>>
        %dma_wait3A_181 = arith.constant 0 : i32
        %dma_wait3A_182 = tpu.memref_slice %arg19[%mul3A_157, %dma_wait3A_181] : memref<10000x128xf32, #tpu.memory_space<vmem_shared>> -> memref<80x128xf32, #tpu.memory_space<vmem_shared>>
        tpu.wait_dma2 semaphore(%run_scoped3A : memref<!tpu.dma_semaphore, #tpu.memory_space<semaphore_mem>>) src(%dma_wait3A_182 : memref<80x128xf32, #tpu.memory_space<vmem_shared>>) dst(%dma_wait3A_180 : memref<80x128xf32, #tpu.memory_space<vmem>>)
        tpu.yield
      }) : () -> ()
      %mul3A_158 = arith.constant 10000 : i32
      %mul3A_159 = arith.muli %arg0, %mul3A_158 : i32
      %mul3A_160 = arith.constant 80 : i32
      %mul3A_161 = arith.muli %add3A_136, %mul3A_160 : i32
      %add3A_162 = arith.addi %mul3A_159, %mul3A_161 : i32
      "tpu.region"() ({
        %run_scoped3A = tpu.sem_alloc : memref<!tpu.dma_semaphore, #tpu.memory_space<semaphore_mem>>
        %dma_start3A_163 = arith.constant 0 : i32
        %dma_start3A_164 = arith.constant 0 : i32
        %dma_start3A_165 = tpu.memref_slice %arg15[%dma_start3A_163, %dma_start3A_164] : memref<80x128xf32, #tpu.memory_space<vmem>> -> memref<80x128xf32, #tpu.memory_space<vmem>>
        %dma_start3A_166 = arith.constant 0 : i32
        %dma_start3A_167 = tpu.memref_slice %arg6[%add3A_162, %dma_start3A_166] : memref<20000x128xf32, #tpu.memory_space<hbm>> -> memref<80x128xf32, #tpu.memory_space<hbm>>
        %dma_start3A_168 = arith.constant 0 : i32
        %dma_start3A_169 = tpu.memref_slice %arg6[%add3A_162, %dma_start3A_168] : memref<20000x128xf32, #tpu.memory_space<hbm>> -> memref<80x128xf32, #tpu.memory_space<hbm>>
        %dma_start3A_170 = arith.constant 0 : i32
        %dma_start3A_171 = arith.constant 0 : i32
        %dma_start3A_172 = tpu.memref_slice %arg15[%dma_start3A_170, %dma_start3A_171] : memref<80x128xf32, #tpu.memory_space<vmem>> -> memref<80x128xf32, #tpu.memory_space<vmem>>
        tpu.enqueue_dma source(%dma_start3A_172 : memref<80x128xf32, #tpu.memory_space<vmem>>) target(%dma_start3A_169 : memref<80x128xf32, #tpu.memory_space<hbm>>) target_semaphore(%run_scoped3A : memref<!tpu.dma_semaphore, #tpu.memory_space<semaphore_mem>>)
        %dma_wait3A_173 = arith.constant 0 : i32
        %dma_wait3A_174 = arith.constant 0 : i32
        %dma_wait3A_175 = tpu.memref_slice %arg15[%dma_wait3A_173, %dma_wait3A_174] : memref<80x128xf32, #tpu.memory_space<vmem>> -> memref<80x128xf32, #tpu.memory_space<vmem>>
        %dma_wait3A_176 = arith.constant 0 : i32
        %dma_wait3A_177 = tpu.memref_slice %arg6[%add3A_162, %dma_wait3A_176] : memref<20000x128xf32, #tpu.memory_space<hbm>> -> memref<80x128xf32, #tpu.memory_space<hbm>>
        %dma_wait3A_178 = arith.constant 0 : i32
        %dma_wait3A_179 = tpu.memref_slice %arg6[%add3A_162, %dma_wait3A_178] : memref<20000x128xf32, #tpu.memory_space<hbm>> -> memref<80x128xf32, #tpu.memory_space<hbm>>
        %dma_wait3A_180 = arith.constant 0 : i32
        %dma_wait3A_181 = arith.constant 0 : i32
        %dma_wait3A_182 = tpu.memref_slice %arg15[%dma_wait3A_180, %dma_wait3A_181] : memref<80x128xf32, #tpu.memory_space<vmem>> -> memref<80x128xf32, #tpu.memory_space<vmem>>
        tpu.wait_dma2 semaphore(%run_scoped3A : memref<!tpu.dma_semaphore, #tpu.memory_space<semaphore_mem>>) src(%dma_wait3A_182 : memref<80x128xf32, #tpu.memory_space<vmem>>) dst(%dma_wait3A_179 : memref<80x128xf32, #tpu.memory_space<hbm>>)
        tpu.yield
      }) : () -> ()
    } else {
    }
    %add3A_142 = arith.constant 96 : i32
    %add3A_143 = arith.addi %arg1, %add3A_142 : i32
    %lt3A_144 = arith.constant 125 : i32
    %lt3A_145 = arith.cmpi slt, %add3A_143, %lt3A_144 : i32
    %convert_element_type3A_146 = arith.extui %lt3A_145 : i1 to i32
    %cond3A_147 = arith.constant 0 : i32
    %cond3A_148 = arith.cmpi ne, %convert_element_type3A_146, %cond3A_147 : i32
    scf.if %cond3A_148 {
      %mul3A_156 = arith.constant 80 : i32
      %mul3A_157 = arith.muli %add3A_143, %mul3A_156 : i32
      "tpu.region"() ({
        %run_scoped3A = tpu.sem_alloc : memref<!tpu.dma_semaphore, #tpu.memory_space<semaphore_mem>>
        %dma_start3A_163 = arith.constant 0 : i32
        %dma_start3A_164 = arith.constant 0 : i32
        %dma_start3A_165 = tpu.memref_slice %arg15[%dma_start3A_163, %dma_start3A_164] : memref<80x128xf32, #tpu.memory_space<vmem>> -> memref<80x128xf32, #tpu.memory_space<vmem>>
        %dma_start3A_166 = arith.constant 0 : i32
        %dma_start3A_167 = tpu.memref_slice %arg19[%mul3A_157, %dma_start3A_166] : memref<10000x128xf32, #tpu.memory_space<vmem_shared>> -> memref<80x128xf32, #tpu.memory_space<vmem_shared>>
        %dma_start3A_168 = arith.constant 0 : i32
        %dma_start3A_169 = arith.constant 0 : i32
        %dma_start3A_170 = tpu.memref_slice %arg15[%dma_start3A_168, %dma_start3A_169] : memref<80x128xf32, #tpu.memory_space<vmem>> -> memref<80x128xf32, #tpu.memory_space<vmem>>
        %dma_start3A_171 = arith.constant 0 : i32
        %dma_start3A_172 = tpu.memref_slice %arg19[%mul3A_157, %dma_start3A_171] : memref<10000x128xf32, #tpu.memory_space<vmem_shared>> -> memref<80x128xf32, #tpu.memory_space<vmem_shared>>
        tpu.enqueue_dma source(%dma_start3A_172 : memref<80x128xf32, #tpu.memory_space<vmem_shared>>) target(%dma_start3A_170 : memref<80x128xf32, #tpu.memory_space<vmem>>) target_semaphore(%run_scoped3A : memref<!tpu.dma_semaphore, #tpu.memory_space<semaphore_mem>>)
        %dma_wait3A_173 = arith.constant 0 : i32
        %dma_wait3A_174 = arith.constant 0 : i32
        %dma_wait3A_175 = tpu.memref_slice %arg15[%dma_wait3A_173, %dma_wait3A_174] : memref<80x128xf32, #tpu.memory_space<vmem>> -> memref<80x128xf32, #tpu.memory_space<vmem>>
        %dma_wait3A_176 = arith.constant 0 : i32
        %dma_wait3A_177 = tpu.memref_slice %arg19[%mul3A_157, %dma_wait3A_176] : memref<10000x128xf32, #tpu.memory_space<vmem_shared>> -> memref<80x128xf32, #tpu.memory_space<vmem_shared>>
        %dma_wait3A_178 = arith.constant 0 : i32
        %dma_wait3A_179 = arith.constant 0 : i32
        %dma_wait3A_180 = tpu.memref_slice %arg15[%dma_wait3A_178, %dma_wait3A_179] : memref<80x128xf32, #tpu.memory_space<vmem>> -> memref<80x128xf32, #tpu.memory_space<vmem>>
        %dma_wait3A_181 = arith.constant 0 : i32
        %dma_wait3A_182 = tpu.memref_slice %arg19[%mul3A_157, %dma_wait3A_181] : memref<10000x128xf32, #tpu.memory_space<vmem_shared>> -> memref<80x128xf32, #tpu.memory_space<vmem_shared>>
        tpu.wait_dma2 semaphore(%run_scoped3A : memref<!tpu.dma_semaphore, #tpu.memory_space<semaphore_mem>>) src(%dma_wait3A_182 : memref<80x128xf32, #tpu.memory_space<vmem_shared>>) dst(%dma_wait3A_180 : memref<80x128xf32, #tpu.memory_space<vmem>>)
        tpu.yield
      }) : () -> ()
      %mul3A_158 = arith.constant 10000 : i32
      %mul3A_159 = arith.muli %arg0, %mul3A_158 : i32
      %mul3A_160 = arith.constant 80 : i32
      %mul3A_161 = arith.muli %add3A_143, %mul3A_160 : i32
      %add3A_162 = arith.addi %mul3A_159, %mul3A_161 : i32
      "tpu.region"() ({
        %run_scoped3A = tpu.sem_alloc : memref<!tpu.dma_semaphore, #tpu.memory_space<semaphore_mem>>
        %dma_start3A_163 = arith.constant 0 : i32
        %dma_start3A_164 = arith.constant 0 : i32
        %dma_start3A_165 = tpu.memref_slice %arg15[%dma_start3A_163, %dma_start3A_164] : memref<80x128xf32, #tpu.memory_space<vmem>> -> memref<80x128xf32, #tpu.memory_space<vmem>>
        %dma_start3A_166 = arith.constant 0 : i32
        %dma_start3A_167 = tpu.memref_slice %arg6[%add3A_162, %dma_start3A_166] : memref<20000x128xf32, #tpu.memory_space<hbm>> -> memref<80x128xf32, #tpu.memory_space<hbm>>
        %dma_start3A_168 = arith.constant 0 : i32
        %dma_start3A_169 = tpu.memref_slice %arg6[%add3A_162, %dma_start3A_168] : memref<20000x128xf32, #tpu.memory_space<hbm>> -> memref<80x128xf32, #tpu.memory_space<hbm>>
        %dma_start3A_170 = arith.constant 0 : i32
        %dma_start3A_171 = arith.constant 0 : i32
        %dma_start3A_172 = tpu.memref_slice %arg15[%dma_start3A_170, %dma_start3A_171] : memref<80x128xf32, #tpu.memory_space<vmem>> -> memref<80x128xf32, #tpu.memory_space<vmem>>
        tpu.enqueue_dma source(%dma_start3A_172 : memref<80x128xf32, #tpu.memory_space<vmem>>) target(%dma_start3A_169 : memref<80x128xf32, #tpu.memory_space<hbm>>) target_semaphore(%run_scoped3A : memref<!tpu.dma_semaphore, #tpu.memory_space<semaphore_mem>>)
        %dma_wait3A_173 = arith.constant 0 : i32
        %dma_wait3A_174 = arith.constant 0 : i32
        %dma_wait3A_175 = tpu.memref_slice %arg15[%dma_wait3A_173, %dma_wait3A_174] : memref<80x128xf32, #tpu.memory_space<vmem>> -> memref<80x128xf32, #tpu.memory_space<vmem>>
        %dma_wait3A_176 = arith.constant 0 : i32
        %dma_wait3A_177 = tpu.memref_slice %arg6[%add3A_162, %dma_wait3A_176] : memref<20000x128xf32, #tpu.memory_space<hbm>> -> memref<80x128xf32, #tpu.memory_space<hbm>>
        %dma_wait3A_178 = arith.constant 0 : i32
        %dma_wait3A_179 = tpu.memref_slice %arg6[%add3A_162, %dma_wait3A_178] : memref<20000x128xf32, #tpu.memory_space<hbm>> -> memref<80x128xf32, #tpu.memory_space<hbm>>
        %dma_wait3A_180 = arith.constant 0 : i32
        %dma_wait3A_181 = arith.constant 0 : i32
        %dma_wait3A_182 = tpu.memref_slice %arg15[%dma_wait3A_180, %dma_wait3A_181] : memref<80x128xf32, #tpu.memory_space<vmem>> -> memref<80x128xf32, #tpu.memory_space<vmem>>
        tpu.wait_dma2 semaphore(%run_scoped3A : memref<!tpu.dma_semaphore, #tpu.memory_space<semaphore_mem>>) src(%dma_wait3A_182 : memref<80x128xf32, #tpu.memory_space<vmem>>) dst(%dma_wait3A_179 : memref<80x128xf32, #tpu.memory_space<hbm>>)
        tpu.yield
      }) : () -> ()
    } else {
    }
    %add3A_149 = arith.constant 112 : i32
    %add3A_150 = arith.addi %arg1, %add3A_149 : i32
    %lt3A_151 = arith.constant 125 : i32
    %lt3A_152 = arith.cmpi slt, %add3A_150, %lt3A_151 : i32
    %convert_element_type3A_153 = arith.extui %lt3A_152 : i1 to i32
    %cond3A_154 = arith.constant 0 : i32
    %cond3A_155 = arith.cmpi ne, %convert_element_type3A_153, %cond3A_154 : i32
    scf.if %cond3A_155 {
      %mul3A_156 = arith.constant 80 : i32
      %mul3A_157 = arith.muli %add3A_150, %mul3A_156 : i32
      "tpu.region"() ({
        %run_scoped3A = tpu.sem_alloc : memref<!tpu.dma_semaphore, #tpu.memory_space<semaphore_mem>>
        %dma_start3A_163 = arith.constant 0 : i32
        %dma_start3A_164 = arith.constant 0 : i32
        %dma_start3A_165 = tpu.memref_slice %arg15[%dma_start3A_163, %dma_start3A_164] : memref<80x128xf32, #tpu.memory_space<vmem>> -> memref<80x128xf32, #tpu.memory_space<vmem>>
        %dma_start3A_166 = arith.constant 0 : i32
        %dma_start3A_167 = tpu.memref_slice %arg19[%mul3A_157, %dma_start3A_166] : memref<10000x128xf32, #tpu.memory_space<vmem_shared>> -> memref<80x128xf32, #tpu.memory_space<vmem_shared>>
        %dma_start3A_168 = arith.constant 0 : i32
        %dma_start3A_169 = arith.constant 0 : i32
        %dma_start3A_170 = tpu.memref_slice %arg15[%dma_start3A_168, %dma_start3A_169] : memref<80x128xf32, #tpu.memory_space<vmem>> -> memref<80x128xf32, #tpu.memory_space<vmem>>
        %dma_start3A_171 = arith.constant 0 : i32
        %dma_start3A_172 = tpu.memref_slice %arg19[%mul3A_157, %dma_start3A_171] : memref<10000x128xf32, #tpu.memory_space<vmem_shared>> -> memref<80x128xf32, #tpu.memory_space<vmem_shared>>
        tpu.enqueue_dma source(%dma_start3A_172 : memref<80x128xf32, #tpu.memory_space<vmem_shared>>) target(%dma_start3A_170 : memref<80x128xf32, #tpu.memory_space<vmem>>) target_semaphore(%run_scoped3A : memref<!tpu.dma_semaphore, #tpu.memory_space<semaphore_mem>>)
        %dma_wait3A_173 = arith.constant 0 : i32
        %dma_wait3A_174 = arith.constant 0 : i32
        %dma_wait3A_175 = tpu.memref_slice %arg15[%dma_wait3A_173, %dma_wait3A_174] : memref<80x128xf32, #tpu.memory_space<vmem>> -> memref<80x128xf32, #tpu.memory_space<vmem>>
        %dma_wait3A_176 = arith.constant 0 : i32
        %dma_wait3A_177 = tpu.memref_slice %arg19[%mul3A_157, %dma_wait3A_176] : memref<10000x128xf32, #tpu.memory_space<vmem_shared>> -> memref<80x128xf32, #tpu.memory_space<vmem_shared>>
        %dma_wait3A_178 = arith.constant 0 : i32
        %dma_wait3A_179 = arith.constant 0 : i32
        %dma_wait3A_180 = tpu.memref_slice %arg15[%dma_wait3A_178, %dma_wait3A_179] : memref<80x128xf32, #tpu.memory_space<vmem>> -> memref<80x128xf32, #tpu.memory_space<vmem>>
        %dma_wait3A_181 = arith.constant 0 : i32
        %dma_wait3A_182 = tpu.memref_slice %arg19[%mul3A_157, %dma_wait3A_181] : memref<10000x128xf32, #tpu.memory_space<vmem_shared>> -> memref<80x128xf32, #tpu.memory_space<vmem_shared>>
        tpu.wait_dma2 semaphore(%run_scoped3A : memref<!tpu.dma_semaphore, #tpu.memory_space<semaphore_mem>>) src(%dma_wait3A_182 : memref<80x128xf32, #tpu.memory_space<vmem_shared>>) dst(%dma_wait3A_180 : memref<80x128xf32, #tpu.memory_space<vmem>>)
        tpu.yield
      }) : () -> ()
      %mul3A_158 = arith.constant 10000 : i32
      %mul3A_159 = arith.muli %arg0, %mul3A_158 : i32
      %mul3A_160 = arith.constant 80 : i32
      %mul3A_161 = arith.muli %add3A_150, %mul3A_160 : i32
      %add3A_162 = arith.addi %mul3A_159, %mul3A_161 : i32
      "tpu.region"() ({
        %run_scoped3A = tpu.sem_alloc : memref<!tpu.dma_semaphore, #tpu.memory_space<semaphore_mem>>
        %dma_start3A_163 = arith.constant 0 : i32
        %dma_start3A_164 = arith.constant 0 : i32
        %dma_start3A_165 = tpu.memref_slice %arg15[%dma_start3A_163, %dma_start3A_164] : memref<80x128xf32, #tpu.memory_space<vmem>> -> memref<80x128xf32, #tpu.memory_space<vmem>>
        %dma_start3A_166 = arith.constant 0 : i32
        %dma_start3A_167 = tpu.memref_slice %arg6[%add3A_162, %dma_start3A_166] : memref<20000x128xf32, #tpu.memory_space<hbm>> -> memref<80x128xf32, #tpu.memory_space<hbm>>
        %dma_start3A_168 = arith.constant 0 : i32
        %dma_start3A_169 = tpu.memref_slice %arg6[%add3A_162, %dma_start3A_168] : memref<20000x128xf32, #tpu.memory_space<hbm>> -> memref<80x128xf32, #tpu.memory_space<hbm>>
        %dma_start3A_170 = arith.constant 0 : i32
        %dma_start3A_171 = arith.constant 0 : i32
        %dma_start3A_172 = tpu.memref_slice %arg15[%dma_start3A_170, %dma_start3A_171] : memref<80x128xf32, #tpu.memory_space<vmem>> -> memref<80x128xf32, #tpu.memory_space<vmem>>
        tpu.enqueue_dma source(%dma_start3A_172 : memref<80x128xf32, #tpu.memory_space<vmem>>) target(%dma_start3A_169 : memref<80x128xf32, #tpu.memory_space<hbm>>) target_semaphore(%run_scoped3A : memref<!tpu.dma_semaphore, #tpu.memory_space<semaphore_mem>>)
        %dma_wait3A_173 = arith.constant 0 : i32
        %dma_wait3A_174 = arith.constant 0 : i32
        %dma_wait3A_175 = tpu.memref_slice %arg15[%dma_wait3A_173, %dma_wait3A_174] : memref<80x128xf32, #tpu.memory_space<vmem>> -> memref<80x128xf32, #tpu.memory_space<vmem>>
        %dma_wait3A_176 = arith.constant 0 : i32
        %dma_wait3A_177 = tpu.memref_slice %arg6[%add3A_162, %dma_wait3A_176] : memref<20000x128xf32, #tpu.memory_space<hbm>> -> memref<80x128xf32, #tpu.memory_space<hbm>>
        %dma_wait3A_178 = arith.constant 0 : i32
        %dma_wait3A_179 = tpu.memref_slice %arg6[%add3A_162, %dma_wait3A_178] : memref<20000x128xf32, #tpu.memory_space<hbm>> -> memref<80x128xf32, #tpu.memory_space<hbm>>
        %dma_wait3A_180 = arith.constant 0 : i32
        %dma_wait3A_181 = arith.constant 0 : i32
        %dma_wait3A_182 = tpu.memref_slice %arg15[%dma_wait3A_180, %dma_wait3A_181] : memref<80x128xf32, #tpu.memory_space<vmem>> -> memref<80x128xf32, #tpu.memory_space<vmem>>
        tpu.wait_dma2 semaphore(%run_scoped3A : memref<!tpu.dma_semaphore, #tpu.memory_space<semaphore_mem>>) src(%dma_wait3A_182 : memref<80x128xf32, #tpu.memory_space<vmem>>) dst(%dma_wait3A_179 : memref<80x128xf32, #tpu.memory_space<hbm>>)
        tpu.yield
      }) : () -> ()
    } else {
    }
    return
  }
}

#map = affine_map<(d0, d1) -> (0)>
#map1 = affine_map<(d0, d1) -> (0, 0)>
module attributes {stable_mosaic.version = 14 : i64} {
  func.func @_segsum_body(%arg0: i32, %arg1: i32, %arg2: memref<320000xi32, #tpu.memory_space<hbm>>, %arg3: memref<160000xi32, #tpu.memory_space<hbm>>, %arg4: memref<20008x128xf32, #tpu.memory_space<hbm>>, %arg5: memref<80x128xf32, #tpu.memory_space<hbm>>, %arg6: memref<20000x128xf32, #tpu.memory_space<hbm>>, %arg7: memref<80xi32, #tpu.memory_space<vmem>>, %arg8: memref<80xi32, #tpu.memory_space<vmem>>, %arg9: memref<80xi32, #tpu.memory_space<vmem>>, %arg10: memref<80xi32, #tpu.memory_space<vmem>>, %arg11: memref<80xi32, #tpu.memory_space<vmem>>, %arg12: memref<80xi32, #tpu.memory_space<vmem>>, %arg13: memref<80xi32, #tpu.memory_space<vmem>>, %arg14: memref<80xi32, #tpu.memory_space<vmem>>, %arg15: memref<80x128xf32, #tpu.memory_space<vmem>>, %arg16: memref<80x128xf32, #tpu.memory_space<vmem>>, %arg17: memref<80x128xf32, #tpu.memory_space<vmem>>, %arg18: memref<80x128xf32, #tpu.memory_space<vmem>>, %arg19: memref<10000x128xf32, #tpu.memory_space<vmem_shared>>, %arg20: memref<!tpu.dma_semaphore, #tpu.memory_space<semaphore_mem>>, %arg21: memref<!tpu.dma_semaphore, #tpu.memory_space<semaphore_mem>>, %arg22: memref<!tpu.dma_semaphore, #tpu.memory_space<semaphore_mem>>, %arg23: memref<!tpu.dma_semaphore, #tpu.memory_space<semaphore_mem>>, %arg24: memref<!tpu.dma_semaphore, #tpu.memory_space<semaphore_mem>>, %arg25: memref<!tpu.dma_semaphore, #tpu.memory_space<semaphore_mem>>, %arg26: memref<!tpu.dma_semaphore, #tpu.memory_space<semaphore_mem>>, %arg27: memref<!tpu.dma_semaphore, #tpu.memory_space<semaphore_mem>>, %arg28: memref<!tpu.dma_semaphore, #tpu.memory_space<semaphore_mem>>, %arg29: memref<!tpu.dma_semaphore, #tpu.memory_space<semaphore_mem>>, %arg30: memref<!tpu.dma_semaphore, #tpu.memory_space<semaphore_mem>>, %arg31: memref<!tpu.dma_semaphore, #tpu.memory_space<semaphore_mem>>, %arg32: memref<!tpu.dma_semaphore, #tpu.memory_space<semaphore_mem>>, %arg33: memref<!tpu.dma_semaphore, #tpu.memory_space<semaphore_mem>>, %arg34: memref<!tpu.dma_semaphore, #tpu.memory_space<semaphore_mem>>, %arg35: memref<!tpu.dma_semaphore, #tpu.memory_space<semaphore_mem>>) attributes {dimension_semantics = [#tpu.dimension_semantics<core_parallel>, #tpu.dimension_semantics<subcore_parallel>], iteration_bounds = array<i64: 2, 16>, scalar_prefetch = 0 : i64, scratch_operands = 29 : i64, tpu.core_type = #tpu.core_type<sc_vector_subcore>, window_params = [{transform_indices = #map}, {transform_indices = #map}, {transform_indices = #map1}, {transform_indices = #map1}, {transform_indices = #map1}]} {
    "tpu.region"() ({
      %run_scoped3A = tpu.sem_alloc : memref<!tpu.dma_semaphore, #tpu.memory_space<semaphore_mem>>
      %dma_start3A_156 = arith.constant 0 : i32
      %dma_start3A_157 = arith.constant 0 : i32
      %dma_start3A_158 = tpu.memref_slice %arg15[%dma_start3A_156, %dma_start3A_157] : memref<80x128xf32, #tpu.memory_space<vmem>> -> memref<80x128xf32, #tpu.memory_space<vmem>>
      %dma_start3A_159 = arith.constant 0 : i32
      %dma_start3A_160 = arith.constant 0 : i32
      %dma_start3A_161 = tpu.memref_slice %arg15[%dma_start3A_159, %dma_start3A_160] : memref<80x128xf32, #tpu.memory_space<vmem>> -> memref<80x128xf32, #tpu.memory_space<vmem>>
      tpu.enqueue_dma source(%arg5 : memref<80x128xf32, #tpu.memory_space<hbm>>) target(%dma_start3A_161 : memref<80x128xf32, #tpu.memory_space<vmem>>) target_semaphore(%run_scoped3A : memref<!tpu.dma_semaphore, #tpu.memory_space<semaphore_mem>>)
      %dma_wait3A_162 = arith.constant 0 : i32
      %dma_wait3A_163 = arith.constant 0 : i32
      %dma_wait3A_164 = tpu.memref_slice %arg15[%dma_wait3A_162, %dma_wait3A_163] : memref<80x128xf32, #tpu.memory_space<vmem>> -> memref<80x128xf32, #tpu.memory_space<vmem>>
      %dma_wait3A_165 = arith.constant 0 : i32
      %dma_wait3A_166 = arith.constant 0 : i32
      %dma_wait3A_167 = tpu.memref_slice %arg15[%dma_wait3A_165, %dma_wait3A_166] : memref<80x128xf32, #tpu.memory_space<vmem>> -> memref<80x128xf32, #tpu.memory_space<vmem>>
      tpu.wait_dma2 semaphore(%run_scoped3A : memref<!tpu.dma_semaphore, #tpu.memory_space<semaphore_mem>>) src(%arg5 : memref<80x128xf32, #tpu.memory_space<hbm>>) dst(%dma_wait3A_167 : memref<80x128xf32, #tpu.memory_space<vmem>>)
      tpu.yield
    }) : () -> ()
    %add3A = arith.constant 0 : i32
    %add3A_0 = arith.addi %arg1, %add3A : i32
    %lt3A = arith.constant 125 : i32
    %lt3A_1 = arith.cmpi slt, %add3A_0, %lt3A : i32
    %convert_element_type3A = arith.extui %lt3A_1 : i1 to i32
    %cond3A = arith.constant 0 : i32
    %cond3A_2 = arith.cmpi ne, %convert_element_type3A, %cond3A : i32
    scf.if %cond3A_2 {
      %mul3A_156 = arith.constant 80 : i32
      %mul3A_157 = arith.muli %add3A_0, %mul3A_156 : i32
      "tpu.region"() ({
        %run_scoped3A = tpu.sem_alloc : memref<!tpu.dma_semaphore, #tpu.memory_space<semaphore_mem>>
        %dma_start3A_158 = arith.constant 0 : i32
        %dma_start3A_159 = arith.constant 0 : i32
        %dma_start3A_160 = tpu.memref_slice %arg15[%dma_start3A_158, %dma_start3A_159] : memref<80x128xf32, #tpu.memory_space<vmem>> -> memref<80x128xf32, #tpu.memory_space<vmem>>
        %dma_start3A_161 = arith.constant 0 : i32
        %dma_start3A_162 = tpu.memref_slice %arg19[%mul3A_157, %dma_start3A_161] : memref<10000x128xf32, #tpu.memory_space<vmem_shared>> -> memref<80x128xf32, #tpu.memory_space<vmem_shared>>
        %dma_start3A_163 = arith.constant 0 : i32
        %dma_start3A_164 = tpu.memref_slice %arg19[%mul3A_157, %dma_start3A_163] : memref<10000x128xf32, #tpu.memory_space<vmem_shared>> -> memref<80x128xf32, #tpu.memory_space<vmem_shared>>
        %dma_start3A_165 = arith.constant 0 : i32
        %dma_start3A_166 = arith.constant 0 : i32
        %dma_start3A_167 = tpu.memref_slice %arg15[%dma_start3A_165, %dma_start3A_166] : memref<80x128xf32, #tpu.memory_space<vmem>> -> memref<80x128xf32, #tpu.memory_space<vmem>>
        tpu.enqueue_dma source(%dma_start3A_167 : memref<80x128xf32, #tpu.memory_space<vmem>>) target(%dma_start3A_164 : memref<80x128xf32, #tpu.memory_space<vmem_shared>>) target_semaphore(%run_scoped3A : memref<!tpu.dma_semaphore, #tpu.memory_space<semaphore_mem>>)
        %dma_wait3A_168 = arith.constant 0 : i32
        %dma_wait3A_169 = arith.constant 0 : i32
        %dma_wait3A_170 = tpu.memref_slice %arg15[%dma_wait3A_168, %dma_wait3A_169] : memref<80x128xf32, #tpu.memory_space<vmem>> -> memref<80x128xf32, #tpu.memory_space<vmem>>
        %dma_wait3A_171 = arith.constant 0 : i32
        %dma_wait3A_172 = tpu.memref_slice %arg19[%mul3A_157, %dma_wait3A_171] : memref<10000x128xf32, #tpu.memory_space<vmem_shared>> -> memref<80x128xf32, #tpu.memory_space<vmem_shared>>
        %dma_wait3A_173 = arith.constant 0 : i32
        %dma_wait3A_174 = tpu.memref_slice %arg19[%mul3A_157, %dma_wait3A_173] : memref<10000x128xf32, #tpu.memory_space<vmem_shared>> -> memref<80x128xf32, #tpu.memory_space<vmem_shared>>
        %dma_wait3A_175 = arith.constant 0 : i32
        %dma_wait3A_176 = arith.constant 0 : i32
        %dma_wait3A_177 = tpu.memref_slice %arg15[%dma_wait3A_175, %dma_wait3A_176] : memref<80x128xf32, #tpu.memory_space<vmem>> -> memref<80x128xf32, #tpu.memory_space<vmem>>
        tpu.wait_dma2 semaphore(%run_scoped3A : memref<!tpu.dma_semaphore, #tpu.memory_space<semaphore_mem>>) src(%dma_wait3A_177 : memref<80x128xf32, #tpu.memory_space<vmem>>) dst(%dma_wait3A_174 : memref<80x128xf32, #tpu.memory_space<vmem_shared>>)
        tpu.yield
      }) : () -> ()
    } else {
    }
    %add3A_3 = arith.constant 16 : i32
    %add3A_4 = arith.addi %arg1, %add3A_3 : i32
    %lt3A_5 = arith.constant 125 : i32
    %lt3A_6 = arith.cmpi slt, %add3A_4, %lt3A_5 : i32
    %convert_element_type3A_7 = arith.extui %lt3A_6 : i1 to i32
    %cond3A_8 = arith.constant 0 : i32
    %cond3A_9 = arith.cmpi ne, %convert_element_type3A_7, %cond3A_8 : i32
    scf.if %cond3A_9 {
      %mul3A_156 = arith.constant 80 : i32
      %mul3A_157 = arith.muli %add3A_4, %mul3A_156 : i32
      "tpu.region"() ({
        %run_scoped3A = tpu.sem_alloc : memref<!tpu.dma_semaphore, #tpu.memory_space<semaphore_mem>>
        %dma_start3A_158 = arith.constant 0 : i32
        %dma_start3A_159 = arith.constant 0 : i32
        %dma_start3A_160 = tpu.memref_slice %arg15[%dma_start3A_158, %dma_start3A_159] : memref<80x128xf32, #tpu.memory_space<vmem>> -> memref<80x128xf32, #tpu.memory_space<vmem>>
        %dma_start3A_161 = arith.constant 0 : i32
        %dma_start3A_162 = tpu.memref_slice %arg19[%mul3A_157, %dma_start3A_161] : memref<10000x128xf32, #tpu.memory_space<vmem_shared>> -> memref<80x128xf32, #tpu.memory_space<vmem_shared>>
        %dma_start3A_163 = arith.constant 0 : i32
        %dma_start3A_164 = tpu.memref_slice %arg19[%mul3A_157, %dma_start3A_163] : memref<10000x128xf32, #tpu.memory_space<vmem_shared>> -> memref<80x128xf32, #tpu.memory_space<vmem_shared>>
        %dma_start3A_165 = arith.constant 0 : i32
        %dma_start3A_166 = arith.constant 0 : i32
        %dma_start3A_167 = tpu.memref_slice %arg15[%dma_start3A_165, %dma_start3A_166] : memref<80x128xf32, #tpu.memory_space<vmem>> -> memref<80x128xf32, #tpu.memory_space<vmem>>
        tpu.enqueue_dma source(%dma_start3A_167 : memref<80x128xf32, #tpu.memory_space<vmem>>) target(%dma_start3A_164 : memref<80x128xf32, #tpu.memory_space<vmem_shared>>) target_semaphore(%run_scoped3A : memref<!tpu.dma_semaphore, #tpu.memory_space<semaphore_mem>>)
        %dma_wait3A_168 = arith.constant 0 : i32
        %dma_wait3A_169 = arith.constant 0 : i32
        %dma_wait3A_170 = tpu.memref_slice %arg15[%dma_wait3A_168, %dma_wait3A_169] : memref<80x128xf32, #tpu.memory_space<vmem>> -> memref<80x128xf32, #tpu.memory_space<vmem>>
        %dma_wait3A_171 = arith.constant 0 : i32
        %dma_wait3A_172 = tpu.memref_slice %arg19[%mul3A_157, %dma_wait3A_171] : memref<10000x128xf32, #tpu.memory_space<vmem_shared>> -> memref<80x128xf32, #tpu.memory_space<vmem_shared>>
        %dma_wait3A_173 = arith.constant 0 : i32
        %dma_wait3A_174 = tpu.memref_slice %arg19[%mul3A_157, %dma_wait3A_173] : memref<10000x128xf32, #tpu.memory_space<vmem_shared>> -> memref<80x128xf32, #tpu.memory_space<vmem_shared>>
        %dma_wait3A_175 = arith.constant 0 : i32
        %dma_wait3A_176 = arith.constant 0 : i32
        %dma_wait3A_177 = tpu.memref_slice %arg15[%dma_wait3A_175, %dma_wait3A_176] : memref<80x128xf32, #tpu.memory_space<vmem>> -> memref<80x128xf32, #tpu.memory_space<vmem>>
        tpu.wait_dma2 semaphore(%run_scoped3A : memref<!tpu.dma_semaphore, #tpu.memory_space<semaphore_mem>>) src(%dma_wait3A_177 : memref<80x128xf32, #tpu.memory_space<vmem>>) dst(%dma_wait3A_174 : memref<80x128xf32, #tpu.memory_space<vmem_shared>>)
        tpu.yield
      }) : () -> ()
    } else {
    }
    %add3A_10 = arith.constant 32 : i32
    %add3A_11 = arith.addi %arg1, %add3A_10 : i32
    %lt3A_12 = arith.constant 125 : i32
    %lt3A_13 = arith.cmpi slt, %add3A_11, %lt3A_12 : i32
    %convert_element_type3A_14 = arith.extui %lt3A_13 : i1 to i32
    %cond3A_15 = arith.constant 0 : i32
    %cond3A_16 = arith.cmpi ne, %convert_element_type3A_14, %cond3A_15 : i32
    scf.if %cond3A_16 {
      %mul3A_156 = arith.constant 80 : i32
      %mul3A_157 = arith.muli %add3A_11, %mul3A_156 : i32
      "tpu.region"() ({
        %run_scoped3A = tpu.sem_alloc : memref<!tpu.dma_semaphore, #tpu.memory_space<semaphore_mem>>
        %dma_start3A_158 = arith.constant 0 : i32
        %dma_start3A_159 = arith.constant 0 : i32
        %dma_start3A_160 = tpu.memref_slice %arg15[%dma_start3A_158, %dma_start3A_159] : memref<80x128xf32, #tpu.memory_space<vmem>> -> memref<80x128xf32, #tpu.memory_space<vmem>>
        %dma_start3A_161 = arith.constant 0 : i32
        %dma_start3A_162 = tpu.memref_slice %arg19[%mul3A_157, %dma_start3A_161] : memref<10000x128xf32, #tpu.memory_space<vmem_shared>> -> memref<80x128xf32, #tpu.memory_space<vmem_shared>>
        %dma_start3A_163 = arith.constant 0 : i32
        %dma_start3A_164 = tpu.memref_slice %arg19[%mul3A_157, %dma_start3A_163] : memref<10000x128xf32, #tpu.memory_space<vmem_shared>> -> memref<80x128xf32, #tpu.memory_space<vmem_shared>>
        %dma_start3A_165 = arith.constant 0 : i32
        %dma_start3A_166 = arith.constant 0 : i32
        %dma_start3A_167 = tpu.memref_slice %arg15[%dma_start3A_165, %dma_start3A_166] : memref<80x128xf32, #tpu.memory_space<vmem>> -> memref<80x128xf32, #tpu.memory_space<vmem>>
        tpu.enqueue_dma source(%dma_start3A_167 : memref<80x128xf32, #tpu.memory_space<vmem>>) target(%dma_start3A_164 : memref<80x128xf32, #tpu.memory_space<vmem_shared>>) target_semaphore(%run_scoped3A : memref<!tpu.dma_semaphore, #tpu.memory_space<semaphore_mem>>)
        %dma_wait3A_168 = arith.constant 0 : i32
        %dma_wait3A_169 = arith.constant 0 : i32
        %dma_wait3A_170 = tpu.memref_slice %arg15[%dma_wait3A_168, %dma_wait3A_169] : memref<80x128xf32, #tpu.memory_space<vmem>> -> memref<80x128xf32, #tpu.memory_space<vmem>>
        %dma_wait3A_171 = arith.constant 0 : i32
        %dma_wait3A_172 = tpu.memref_slice %arg19[%mul3A_157, %dma_wait3A_171] : memref<10000x128xf32, #tpu.memory_space<vmem_shared>> -> memref<80x128xf32, #tpu.memory_space<vmem_shared>>
        %dma_wait3A_173 = arith.constant 0 : i32
        %dma_wait3A_174 = tpu.memref_slice %arg19[%mul3A_157, %dma_wait3A_173] : memref<10000x128xf32, #tpu.memory_space<vmem_shared>> -> memref<80x128xf32, #tpu.memory_space<vmem_shared>>
        %dma_wait3A_175 = arith.constant 0 : i32
        %dma_wait3A_176 = arith.constant 0 : i32
        %dma_wait3A_177 = tpu.memref_slice %arg15[%dma_wait3A_175, %dma_wait3A_176] : memref<80x128xf32, #tpu.memory_space<vmem>> -> memref<80x128xf32, #tpu.memory_space<vmem>>
        tpu.wait_dma2 semaphore(%run_scoped3A : memref<!tpu.dma_semaphore, #tpu.memory_space<semaphore_mem>>) src(%dma_wait3A_177 : memref<80x128xf32, #tpu.memory_space<vmem>>) dst(%dma_wait3A_174 : memref<80x128xf32, #tpu.memory_space<vmem_shared>>)
        tpu.yield
      }) : () -> ()
    } else {
    }
    %add3A_17 = arith.constant 48 : i32
    %add3A_18 = arith.addi %arg1, %add3A_17 : i32
    %lt3A_19 = arith.constant 125 : i32
    %lt3A_20 = arith.cmpi slt, %add3A_18, %lt3A_19 : i32
    %convert_element_type3A_21 = arith.extui %lt3A_20 : i1 to i32
    %cond3A_22 = arith.constant 0 : i32
    %cond3A_23 = arith.cmpi ne, %convert_element_type3A_21, %cond3A_22 : i32
    scf.if %cond3A_23 {
      %mul3A_156 = arith.constant 80 : i32
      %mul3A_157 = arith.muli %add3A_18, %mul3A_156 : i32
      "tpu.region"() ({
        %run_scoped3A = tpu.sem_alloc : memref<!tpu.dma_semaphore, #tpu.memory_space<semaphore_mem>>
        %dma_start3A_158 = arith.constant 0 : i32
        %dma_start3A_159 = arith.constant 0 : i32
        %dma_start3A_160 = tpu.memref_slice %arg15[%dma_start3A_158, %dma_start3A_159] : memref<80x128xf32, #tpu.memory_space<vmem>> -> memref<80x128xf32, #tpu.memory_space<vmem>>
        %dma_start3A_161 = arith.constant 0 : i32
        %dma_start3A_162 = tpu.memref_slice %arg19[%mul3A_157, %dma_start3A_161] : memref<10000x128xf32, #tpu.memory_space<vmem_shared>> -> memref<80x128xf32, #tpu.memory_space<vmem_shared>>
        %dma_start3A_163 = arith.constant 0 : i32
        %dma_start3A_164 = tpu.memref_slice %arg19[%mul3A_157, %dma_start3A_163] : memref<10000x128xf32, #tpu.memory_space<vmem_shared>> -> memref<80x128xf32, #tpu.memory_space<vmem_shared>>
        %dma_start3A_165 = arith.constant 0 : i32
        %dma_start3A_166 = arith.constant 0 : i32
        %dma_start3A_167 = tpu.memref_slice %arg15[%dma_start3A_165, %dma_start3A_166] : memref<80x128xf32, #tpu.memory_space<vmem>> -> memref<80x128xf32, #tpu.memory_space<vmem>>
        tpu.enqueue_dma source(%dma_start3A_167 : memref<80x128xf32, #tpu.memory_space<vmem>>) target(%dma_start3A_164 : memref<80x128xf32, #tpu.memory_space<vmem_shared>>) target_semaphore(%run_scoped3A : memref<!tpu.dma_semaphore, #tpu.memory_space<semaphore_mem>>)
        %dma_wait3A_168 = arith.constant 0 : i32
        %dma_wait3A_169 = arith.constant 0 : i32
        %dma_wait3A_170 = tpu.memref_slice %arg15[%dma_wait3A_168, %dma_wait3A_169] : memref<80x128xf32, #tpu.memory_space<vmem>> -> memref<80x128xf32, #tpu.memory_space<vmem>>
        %dma_wait3A_171 = arith.constant 0 : i32
        %dma_wait3A_172 = tpu.memref_slice %arg19[%mul3A_157, %dma_wait3A_171] : memref<10000x128xf32, #tpu.memory_space<vmem_shared>> -> memref<80x128xf32, #tpu.memory_space<vmem_shared>>
        %dma_wait3A_173 = arith.constant 0 : i32
        %dma_wait3A_174 = tpu.memref_slice %arg19[%mul3A_157, %dma_wait3A_173] : memref<10000x128xf32, #tpu.memory_space<vmem_shared>> -> memref<80x128xf32, #tpu.memory_space<vmem_shared>>
        %dma_wait3A_175 = arith.constant 0 : i32
        %dma_wait3A_176 = arith.constant 0 : i32
        %dma_wait3A_177 = tpu.memref_slice %arg15[%dma_wait3A_175, %dma_wait3A_176] : memref<80x128xf32, #tpu.memory_space<vmem>> -> memref<80x128xf32, #tpu.memory_space<vmem>>
        tpu.wait_dma2 semaphore(%run_scoped3A : memref<!tpu.dma_semaphore, #tpu.memory_space<semaphore_mem>>) src(%dma_wait3A_177 : memref<80x128xf32, #tpu.memory_space<vmem>>) dst(%dma_wait3A_174 : memref<80x128xf32, #tpu.memory_space<vmem_shared>>)
        tpu.yield
      }) : () -> ()
    } else {
    }
    %add3A_24 = arith.constant 64 : i32
    %add3A_25 = arith.addi %arg1, %add3A_24 : i32
    %lt3A_26 = arith.constant 125 : i32
    %lt3A_27 = arith.cmpi slt, %add3A_25, %lt3A_26 : i32
    %convert_element_type3A_28 = arith.extui %lt3A_27 : i1 to i32
    %cond3A_29 = arith.constant 0 : i32
    %cond3A_30 = arith.cmpi ne, %convert_element_type3A_28, %cond3A_29 : i32
    scf.if %cond3A_30 {
      %mul3A_156 = arith.constant 80 : i32
      %mul3A_157 = arith.muli %add3A_25, %mul3A_156 : i32
      "tpu.region"() ({
        %run_scoped3A = tpu.sem_alloc : memref<!tpu.dma_semaphore, #tpu.memory_space<semaphore_mem>>
        %dma_start3A_158 = arith.constant 0 : i32
        %dma_start3A_159 = arith.constant 0 : i32
        %dma_start3A_160 = tpu.memref_slice %arg15[%dma_start3A_158, %dma_start3A_159] : memref<80x128xf32, #tpu.memory_space<vmem>> -> memref<80x128xf32, #tpu.memory_space<vmem>>
        %dma_start3A_161 = arith.constant 0 : i32
        %dma_start3A_162 = tpu.memref_slice %arg19[%mul3A_157, %dma_start3A_161] : memref<10000x128xf32, #tpu.memory_space<vmem_shared>> -> memref<80x128xf32, #tpu.memory_space<vmem_shared>>
        %dma_start3A_163 = arith.constant 0 : i32
        %dma_start3A_164 = tpu.memref_slice %arg19[%mul3A_157, %dma_start3A_163] : memref<10000x128xf32, #tpu.memory_space<vmem_shared>> -> memref<80x128xf32, #tpu.memory_space<vmem_shared>>
        %dma_start3A_165 = arith.constant 0 : i32
        %dma_start3A_166 = arith.constant 0 : i32
        %dma_start3A_167 = tpu.memref_slice %arg15[%dma_start3A_165, %dma_start3A_166] : memref<80x128xf32, #tpu.memory_space<vmem>> -> memref<80x128xf32, #tpu.memory_space<vmem>>
        tpu.enqueue_dma source(%dma_start3A_167 : memref<80x128xf32, #tpu.memory_space<vmem>>) target(%dma_start3A_164 : memref<80x128xf32, #tpu.memory_space<vmem_shared>>) target_semaphore(%run_scoped3A : memref<!tpu.dma_semaphore, #tpu.memory_space<semaphore_mem>>)
        %dma_wait3A_168 = arith.constant 0 : i32
        %dma_wait3A_169 = arith.constant 0 : i32
        %dma_wait3A_170 = tpu.memref_slice %arg15[%dma_wait3A_168, %dma_wait3A_169] : memref<80x128xf32, #tpu.memory_space<vmem>> -> memref<80x128xf32, #tpu.memory_space<vmem>>
        %dma_wait3A_171 = arith.constant 0 : i32
        %dma_wait3A_172 = tpu.memref_slice %arg19[%mul3A_157, %dma_wait3A_171] : memref<10000x128xf32, #tpu.memory_space<vmem_shared>> -> memref<80x128xf32, #tpu.memory_space<vmem_shared>>
        %dma_wait3A_173 = arith.constant 0 : i32
        %dma_wait3A_174 = tpu.memref_slice %arg19[%mul3A_157, %dma_wait3A_173] : memref<10000x128xf32, #tpu.memory_space<vmem_shared>> -> memref<80x128xf32, #tpu.memory_space<vmem_shared>>
        %dma_wait3A_175 = arith.constant 0 : i32
        %dma_wait3A_176 = arith.constant 0 : i32
        %dma_wait3A_177 = tpu.memref_slice %arg15[%dma_wait3A_175, %dma_wait3A_176] : memref<80x128xf32, #tpu.memory_space<vmem>> -> memref<80x128xf32, #tpu.memory_space<vmem>>
        tpu.wait_dma2 semaphore(%run_scoped3A : memref<!tpu.dma_semaphore, #tpu.memory_space<semaphore_mem>>) src(%dma_wait3A_177 : memref<80x128xf32, #tpu.memory_space<vmem>>) dst(%dma_wait3A_174 : memref<80x128xf32, #tpu.memory_space<vmem_shared>>)
        tpu.yield
      }) : () -> ()
    } else {
    }
    %add3A_31 = arith.constant 80 : i32
    %add3A_32 = arith.addi %arg1, %add3A_31 : i32
    %lt3A_33 = arith.constant 125 : i32
    %lt3A_34 = arith.cmpi slt, %add3A_32, %lt3A_33 : i32
    %convert_element_type3A_35 = arith.extui %lt3A_34 : i1 to i32
    %cond3A_36 = arith.constant 0 : i32
    %cond3A_37 = arith.cmpi ne, %convert_element_type3A_35, %cond3A_36 : i32
    scf.if %cond3A_37 {
      %mul3A_156 = arith.constant 80 : i32
      %mul3A_157 = arith.muli %add3A_32, %mul3A_156 : i32
      "tpu.region"() ({
        %run_scoped3A = tpu.sem_alloc : memref<!tpu.dma_semaphore, #tpu.memory_space<semaphore_mem>>
        %dma_start3A_158 = arith.constant 0 : i32
        %dma_start3A_159 = arith.constant 0 : i32
        %dma_start3A_160 = tpu.memref_slice %arg15[%dma_start3A_158, %dma_start3A_159] : memref<80x128xf32, #tpu.memory_space<vmem>> -> memref<80x128xf32, #tpu.memory_space<vmem>>
        %dma_start3A_161 = arith.constant 0 : i32
        %dma_start3A_162 = tpu.memref_slice %arg19[%mul3A_157, %dma_start3A_161] : memref<10000x128xf32, #tpu.memory_space<vmem_shared>> -> memref<80x128xf32, #tpu.memory_space<vmem_shared>>
        %dma_start3A_163 = arith.constant 0 : i32
        %dma_start3A_164 = tpu.memref_slice %arg19[%mul3A_157, %dma_start3A_163] : memref<10000x128xf32, #tpu.memory_space<vmem_shared>> -> memref<80x128xf32, #tpu.memory_space<vmem_shared>>
        %dma_start3A_165 = arith.constant 0 : i32
        %dma_start3A_166 = arith.constant 0 : i32
        %dma_start3A_167 = tpu.memref_slice %arg15[%dma_start3A_165, %dma_start3A_166] : memref<80x128xf32, #tpu.memory_space<vmem>> -> memref<80x128xf32, #tpu.memory_space<vmem>>
        tpu.enqueue_dma source(%dma_start3A_167 : memref<80x128xf32, #tpu.memory_space<vmem>>) target(%dma_start3A_164 : memref<80x128xf32, #tpu.memory_space<vmem_shared>>) target_semaphore(%run_scoped3A : memref<!tpu.dma_semaphore, #tpu.memory_space<semaphore_mem>>)
        %dma_wait3A_168 = arith.constant 0 : i32
        %dma_wait3A_169 = arith.constant 0 : i32
        %dma_wait3A_170 = tpu.memref_slice %arg15[%dma_wait3A_168, %dma_wait3A_169] : memref<80x128xf32, #tpu.memory_space<vmem>> -> memref<80x128xf32, #tpu.memory_space<vmem>>
        %dma_wait3A_171 = arith.constant 0 : i32
        %dma_wait3A_172 = tpu.memref_slice %arg19[%mul3A_157, %dma_wait3A_171] : memref<10000x128xf32, #tpu.memory_space<vmem_shared>> -> memref<80x128xf32, #tpu.memory_space<vmem_shared>>
        %dma_wait3A_173 = arith.constant 0 : i32
        %dma_wait3A_174 = tpu.memref_slice %arg19[%mul3A_157, %dma_wait3A_173] : memref<10000x128xf32, #tpu.memory_space<vmem_shared>> -> memref<80x128xf32, #tpu.memory_space<vmem_shared>>
        %dma_wait3A_175 = arith.constant 0 : i32
        %dma_wait3A_176 = arith.constant 0 : i32
        %dma_wait3A_177 = tpu.memref_slice %arg15[%dma_wait3A_175, %dma_wait3A_176] : memref<80x128xf32, #tpu.memory_space<vmem>> -> memref<80x128xf32, #tpu.memory_space<vmem>>
        tpu.wait_dma2 semaphore(%run_scoped3A : memref<!tpu.dma_semaphore, #tpu.memory_space<semaphore_mem>>) src(%dma_wait3A_177 : memref<80x128xf32, #tpu.memory_space<vmem>>) dst(%dma_wait3A_174 : memref<80x128xf32, #tpu.memory_space<vmem_shared>>)
        tpu.yield
      }) : () -> ()
    } else {
    }
    %add3A_38 = arith.constant 96 : i32
    %add3A_39 = arith.addi %arg1, %add3A_38 : i32
    %lt3A_40 = arith.constant 125 : i32
    %lt3A_41 = arith.cmpi slt, %add3A_39, %lt3A_40 : i32
    %convert_element_type3A_42 = arith.extui %lt3A_41 : i1 to i32
    %cond3A_43 = arith.constant 0 : i32
    %cond3A_44 = arith.cmpi ne, %convert_element_type3A_42, %cond3A_43 : i32
    scf.if %cond3A_44 {
      %mul3A_156 = arith.constant 80 : i32
      %mul3A_157 = arith.muli %add3A_39, %mul3A_156 : i32
      "tpu.region"() ({
        %run_scoped3A = tpu.sem_alloc : memref<!tpu.dma_semaphore, #tpu.memory_space<semaphore_mem>>
        %dma_start3A_158 = arith.constant 0 : i32
        %dma_start3A_159 = arith.constant 0 : i32
        %dma_start3A_160 = tpu.memref_slice %arg15[%dma_start3A_158, %dma_start3A_159] : memref<80x128xf32, #tpu.memory_space<vmem>> -> memref<80x128xf32, #tpu.memory_space<vmem>>
        %dma_start3A_161 = arith.constant 0 : i32
        %dma_start3A_162 = tpu.memref_slice %arg19[%mul3A_157, %dma_start3A_161] : memref<10000x128xf32, #tpu.memory_space<vmem_shared>> -> memref<80x128xf32, #tpu.memory_space<vmem_shared>>
        %dma_start3A_163 = arith.constant 0 : i32
        %dma_start3A_164 = tpu.memref_slice %arg19[%mul3A_157, %dma_start3A_163] : memref<10000x128xf32, #tpu.memory_space<vmem_shared>> -> memref<80x128xf32, #tpu.memory_space<vmem_shared>>
        %dma_start3A_165 = arith.constant 0 : i32
        %dma_start3A_166 = arith.constant 0 : i32
        %dma_start3A_167 = tpu.memref_slice %arg15[%dma_start3A_165, %dma_start3A_166] : memref<80x128xf32, #tpu.memory_space<vmem>> -> memref<80x128xf32, #tpu.memory_space<vmem>>
        tpu.enqueue_dma source(%dma_start3A_167 : memref<80x128xf32, #tpu.memory_space<vmem>>) target(%dma_start3A_164 : memref<80x128xf32, #tpu.memory_space<vmem_shared>>) target_semaphore(%run_scoped3A : memref<!tpu.dma_semaphore, #tpu.memory_space<semaphore_mem>>)
        %dma_wait3A_168 = arith.constant 0 : i32
        %dma_wait3A_169 = arith.constant 0 : i32
        %dma_wait3A_170 = tpu.memref_slice %arg15[%dma_wait3A_168, %dma_wait3A_169] : memref<80x128xf32, #tpu.memory_space<vmem>> -> memref<80x128xf32, #tpu.memory_space<vmem>>
        %dma_wait3A_171 = arith.constant 0 : i32
        %dma_wait3A_172 = tpu.memref_slice %arg19[%mul3A_157, %dma_wait3A_171] : memref<10000x128xf32, #tpu.memory_space<vmem_shared>> -> memref<80x128xf32, #tpu.memory_space<vmem_shared>>
        %dma_wait3A_173 = arith.constant 0 : i32
        %dma_wait3A_174 = tpu.memref_slice %arg19[%mul3A_157, %dma_wait3A_173] : memref<10000x128xf32, #tpu.memory_space<vmem_shared>> -> memref<80x128xf32, #tpu.memory_space<vmem_shared>>
        %dma_wait3A_175 = arith.constant 0 : i32
        %dma_wait3A_176 = arith.constant 0 : i32
        %dma_wait3A_177 = tpu.memref_slice %arg15[%dma_wait3A_175, %dma_wait3A_176] : memref<80x128xf32, #tpu.memory_space<vmem>> -> memref<80x128xf32, #tpu.memory_space<vmem>>
        tpu.wait_dma2 semaphore(%run_scoped3A : memref<!tpu.dma_semaphore, #tpu.memory_space<semaphore_mem>>) src(%dma_wait3A_177 : memref<80x128xf32, #tpu.memory_space<vmem>>) dst(%dma_wait3A_174 : memref<80x128xf32, #tpu.memory_space<vmem_shared>>)
        tpu.yield
      }) : () -> ()
    } else {
    }
    %add3A_45 = arith.constant 112 : i32
    %add3A_46 = arith.addi %arg1, %add3A_45 : i32
    %lt3A_47 = arith.constant 125 : i32
    %lt3A_48 = arith.cmpi slt, %add3A_46, %lt3A_47 : i32
    %convert_element_type3A_49 = arith.extui %lt3A_48 : i1 to i32
    %cond3A_50 = arith.constant 0 : i32
    %cond3A_51 = arith.cmpi ne, %convert_element_type3A_49, %cond3A_50 : i32
    scf.if %cond3A_51 {
      %mul3A_156 = arith.constant 80 : i32
      %mul3A_157 = arith.muli %add3A_46, %mul3A_156 : i32
      "tpu.region"() ({
        %run_scoped3A = tpu.sem_alloc : memref<!tpu.dma_semaphore, #tpu.memory_space<semaphore_mem>>
        %dma_start3A_158 = arith.constant 0 : i32
        %dma_start3A_159 = arith.constant 0 : i32
        %dma_start3A_160 = tpu.memref_slice %arg15[%dma_start3A_158, %dma_start3A_159] : memref<80x128xf32, #tpu.memory_space<vmem>> -> memref<80x128xf32, #tpu.memory_space<vmem>>
        %dma_start3A_161 = arith.constant 0 : i32
        %dma_start3A_162 = tpu.memref_slice %arg19[%mul3A_157, %dma_start3A_161] : memref<10000x128xf32, #tpu.memory_space<vmem_shared>> -> memref<80x128xf32, #tpu.memory_space<vmem_shared>>
        %dma_start3A_163 = arith.constant 0 : i32
        %dma_start3A_164 = tpu.memref_slice %arg19[%mul3A_157, %dma_start3A_163] : memref<10000x128xf32, #tpu.memory_space<vmem_shared>> -> memref<80x128xf32, #tpu.memory_space<vmem_shared>>
        %dma_start3A_165 = arith.constant 0 : i32
        %dma_start3A_166 = arith.constant 0 : i32
        %dma_start3A_167 = tpu.memref_slice %arg15[%dma_start3A_165, %dma_start3A_166] : memref<80x128xf32, #tpu.memory_space<vmem>> -> memref<80x128xf32, #tpu.memory_space<vmem>>
        tpu.enqueue_dma source(%dma_start3A_167 : memref<80x128xf32, #tpu.memory_space<vmem>>) target(%dma_start3A_164 : memref<80x128xf32, #tpu.memory_space<vmem_shared>>) target_semaphore(%run_scoped3A : memref<!tpu.dma_semaphore, #tpu.memory_space<semaphore_mem>>)
        %dma_wait3A_168 = arith.constant 0 : i32
        %dma_wait3A_169 = arith.constant 0 : i32
        %dma_wait3A_170 = tpu.memref_slice %arg15[%dma_wait3A_168, %dma_wait3A_169] : memref<80x128xf32, #tpu.memory_space<vmem>> -> memref<80x128xf32, #tpu.memory_space<vmem>>
        %dma_wait3A_171 = arith.constant 0 : i32
        %dma_wait3A_172 = tpu.memref_slice %arg19[%mul3A_157, %dma_wait3A_171] : memref<10000x128xf32, #tpu.memory_space<vmem_shared>> -> memref<80x128xf32, #tpu.memory_space<vmem_shared>>
        %dma_wait3A_173 = arith.constant 0 : i32
        %dma_wait3A_174 = tpu.memref_slice %arg19[%mul3A_157, %dma_wait3A_173] : memref<10000x128xf32, #tpu.memory_space<vmem_shared>> -> memref<80x128xf32, #tpu.memory_space<vmem_shared>>
        %dma_wait3A_175 = arith.constant 0 : i32
        %dma_wait3A_176 = arith.constant 0 : i32
        %dma_wait3A_177 = tpu.memref_slice %arg15[%dma_wait3A_175, %dma_wait3A_176] : memref<80x128xf32, #tpu.memory_space<vmem>> -> memref<80x128xf32, #tpu.memory_space<vmem>>
        tpu.wait_dma2 semaphore(%run_scoped3A : memref<!tpu.dma_semaphore, #tpu.memory_space<semaphore_mem>>) src(%dma_wait3A_177 : memref<80x128xf32, #tpu.memory_space<vmem>>) dst(%dma_wait3A_174 : memref<80x128xf32, #tpu.memory_space<vmem_shared>>)
        tpu.yield
      }) : () -> ()
    } else {
    }
    %barrier3A = arith.constant 0 : index
    tpu.barrier barrier_id(%barrier3A)
    %mul3A = arith.constant 10000 : i32
    %mul3A_52 = arith.muli %arg1, %mul3A : i32
    %add3A_53 = arith.constant 0 : i32
    %add3A_54 = arith.addi %mul3A_52, %add3A_53 : i32
    %multiple_of3A = tpu.assume_multiple %add3A_54, 8 : i32
    %mul3A_55 = arith.constant 160000 : i32
    %mul3A_56 = arith.muli %arg0, %mul3A_55 : i32
    %add3A_57 = arith.addi %mul3A_56, %multiple_of3A : i32
    %dma_start3A = tpu.memref_slice %arg2[%add3A_57] : memref<320000xi32, #tpu.memory_space<hbm>> -> memref<80xi32, #tpu.memory_space<hbm>>
    %dma_start3A_58 = tpu.memref_slice %arg2[%add3A_57] : memref<320000xi32, #tpu.memory_space<hbm>> -> memref<80xi32, #tpu.memory_space<hbm>>
    tpu.enqueue_dma source(%dma_start3A_58 : memref<80xi32, #tpu.memory_space<hbm>>) target(%arg7 : memref<80xi32, #tpu.memory_space<vmem>>) target_semaphore(%arg20 : memref<!tpu.dma_semaphore, #tpu.memory_space<semaphore_mem>>)
    %dma_start3A_59 = tpu.memref_slice %arg3[%multiple_of3A] : memref<160000xi32, #tpu.memory_space<hbm>> -> memref<80xi32, #tpu.memory_space<hbm>>
    %dma_start3A_60 = tpu.memref_slice %arg3[%multiple_of3A] : memref<160000xi32, #tpu.memory_space<hbm>> -> memref<80xi32, #tpu.memory_space<hbm>>
    tpu.enqueue_dma source(%dma_start3A_60 : memref<80xi32, #tpu.memory_space<hbm>>) target(%arg11 : memref<80xi32, #tpu.memory_space<vmem>>) target_semaphore(%arg24 : memref<!tpu.dma_semaphore, #tpu.memory_space<semaphore_mem>>)
    %mul3A_61 = arith.constant 10000 : i32
    %mul3A_62 = arith.muli %arg1, %mul3A_61 : i32
    %add3A_63 = arith.constant 80 : i32
    %add3A_64 = arith.addi %mul3A_62, %add3A_63 : i32
    %multiple_of3A_65 = tpu.assume_multiple %add3A_64, 8 : i32
    %mul3A_66 = arith.constant 160000 : i32
    %mul3A_67 = arith.muli %arg0, %mul3A_66 : i32
    %add3A_68 = arith.addi %mul3A_67, %multiple_of3A_65 : i32
    %dma_start3A_69 = tpu.memref_slice %arg2[%add3A_68] : memref<320000xi32, #tpu.memory_space<hbm>> -> memref<80xi32, #tpu.memory_space<hbm>>
    %dma_start3A_70 = tpu.memref_slice %arg2[%add3A_68] : memref<320000xi32, #tpu.memory_space<hbm>> -> memref<80xi32, #tpu.memory_space<hbm>>
    tpu.enqueue_dma source(%dma_start3A_70 : memref<80xi32, #tpu.memory_space<hbm>>) target(%arg8 : memref<80xi32, #tpu.memory_space<vmem>>) target_semaphore(%arg21 : memref<!tpu.dma_semaphore, #tpu.memory_space<semaphore_mem>>)
    %dma_start3A_71 = tpu.memref_slice %arg3[%multiple_of3A_65] : memref<160000xi32, #tpu.memory_space<hbm>> -> memref<80xi32, #tpu.memory_space<hbm>>
    %dma_start3A_72 = tpu.memref_slice %arg3[%multiple_of3A_65] : memref<160000xi32, #tpu.memory_space<hbm>> -> memref<80xi32, #tpu.memory_space<hbm>>
    tpu.enqueue_dma source(%dma_start3A_72 : memref<80xi32, #tpu.memory_space<hbm>>) target(%arg12 : memref<80xi32, #tpu.memory_space<vmem>>) target_semaphore(%arg25 : memref<!tpu.dma_semaphore, #tpu.memory_space<semaphore_mem>>)
    %dma_wait3A = arith.constant 0 : i32
    %dma_wait3A_73 = tpu.memref_slice %arg2[%dma_wait3A] : memref<320000xi32, #tpu.memory_space<hbm>> -> memref<80xi32, #tpu.memory_space<hbm>>
    %dma_wait3A_74 = arith.constant 0 : i32
    %dma_wait3A_75 = tpu.memref_slice %arg2[%dma_wait3A_74] : memref<320000xi32, #tpu.memory_space<hbm>> -> memref<80xi32, #tpu.memory_space<hbm>>
    tpu.wait_dma2 semaphore(%arg20 : memref<!tpu.dma_semaphore, #tpu.memory_space<semaphore_mem>>) src(%dma_wait3A_75 : memref<80xi32, #tpu.memory_space<hbm>>) dst(%arg7 : memref<80xi32, #tpu.memory_space<vmem>>)
    %dma_wait3A_76 = arith.constant 0 : i32
    %dma_wait3A_77 = tpu.memref_slice %arg3[%dma_wait3A_76] : memref<160000xi32, #tpu.memory_space<hbm>> -> memref<80xi32, #tpu.memory_space<hbm>>
    %dma_wait3A_78 = arith.constant 0 : i32
    %dma_wait3A_79 = tpu.memref_slice %arg3[%dma_wait3A_78] : memref<160000xi32, #tpu.memory_space<hbm>> -> memref<80xi32, #tpu.memory_space<hbm>>
    tpu.wait_dma2 semaphore(%arg24 : memref<!tpu.dma_semaphore, #tpu.memory_space<semaphore_mem>>) src(%dma_wait3A_79 : memref<80xi32, #tpu.memory_space<hbm>>) dst(%arg11 : memref<80xi32, #tpu.memory_space<vmem>>)
    %dma_start3A_80 = arith.constant 0 : i32
    %dma_start3A_81 = arith.constant 0 : i32
    %dma_start3A_82 = tpu.memref_slice %arg4[%dma_start3A_80, %dma_start3A_81] : memref<20008x128xf32, #tpu.memory_space<hbm>> -> memref<20008x128xf32, #tpu.memory_space<hbm>>
    tpu.enqueue_indirect_dma source(%dma_start3A_82 : memref<20008x128xf32, #tpu.memory_space<hbm>>) target(%arg15 : memref<80x128xf32, #tpu.memory_space<vmem>>) offsets(%arg7 : memref<80xi32, #tpu.memory_space<vmem>>) semaphore(%arg28 : memref<!tpu.dma_semaphore, #tpu.memory_space<semaphore_mem>>)
    %scan3A = arith.constant 0 : i32
    %scan3A_83 = arith.constant 32 : i32
    %scan3A_84 = arith.addi %scan3A, %scan3A_83 : i32
    %scan3A_85 = arith.constant 1 : i32
    scf.for %scan3A_156 = %scan3A to %scan3A_84 step %scan3A_85  : i32 {
      %mul3A_157 = arith.constant 4 : i32
      %mul3A_158 = arith.muli %scan3A_156, %mul3A_157 : i32
      %add3A_159 = arith.constant 0 : i32
      %add3A_160 = arith.addi %add3A_159, %mul3A_158 : i32
      %add3A_161 = arith.constant 0 : i32
      %add3A_162 = arith.addi %add3A_160, %add3A_161 : i32
      %lt3A_163 = arith.constant 125 : i32
      %lt3A_164 = arith.cmpi slt, %add3A_162, %lt3A_163 : i32
      %convert_element_type3A_165 = arith.extui %lt3A_164 : i1 to i32
      %cond3A_166 = arith.constant 0 : i32
      %cond3A_167 = arith.cmpi ne, %convert_element_type3A_165, %cond3A_166 : i32
      scf.if %cond3A_167 {
        %add3A_189 = arith.constant 2 : i32
        %add3A_190 = arith.addi %add3A_162, %add3A_189 : i32
        %lt3A_191 = arith.constant 125 : i32
        %lt3A_192 = arith.cmpi slt, %add3A_190, %lt3A_191 : i32
        %convert_element_type3A_193 = arith.extui %lt3A_192 : i1 to i32
        %cond3A_194 = arith.constant 0 : i32
        %cond3A_195 = arith.cmpi ne, %convert_element_type3A_193, %cond3A_194 : i32
        scf.if %cond3A_195 {
          %ge3A = arith.constant 2 : i32
          %ge3A_209 = arith.cmpi sge, %add3A_162, %ge3A : i32
          %convert_element_type3A_210 = arith.extui %ge3A_209 : i1 to i32
          %cond3A_211 = arith.constant 0 : i32
          %cond3A_212 = arith.cmpi ne, %convert_element_type3A_210, %cond3A_211 : i32
          scf.if %cond3A_212 {
            %dma_wait3A_228 = arith.constant 0 : i32
            %dma_wait3A_229 = arith.constant 0 : i32
            %dma_wait3A_230 = tpu.memref_slice %arg19[%dma_wait3A_228, %dma_wait3A_229] : memref<10000x128xf32, #tpu.memory_space<vmem_shared>> -> memref<10000x128xf32, #tpu.memory_space<vmem_shared>>
            tpu.wait_indirect_dma semaphore(%arg34 : memref<!tpu.dma_semaphore, #tpu.memory_space<semaphore_mem>>) src(%arg17 : memref<80x128xf32, #tpu.memory_space<vmem>>) dst(%dma_wait3A_230 : memref<10000x128xf32, #tpu.memory_space<vmem_shared>>)
          } else {
          }
          %add3A_213 = arith.constant 2 : i32
          %add3A_214 = arith.addi %add3A_162, %add3A_213 : i32
          %mul3A_215 = arith.constant 10000 : i32
          %mul3A_216 = arith.muli %arg1, %mul3A_215 : i32
          %mul3A_217 = arith.constant 80 : i32
          %mul3A_218 = arith.muli %add3A_214, %mul3A_217 : i32
          %add3A_219 = arith.addi %mul3A_216, %mul3A_218 : i32
          %multiple_of3A_220 = tpu.assume_multiple %add3A_219, 8 : i32
          %mul3A_221 = arith.constant 160000 : i32
          %mul3A_222 = arith.muli %arg0, %mul3A_221 : i32
          %add3A_223 = arith.addi %mul3A_222, %multiple_of3A_220 : i32
          %dma_start3A_224 = tpu.memref_slice %arg2[%add3A_223] : memref<320000xi32, #tpu.memory_space<hbm>> -> memref<80xi32, #tpu.memory_space<hbm>>
          %dma_start3A_225 = tpu.memref_slice %arg2[%add3A_223] : memref<320000xi32, #tpu.memory_space<hbm>> -> memref<80xi32, #tpu.memory_space<hbm>>
          tpu.enqueue_dma source(%dma_start3A_225 : memref<80xi32, #tpu.memory_space<hbm>>) target(%arg9 : memref<80xi32, #tpu.memory_space<vmem>>) target_semaphore(%arg22 : memref<!tpu.dma_semaphore, #tpu.memory_space<semaphore_mem>>)
          %dma_start3A_226 = tpu.memref_slice %arg3[%multiple_of3A_220] : memref<160000xi32, #tpu.memory_space<hbm>> -> memref<80xi32, #tpu.memory_space<hbm>>
          %dma_start3A_227 = tpu.memref_slice %arg3[%multiple_of3A_220] : memref<160000xi32, #tpu.memory_space<hbm>> -> memref<80xi32, #tpu.memory_space<hbm>>
          tpu.enqueue_dma source(%dma_start3A_227 : memref<80xi32, #tpu.memory_space<hbm>>) target(%arg13 : memref<80xi32, #tpu.memory_space<vmem>>) target_semaphore(%arg26 : memref<!tpu.dma_semaphore, #tpu.memory_space<semaphore_mem>>)
        } else {
        }
        %add3A_196 = arith.constant 1 : i32
        %add3A_197 = arith.addi %add3A_162, %add3A_196 : i32
        %lt3A_198 = arith.constant 125 : i32
        %lt3A_199 = arith.cmpi slt, %add3A_197, %lt3A_198 : i32
        %convert_element_type3A_200 = arith.extui %lt3A_199 : i1 to i32
        %cond3A_201 = arith.constant 0 : i32
        %cond3A_202 = arith.cmpi ne, %convert_element_type3A_200, %cond3A_201 : i32
        scf.if %cond3A_202 {
          %dma_wait3A_209 = arith.constant 0 : i32
          %dma_wait3A_210 = tpu.memref_slice %arg2[%dma_wait3A_209] : memref<320000xi32, #tpu.memory_space<hbm>> -> memref<80xi32, #tpu.memory_space<hbm>>
          %dma_wait3A_211 = arith.constant 0 : i32
          %dma_wait3A_212 = tpu.memref_slice %arg2[%dma_wait3A_211] : memref<320000xi32, #tpu.memory_space<hbm>> -> memref<80xi32, #tpu.memory_space<hbm>>
          tpu.wait_dma2 semaphore(%arg21 : memref<!tpu.dma_semaphore, #tpu.memory_space<semaphore_mem>>) src(%dma_wait3A_212 : memref<80xi32, #tpu.memory_space<hbm>>) dst(%arg8 : memref<80xi32, #tpu.memory_space<vmem>>)
          %dma_wait3A_213 = arith.constant 0 : i32
          %dma_wait3A_214 = tpu.memref_slice %arg3[%dma_wait3A_213] : memref<160000xi32, #tpu.memory_space<hbm>> -> memref<80xi32, #tpu.memory_space<hbm>>
          %dma_wait3A_215 = arith.constant 0 : i32
          %dma_wait3A_216 = tpu.memref_slice %arg3[%dma_wait3A_215] : memref<160000xi32, #tpu.memory_space<hbm>> -> memref<80xi32, #tpu.memory_space<hbm>>
          tpu.wait_dma2 semaphore(%arg25 : memref<!tpu.dma_semaphore, #tpu.memory_space<semaphore_mem>>) src(%dma_wait3A_216 : memref<80xi32, #tpu.memory_space<hbm>>) dst(%arg12 : memref<80xi32, #tpu.memory_space<vmem>>)
          %dma_start3A_217 = arith.constant 0 : i32
          %dma_start3A_218 = arith.constant 0 : i32
          %dma_start3A_219 = tpu.memref_slice %arg4[%dma_start3A_217, %dma_start3A_218] : memref<20008x128xf32, #tpu.memory_space<hbm>> -> memref<20008x128xf32, #tpu.memory_space<hbm>>
          tpu.enqueue_indirect_dma source(%dma_start3A_219 : memref<20008x128xf32, #tpu.memory_space<hbm>>) target(%arg16 : memref<80x128xf32, #tpu.memory_space<vmem>>) offsets(%arg8 : memref<80xi32, #tpu.memory_space<vmem>>) semaphore(%arg29 : memref<!tpu.dma_semaphore, #tpu.memory_space<semaphore_mem>>)
        } else {
        }
        %dma_wait3A_203 = arith.constant 0 : i32
        %dma_wait3A_204 = arith.constant 0 : i32
        %dma_wait3A_205 = tpu.memref_slice %arg4[%dma_wait3A_203, %dma_wait3A_204] : memref<20008x128xf32, #tpu.memory_space<hbm>> -> memref<20008x128xf32, #tpu.memory_space<hbm>>
        tpu.wait_indirect_dma semaphore(%arg28 : memref<!tpu.dma_semaphore, #tpu.memory_space<semaphore_mem>>) src(%dma_wait3A_205 : memref<20008x128xf32, #tpu.memory_space<hbm>>) dst(%arg15 : memref<80x128xf32, #tpu.memory_space<vmem>>)
        %dma_start3A_206 = arith.constant 0 : i32
        %dma_start3A_207 = arith.constant 0 : i32
        %dma_start3A_208 = tpu.memref_slice %arg19[%dma_start3A_206, %dma_start3A_207] : memref<10000x128xf32, #tpu.memory_space<vmem_shared>> -> memref<10000x128xf32, #tpu.memory_space<vmem_shared>>
        tpu.enqueue_indirect_dma source(%arg15 : memref<80x128xf32, #tpu.memory_space<vmem>>) target(%dma_start3A_208 : memref<10000x128xf32, #tpu.memory_space<vmem_shared>>) offsets(%arg11 : memref<80xi32, #tpu.memory_space<vmem>>) semaphore(%arg32 : memref<!tpu.dma_semaphore, #tpu.memory_space<semaphore_mem>>) {add = true}
      } else {
      }
      %add3A_168 = arith.constant 1 : i32
      %add3A_169 = arith.addi %add3A_160, %add3A_168 : i32
      %lt3A_170 = arith.constant 125 : i32
      %lt3A_171 = arith.cmpi slt, %add3A_169, %lt3A_170 : i32
      %convert_element_type3A_172 = arith.extui %lt3A_171 : i1 to i32
      %cond3A_173 = arith.constant 0 : i32
      %cond3A_174 = arith.cmpi ne, %convert_element_type3A_172, %cond3A_173 : i32
      scf.if %cond3A_174 {
        %add3A_189 = arith.constant 2 : i32
        %add3A_190 = arith.addi %add3A_169, %add3A_189 : i32
        %lt3A_191 = arith.constant 125 : i32
        %lt3A_192 = arith.cmpi slt, %add3A_190, %lt3A_191 : i32
        %convert_element_type3A_193 = arith.extui %lt3A_192 : i1 to i32
        %cond3A_194 = arith.constant 0 : i32
        %cond3A_195 = arith.cmpi ne, %convert_element_type3A_193, %cond3A_194 : i32
        scf.if %cond3A_195 {
          %ge3A = arith.constant 2 : i32
          %ge3A_209 = arith.cmpi sge, %add3A_169, %ge3A : i32
          %convert_element_type3A_210 = arith.extui %ge3A_209 : i1 to i32
          %cond3A_211 = arith.constant 0 : i32
          %cond3A_212 = arith.cmpi ne, %convert_element_type3A_210, %cond3A_211 : i32
          scf.if %cond3A_212 {
            %dma_wait3A_228 = arith.constant 0 : i32
            %dma_wait3A_229 = arith.constant 0 : i32
            %dma_wait3A_230 = tpu.memref_slice %arg19[%dma_wait3A_228, %dma_wait3A_229] : memref<10000x128xf32, #tpu.memory_space<vmem_shared>> -> memref<10000x128xf32, #tpu.memory_space<vmem_shared>>
            tpu.wait_indirect_dma semaphore(%arg35 : memref<!tpu.dma_semaphore, #tpu.memory_space<semaphore_mem>>) src(%arg18 : memref<80x128xf32, #tpu.memory_space<vmem>>) dst(%dma_wait3A_230 : memref<10000x128xf32, #tpu.memory_space<vmem_shared>>)
          } else {
          }
          %add3A_213 = arith.constant 2 : i32
          %add3A_214 = arith.addi %add3A_169, %add3A_213 : i32
          %mul3A_215 = arith.constant 10000 : i32
          %mul3A_216 = arith.muli %arg1, %mul3A_215 : i32
          %mul3A_217 = arith.constant 80 : i32
          %mul3A_218 = arith.muli %add3A_214, %mul3A_217 : i32
          %add3A_219 = arith.addi %mul3A_216, %mul3A_218 : i32
          %multiple_of3A_220 = tpu.assume_multiple %add3A_219, 8 : i32
          %mul3A_221 = arith.constant 160000 : i32
          %mul3A_222 = arith.muli %arg0, %mul3A_221 : i32
          %add3A_223 = arith.addi %mul3A_222, %multiple_of3A_220 : i32
          %dma_start3A_224 = tpu.memref_slice %arg2[%add3A_223] : memref<320000xi32, #tpu.memory_space<hbm>> -> memref<80xi32, #tpu.memory_space<hbm>>
          %dma_start3A_225 = tpu.memref_slice %arg2[%add3A_223] : memref<320000xi32, #tpu.memory_space<hbm>> -> memref<80xi32, #tpu.memory_space<hbm>>
          tpu.enqueue_dma source(%dma_start3A_225 : memref<80xi32, #tpu.memory_space<hbm>>) target(%arg10 : memref<80xi32, #tpu.memory_space<vmem>>) target_semaphore(%arg23 : memref<!tpu.dma_semaphore, #tpu.memory_space<semaphore_mem>>)
          %dma_start3A_226 = tpu.memref_slice %arg3[%multiple_of3A_220] : memref<160000xi32, #tpu.memory_space<hbm>> -> memref<80xi32, #tpu.memory_space<hbm>>
          %dma_start3A_227 = tpu.memref_slice %arg3[%multiple_of3A_220] : memref<160000xi32, #tpu.memory_space<hbm>> -> memref<80xi32, #tpu.memory_space<hbm>>
          tpu.enqueue_dma source(%dma_start3A_227 : memref<80xi32, #tpu.memory_space<hbm>>) target(%arg14 : memref<80xi32, #tpu.memory_space<vmem>>) target_semaphore(%arg27 : memref<!tpu.dma_semaphore, #tpu.memory_space<semaphore_mem>>)
        } else {
        }
        %add3A_196 = arith.constant 1 : i32
        %add3A_197 = arith.addi %add3A_169, %add3A_196 : i32
        %lt3A_198 = arith.constant 125 : i32
        %lt3A_199 = arith.cmpi slt, %add3A_197, %lt3A_198 : i32
        %convert_element_type3A_200 = arith.extui %lt3A_199 : i1 to i32
        %cond3A_201 = arith.constant 0 : i32
        %cond3A_202 = arith.cmpi ne, %convert_element_type3A_200, %cond3A_201 : i32
        scf.if %cond3A_202 {
          %dma_wait3A_209 = arith.constant 0 : i32
          %dma_wait3A_210 = tpu.memref_slice %arg2[%dma_wait3A_209] : memref<320000xi32, #tpu.memory_space<hbm>> -> memref<80xi32, #tpu.memory_space<hbm>>
          %dma_wait3A_211 = arith.constant 0 : i32
          %dma_wait3A_212 = tpu.memref_slice %arg2[%dma_wait3A_211] : memref<320000xi32, #tpu.memory_space<hbm>> -> memref<80xi32, #tpu.memory_space<hbm>>
          tpu.wait_dma2 semaphore(%arg22 : memref<!tpu.dma_semaphore, #tpu.memory_space<semaphore_mem>>) src(%dma_wait3A_212 : memref<80xi32, #tpu.memory_space<hbm>>) dst(%arg9 : memref<80xi32, #tpu.memory_space<vmem>>)
          %dma_wait3A_213 = arith.constant 0 : i32
          %dma_wait3A_214 = tpu.memref_slice %arg3[%dma_wait3A_213] : memref<160000xi32, #tpu.memory_space<hbm>> -> memref<80xi32, #tpu.memory_space<hbm>>
          %dma_wait3A_215 = arith.constant 0 : i32
          %dma_wait3A_216 = tpu.memref_slice %arg3[%dma_wait3A_215] : memref<160000xi32, #tpu.memory_space<hbm>> -> memref<80xi32, #tpu.memory_space<hbm>>
          tpu.wait_dma2 semaphore(%arg26 : memref<!tpu.dma_semaphore, #tpu.memory_space<semaphore_mem>>) src(%dma_wait3A_216 : memref<80xi32, #tpu.memory_space<hbm>>) dst(%arg13 : memref<80xi32, #tpu.memory_space<vmem>>)
          %dma_start3A_217 = arith.constant 0 : i32
          %dma_start3A_218 = arith.constant 0 : i32
          %dma_start3A_219 = tpu.memref_slice %arg4[%dma_start3A_217, %dma_start3A_218] : memref<20008x128xf32, #tpu.memory_space<hbm>> -> memref<20008x128xf32, #tpu.memory_space<hbm>>
          tpu.enqueue_indirect_dma source(%dma_start3A_219 : memref<20008x128xf32, #tpu.memory_space<hbm>>) target(%arg17 : memref<80x128xf32, #tpu.memory_space<vmem>>) offsets(%arg9 : memref<80xi32, #tpu.memory_space<vmem>>) semaphore(%arg30 : memref<!tpu.dma_semaphore, #tpu.memory_space<semaphore_mem>>)
        } else {
        }
        %dma_wait3A_203 = arith.constant 0 : i32
        %dma_wait3A_204 = arith.constant 0 : i32
        %dma_wait3A_205 = tpu.memref_slice %arg4[%dma_wait3A_203, %dma_wait3A_204] : memref<20008x128xf32, #tpu.memory_space<hbm>> -> memref<20008x128xf32, #tpu.memory_space<hbm>>
        tpu.wait_indirect_dma semaphore(%arg29 : memref<!tpu.dma_semaphore, #tpu.memory_space<semaphore_mem>>) src(%dma_wait3A_205 : memref<20008x128xf32, #tpu.memory_space<hbm>>) dst(%arg16 : memref<80x128xf32, #tpu.memory_space<vmem>>)
        %dma_start3A_206 = arith.constant 0 : i32
        %dma_start3A_207 = arith.constant 0 : i32
        %dma_start3A_208 = tpu.memref_slice %arg19[%dma_start3A_206, %dma_start3A_207] : memref<10000x128xf32, #tpu.memory_space<vmem_shared>> -> memref<10000x128xf32, #tpu.memory_space<vmem_shared>>
        tpu.enqueue_indirect_dma source(%arg16 : memref<80x128xf32, #tpu.memory_space<vmem>>) target(%dma_start3A_208 : memref<10000x128xf32, #tpu.memory_space<vmem_shared>>) offsets(%arg12 : memref<80xi32, #tpu.memory_space<vmem>>) semaphore(%arg33 : memref<!tpu.dma_semaphore, #tpu.memory_space<semaphore_mem>>) {add = true}
      } else {
      }
      %add3A_175 = arith.constant 2 : i32
      %add3A_176 = arith.addi %add3A_160, %add3A_175 : i32
      %lt3A_177 = arith.constant 125 : i32
      %lt3A_178 = arith.cmpi slt, %add3A_176, %lt3A_177 : i32
      %convert_element_type3A_179 = arith.extui %lt3A_178 : i1 to i32
      %cond3A_180 = arith.constant 0 : i32
      %cond3A_181 = arith.cmpi ne, %convert_element_type3A_179, %cond3A_180 : i32
      scf.if %cond3A_181 {
        %add3A_189 = arith.constant 2 : i32
        %add3A_190 = arith.addi %add3A_176, %add3A_189 : i32
        %lt3A_191 = arith.constant 125 : i32
        %lt3A_192 = arith.cmpi slt, %add3A_190, %lt3A_191 : i32
        %convert_element_type3A_193 = arith.extui %lt3A_192 : i1 to i32
        %cond3A_194 = arith.constant 0 : i32
        %cond3A_195 = arith.cmpi ne, %convert_element_type3A_193, %cond3A_194 : i32
        scf.if %cond3A_195 {
          %ge3A = arith.constant 2 : i32
          %ge3A_209 = arith.cmpi sge, %add3A_176, %ge3A : i32
          %convert_element_type3A_210 = arith.extui %ge3A_209 : i1 to i32
          %cond3A_211 = arith.constant 0 : i32
          %cond3A_212 = arith.cmpi ne, %convert_element_type3A_210, %cond3A_211 : i32
          scf.if %cond3A_212 {
            %dma_wait3A_228 = arith.constant 0 : i32
            %dma_wait3A_229 = arith.constant 0 : i32
            %dma_wait3A_230 = tpu.memref_slice %arg19[%dma_wait3A_228, %dma_wait3A_229] : memref<10000x128xf32, #tpu.memory_space<vmem_shared>> -> memref<10000x128xf32, #tpu.memory_space<vmem_shared>>
            tpu.wait_indirect_dma semaphore(%arg32 : memref<!tpu.dma_semaphore, #tpu.memory_space<semaphore_mem>>) src(%arg15 : memref<80x128xf32, #tpu.memory_space<vmem>>) dst(%dma_wait3A_230 : memref<10000x128xf32, #tpu.memory_space<vmem_shared>>)
          } else {
          }
          %add3A_213 = arith.constant 2 : i32
          %add3A_214 = arith.addi %add3A_176, %add3A_213 : i32
          %mul3A_215 = arith.constant 10000 : i32
          %mul3A_216 = arith.muli %arg1, %mul3A_215 : i32
          %mul3A_217 = arith.constant 80 : i32
          %mul3A_218 = arith.muli %add3A_214, %mul3A_217 : i32
          %add3A_219 = arith.addi %mul3A_216, %mul3A_218 : i32
          %multiple_of3A_220 = tpu.assume_multiple %add3A_219, 8 : i32
          %mul3A_221 = arith.constant 160000 : i32
          %mul3A_222 = arith.muli %arg0, %mul3A_221 : i32
          %add3A_223 = arith.addi %mul3A_222, %multiple_of3A_220 : i32
          %dma_start3A_224 = tpu.memref_slice %arg2[%add3A_223] : memref<320000xi32, #tpu.memory_space<hbm>> -> memref<80xi32, #tpu.memory_space<hbm>>
          %dma_start3A_225 = tpu.memref_slice %arg2[%add3A_223] : memref<320000xi32, #tpu.memory_space<hbm>> -> memref<80xi32, #tpu.memory_space<hbm>>
          tpu.enqueue_dma source(%dma_start3A_225 : memref<80xi32, #tpu.memory_space<hbm>>) target(%arg7 : memref<80xi32, #tpu.memory_space<vmem>>) target_semaphore(%arg20 : memref<!tpu.dma_semaphore, #tpu.memory_space<semaphore_mem>>)
          %dma_start3A_226 = tpu.memref_slice %arg3[%multiple_of3A_220] : memref<160000xi32, #tpu.memory_space<hbm>> -> memref<80xi32, #tpu.memory_space<hbm>>
          %dma_start3A_227 = tpu.memref_slice %arg3[%multiple_of3A_220] : memref<160000xi32, #tpu.memory_space<hbm>> -> memref<80xi32, #tpu.memory_space<hbm>>
          tpu.enqueue_dma source(%dma_start3A_227 : memref<80xi32, #tpu.memory_space<hbm>>) target(%arg11 : memref<80xi32, #tpu.memory_space<vmem>>) target_semaphore(%arg24 : memref<!tpu.dma_semaphore, #tpu.memory_space<semaphore_mem>>)
        } else {
        }
        %add3A_196 = arith.constant 1 : i32
        %add3A_197 = arith.addi %add3A_176, %add3A_196 : i32
        %lt3A_198 = arith.constant 125 : i32
        %lt3A_199 = arith.cmpi slt, %add3A_197, %lt3A_198 : i32
        %convert_element_type3A_200 = arith.extui %lt3A_199 : i1 to i32
        %cond3A_201 = arith.constant 0 : i32
        %cond3A_202 = arith.cmpi ne, %convert_element_type3A_200, %cond3A_201 : i32
        scf.if %cond3A_202 {
          %dma_wait3A_209 = arith.constant 0 : i32
          %dma_wait3A_210 = tpu.memref_slice %arg2[%dma_wait3A_209] : memref<320000xi32, #tpu.memory_space<hbm>> -> memref<80xi32, #tpu.memory_space<hbm>>
          %dma_wait3A_211 = arith.constant 0 : i32
          %dma_wait3A_212 = tpu.memref_slice %arg2[%dma_wait3A_211] : memref<320000xi32, #tpu.memory_space<hbm>> -> memref<80xi32, #tpu.memory_space<hbm>>
          tpu.wait_dma2 semaphore(%arg23 : memref<!tpu.dma_semaphore, #tpu.memory_space<semaphore_mem>>) src(%dma_wait3A_212 : memref<80xi32, #tpu.memory_space<hbm>>) dst(%arg10 : memref<80xi32, #tpu.memory_space<vmem>>)
          %dma_wait3A_213 = arith.constant 0 : i32
          %dma_wait3A_214 = tpu.memref_slice %arg3[%dma_wait3A_213] : memref<160000xi32, #tpu.memory_space<hbm>> -> memref<80xi32, #tpu.memory_space<hbm>>
          %dma_wait3A_215 = arith.constant 0 : i32
          %dma_wait3A_216 = tpu.memref_slice %arg3[%dma_wait3A_215] : memref<160000xi32, #tpu.memory_space<hbm>> -> memref<80xi32, #tpu.memory_space<hbm>>
          tpu.wait_dma2 semaphore(%arg27 : memref<!tpu.dma_semaphore, #tpu.memory_space<semaphore_mem>>) src(%dma_wait3A_216 : memref<80xi32, #tpu.memory_space<hbm>>) dst(%arg14 : memref<80xi32, #tpu.memory_space<vmem>>)
          %dma_start3A_217 = arith.constant 0 : i32
          %dma_start3A_218 = arith.constant 0 : i32
          %dma_start3A_219 = tpu.memref_slice %arg4[%dma_start3A_217, %dma_start3A_218] : memref<20008x128xf32, #tpu.memory_space<hbm>> -> memref<20008x128xf32, #tpu.memory_space<hbm>>
          tpu.enqueue_indirect_dma source(%dma_start3A_219 : memref<20008x128xf32, #tpu.memory_space<hbm>>) target(%arg18 : memref<80x128xf32, #tpu.memory_space<vmem>>) offsets(%arg10 : memref<80xi32, #tpu.memory_space<vmem>>) semaphore(%arg31 : memref<!tpu.dma_semaphore, #tpu.memory_space<semaphore_mem>>)
        } else {
        }
        %dma_wait3A_203 = arith.constant 0 : i32
        %dma_wait3A_204 = arith.constant 0 : i32
        %dma_wait3A_205 = tpu.memref_slice %arg4[%dma_wait3A_203, %dma_wait3A_204] : memref<20008x128xf32, #tpu.memory_space<hbm>> -> memref<20008x128xf32, #tpu.memory_space<hbm>>
        tpu.wait_indirect_dma semaphore(%arg30 : memref<!tpu.dma_semaphore, #tpu.memory_space<semaphore_mem>>) src(%dma_wait3A_205 : memref<20008x128xf32, #tpu.memory_space<hbm>>) dst(%arg17 : memref<80x128xf32, #tpu.memory_space<vmem>>)
        %dma_start3A_206 = arith.constant 0 : i32
        %dma_start3A_207 = arith.constant 0 : i32
        %dma_start3A_208 = tpu.memref_slice %arg19[%dma_start3A_206, %dma_start3A_207] : memref<10000x128xf32, #tpu.memory_space<vmem_shared>> -> memref<10000x128xf32, #tpu.memory_space<vmem_shared>>
        tpu.enqueue_indirect_dma source(%arg17 : memref<80x128xf32, #tpu.memory_space<vmem>>) target(%dma_start3A_208 : memref<10000x128xf32, #tpu.memory_space<vmem_shared>>) offsets(%arg13 : memref<80xi32, #tpu.memory_space<vmem>>) semaphore(%arg34 : memref<!tpu.dma_semaphore, #tpu.memory_space<semaphore_mem>>) {add = true}
      } else {
      }
      %add3A_182 = arith.constant 3 : i32
      %add3A_183 = arith.addi %add3A_160, %add3A_182 : i32
      %lt3A_184 = arith.constant 125 : i32
      %lt3A_185 = arith.cmpi slt, %add3A_183, %lt3A_184 : i32
      %convert_element_type3A_186 = arith.extui %lt3A_185 : i1 to i32
      %cond3A_187 = arith.constant 0 : i32
      %cond3A_188 = arith.cmpi ne, %convert_element_type3A_186, %cond3A_187 : i32
      scf.if %cond3A_188 {
        %add3A_189 = arith.constant 2 : i32
        %add3A_190 = arith.addi %add3A_183, %add3A_189 : i32
        %lt3A_191 = arith.constant 125 : i32
        %lt3A_192 = arith.cmpi slt, %add3A_190, %lt3A_191 : i32
        %convert_element_type3A_193 = arith.extui %lt3A_192 : i1 to i32
        %cond3A_194 = arith.constant 0 : i32
        %cond3A_195 = arith.cmpi ne, %convert_element_type3A_193, %cond3A_194 : i32
        scf.if %cond3A_195 {
          %ge3A = arith.constant 2 : i32
          %ge3A_209 = arith.cmpi sge, %add3A_183, %ge3A : i32
          %convert_element_type3A_210 = arith.extui %ge3A_209 : i1 to i32
          %cond3A_211 = arith.constant 0 : i32
          %cond3A_212 = arith.cmpi ne, %convert_element_type3A_210, %cond3A_211 : i32
          scf.if %cond3A_212 {
            %dma_wait3A_228 = arith.constant 0 : i32
            %dma_wait3A_229 = arith.constant 0 : i32
            %dma_wait3A_230 = tpu.memref_slice %arg19[%dma_wait3A_228, %dma_wait3A_229] : memref<10000x128xf32, #tpu.memory_space<vmem_shared>> -> memref<10000x128xf32, #tpu.memory_space<vmem_shared>>
            tpu.wait_indirect_dma semaphore(%arg33 : memref<!tpu.dma_semaphore, #tpu.memory_space<semaphore_mem>>) src(%arg16 : memref<80x128xf32, #tpu.memory_space<vmem>>) dst(%dma_wait3A_230 : memref<10000x128xf32, #tpu.memory_space<vmem_shared>>)
          } else {
          }
          %add3A_213 = arith.constant 2 : i32
          %add3A_214 = arith.addi %add3A_183, %add3A_213 : i32
          %mul3A_215 = arith.constant 10000 : i32
          %mul3A_216 = arith.muli %arg1, %mul3A_215 : i32
          %mul3A_217 = arith.constant 80 : i32
          %mul3A_218 = arith.muli %add3A_214, %mul3A_217 : i32
          %add3A_219 = arith.addi %mul3A_216, %mul3A_218 : i32
          %multiple_of3A_220 = tpu.assume_multiple %add3A_219, 8 : i32
          %mul3A_221 = arith.constant 160000 : i32
          %mul3A_222 = arith.muli %arg0, %mul3A_221 : i32
          %add3A_223 = arith.addi %mul3A_222, %multiple_of3A_220 : i32
          %dma_start3A_224 = tpu.memref_slice %arg2[%add3A_223] : memref<320000xi32, #tpu.memory_space<hbm>> -> memref<80xi32, #tpu.memory_space<hbm>>
          %dma_start3A_225 = tpu.memref_slice %arg2[%add3A_223] : memref<320000xi32, #tpu.memory_space<hbm>> -> memref<80xi32, #tpu.memory_space<hbm>>
          tpu.enqueue_dma source(%dma_start3A_225 : memref<80xi32, #tpu.memory_space<hbm>>) target(%arg8 : memref<80xi32, #tpu.memory_space<vmem>>) target_semaphore(%arg21 : memref<!tpu.dma_semaphore, #tpu.memory_space<semaphore_mem>>)
          %dma_start3A_226 = tpu.memref_slice %arg3[%multiple_of3A_220] : memref<160000xi32, #tpu.memory_space<hbm>> -> memref<80xi32, #tpu.memory_space<hbm>>
          %dma_start3A_227 = tpu.memref_slice %arg3[%multiple_of3A_220] : memref<160000xi32, #tpu.memory_space<hbm>> -> memref<80xi32, #tpu.memory_space<hbm>>
          tpu.enqueue_dma source(%dma_start3A_227 : memref<80xi32, #tpu.memory_space<hbm>>) target(%arg12 : memref<80xi32, #tpu.memory_space<vmem>>) target_semaphore(%arg25 : memref<!tpu.dma_semaphore, #tpu.memory_space<semaphore_mem>>)
        } else {
        }
        %add3A_196 = arith.constant 1 : i32
        %add3A_197 = arith.addi %add3A_183, %add3A_196 : i32
        %lt3A_198 = arith.constant 125 : i32
        %lt3A_199 = arith.cmpi slt, %add3A_197, %lt3A_198 : i32
        %convert_element_type3A_200 = arith.extui %lt3A_199 : i1 to i32
        %cond3A_201 = arith.constant 0 : i32
        %cond3A_202 = arith.cmpi ne, %convert_element_type3A_200, %cond3A_201 : i32
        scf.if %cond3A_202 {
          %dma_wait3A_209 = arith.constant 0 : i32
          %dma_wait3A_210 = tpu.memref_slice %arg2[%dma_wait3A_209] : memref<320000xi32, #tpu.memory_space<hbm>> -> memref<80xi32, #tpu.memory_space<hbm>>
          %dma_wait3A_211 = arith.constant 0 : i32
          %dma_wait3A_212 = tpu.memref_slice %arg2[%dma_wait3A_211] : memref<320000xi32, #tpu.memory_space<hbm>> -> memref<80xi32, #tpu.memory_space<hbm>>
          tpu.wait_dma2 semaphore(%arg20 : memref<!tpu.dma_semaphore, #tpu.memory_space<semaphore_mem>>) src(%dma_wait3A_212 : memref<80xi32, #tpu.memory_space<hbm>>) dst(%arg7 : memref<80xi32, #tpu.memory_space<vmem>>)
          %dma_wait3A_213 = arith.constant 0 : i32
          %dma_wait3A_214 = tpu.memref_slice %arg3[%dma_wait3A_213] : memref<160000xi32, #tpu.memory_space<hbm>> -> memref<80xi32, #tpu.memory_space<hbm>>
          %dma_wait3A_215 = arith.constant 0 : i32
          %dma_wait3A_216 = tpu.memref_slice %arg3[%dma_wait3A_215] : memref<160000xi32, #tpu.memory_space<hbm>> -> memref<80xi32, #tpu.memory_space<hbm>>
          tpu.wait_dma2 semaphore(%arg24 : memref<!tpu.dma_semaphore, #tpu.memory_space<semaphore_mem>>) src(%dma_wait3A_216 : memref<80xi32, #tpu.memory_space<hbm>>) dst(%arg11 : memref<80xi32, #tpu.memory_space<vmem>>)
          %dma_start3A_217 = arith.constant 0 : i32
          %dma_start3A_218 = arith.constant 0 : i32
          %dma_start3A_219 = tpu.memref_slice %arg4[%dma_start3A_217, %dma_start3A_218] : memref<20008x128xf32, #tpu.memory_space<hbm>> -> memref<20008x128xf32, #tpu.memory_space<hbm>>
          tpu.enqueue_indirect_dma source(%dma_start3A_219 : memref<20008x128xf32, #tpu.memory_space<hbm>>) target(%arg15 : memref<80x128xf32, #tpu.memory_space<vmem>>) offsets(%arg7 : memref<80xi32, #tpu.memory_space<vmem>>) semaphore(%arg28 : memref<!tpu.dma_semaphore, #tpu.memory_space<semaphore_mem>>)
        } else {
        }
        %dma_wait3A_203 = arith.constant 0 : i32
        %dma_wait3A_204 = arith.constant 0 : i32
        %dma_wait3A_205 = tpu.memref_slice %arg4[%dma_wait3A_203, %dma_wait3A_204] : memref<20008x128xf32, #tpu.memory_space<hbm>> -> memref<20008x128xf32, #tpu.memory_space<hbm>>
        tpu.wait_indirect_dma semaphore(%arg31 : memref<!tpu.dma_semaphore, #tpu.memory_space<semaphore_mem>>) src(%dma_wait3A_205 : memref<20008x128xf32, #tpu.memory_space<hbm>>) dst(%arg18 : memref<80x128xf32, #tpu.memory_space<vmem>>)
        %dma_start3A_206 = arith.constant 0 : i32
        %dma_start3A_207 = arith.constant 0 : i32
        %dma_start3A_208 = tpu.memref_slice %arg19[%dma_start3A_206, %dma_start3A_207] : memref<10000x128xf32, #tpu.memory_space<vmem_shared>> -> memref<10000x128xf32, #tpu.memory_space<vmem_shared>>
        tpu.enqueue_indirect_dma source(%arg18 : memref<80x128xf32, #tpu.memory_space<vmem>>) target(%dma_start3A_208 : memref<10000x128xf32, #tpu.memory_space<vmem_shared>>) offsets(%arg14 : memref<80xi32, #tpu.memory_space<vmem>>) semaphore(%arg35 : memref<!tpu.dma_semaphore, #tpu.memory_space<semaphore_mem>>) {add = true}
      } else {
      }
    }
    %scan3A_86 = arith.constant 32 : i32
    %dma_wait3A_87 = arith.constant 0 : i32
    %dma_wait3A_88 = arith.constant 0 : i32
    %dma_wait3A_89 = tpu.memref_slice %arg19[%dma_wait3A_87, %dma_wait3A_88] : memref<10000x128xf32, #tpu.memory_space<vmem_shared>> -> memref<10000x128xf32, #tpu.memory_space<vmem_shared>>
    tpu.wait_indirect_dma semaphore(%arg33 : memref<!tpu.dma_semaphore, #tpu.memory_space<semaphore_mem>>) src(%arg16 : memref<80x128xf32, #tpu.memory_space<vmem>>) dst(%dma_wait3A_89 : memref<10000x128xf32, #tpu.memory_space<vmem_shared>>)
    %dma_wait3A_90 = arith.constant 0 : i32
    %dma_wait3A_91 = arith.constant 0 : i32
    %dma_wait3A_92 = tpu.memref_slice %arg19[%dma_wait3A_90, %dma_wait3A_91] : memref<10000x128xf32, #tpu.memory_space<vmem_shared>> -> memref<10000x128xf32, #tpu.memory_space<vmem_shared>>
    tpu.wait_indirect_dma semaphore(%arg34 : memref<!tpu.dma_semaphore, #tpu.memory_space<semaphore_mem>>) src(%arg17 : memref<80x128xf32, #tpu.memory_space<vmem>>) dst(%dma_wait3A_92 : memref<10000x128xf32, #tpu.memory_space<vmem_shared>>)
    %dma_wait3A_93 = arith.constant 0 : i32
    %dma_wait3A_94 = arith.constant 0 : i32
    %dma_wait3A_95 = tpu.memref_slice %arg19[%dma_wait3A_93, %dma_wait3A_94] : memref<10000x128xf32, #tpu.memory_space<vmem_shared>> -> memref<10000x128xf32, #tpu.memory_space<vmem_shared>>
    tpu.wait_indirect_dma semaphore(%arg35 : memref<!tpu.dma_semaphore, #tpu.memory_space<semaphore_mem>>) src(%arg18 : memref<80x128xf32, #tpu.memory_space<vmem>>) dst(%dma_wait3A_95 : memref<10000x128xf32, #tpu.memory_space<vmem_shared>>)
    %dma_wait3A_96 = arith.constant 0 : i32
    %dma_wait3A_97 = arith.constant 0 : i32
    %dma_wait3A_98 = tpu.memref_slice %arg19[%dma_wait3A_96, %dma_wait3A_97] : memref<10000x128xf32, #tpu.memory_space<vmem_shared>> -> memref<10000x128xf32, #tpu.memory_space<vmem_shared>>
    tpu.wait_indirect_dma semaphore(%arg32 : memref<!tpu.dma_semaphore, #tpu.memory_space<semaphore_mem>>) src(%arg15 : memref<80x128xf32, #tpu.memory_space<vmem>>) dst(%dma_wait3A_98 : memref<10000x128xf32, #tpu.memory_space<vmem_shared>>)
    %barrier3A_99 = arith.constant 0 : index
    tpu.barrier barrier_id(%barrier3A_99)
    %add3A_100 = arith.constant 0 : i32
    %add3A_101 = arith.addi %arg1, %add3A_100 : i32
    %lt3A_102 = arith.constant 125 : i32
    %lt3A_103 = arith.cmpi slt, %add3A_101, %lt3A_102 : i32
    %convert_element_type3A_104 = arith.extui %lt3A_103 : i1 to i32
    %cond3A_105 = arith.constant 0 : i32
    %cond3A_106 = arith.cmpi ne, %convert_element_type3A_104, %cond3A_105 : i32
    scf.if %cond3A_106 {
      %mul3A_156 = arith.constant 80 : i32
      %mul3A_157 = arith.muli %add3A_101, %mul3A_156 : i32
      "tpu.region"() ({
        %run_scoped3A = tpu.sem_alloc : memref<!tpu.dma_semaphore, #tpu.memory_space<semaphore_mem>>
        %dma_start3A_163 = arith.constant 0 : i32
        %dma_start3A_164 = arith.constant 0 : i32
        %dma_start3A_165 = tpu.memref_slice %arg15[%dma_start3A_163, %dma_start3A_164] : memref<80x128xf32, #tpu.memory_space<vmem>> -> memref<80x128xf32, #tpu.memory_space<vmem>>
        %dma_start3A_166 = arith.constant 0 : i32
        %dma_start3A_167 = tpu.memref_slice %arg19[%mul3A_157, %dma_start3A_166] : memref<10000x128xf32, #tpu.memory_space<vmem_shared>> -> memref<80x128xf32, #tpu.memory_space<vmem_shared>>
        %dma_start3A_168 = arith.constant 0 : i32
        %dma_start3A_169 = arith.constant 0 : i32
        %dma_start3A_170 = tpu.memref_slice %arg15[%dma_start3A_168, %dma_start3A_169] : memref<80x128xf32, #tpu.memory_space<vmem>> -> memref<80x128xf32, #tpu.memory_space<vmem>>
        %dma_start3A_171 = arith.constant 0 : i32
        %dma_start3A_172 = tpu.memref_slice %arg19[%mul3A_157, %dma_start3A_171] : memref<10000x128xf32, #tpu.memory_space<vmem_shared>> -> memref<80x128xf32, #tpu.memory_space<vmem_shared>>
        tpu.enqueue_dma source(%dma_start3A_172 : memref<80x128xf32, #tpu.memory_space<vmem_shared>>) target(%dma_start3A_170 : memref<80x128xf32, #tpu.memory_space<vmem>>) target_semaphore(%run_scoped3A : memref<!tpu.dma_semaphore, #tpu.memory_space<semaphore_mem>>)
        %dma_wait3A_173 = arith.constant 0 : i32
        %dma_wait3A_174 = arith.constant 0 : i32
        %dma_wait3A_175 = tpu.memref_slice %arg15[%dma_wait3A_173, %dma_wait3A_174] : memref<80x128xf32, #tpu.memory_space<vmem>> -> memref<80x128xf32, #tpu.memory_space<vmem>>
        %dma_wait3A_176 = arith.constant 0 : i32
        %dma_wait3A_177 = tpu.memref_slice %arg19[%mul3A_157, %dma_wait3A_176] : memref<10000x128xf32, #tpu.memory_space<vmem_shared>> -> memref<80x128xf32, #tpu.memory_space<vmem_shared>>
        %dma_wait3A_178 = arith.constant 0 : i32
        %dma_wait3A_179 = arith.constant 0 : i32
        %dma_wait3A_180 = tpu.memref_slice %arg15[%dma_wait3A_178, %dma_wait3A_179] : memref<80x128xf32, #tpu.memory_space<vmem>> -> memref<80x128xf32, #tpu.memory_space<vmem>>
        %dma_wait3A_181 = arith.constant 0 : i32
        %dma_wait3A_182 = tpu.memref_slice %arg19[%mul3A_157, %dma_wait3A_181] : memref<10000x128xf32, #tpu.memory_space<vmem_shared>> -> memref<80x128xf32, #tpu.memory_space<vmem_shared>>
        tpu.wait_dma2 semaphore(%run_scoped3A : memref<!tpu.dma_semaphore, #tpu.memory_space<semaphore_mem>>) src(%dma_wait3A_182 : memref<80x128xf32, #tpu.memory_space<vmem_shared>>) dst(%dma_wait3A_180 : memref<80x128xf32, #tpu.memory_space<vmem>>)
        tpu.yield
      }) : () -> ()
      %mul3A_158 = arith.constant 10000 : i32
      %mul3A_159 = arith.muli %arg0, %mul3A_158 : i32
      %mul3A_160 = arith.constant 80 : i32
      %mul3A_161 = arith.muli %add3A_101, %mul3A_160 : i32
      %add3A_162 = arith.addi %mul3A_159, %mul3A_161 : i32
      "tpu.region"() ({
        %run_scoped3A = tpu.sem_alloc : memref<!tpu.dma_semaphore, #tpu.memory_space<semaphore_mem>>
        %dma_start3A_163 = arith.constant 0 : i32
        %dma_start3A_164 = arith.constant 0 : i32
        %dma_start3A_165 = tpu.memref_slice %arg15[%dma_start3A_163, %dma_start3A_164] : memref<80x128xf32, #tpu.memory_space<vmem>> -> memref<80x128xf32, #tpu.memory_space<vmem>>
        %dma_start3A_166 = arith.constant 0 : i32
        %dma_start3A_167 = tpu.memref_slice %arg6[%add3A_162, %dma_start3A_166] : memref<20000x128xf32, #tpu.memory_space<hbm>> -> memref<80x128xf32, #tpu.memory_space<hbm>>
        %dma_start3A_168 = arith.constant 0 : i32
        %dma_start3A_169 = tpu.memref_slice %arg6[%add3A_162, %dma_start3A_168] : memref<20000x128xf32, #tpu.memory_space<hbm>> -> memref<80x128xf32, #tpu.memory_space<hbm>>
        %dma_start3A_170 = arith.constant 0 : i32
        %dma_start3A_171 = arith.constant 0 : i32
        %dma_start3A_172 = tpu.memref_slice %arg15[%dma_start3A_170, %dma_start3A_171] : memref<80x128xf32, #tpu.memory_space<vmem>> -> memref<80x128xf32, #tpu.memory_space<vmem>>
        tpu.enqueue_dma source(%dma_start3A_172 : memref<80x128xf32, #tpu.memory_space<vmem>>) target(%dma_start3A_169 : memref<80x128xf32, #tpu.memory_space<hbm>>) target_semaphore(%run_scoped3A : memref<!tpu.dma_semaphore, #tpu.memory_space<semaphore_mem>>)
        %dma_wait3A_173 = arith.constant 0 : i32
        %dma_wait3A_174 = arith.constant 0 : i32
        %dma_wait3A_175 = tpu.memref_slice %arg15[%dma_wait3A_173, %dma_wait3A_174] : memref<80x128xf32, #tpu.memory_space<vmem>> -> memref<80x128xf32, #tpu.memory_space<vmem>>
        %dma_wait3A_176 = arith.constant 0 : i32
        %dma_wait3A_177 = tpu.memref_slice %arg6[%add3A_162, %dma_wait3A_176] : memref<20000x128xf32, #tpu.memory_space<hbm>> -> memref<80x128xf32, #tpu.memory_space<hbm>>
        %dma_wait3A_178 = arith.constant 0 : i32
        %dma_wait3A_179 = tpu.memref_slice %arg6[%add3A_162, %dma_wait3A_178] : memref<20000x128xf32, #tpu.memory_space<hbm>> -> memref<80x128xf32, #tpu.memory_space<hbm>>
        %dma_wait3A_180 = arith.constant 0 : i32
        %dma_wait3A_181 = arith.constant 0 : i32
        %dma_wait3A_182 = tpu.memref_slice %arg15[%dma_wait3A_180, %dma_wait3A_181] : memref<80x128xf32, #tpu.memory_space<vmem>> -> memref<80x128xf32, #tpu.memory_space<vmem>>
        tpu.wait_dma2 semaphore(%run_scoped3A : memref<!tpu.dma_semaphore, #tpu.memory_space<semaphore_mem>>) src(%dma_wait3A_182 : memref<80x128xf32, #tpu.memory_space<vmem>>) dst(%dma_wait3A_179 : memref<80x128xf32, #tpu.memory_space<hbm>>)
        tpu.yield
      }) : () -> ()
    } else {
    }
    %add3A_107 = arith.constant 16 : i32
    %add3A_108 = arith.addi %arg1, %add3A_107 : i32
    %lt3A_109 = arith.constant 125 : i32
    %lt3A_110 = arith.cmpi slt, %add3A_108, %lt3A_109 : i32
    %convert_element_type3A_111 = arith.extui %lt3A_110 : i1 to i32
    %cond3A_112 = arith.constant 0 : i32
    %cond3A_113 = arith.cmpi ne, %convert_element_type3A_111, %cond3A_112 : i32
    scf.if %cond3A_113 {
      %mul3A_156 = arith.constant 80 : i32
      %mul3A_157 = arith.muli %add3A_108, %mul3A_156 : i32
      "tpu.region"() ({
        %run_scoped3A = tpu.sem_alloc : memref<!tpu.dma_semaphore, #tpu.memory_space<semaphore_mem>>
        %dma_start3A_163 = arith.constant 0 : i32
        %dma_start3A_164 = arith.constant 0 : i32
        %dma_start3A_165 = tpu.memref_slice %arg15[%dma_start3A_163, %dma_start3A_164] : memref<80x128xf32, #tpu.memory_space<vmem>> -> memref<80x128xf32, #tpu.memory_space<vmem>>
        %dma_start3A_166 = arith.constant 0 : i32
        %dma_start3A_167 = tpu.memref_slice %arg19[%mul3A_157, %dma_start3A_166] : memref<10000x128xf32, #tpu.memory_space<vmem_shared>> -> memref<80x128xf32, #tpu.memory_space<vmem_shared>>
        %dma_start3A_168 = arith.constant 0 : i32
        %dma_start3A_169 = arith.constant 0 : i32
        %dma_start3A_170 = tpu.memref_slice %arg15[%dma_start3A_168, %dma_start3A_169] : memref<80x128xf32, #tpu.memory_space<vmem>> -> memref<80x128xf32, #tpu.memory_space<vmem>>
        %dma_start3A_171 = arith.constant 0 : i32
        %dma_start3A_172 = tpu.memref_slice %arg19[%mul3A_157, %dma_start3A_171] : memref<10000x128xf32, #tpu.memory_space<vmem_shared>> -> memref<80x128xf32, #tpu.memory_space<vmem_shared>>
        tpu.enqueue_dma source(%dma_start3A_172 : memref<80x128xf32, #tpu.memory_space<vmem_shared>>) target(%dma_start3A_170 : memref<80x128xf32, #tpu.memory_space<vmem>>) target_semaphore(%run_scoped3A : memref<!tpu.dma_semaphore, #tpu.memory_space<semaphore_mem>>)
        %dma_wait3A_173 = arith.constant 0 : i32
        %dma_wait3A_174 = arith.constant 0 : i32
        %dma_wait3A_175 = tpu.memref_slice %arg15[%dma_wait3A_173, %dma_wait3A_174] : memref<80x128xf32, #tpu.memory_space<vmem>> -> memref<80x128xf32, #tpu.memory_space<vmem>>
        %dma_wait3A_176 = arith.constant 0 : i32
        %dma_wait3A_177 = tpu.memref_slice %arg19[%mul3A_157, %dma_wait3A_176] : memref<10000x128xf32, #tpu.memory_space<vmem_shared>> -> memref<80x128xf32, #tpu.memory_space<vmem_shared>>
        %dma_wait3A_178 = arith.constant 0 : i32
        %dma_wait3A_179 = arith.constant 0 : i32
        %dma_wait3A_180 = tpu.memref_slice %arg15[%dma_wait3A_178, %dma_wait3A_179] : memref<80x128xf32, #tpu.memory_space<vmem>> -> memref<80x128xf32, #tpu.memory_space<vmem>>
        %dma_wait3A_181 = arith.constant 0 : i32
        %dma_wait3A_182 = tpu.memref_slice %arg19[%mul3A_157, %dma_wait3A_181] : memref<10000x128xf32, #tpu.memory_space<vmem_shared>> -> memref<80x128xf32, #tpu.memory_space<vmem_shared>>
        tpu.wait_dma2 semaphore(%run_scoped3A : memref<!tpu.dma_semaphore, #tpu.memory_space<semaphore_mem>>) src(%dma_wait3A_182 : memref<80x128xf32, #tpu.memory_space<vmem_shared>>) dst(%dma_wait3A_180 : memref<80x128xf32, #tpu.memory_space<vmem>>)
        tpu.yield
      }) : () -> ()
      %mul3A_158 = arith.constant 10000 : i32
      %mul3A_159 = arith.muli %arg0, %mul3A_158 : i32
      %mul3A_160 = arith.constant 80 : i32
      %mul3A_161 = arith.muli %add3A_108, %mul3A_160 : i32
      %add3A_162 = arith.addi %mul3A_159, %mul3A_161 : i32
      "tpu.region"() ({
        %run_scoped3A = tpu.sem_alloc : memref<!tpu.dma_semaphore, #tpu.memory_space<semaphore_mem>>
        %dma_start3A_163 = arith.constant 0 : i32
        %dma_start3A_164 = arith.constant 0 : i32
        %dma_start3A_165 = tpu.memref_slice %arg15[%dma_start3A_163, %dma_start3A_164] : memref<80x128xf32, #tpu.memory_space<vmem>> -> memref<80x128xf32, #tpu.memory_space<vmem>>
        %dma_start3A_166 = arith.constant 0 : i32
        %dma_start3A_167 = tpu.memref_slice %arg6[%add3A_162, %dma_start3A_166] : memref<20000x128xf32, #tpu.memory_space<hbm>> -> memref<80x128xf32, #tpu.memory_space<hbm>>
        %dma_start3A_168 = arith.constant 0 : i32
        %dma_start3A_169 = tpu.memref_slice %arg6[%add3A_162, %dma_start3A_168] : memref<20000x128xf32, #tpu.memory_space<hbm>> -> memref<80x128xf32, #tpu.memory_space<hbm>>
        %dma_start3A_170 = arith.constant 0 : i32
        %dma_start3A_171 = arith.constant 0 : i32
        %dma_start3A_172 = tpu.memref_slice %arg15[%dma_start3A_170, %dma_start3A_171] : memref<80x128xf32, #tpu.memory_space<vmem>> -> memref<80x128xf32, #tpu.memory_space<vmem>>
        tpu.enqueue_dma source(%dma_start3A_172 : memref<80x128xf32, #tpu.memory_space<vmem>>) target(%dma_start3A_169 : memref<80x128xf32, #tpu.memory_space<hbm>>) target_semaphore(%run_scoped3A : memref<!tpu.dma_semaphore, #tpu.memory_space<semaphore_mem>>)
        %dma_wait3A_173 = arith.constant 0 : i32
        %dma_wait3A_174 = arith.constant 0 : i32
        %dma_wait3A_175 = tpu.memref_slice %arg15[%dma_wait3A_173, %dma_wait3A_174] : memref<80x128xf32, #tpu.memory_space<vmem>> -> memref<80x128xf32, #tpu.memory_space<vmem>>
        %dma_wait3A_176 = arith.constant 0 : i32
        %dma_wait3A_177 = tpu.memref_slice %arg6[%add3A_162, %dma_wait3A_176] : memref<20000x128xf32, #tpu.memory_space<hbm>> -> memref<80x128xf32, #tpu.memory_space<hbm>>
        %dma_wait3A_178 = arith.constant 0 : i32
        %dma_wait3A_179 = tpu.memref_slice %arg6[%add3A_162, %dma_wait3A_178] : memref<20000x128xf32, #tpu.memory_space<hbm>> -> memref<80x128xf32, #tpu.memory_space<hbm>>
        %dma_wait3A_180 = arith.constant 0 : i32
        %dma_wait3A_181 = arith.constant 0 : i32
        %dma_wait3A_182 = tpu.memref_slice %arg15[%dma_wait3A_180, %dma_wait3A_181] : memref<80x128xf32, #tpu.memory_space<vmem>> -> memref<80x128xf32, #tpu.memory_space<vmem>>
        tpu.wait_dma2 semaphore(%run_scoped3A : memref<!tpu.dma_semaphore, #tpu.memory_space<semaphore_mem>>) src(%dma_wait3A_182 : memref<80x128xf32, #tpu.memory_space<vmem>>) dst(%dma_wait3A_179 : memref<80x128xf32, #tpu.memory_space<hbm>>)
        tpu.yield
      }) : () -> ()
    } else {
    }
    %add3A_114 = arith.constant 32 : i32
    %add3A_115 = arith.addi %arg1, %add3A_114 : i32
    %lt3A_116 = arith.constant 125 : i32
    %lt3A_117 = arith.cmpi slt, %add3A_115, %lt3A_116 : i32
    %convert_element_type3A_118 = arith.extui %lt3A_117 : i1 to i32
    %cond3A_119 = arith.constant 0 : i32
    %cond3A_120 = arith.cmpi ne, %convert_element_type3A_118, %cond3A_119 : i32
    scf.if %cond3A_120 {
      %mul3A_156 = arith.constant 80 : i32
      %mul3A_157 = arith.muli %add3A_115, %mul3A_156 : i32
      "tpu.region"() ({
        %run_scoped3A = tpu.sem_alloc : memref<!tpu.dma_semaphore, #tpu.memory_space<semaphore_mem>>
        %dma_start3A_163 = arith.constant 0 : i32
        %dma_start3A_164 = arith.constant 0 : i32
        %dma_start3A_165 = tpu.memref_slice %arg15[%dma_start3A_163, %dma_start3A_164] : memref<80x128xf32, #tpu.memory_space<vmem>> -> memref<80x128xf32, #tpu.memory_space<vmem>>
        %dma_start3A_166 = arith.constant 0 : i32
        %dma_start3A_167 = tpu.memref_slice %arg19[%mul3A_157, %dma_start3A_166] : memref<10000x128xf32, #tpu.memory_space<vmem_shared>> -> memref<80x128xf32, #tpu.memory_space<vmem_shared>>
        %dma_start3A_168 = arith.constant 0 : i32
        %dma_start3A_169 = arith.constant 0 : i32
        %dma_start3A_170 = tpu.memref_slice %arg15[%dma_start3A_168, %dma_start3A_169] : memref<80x128xf32, #tpu.memory_space<vmem>> -> memref<80x128xf32, #tpu.memory_space<vmem>>
        %dma_start3A_171 = arith.constant 0 : i32
        %dma_start3A_172 = tpu.memref_slice %arg19[%mul3A_157, %dma_start3A_171] : memref<10000x128xf32, #tpu.memory_space<vmem_shared>> -> memref<80x128xf32, #tpu.memory_space<vmem_shared>>
        tpu.enqueue_dma source(%dma_start3A_172 : memref<80x128xf32, #tpu.memory_space<vmem_shared>>) target(%dma_start3A_170 : memref<80x128xf32, #tpu.memory_space<vmem>>) target_semaphore(%run_scoped3A : memref<!tpu.dma_semaphore, #tpu.memory_space<semaphore_mem>>)
        %dma_wait3A_173 = arith.constant 0 : i32
        %dma_wait3A_174 = arith.constant 0 : i32
        %dma_wait3A_175 = tpu.memref_slice %arg15[%dma_wait3A_173, %dma_wait3A_174] : memref<80x128xf32, #tpu.memory_space<vmem>> -> memref<80x128xf32, #tpu.memory_space<vmem>>
        %dma_wait3A_176 = arith.constant 0 : i32
        %dma_wait3A_177 = tpu.memref_slice %arg19[%mul3A_157, %dma_wait3A_176] : memref<10000x128xf32, #tpu.memory_space<vmem_shared>> -> memref<80x128xf32, #tpu.memory_space<vmem_shared>>
        %dma_wait3A_178 = arith.constant 0 : i32
        %dma_wait3A_179 = arith.constant 0 : i32
        %dma_wait3A_180 = tpu.memref_slice %arg15[%dma_wait3A_178, %dma_wait3A_179] : memref<80x128xf32, #tpu.memory_space<vmem>> -> memref<80x128xf32, #tpu.memory_space<vmem>>
        %dma_wait3A_181 = arith.constant 0 : i32
        %dma_wait3A_182 = tpu.memref_slice %arg19[%mul3A_157, %dma_wait3A_181] : memref<10000x128xf32, #tpu.memory_space<vmem_shared>> -> memref<80x128xf32, #tpu.memory_space<vmem_shared>>
        tpu.wait_dma2 semaphore(%run_scoped3A : memref<!tpu.dma_semaphore, #tpu.memory_space<semaphore_mem>>) src(%dma_wait3A_182 : memref<80x128xf32, #tpu.memory_space<vmem_shared>>) dst(%dma_wait3A_180 : memref<80x128xf32, #tpu.memory_space<vmem>>)
        tpu.yield
      }) : () -> ()
      %mul3A_158 = arith.constant 10000 : i32
      %mul3A_159 = arith.muli %arg0, %mul3A_158 : i32
      %mul3A_160 = arith.constant 80 : i32
      %mul3A_161 = arith.muli %add3A_115, %mul3A_160 : i32
      %add3A_162 = arith.addi %mul3A_159, %mul3A_161 : i32
      "tpu.region"() ({
        %run_scoped3A = tpu.sem_alloc : memref<!tpu.dma_semaphore, #tpu.memory_space<semaphore_mem>>
        %dma_start3A_163 = arith.constant 0 : i32
        %dma_start3A_164 = arith.constant 0 : i32
        %dma_start3A_165 = tpu.memref_slice %arg15[%dma_start3A_163, %dma_start3A_164] : memref<80x128xf32, #tpu.memory_space<vmem>> -> memref<80x128xf32, #tpu.memory_space<vmem>>
        %dma_start3A_166 = arith.constant 0 : i32
        %dma_start3A_167 = tpu.memref_slice %arg6[%add3A_162, %dma_start3A_166] : memref<20000x128xf32, #tpu.memory_space<hbm>> -> memref<80x128xf32, #tpu.memory_space<hbm>>
        %dma_start3A_168 = arith.constant 0 : i32
        %dma_start3A_169 = tpu.memref_slice %arg6[%add3A_162, %dma_start3A_168] : memref<20000x128xf32, #tpu.memory_space<hbm>> -> memref<80x128xf32, #tpu.memory_space<hbm>>
        %dma_start3A_170 = arith.constant 0 : i32
        %dma_start3A_171 = arith.constant 0 : i32
        %dma_start3A_172 = tpu.memref_slice %arg15[%dma_start3A_170, %dma_start3A_171] : memref<80x128xf32, #tpu.memory_space<vmem>> -> memref<80x128xf32, #tpu.memory_space<vmem>>
        tpu.enqueue_dma source(%dma_start3A_172 : memref<80x128xf32, #tpu.memory_space<vmem>>) target(%dma_start3A_169 : memref<80x128xf32, #tpu.memory_space<hbm>>) target_semaphore(%run_scoped3A : memref<!tpu.dma_semaphore, #tpu.memory_space<semaphore_mem>>)
        %dma_wait3A_173 = arith.constant 0 : i32
        %dma_wait3A_174 = arith.constant 0 : i32
        %dma_wait3A_175 = tpu.memref_slice %arg15[%dma_wait3A_173, %dma_wait3A_174] : memref<80x128xf32, #tpu.memory_space<vmem>> -> memref<80x128xf32, #tpu.memory_space<vmem>>
        %dma_wait3A_176 = arith.constant 0 : i32
        %dma_wait3A_177 = tpu.memref_slice %arg6[%add3A_162, %dma_wait3A_176] : memref<20000x128xf32, #tpu.memory_space<hbm>> -> memref<80x128xf32, #tpu.memory_space<hbm>>
        %dma_wait3A_178 = arith.constant 0 : i32
        %dma_wait3A_179 = tpu.memref_slice %arg6[%add3A_162, %dma_wait3A_178] : memref<20000x128xf32, #tpu.memory_space<hbm>> -> memref<80x128xf32, #tpu.memory_space<hbm>>
        %dma_wait3A_180 = arith.constant 0 : i32
        %dma_wait3A_181 = arith.constant 0 : i32
        %dma_wait3A_182 = tpu.memref_slice %arg15[%dma_wait3A_180, %dma_wait3A_181] : memref<80x128xf32, #tpu.memory_space<vmem>> -> memref<80x128xf32, #tpu.memory_space<vmem>>
        tpu.wait_dma2 semaphore(%run_scoped3A : memref<!tpu.dma_semaphore, #tpu.memory_space<semaphore_mem>>) src(%dma_wait3A_182 : memref<80x128xf32, #tpu.memory_space<vmem>>) dst(%dma_wait3A_179 : memref<80x128xf32, #tpu.memory_space<hbm>>)
        tpu.yield
      }) : () -> ()
    } else {
    }
    %add3A_121 = arith.constant 48 : i32
    %add3A_122 = arith.addi %arg1, %add3A_121 : i32
    %lt3A_123 = arith.constant 125 : i32
    %lt3A_124 = arith.cmpi slt, %add3A_122, %lt3A_123 : i32
    %convert_element_type3A_125 = arith.extui %lt3A_124 : i1 to i32
    %cond3A_126 = arith.constant 0 : i32
    %cond3A_127 = arith.cmpi ne, %convert_element_type3A_125, %cond3A_126 : i32
    scf.if %cond3A_127 {
      %mul3A_156 = arith.constant 80 : i32
      %mul3A_157 = arith.muli %add3A_122, %mul3A_156 : i32
      "tpu.region"() ({
        %run_scoped3A = tpu.sem_alloc : memref<!tpu.dma_semaphore, #tpu.memory_space<semaphore_mem>>
        %dma_start3A_163 = arith.constant 0 : i32
        %dma_start3A_164 = arith.constant 0 : i32
        %dma_start3A_165 = tpu.memref_slice %arg15[%dma_start3A_163, %dma_start3A_164] : memref<80x128xf32, #tpu.memory_space<vmem>> -> memref<80x128xf32, #tpu.memory_space<vmem>>
        %dma_start3A_166 = arith.constant 0 : i32
        %dma_start3A_167 = tpu.memref_slice %arg19[%mul3A_157, %dma_start3A_166] : memref<10000x128xf32, #tpu.memory_space<vmem_shared>> -> memref<80x128xf32, #tpu.memory_space<vmem_shared>>
        %dma_start3A_168 = arith.constant 0 : i32
        %dma_start3A_169 = arith.constant 0 : i32
        %dma_start3A_170 = tpu.memref_slice %arg15[%dma_start3A_168, %dma_start3A_169] : memref<80x128xf32, #tpu.memory_space<vmem>> -> memref<80x128xf32, #tpu.memory_space<vmem>>
        %dma_start3A_171 = arith.constant 0 : i32
        %dma_start3A_172 = tpu.memref_slice %arg19[%mul3A_157, %dma_start3A_171] : memref<10000x128xf32, #tpu.memory_space<vmem_shared>> -> memref<80x128xf32, #tpu.memory_space<vmem_shared>>
        tpu.enqueue_dma source(%dma_start3A_172 : memref<80x128xf32, #tpu.memory_space<vmem_shared>>) target(%dma_start3A_170 : memref<80x128xf32, #tpu.memory_space<vmem>>) target_semaphore(%run_scoped3A : memref<!tpu.dma_semaphore, #tpu.memory_space<semaphore_mem>>)
        %dma_wait3A_173 = arith.constant 0 : i32
        %dma_wait3A_174 = arith.constant 0 : i32
        %dma_wait3A_175 = tpu.memref_slice %arg15[%dma_wait3A_173, %dma_wait3A_174] : memref<80x128xf32, #tpu.memory_space<vmem>> -> memref<80x128xf32, #tpu.memory_space<vmem>>
        %dma_wait3A_176 = arith.constant 0 : i32
        %dma_wait3A_177 = tpu.memref_slice %arg19[%mul3A_157, %dma_wait3A_176] : memref<10000x128xf32, #tpu.memory_space<vmem_shared>> -> memref<80x128xf32, #tpu.memory_space<vmem_shared>>
        %dma_wait3A_178 = arith.constant 0 : i32
        %dma_wait3A_179 = arith.constant 0 : i32
        %dma_wait3A_180 = tpu.memref_slice %arg15[%dma_wait3A_178, %dma_wait3A_179] : memref<80x128xf32, #tpu.memory_space<vmem>> -> memref<80x128xf32, #tpu.memory_space<vmem>>
        %dma_wait3A_181 = arith.constant 0 : i32
        %dma_wait3A_182 = tpu.memref_slice %arg19[%mul3A_157, %dma_wait3A_181] : memref<10000x128xf32, #tpu.memory_space<vmem_shared>> -> memref<80x128xf32, #tpu.memory_space<vmem_shared>>
        tpu.wait_dma2 semaphore(%run_scoped3A : memref<!tpu.dma_semaphore, #tpu.memory_space<semaphore_mem>>) src(%dma_wait3A_182 : memref<80x128xf32, #tpu.memory_space<vmem_shared>>) dst(%dma_wait3A_180 : memref<80x128xf32, #tpu.memory_space<vmem>>)
        tpu.yield
      }) : () -> ()
      %mul3A_158 = arith.constant 10000 : i32
      %mul3A_159 = arith.muli %arg0, %mul3A_158 : i32
      %mul3A_160 = arith.constant 80 : i32
      %mul3A_161 = arith.muli %add3A_122, %mul3A_160 : i32
      %add3A_162 = arith.addi %mul3A_159, %mul3A_161 : i32
      "tpu.region"() ({
        %run_scoped3A = tpu.sem_alloc : memref<!tpu.dma_semaphore, #tpu.memory_space<semaphore_mem>>
        %dma_start3A_163 = arith.constant 0 : i32
        %dma_start3A_164 = arith.constant 0 : i32
        %dma_start3A_165 = tpu.memref_slice %arg15[%dma_start3A_163, %dma_start3A_164] : memref<80x128xf32, #tpu.memory_space<vmem>> -> memref<80x128xf32, #tpu.memory_space<vmem>>
        %dma_start3A_166 = arith.constant 0 : i32
        %dma_start3A_167 = tpu.memref_slice %arg6[%add3A_162, %dma_start3A_166] : memref<20000x128xf32, #tpu.memory_space<hbm>> -> memref<80x128xf32, #tpu.memory_space<hbm>>
        %dma_start3A_168 = arith.constant 0 : i32
        %dma_start3A_169 = tpu.memref_slice %arg6[%add3A_162, %dma_start3A_168] : memref<20000x128xf32, #tpu.memory_space<hbm>> -> memref<80x128xf32, #tpu.memory_space<hbm>>
        %dma_start3A_170 = arith.constant 0 : i32
        %dma_start3A_171 = arith.constant 0 : i32
        %dma_start3A_172 = tpu.memref_slice %arg15[%dma_start3A_170, %dma_start3A_171] : memref<80x128xf32, #tpu.memory_space<vmem>> -> memref<80x128xf32, #tpu.memory_space<vmem>>
        tpu.enqueue_dma source(%dma_start3A_172 : memref<80x128xf32, #tpu.memory_space<vmem>>) target(%dma_start3A_169 : memref<80x128xf32, #tpu.memory_space<hbm>>) target_semaphore(%run_scoped3A : memref<!tpu.dma_semaphore, #tpu.memory_space<semaphore_mem>>)
        %dma_wait3A_173 = arith.constant 0 : i32
        %dma_wait3A_174 = arith.constant 0 : i32
        %dma_wait3A_175 = tpu.memref_slice %arg15[%dma_wait3A_173, %dma_wait3A_174] : memref<80x128xf32, #tpu.memory_space<vmem>> -> memref<80x128xf32, #tpu.memory_space<vmem>>
        %dma_wait3A_176 = arith.constant 0 : i32
        %dma_wait3A_177 = tpu.memref_slice %arg6[%add3A_162, %dma_wait3A_176] : memref<20000x128xf32, #tpu.memory_space<hbm>> -> memref<80x128xf32, #tpu.memory_space<hbm>>
        %dma_wait3A_178 = arith.constant 0 : i32
        %dma_wait3A_179 = tpu.memref_slice %arg6[%add3A_162, %dma_wait3A_178] : memref<20000x128xf32, #tpu.memory_space<hbm>> -> memref<80x128xf32, #tpu.memory_space<hbm>>
        %dma_wait3A_180 = arith.constant 0 : i32
        %dma_wait3A_181 = arith.constant 0 : i32
        %dma_wait3A_182 = tpu.memref_slice %arg15[%dma_wait3A_180, %dma_wait3A_181] : memref<80x128xf32, #tpu.memory_space<vmem>> -> memref<80x128xf32, #tpu.memory_space<vmem>>
        tpu.wait_dma2 semaphore(%run_scoped3A : memref<!tpu.dma_semaphore, #tpu.memory_space<semaphore_mem>>) src(%dma_wait3A_182 : memref<80x128xf32, #tpu.memory_space<vmem>>) dst(%dma_wait3A_179 : memref<80x128xf32, #tpu.memory_space<hbm>>)
        tpu.yield
      }) : () -> ()
    } else {
    }
    %add3A_128 = arith.constant 64 : i32
    %add3A_129 = arith.addi %arg1, %add3A_128 : i32
    %lt3A_130 = arith.constant 125 : i32
    %lt3A_131 = arith.cmpi slt, %add3A_129, %lt3A_130 : i32
    %convert_element_type3A_132 = arith.extui %lt3A_131 : i1 to i32
    %cond3A_133 = arith.constant 0 : i32
    %cond3A_134 = arith.cmpi ne, %convert_element_type3A_132, %cond3A_133 : i32
    scf.if %cond3A_134 {
      %mul3A_156 = arith.constant 80 : i32
      %mul3A_157 = arith.muli %add3A_129, %mul3A_156 : i32
      "tpu.region"() ({
        %run_scoped3A = tpu.sem_alloc : memref<!tpu.dma_semaphore, #tpu.memory_space<semaphore_mem>>
        %dma_start3A_163 = arith.constant 0 : i32
        %dma_start3A_164 = arith.constant 0 : i32
        %dma_start3A_165 = tpu.memref_slice %arg15[%dma_start3A_163, %dma_start3A_164] : memref<80x128xf32, #tpu.memory_space<vmem>> -> memref<80x128xf32, #tpu.memory_space<vmem>>
        %dma_start3A_166 = arith.constant 0 : i32
        %dma_start3A_167 = tpu.memref_slice %arg19[%mul3A_157, %dma_start3A_166] : memref<10000x128xf32, #tpu.memory_space<vmem_shared>> -> memref<80x128xf32, #tpu.memory_space<vmem_shared>>
        %dma_start3A_168 = arith.constant 0 : i32
        %dma_start3A_169 = arith.constant 0 : i32
        %dma_start3A_170 = tpu.memref_slice %arg15[%dma_start3A_168, %dma_start3A_169] : memref<80x128xf32, #tpu.memory_space<vmem>> -> memref<80x128xf32, #tpu.memory_space<vmem>>
        %dma_start3A_171 = arith.constant 0 : i32
        %dma_start3A_172 = tpu.memref_slice %arg19[%mul3A_157, %dma_start3A_171] : memref<10000x128xf32, #tpu.memory_space<vmem_shared>> -> memref<80x128xf32, #tpu.memory_space<vmem_shared>>
        tpu.enqueue_dma source(%dma_start3A_172 : memref<80x128xf32, #tpu.memory_space<vmem_shared>>) target(%dma_start3A_170 : memref<80x128xf32, #tpu.memory_space<vmem>>) target_semaphore(%run_scoped3A : memref<!tpu.dma_semaphore, #tpu.memory_space<semaphore_mem>>)
        %dma_wait3A_173 = arith.constant 0 : i32
        %dma_wait3A_174 = arith.constant 0 : i32
        %dma_wait3A_175 = tpu.memref_slice %arg15[%dma_wait3A_173, %dma_wait3A_174] : memref<80x128xf32, #tpu.memory_space<vmem>> -> memref<80x128xf32, #tpu.memory_space<vmem>>
        %dma_wait3A_176 = arith.constant 0 : i32
        %dma_wait3A_177 = tpu.memref_slice %arg19[%mul3A_157, %dma_wait3A_176] : memref<10000x128xf32, #tpu.memory_space<vmem_shared>> -> memref<80x128xf32, #tpu.memory_space<vmem_shared>>
        %dma_wait3A_178 = arith.constant 0 : i32
        %dma_wait3A_179 = arith.constant 0 : i32
        %dma_wait3A_180 = tpu.memref_slice %arg15[%dma_wait3A_178, %dma_wait3A_179] : memref<80x128xf32, #tpu.memory_space<vmem>> -> memref<80x128xf32, #tpu.memory_space<vmem>>
        %dma_wait3A_181 = arith.constant 0 : i32
        %dma_wait3A_182 = tpu.memref_slice %arg19[%mul3A_157, %dma_wait3A_181] : memref<10000x128xf32, #tpu.memory_space<vmem_shared>> -> memref<80x128xf32, #tpu.memory_space<vmem_shared>>
        tpu.wait_dma2 semaphore(%run_scoped3A : memref<!tpu.dma_semaphore, #tpu.memory_space<semaphore_mem>>) src(%dma_wait3A_182 : memref<80x128xf32, #tpu.memory_space<vmem_shared>>) dst(%dma_wait3A_180 : memref<80x128xf32, #tpu.memory_space<vmem>>)
        tpu.yield
      }) : () -> ()
      %mul3A_158 = arith.constant 10000 : i32
      %mul3A_159 = arith.muli %arg0, %mul3A_158 : i32
      %mul3A_160 = arith.constant 80 : i32
      %mul3A_161 = arith.muli %add3A_129, %mul3A_160 : i32
      %add3A_162 = arith.addi %mul3A_159, %mul3A_161 : i32
      "tpu.region"() ({
        %run_scoped3A = tpu.sem_alloc : memref<!tpu.dma_semaphore, #tpu.memory_space<semaphore_mem>>
        %dma_start3A_163 = arith.constant 0 : i32
        %dma_start3A_164 = arith.constant 0 : i32
        %dma_start3A_165 = tpu.memref_slice %arg15[%dma_start3A_163, %dma_start3A_164] : memref<80x128xf32, #tpu.memory_space<vmem>> -> memref<80x128xf32, #tpu.memory_space<vmem>>
        %dma_start3A_166 = arith.constant 0 : i32
        %dma_start3A_167 = tpu.memref_slice %arg6[%add3A_162, %dma_start3A_166] : memref<20000x128xf32, #tpu.memory_space<hbm>> -> memref<80x128xf32, #tpu.memory_space<hbm>>
        %dma_start3A_168 = arith.constant 0 : i32
        %dma_start3A_169 = tpu.memref_slice %arg6[%add3A_162, %dma_start3A_168] : memref<20000x128xf32, #tpu.memory_space<hbm>> -> memref<80x128xf32, #tpu.memory_space<hbm>>
        %dma_start3A_170 = arith.constant 0 : i32
        %dma_start3A_171 = arith.constant 0 : i32
        %dma_start3A_172 = tpu.memref_slice %arg15[%dma_start3A_170, %dma_start3A_171] : memref<80x128xf32, #tpu.memory_space<vmem>> -> memref<80x128xf32, #tpu.memory_space<vmem>>
        tpu.enqueue_dma source(%dma_start3A_172 : memref<80x128xf32, #tpu.memory_space<vmem>>) target(%dma_start3A_169 : memref<80x128xf32, #tpu.memory_space<hbm>>) target_semaphore(%run_scoped3A : memref<!tpu.dma_semaphore, #tpu.memory_space<semaphore_mem>>)
        %dma_wait3A_173 = arith.constant 0 : i32
        %dma_wait3A_174 = arith.constant 0 : i32
        %dma_wait3A_175 = tpu.memref_slice %arg15[%dma_wait3A_173, %dma_wait3A_174] : memref<80x128xf32, #tpu.memory_space<vmem>> -> memref<80x128xf32, #tpu.memory_space<vmem>>
        %dma_wait3A_176 = arith.constant 0 : i32
        %dma_wait3A_177 = tpu.memref_slice %arg6[%add3A_162, %dma_wait3A_176] : memref<20000x128xf32, #tpu.memory_space<hbm>> -> memref<80x128xf32, #tpu.memory_space<hbm>>
        %dma_wait3A_178 = arith.constant 0 : i32
        %dma_wait3A_179 = tpu.memref_slice %arg6[%add3A_162, %dma_wait3A_178] : memref<20000x128xf32, #tpu.memory_space<hbm>> -> memref<80x128xf32, #tpu.memory_space<hbm>>
        %dma_wait3A_180 = arith.constant 0 : i32
        %dma_wait3A_181 = arith.constant 0 : i32
        %dma_wait3A_182 = tpu.memref_slice %arg15[%dma_wait3A_180, %dma_wait3A_181] : memref<80x128xf32, #tpu.memory_space<vmem>> -> memref<80x128xf32, #tpu.memory_space<vmem>>
        tpu.wait_dma2 semaphore(%run_scoped3A : memref<!tpu.dma_semaphore, #tpu.memory_space<semaphore_mem>>) src(%dma_wait3A_182 : memref<80x128xf32, #tpu.memory_space<vmem>>) dst(%dma_wait3A_179 : memref<80x128xf32, #tpu.memory_space<hbm>>)
        tpu.yield
      }) : () -> ()
    } else {
    }
    %add3A_135 = arith.constant 80 : i32
    %add3A_136 = arith.addi %arg1, %add3A_135 : i32
    %lt3A_137 = arith.constant 125 : i32
    %lt3A_138 = arith.cmpi slt, %add3A_136, %lt3A_137 : i32
    %convert_element_type3A_139 = arith.extui %lt3A_138 : i1 to i32
    %cond3A_140 = arith.constant 0 : i32
    %cond3A_141 = arith.cmpi ne, %convert_element_type3A_139, %cond3A_140 : i32
    scf.if %cond3A_141 {
      %mul3A_156 = arith.constant 80 : i32
      %mul3A_157 = arith.muli %add3A_136, %mul3A_156 : i32
      "tpu.region"() ({
        %run_scoped3A = tpu.sem_alloc : memref<!tpu.dma_semaphore, #tpu.memory_space<semaphore_mem>>
        %dma_start3A_163 = arith.constant 0 : i32
        %dma_start3A_164 = arith.constant 0 : i32
        %dma_start3A_165 = tpu.memref_slice %arg15[%dma_start3A_163, %dma_start3A_164] : memref<80x128xf32, #tpu.memory_space<vmem>> -> memref<80x128xf32, #tpu.memory_space<vmem>>
        %dma_start3A_166 = arith.constant 0 : i32
        %dma_start3A_167 = tpu.memref_slice %arg19[%mul3A_157, %dma_start3A_166] : memref<10000x128xf32, #tpu.memory_space<vmem_shared>> -> memref<80x128xf32, #tpu.memory_space<vmem_shared>>
        %dma_start3A_168 = arith.constant 0 : i32
        %dma_start3A_169 = arith.constant 0 : i32
        %dma_start3A_170 = tpu.memref_slice %arg15[%dma_start3A_168, %dma_start3A_169] : memref<80x128xf32, #tpu.memory_space<vmem>> -> memref<80x128xf32, #tpu.memory_space<vmem>>
        %dma_start3A_171 = arith.constant 0 : i32
        %dma_start3A_172 = tpu.memref_slice %arg19[%mul3A_157, %dma_start3A_171] : memref<10000x128xf32, #tpu.memory_space<vmem_shared>> -> memref<80x128xf32, #tpu.memory_space<vmem_shared>>
        tpu.enqueue_dma source(%dma_start3A_172 : memref<80x128xf32, #tpu.memory_space<vmem_shared>>) target(%dma_start3A_170 : memref<80x128xf32, #tpu.memory_space<vmem>>) target_semaphore(%run_scoped3A : memref<!tpu.dma_semaphore, #tpu.memory_space<semaphore_mem>>)
        %dma_wait3A_173 = arith.constant 0 : i32
        %dma_wait3A_174 = arith.constant 0 : i32
        %dma_wait3A_175 = tpu.memref_slice %arg15[%dma_wait3A_173, %dma_wait3A_174] : memref<80x128xf32, #tpu.memory_space<vmem>> -> memref<80x128xf32, #tpu.memory_space<vmem>>
        %dma_wait3A_176 = arith.constant 0 : i32
        %dma_wait3A_177 = tpu.memref_slice %arg19[%mul3A_157, %dma_wait3A_176] : memref<10000x128xf32, #tpu.memory_space<vmem_shared>> -> memref<80x128xf32, #tpu.memory_space<vmem_shared>>
        %dma_wait3A_178 = arith.constant 0 : i32
        %dma_wait3A_179 = arith.constant 0 : i32
        %dma_wait3A_180 = tpu.memref_slice %arg15[%dma_wait3A_178, %dma_wait3A_179] : memref<80x128xf32, #tpu.memory_space<vmem>> -> memref<80x128xf32, #tpu.memory_space<vmem>>
        %dma_wait3A_181 = arith.constant 0 : i32
        %dma_wait3A_182 = tpu.memref_slice %arg19[%mul3A_157, %dma_wait3A_181] : memref<10000x128xf32, #tpu.memory_space<vmem_shared>> -> memref<80x128xf32, #tpu.memory_space<vmem_shared>>
        tpu.wait_dma2 semaphore(%run_scoped3A : memref<!tpu.dma_semaphore, #tpu.memory_space<semaphore_mem>>) src(%dma_wait3A_182 : memref<80x128xf32, #tpu.memory_space<vmem_shared>>) dst(%dma_wait3A_180 : memref<80x128xf32, #tpu.memory_space<vmem>>)
        tpu.yield
      }) : () -> ()
      %mul3A_158 = arith.constant 10000 : i32
      %mul3A_159 = arith.muli %arg0, %mul3A_158 : i32
      %mul3A_160 = arith.constant 80 : i32
      %mul3A_161 = arith.muli %add3A_136, %mul3A_160 : i32
      %add3A_162 = arith.addi %mul3A_159, %mul3A_161 : i32
      "tpu.region"() ({
        %run_scoped3A = tpu.sem_alloc : memref<!tpu.dma_semaphore, #tpu.memory_space<semaphore_mem>>
        %dma_start3A_163 = arith.constant 0 : i32
        %dma_start3A_164 = arith.constant 0 : i32
        %dma_start3A_165 = tpu.memref_slice %arg15[%dma_start3A_163, %dma_start3A_164] : memref<80x128xf32, #tpu.memory_space<vmem>> -> memref<80x128xf32, #tpu.memory_space<vmem>>
        %dma_start3A_166 = arith.constant 0 : i32
        %dma_start3A_167 = tpu.memref_slice %arg6[%add3A_162, %dma_start3A_166] : memref<20000x128xf32, #tpu.memory_space<hbm>> -> memref<80x128xf32, #tpu.memory_space<hbm>>
        %dma_start3A_168 = arith.constant 0 : i32
        %dma_start3A_169 = tpu.memref_slice %arg6[%add3A_162, %dma_start3A_168] : memref<20000x128xf32, #tpu.memory_space<hbm>> -> memref<80x128xf32, #tpu.memory_space<hbm>>
        %dma_start3A_170 = arith.constant 0 : i32
        %dma_start3A_171 = arith.constant 0 : i32
        %dma_start3A_172 = tpu.memref_slice %arg15[%dma_start3A_170, %dma_start3A_171] : memref<80x128xf32, #tpu.memory_space<vmem>> -> memref<80x128xf32, #tpu.memory_space<vmem>>
        tpu.enqueue_dma source(%dma_start3A_172 : memref<80x128xf32, #tpu.memory_space<vmem>>) target(%dma_start3A_169 : memref<80x128xf32, #tpu.memory_space<hbm>>) target_semaphore(%run_scoped3A : memref<!tpu.dma_semaphore, #tpu.memory_space<semaphore_mem>>)
        %dma_wait3A_173 = arith.constant 0 : i32
        %dma_wait3A_174 = arith.constant 0 : i32
        %dma_wait3A_175 = tpu.memref_slice %arg15[%dma_wait3A_173, %dma_wait3A_174] : memref<80x128xf32, #tpu.memory_space<vmem>> -> memref<80x128xf32, #tpu.memory_space<vmem>>
        %dma_wait3A_176 = arith.constant 0 : i32
        %dma_wait3A_177 = tpu.memref_slice %arg6[%add3A_162, %dma_wait3A_176] : memref<20000x128xf32, #tpu.memory_space<hbm>> -> memref<80x128xf32, #tpu.memory_space<hbm>>
        %dma_wait3A_178 = arith.constant 0 : i32
        %dma_wait3A_179 = tpu.memref_slice %arg6[%add3A_162, %dma_wait3A_178] : memref<20000x128xf32, #tpu.memory_space<hbm>> -> memref<80x128xf32, #tpu.memory_space<hbm>>
        %dma_wait3A_180 = arith.constant 0 : i32
        %dma_wait3A_181 = arith.constant 0 : i32
        %dma_wait3A_182 = tpu.memref_slice %arg15[%dma_wait3A_180, %dma_wait3A_181] : memref<80x128xf32, #tpu.memory_space<vmem>> -> memref<80x128xf32, #tpu.memory_space<vmem>>
        tpu.wait_dma2 semaphore(%run_scoped3A : memref<!tpu.dma_semaphore, #tpu.memory_space<semaphore_mem>>) src(%dma_wait3A_182 : memref<80x128xf32, #tpu.memory_space<vmem>>) dst(%dma_wait3A_179 : memref<80x128xf32, #tpu.memory_space<hbm>>)
        tpu.yield
      }) : () -> ()
    } else {
    }
    %add3A_142 = arith.constant 96 : i32
    %add3A_143 = arith.addi %arg1, %add3A_142 : i32
    %lt3A_144 = arith.constant 125 : i32
    %lt3A_145 = arith.cmpi slt, %add3A_143, %lt3A_144 : i32
    %convert_element_type3A_146 = arith.extui %lt3A_145 : i1 to i32
    %cond3A_147 = arith.constant 0 : i32
    %cond3A_148 = arith.cmpi ne, %convert_element_type3A_146, %cond3A_147 : i32
    scf.if %cond3A_148 {
      %mul3A_156 = arith.constant 80 : i32
      %mul3A_157 = arith.muli %add3A_143, %mul3A_156 : i32
      "tpu.region"() ({
        %run_scoped3A = tpu.sem_alloc : memref<!tpu.dma_semaphore, #tpu.memory_space<semaphore_mem>>
        %dma_start3A_163 = arith.constant 0 : i32
        %dma_start3A_164 = arith.constant 0 : i32
        %dma_start3A_165 = tpu.memref_slice %arg15[%dma_start3A_163, %dma_start3A_164] : memref<80x128xf32, #tpu.memory_space<vmem>> -> memref<80x128xf32, #tpu.memory_space<vmem>>
        %dma_start3A_166 = arith.constant 0 : i32
        %dma_start3A_167 = tpu.memref_slice %arg19[%mul3A_157, %dma_start3A_166] : memref<10000x128xf32, #tpu.memory_space<vmem_shared>> -> memref<80x128xf32, #tpu.memory_space<vmem_shared>>
        %dma_start3A_168 = arith.constant 0 : i32
        %dma_start3A_169 = arith.constant 0 : i32
        %dma_start3A_170 = tpu.memref_slice %arg15[%dma_start3A_168, %dma_start3A_169] : memref<80x128xf32, #tpu.memory_space<vmem>> -> memref<80x128xf32, #tpu.memory_space<vmem>>
        %dma_start3A_171 = arith.constant 0 : i32
        %dma_start3A_172 = tpu.memref_slice %arg19[%mul3A_157, %dma_start3A_171] : memref<10000x128xf32, #tpu.memory_space<vmem_shared>> -> memref<80x128xf32, #tpu.memory_space<vmem_shared>>
        tpu.enqueue_dma source(%dma_start3A_172 : memref<80x128xf32, #tpu.memory_space<vmem_shared>>) target(%dma_start3A_170 : memref<80x128xf32, #tpu.memory_space<vmem>>) target_semaphore(%run_scoped3A : memref<!tpu.dma_semaphore, #tpu.memory_space<semaphore_mem>>)
        %dma_wait3A_173 = arith.constant 0 : i32
        %dma_wait3A_174 = arith.constant 0 : i32
        %dma_wait3A_175 = tpu.memref_slice %arg15[%dma_wait3A_173, %dma_wait3A_174] : memref<80x128xf32, #tpu.memory_space<vmem>> -> memref<80x128xf32, #tpu.memory_space<vmem>>
        %dma_wait3A_176 = arith.constant 0 : i32
        %dma_wait3A_177 = tpu.memref_slice %arg19[%mul3A_157, %dma_wait3A_176] : memref<10000x128xf32, #tpu.memory_space<vmem_shared>> -> memref<80x128xf32, #tpu.memory_space<vmem_shared>>
        %dma_wait3A_178 = arith.constant 0 : i32
        %dma_wait3A_179 = arith.constant 0 : i32
        %dma_wait3A_180 = tpu.memref_slice %arg15[%dma_wait3A_178, %dma_wait3A_179] : memref<80x128xf32, #tpu.memory_space<vmem>> -> memref<80x128xf32, #tpu.memory_space<vmem>>
        %dma_wait3A_181 = arith.constant 0 : i32
        %dma_wait3A_182 = tpu.memref_slice %arg19[%mul3A_157, %dma_wait3A_181] : memref<10000x128xf32, #tpu.memory_space<vmem_shared>> -> memref<80x128xf32, #tpu.memory_space<vmem_shared>>
        tpu.wait_dma2 semaphore(%run_scoped3A : memref<!tpu.dma_semaphore, #tpu.memory_space<semaphore_mem>>) src(%dma_wait3A_182 : memref<80x128xf32, #tpu.memory_space<vmem_shared>>) dst(%dma_wait3A_180 : memref<80x128xf32, #tpu.memory_space<vmem>>)
        tpu.yield
      }) : () -> ()
      %mul3A_158 = arith.constant 10000 : i32
      %mul3A_159 = arith.muli %arg0, %mul3A_158 : i32
      %mul3A_160 = arith.constant 80 : i32
      %mul3A_161 = arith.muli %add3A_143, %mul3A_160 : i32
      %add3A_162 = arith.addi %mul3A_159, %mul3A_161 : i32
      "tpu.region"() ({
        %run_scoped3A = tpu.sem_alloc : memref<!tpu.dma_semaphore, #tpu.memory_space<semaphore_mem>>
        %dma_start3A_163 = arith.constant 0 : i32
        %dma_start3A_164 = arith.constant 0 : i32
        %dma_start3A_165 = tpu.memref_slice %arg15[%dma_start3A_163, %dma_start3A_164] : memref<80x128xf32, #tpu.memory_space<vmem>> -> memref<80x128xf32, #tpu.memory_space<vmem>>
        %dma_start3A_166 = arith.constant 0 : i32
        %dma_start3A_167 = tpu.memref_slice %arg6[%add3A_162, %dma_start3A_166] : memref<20000x128xf32, #tpu.memory_space<hbm>> -> memref<80x128xf32, #tpu.memory_space<hbm>>
        %dma_start3A_168 = arith.constant 0 : i32
        %dma_start3A_169 = tpu.memref_slice %arg6[%add3A_162, %dma_start3A_168] : memref<20000x128xf32, #tpu.memory_space<hbm>> -> memref<80x128xf32, #tpu.memory_space<hbm>>
        %dma_start3A_170 = arith.constant 0 : i32
        %dma_start3A_171 = arith.constant 0 : i32
        %dma_start3A_172 = tpu.memref_slice %arg15[%dma_start3A_170, %dma_start3A_171] : memref<80x128xf32, #tpu.memory_space<vmem>> -> memref<80x128xf32, #tpu.memory_space<vmem>>
        tpu.enqueue_dma source(%dma_start3A_172 : memref<80x128xf32, #tpu.memory_space<vmem>>) target(%dma_start3A_169 : memref<80x128xf32, #tpu.memory_space<hbm>>) target_semaphore(%run_scoped3A : memref<!tpu.dma_semaphore, #tpu.memory_space<semaphore_mem>>)
        %dma_wait3A_173 = arith.constant 0 : i32
        %dma_wait3A_174 = arith.constant 0 : i32
        %dma_wait3A_175 = tpu.memref_slice %arg15[%dma_wait3A_173, %dma_wait3A_174] : memref<80x128xf32, #tpu.memory_space<vmem>> -> memref<80x128xf32, #tpu.memory_space<vmem>>
        %dma_wait3A_176 = arith.constant 0 : i32
        %dma_wait3A_177 = tpu.memref_slice %arg6[%add3A_162, %dma_wait3A_176] : memref<20000x128xf32, #tpu.memory_space<hbm>> -> memref<80x128xf32, #tpu.memory_space<hbm>>
        %dma_wait3A_178 = arith.constant 0 : i32
        %dma_wait3A_179 = tpu.memref_slice %arg6[%add3A_162, %dma_wait3A_178] : memref<20000x128xf32, #tpu.memory_space<hbm>> -> memref<80x128xf32, #tpu.memory_space<hbm>>
        %dma_wait3A_180 = arith.constant 0 : i32
        %dma_wait3A_181 = arith.constant 0 : i32
        %dma_wait3A_182 = tpu.memref_slice %arg15[%dma_wait3A_180, %dma_wait3A_181] : memref<80x128xf32, #tpu.memory_space<vmem>> -> memref<80x128xf32, #tpu.memory_space<vmem>>
        tpu.wait_dma2 semaphore(%run_scoped3A : memref<!tpu.dma_semaphore, #tpu.memory_space<semaphore_mem>>) src(%dma_wait3A_182 : memref<80x128xf32, #tpu.memory_space<vmem>>) dst(%dma_wait3A_179 : memref<80x128xf32, #tpu.memory_space<hbm>>)
        tpu.yield
      }) : () -> ()
    } else {
    }
    %add3A_149 = arith.constant 112 : i32
    %add3A_150 = arith.addi %arg1, %add3A_149 : i32
    %lt3A_151 = arith.constant 125 : i32
    %lt3A_152 = arith.cmpi slt, %add3A_150, %lt3A_151 : i32
    %convert_element_type3A_153 = arith.extui %lt3A_152 : i1 to i32
    %cond3A_154 = arith.constant 0 : i32
    %cond3A_155 = arith.cmpi ne, %convert_element_type3A_153, %cond3A_154 : i32
    scf.if %cond3A_155 {
      %mul3A_156 = arith.constant 80 : i32
      %mul3A_157 = arith.muli %add3A_150, %mul3A_156 : i32
      "tpu.region"() ({
        %run_scoped3A = tpu.sem_alloc : memref<!tpu.dma_semaphore, #tpu.memory_space<semaphore_mem>>
        %dma_start3A_163 = arith.constant 0 : i32
        %dma_start3A_164 = arith.constant 0 : i32
        %dma_start3A_165 = tpu.memref_slice %arg15[%dma_start3A_163, %dma_start3A_164] : memref<80x128xf32, #tpu.memory_space<vmem>> -> memref<80x128xf32, #tpu.memory_space<vmem>>
        %dma_start3A_166 = arith.constant 0 : i32
        %dma_start3A_167 = tpu.memref_slice %arg19[%mul3A_157, %dma_start3A_166] : memref<10000x128xf32, #tpu.memory_space<vmem_shared>> -> memref<80x128xf32, #tpu.memory_space<vmem_shared>>
        %dma_start3A_168 = arith.constant 0 : i32
        %dma_start3A_169 = arith.constant 0 : i32
        %dma_start3A_170 = tpu.memref_slice %arg15[%dma_start3A_168, %dma_start3A_169] : memref<80x128xf32, #tpu.memory_space<vmem>> -> memref<80x128xf32, #tpu.memory_space<vmem>>
        %dma_start3A_171 = arith.constant 0 : i32
        %dma_start3A_172 = tpu.memref_slice %arg19[%mul3A_157, %dma_start3A_171] : memref<10000x128xf32, #tpu.memory_space<vmem_shared>> -> memref<80x128xf32, #tpu.memory_space<vmem_shared>>
        tpu.enqueue_dma source(%dma_start3A_172 : memref<80x128xf32, #tpu.memory_space<vmem_shared>>) target(%dma_start3A_170 : memref<80x128xf32, #tpu.memory_space<vmem>>) target_semaphore(%run_scoped3A : memref<!tpu.dma_semaphore, #tpu.memory_space<semaphore_mem>>)
        %dma_wait3A_173 = arith.constant 0 : i32
        %dma_wait3A_174 = arith.constant 0 : i32
        %dma_wait3A_175 = tpu.memref_slice %arg15[%dma_wait3A_173, %dma_wait3A_174] : memref<80x128xf32, #tpu.memory_space<vmem>> -> memref<80x128xf32, #tpu.memory_space<vmem>>
        %dma_wait3A_176 = arith.constant 0 : i32
        %dma_wait3A_177 = tpu.memref_slice %arg19[%mul3A_157, %dma_wait3A_176] : memref<10000x128xf32, #tpu.memory_space<vmem_shared>> -> memref<80x128xf32, #tpu.memory_space<vmem_shared>>
        %dma_wait3A_178 = arith.constant 0 : i32
        %dma_wait3A_179 = arith.constant 0 : i32
        %dma_wait3A_180 = tpu.memref_slice %arg15[%dma_wait3A_178, %dma_wait3A_179] : memref<80x128xf32, #tpu.memory_space<vmem>> -> memref<80x128xf32, #tpu.memory_space<vmem>>
        %dma_wait3A_181 = arith.constant 0 : i32
        %dma_wait3A_182 = tpu.memref_slice %arg19[%mul3A_157, %dma_wait3A_181] : memref<10000x128xf32, #tpu.memory_space<vmem_shared>> -> memref<80x128xf32, #tpu.memory_space<vmem_shared>>
        tpu.wait_dma2 semaphore(%run_scoped3A : memref<!tpu.dma_semaphore, #tpu.memory_space<semaphore_mem>>) src(%dma_wait3A_182 : memref<80x128xf32, #tpu.memory_space<vmem_shared>>) dst(%dma_wait3A_180 : memref<80x128xf32, #tpu.memory_space<vmem>>)
        tpu.yield
      }) : () -> ()
      %mul3A_158 = arith.constant 10000 : i32
      %mul3A_159 = arith.muli %arg0, %mul3A_158 : i32
      %mul3A_160 = arith.constant 80 : i32
      %mul3A_161 = arith.muli %add3A_150, %mul3A_160 : i32
      %add3A_162 = arith.addi %mul3A_159, %mul3A_161 : i32
      "tpu.region"() ({
        %run_scoped3A = tpu.sem_alloc : memref<!tpu.dma_semaphore, #tpu.memory_space<semaphore_mem>>
        %dma_start3A_163 = arith.constant 0 : i32
        %dma_start3A_164 = arith.constant 0 : i32
        %dma_start3A_165 = tpu.memref_slice %arg15[%dma_start3A_163, %dma_start3A_164] : memref<80x128xf32, #tpu.memory_space<vmem>> -> memref<80x128xf32, #tpu.memory_space<vmem>>
        %dma_start3A_166 = arith.constant 0 : i32
        %dma_start3A_167 = tpu.memref_slice %arg6[%add3A_162, %dma_start3A_166] : memref<20000x128xf32, #tpu.memory_space<hbm>> -> memref<80x128xf32, #tpu.memory_space<hbm>>
        %dma_start3A_168 = arith.constant 0 : i32
        %dma_start3A_169 = tpu.memref_slice %arg6[%add3A_162, %dma_start3A_168] : memref<20000x128xf32, #tpu.memory_space<hbm>> -> memref<80x128xf32, #tpu.memory_space<hbm>>
        %dma_start3A_170 = arith.constant 0 : i32
        %dma_start3A_171 = arith.constant 0 : i32
        %dma_start3A_172 = tpu.memref_slice %arg15[%dma_start3A_170, %dma_start3A_171] : memref<80x128xf32, #tpu.memory_space<vmem>> -> memref<80x128xf32, #tpu.memory_space<vmem>>
        tpu.enqueue_dma source(%dma_start3A_172 : memref<80x128xf32, #tpu.memory_space<vmem>>) target(%dma_start3A_169 : memref<80x128xf32, #tpu.memory_space<hbm>>) target_semaphore(%run_scoped3A : memref<!tpu.dma_semaphore, #tpu.memory_space<semaphore_mem>>)
        %dma_wait3A_173 = arith.constant 0 : i32
        %dma_wait3A_174 = arith.constant 0 : i32
        %dma_wait3A_175 = tpu.memref_slice %arg15[%dma_wait3A_173, %dma_wait3A_174] : memref<80x128xf32, #tpu.memory_space<vmem>> -> memref<80x128xf32, #tpu.memory_space<vmem>>
        %dma_wait3A_176 = arith.constant 0 : i32
        %dma_wait3A_177 = tpu.memref_slice %arg6[%add3A_162, %dma_wait3A_176] : memref<20000x128xf32, #tpu.memory_space<hbm>> -> memref<80x128xf32, #tpu.memory_space<hbm>>
        %dma_wait3A_178 = arith.constant 0 : i32
        %dma_wait3A_179 = tpu.memref_slice %arg6[%add3A_162, %dma_wait3A_178] : memref<20000x128xf32, #tpu.memory_space<hbm>> -> memref<80x128xf32, #tpu.memory_space<hbm>>
        %dma_wait3A_180 = arith.constant 0 : i32
        %dma_wait3A_181 = arith.constant 0 : i32
        %dma_wait3A_182 = tpu.memref_slice %arg15[%dma_wait3A_180, %dma_wait3A_181] : memref<80x128xf32, #tpu.memory_space<vmem>> -> memref<80x128xf32, #tpu.memory_space<vmem>>
        tpu.wait_dma2 semaphore(%run_scoped3A : memref<!tpu.dma_semaphore, #tpu.memory_space<semaphore_mem>>) src(%dma_wait3A_182 : memref<80x128xf32, #tpu.memory_space<vmem>>) dst(%dma_wait3A_179 : memref<80x128xf32, #tpu.memory_space<hbm>>)
        tpu.yield
      }) : () -> ()
    } else {
    }
    return
  }
}

#map = affine_map<(d0, d1) -> (0)>
#map1 = affine_map<(d0, d1) -> (0, 0)>
module attributes {stable_mosaic.version = 14 : i64} {
  func.func @_deg_body(%arg0: i32, %arg1: i32, %arg2: memref<160000xi32, #tpu.memory_space<hbm>>, %arg3: memref<40x128xf32, #tpu.memory_space<hbm>>, %arg4: memref<40x128xf32, #tpu.memory_space<hbm>>, %arg5: memref<20000x128xf32, #tpu.memory_space<hbm>>, %arg6: memref<40xi32, #tpu.memory_space<vmem>>, %arg7: memref<40xi32, #tpu.memory_space<vmem>>, %arg8: memref<40xi32, #tpu.memory_space<vmem>>, %arg9: memref<40xi32, #tpu.memory_space<vmem>>, %arg10: memref<40x128xf32, #tpu.memory_space<vmem>>, %arg11: memref<40x128xf32, #tpu.memory_space<vmem>>, %arg12: memref<10000x128xf32, #tpu.memory_space<vmem_shared>>, %arg13: memref<!tpu.dma_semaphore, #tpu.memory_space<semaphore_mem>>, %arg14: memref<!tpu.dma_semaphore, #tpu.memory_space<semaphore_mem>>, %arg15: memref<!tpu.dma_semaphore, #tpu.memory_space<semaphore_mem>>, %arg16: memref<!tpu.dma_semaphore, #tpu.memory_space<semaphore_mem>>, %arg17: memref<!tpu.dma_semaphore, #tpu.memory_space<semaphore_mem>>, %arg18: memref<!tpu.dma_semaphore, #tpu.memory_space<semaphore_mem>>, %arg19: memref<!tpu.dma_semaphore, #tpu.memory_space<semaphore_mem>>, %arg20: memref<!tpu.dma_semaphore, #tpu.memory_space<semaphore_mem>>) attributes {dimension_semantics = [#tpu.dimension_semantics<core_parallel>, #tpu.dimension_semantics<subcore_parallel>], iteration_bounds = array<i64: 2, 16>, scalar_prefetch = 0 : i64, scratch_operands = 15 : i64, tpu.core_type = #tpu.core_type<sc_vector_subcore>, window_params = [{transform_indices = #map}, {transform_indices = #map1}, {transform_indices = #map1}, {transform_indices = #map1}]} {
    "tpu.region"() ({
      %run_scoped3A = tpu.sem_alloc : memref<!tpu.dma_semaphore, #tpu.memory_space<semaphore_mem>>
      tpu.enqueue_dma source(%arg4 : memref<40x128xf32, #tpu.memory_space<hbm>>) target(%arg11 : memref<40x128xf32, #tpu.memory_space<vmem>>) target_semaphore(%run_scoped3A : memref<!tpu.dma_semaphore, #tpu.memory_space<semaphore_mem>>)
      tpu.wait_dma2 semaphore(%run_scoped3A : memref<!tpu.dma_semaphore, #tpu.memory_space<semaphore_mem>>) src(%arg4 : memref<40x128xf32, #tpu.memory_space<hbm>>) dst(%arg11 : memref<40x128xf32, #tpu.memory_space<vmem>>)
      tpu.yield
    }) : () -> ()
    %add3A = arith.constant 0 : i32
    %add3A_0 = arith.addi %arg1, %add3A : i32
    %lt3A = arith.constant 250 : i32
    %lt3A_1 = arith.cmpi slt, %add3A_0, %lt3A : i32
    %convert_element_type3A = arith.extui %lt3A_1 : i1 to i32
    %cond3A = arith.constant 0 : i32
    %cond3A_2 = arith.cmpi ne, %convert_element_type3A, %cond3A : i32
    scf.if %cond3A_2 {
      %mul3A_250 = arith.constant 40 : i32
      %mul3A_251 = arith.muli %add3A_0, %mul3A_250 : i32
      "tpu.region"() ({
        %run_scoped3A = tpu.sem_alloc : memref<!tpu.dma_semaphore, #tpu.memory_space<semaphore_mem>>
        %dma_start3A_252 = arith.constant 0 : i32
        %dma_start3A_253 = tpu.memref_slice %arg12[%mul3A_251, %dma_start3A_252] : memref<10000x128xf32, #tpu.memory_space<vmem_shared>> -> memref<40x128xf32, #tpu.memory_space<vmem_shared>>
        %dma_start3A_254 = arith.constant 0 : i32
        %dma_start3A_255 = tpu.memref_slice %arg12[%mul3A_251, %dma_start3A_254] : memref<10000x128xf32, #tpu.memory_space<vmem_shared>> -> memref<40x128xf32, #tpu.memory_space<vmem_shared>>
        tpu.enqueue_dma source(%arg11 : memref<40x128xf32, #tpu.memory_space<vmem>>) target(%dma_start3A_255 : memref<40x128xf32, #tpu.memory_space<vmem_shared>>) target_semaphore(%run_scoped3A : memref<!tpu.dma_semaphore, #tpu.memory_space<semaphore_mem>>)
        %dma_wait3A_256 = arith.constant 0 : i32
        %dma_wait3A_257 = tpu.memref_slice %arg12[%mul3A_251, %dma_wait3A_256] : memref<10000x128xf32, #tpu.memory_space<vmem_shared>> -> memref<40x128xf32, #tpu.memory_space<vmem_shared>>
        %dma_wait3A_258 = arith.constant 0 : i32
        %dma_wait3A_259 = tpu.memref_slice %arg12[%mul3A_251, %dma_wait3A_258] : memref<10000x128xf32, #tpu.memory_space<vmem_shared>> -> memref<40x128xf32, #tpu.memory_space<vmem_shared>>
        tpu.wait_dma2 semaphore(%run_scoped3A : memref<!tpu.dma_semaphore, #tpu.memory_space<semaphore_mem>>) src(%arg11 : memref<40x128xf32, #tpu.memory_space<vmem>>) dst(%dma_wait3A_259 : memref<40x128xf32, #tpu.memory_space<vmem_shared>>)
        tpu.yield
      }) : () -> ()
    } else {
    }
    %add3A_3 = arith.constant 16 : i32
    %add3A_4 = arith.addi %arg1, %add3A_3 : i32
    %lt3A_5 = arith.constant 250 : i32
    %lt3A_6 = arith.cmpi slt, %add3A_4, %lt3A_5 : i32
    %convert_element_type3A_7 = arith.extui %lt3A_6 : i1 to i32
    %cond3A_8 = arith.constant 0 : i32
    %cond3A_9 = arith.cmpi ne, %convert_element_type3A_7, %cond3A_8 : i32
    scf.if %cond3A_9 {
      %mul3A_250 = arith.constant 40 : i32
      %mul3A_251 = arith.muli %add3A_4, %mul3A_250 : i32
      "tpu.region"() ({
        %run_scoped3A = tpu.sem_alloc : memref<!tpu.dma_semaphore, #tpu.memory_space<semaphore_mem>>
        %dma_start3A_252 = arith.constant 0 : i32
        %dma_start3A_253 = tpu.memref_slice %arg12[%mul3A_251, %dma_start3A_252] : memref<10000x128xf32, #tpu.memory_space<vmem_shared>> -> memref<40x128xf32, #tpu.memory_space<vmem_shared>>
        %dma_start3A_254 = arith.constant 0 : i32
        %dma_start3A_255 = tpu.memref_slice %arg12[%mul3A_251, %dma_start3A_254] : memref<10000x128xf32, #tpu.memory_space<vmem_shared>> -> memref<40x128xf32, #tpu.memory_space<vmem_shared>>
        tpu.enqueue_dma source(%arg11 : memref<40x128xf32, #tpu.memory_space<vmem>>) target(%dma_start3A_255 : memref<40x128xf32, #tpu.memory_space<vmem_shared>>) target_semaphore(%run_scoped3A : memref<!tpu.dma_semaphore, #tpu.memory_space<semaphore_mem>>)
        %dma_wait3A_256 = arith.constant 0 : i32
        %dma_wait3A_257 = tpu.memref_slice %arg12[%mul3A_251, %dma_wait3A_256] : memref<10000x128xf32, #tpu.memory_space<vmem_shared>> -> memref<40x128xf32, #tpu.memory_space<vmem_shared>>
        %dma_wait3A_258 = arith.constant 0 : i32
        %dma_wait3A_259 = tpu.memref_slice %arg12[%mul3A_251, %dma_wait3A_258] : memref<10000x128xf32, #tpu.memory_space<vmem_shared>> -> memref<40x128xf32, #tpu.memory_space<vmem_shared>>
        tpu.wait_dma2 semaphore(%run_scoped3A : memref<!tpu.dma_semaphore, #tpu.memory_space<semaphore_mem>>) src(%arg11 : memref<40x128xf32, #tpu.memory_space<vmem>>) dst(%dma_wait3A_259 : memref<40x128xf32, #tpu.memory_space<vmem_shared>>)
        tpu.yield
      }) : () -> ()
    } else {
    }
    %add3A_10 = arith.constant 32 : i32
    %add3A_11 = arith.addi %arg1, %add3A_10 : i32
    %lt3A_12 = arith.constant 250 : i32
    %lt3A_13 = arith.cmpi slt, %add3A_11, %lt3A_12 : i32
    %convert_element_type3A_14 = arith.extui %lt3A_13 : i1 to i32
    %cond3A_15 = arith.constant 0 : i32
    %cond3A_16 = arith.cmpi ne, %convert_element_type3A_14, %cond3A_15 : i32
    scf.if %cond3A_16 {
      %mul3A_250 = arith.constant 40 : i32
      %mul3A_251 = arith.muli %add3A_11, %mul3A_250 : i32
      "tpu.region"() ({
        %run_scoped3A = tpu.sem_alloc : memref<!tpu.dma_semaphore, #tpu.memory_space<semaphore_mem>>
        %dma_start3A_252 = arith.constant 0 : i32
        %dma_start3A_253 = tpu.memref_slice %arg12[%mul3A_251, %dma_start3A_252] : memref<10000x128xf32, #tpu.memory_space<vmem_shared>> -> memref<40x128xf32, #tpu.memory_space<vmem_shared>>
        %dma_start3A_254 = arith.constant 0 : i32
        %dma_start3A_255 = tpu.memref_slice %arg12[%mul3A_251, %dma_start3A_254] : memref<10000x128xf32, #tpu.memory_space<vmem_shared>> -> memref<40x128xf32, #tpu.memory_space<vmem_shared>>
        tpu.enqueue_dma source(%arg11 : memref<40x128xf32, #tpu.memory_space<vmem>>) target(%dma_start3A_255 : memref<40x128xf32, #tpu.memory_space<vmem_shared>>) target_semaphore(%run_scoped3A : memref<!tpu.dma_semaphore, #tpu.memory_space<semaphore_mem>>)
        %dma_wait3A_256 = arith.constant 0 : i32
        %dma_wait3A_257 = tpu.memref_slice %arg12[%mul3A_251, %dma_wait3A_256] : memref<10000x128xf32, #tpu.memory_space<vmem_shared>> -> memref<40x128xf32, #tpu.memory_space<vmem_shared>>
        %dma_wait3A_258 = arith.constant 0 : i32
        %dma_wait3A_259 = tpu.memref_slice %arg12[%mul3A_251, %dma_wait3A_258] : memref<10000x128xf32, #tpu.memory_space<vmem_shared>> -> memref<40x128xf32, #tpu.memory_space<vmem_shared>>
        tpu.wait_dma2 semaphore(%run_scoped3A : memref<!tpu.dma_semaphore, #tpu.memory_space<semaphore_mem>>) src(%arg11 : memref<40x128xf32, #tpu.memory_space<vmem>>) dst(%dma_wait3A_259 : memref<40x128xf32, #tpu.memory_space<vmem_shared>>)
        tpu.yield
      }) : () -> ()
    } else {
    }
    %add3A_17 = arith.constant 48 : i32
    %add3A_18 = arith.addi %arg1, %add3A_17 : i32
    %lt3A_19 = arith.constant 250 : i32
    %lt3A_20 = arith.cmpi slt, %add3A_18, %lt3A_19 : i32
    %convert_element_type3A_21 = arith.extui %lt3A_20 : i1 to i32
    %cond3A_22 = arith.constant 0 : i32
    %cond3A_23 = arith.cmpi ne, %convert_element_type3A_21, %cond3A_22 : i32
    scf.if %cond3A_23 {
      %mul3A_250 = arith.constant 40 : i32
      %mul3A_251 = arith.muli %add3A_18, %mul3A_250 : i32
      "tpu.region"() ({
        %run_scoped3A = tpu.sem_alloc : memref<!tpu.dma_semaphore, #tpu.memory_space<semaphore_mem>>
        %dma_start3A_252 = arith.constant 0 : i32
        %dma_start3A_253 = tpu.memref_slice %arg12[%mul3A_251, %dma_start3A_252] : memref<10000x128xf32, #tpu.memory_space<vmem_shared>> -> memref<40x128xf32, #tpu.memory_space<vmem_shared>>
        %dma_start3A_254 = arith.constant 0 : i32
        %dma_start3A_255 = tpu.memref_slice %arg12[%mul3A_251, %dma_start3A_254] : memref<10000x128xf32, #tpu.memory_space<vmem_shared>> -> memref<40x128xf32, #tpu.memory_space<vmem_shared>>
        tpu.enqueue_dma source(%arg11 : memref<40x128xf32, #tpu.memory_space<vmem>>) target(%dma_start3A_255 : memref<40x128xf32, #tpu.memory_space<vmem_shared>>) target_semaphore(%run_scoped3A : memref<!tpu.dma_semaphore, #tpu.memory_space<semaphore_mem>>)
        %dma_wait3A_256 = arith.constant 0 : i32
        %dma_wait3A_257 = tpu.memref_slice %arg12[%mul3A_251, %dma_wait3A_256] : memref<10000x128xf32, #tpu.memory_space<vmem_shared>> -> memref<40x128xf32, #tpu.memory_space<vmem_shared>>
        %dma_wait3A_258 = arith.constant 0 : i32
        %dma_wait3A_259 = tpu.memref_slice %arg12[%mul3A_251, %dma_wait3A_258] : memref<10000x128xf32, #tpu.memory_space<vmem_shared>> -> memref<40x128xf32, #tpu.memory_space<vmem_shared>>
        tpu.wait_dma2 semaphore(%run_scoped3A : memref<!tpu.dma_semaphore, #tpu.memory_space<semaphore_mem>>) src(%arg11 : memref<40x128xf32, #tpu.memory_space<vmem>>) dst(%dma_wait3A_259 : memref<40x128xf32, #tpu.memory_space<vmem_shared>>)
        tpu.yield
      }) : () -> ()
    } else {
    }
    %add3A_24 = arith.constant 64 : i32
    %add3A_25 = arith.addi %arg1, %add3A_24 : i32
    %lt3A_26 = arith.constant 250 : i32
    %lt3A_27 = arith.cmpi slt, %add3A_25, %lt3A_26 : i32
    %convert_element_type3A_28 = arith.extui %lt3A_27 : i1 to i32
    %cond3A_29 = arith.constant 0 : i32
    %cond3A_30 = arith.cmpi ne, %convert_element_type3A_28, %cond3A_29 : i32
    scf.if %cond3A_30 {
      %mul3A_250 = arith.constant 40 : i32
      %mul3A_251 = arith.muli %add3A_25, %mul3A_250 : i32
      "tpu.region"() ({
        %run_scoped3A = tpu.sem_alloc : memref<!tpu.dma_semaphore, #tpu.memory_space<semaphore_mem>>
        %dma_start3A_252 = arith.constant 0 : i32
        %dma_start3A_253 = tpu.memref_slice %arg12[%mul3A_251, %dma_start3A_252] : memref<10000x128xf32, #tpu.memory_space<vmem_shared>> -> memref<40x128xf32, #tpu.memory_space<vmem_shared>>
        %dma_start3A_254 = arith.constant 0 : i32
        %dma_start3A_255 = tpu.memref_slice %arg12[%mul3A_251, %dma_start3A_254] : memref<10000x128xf32, #tpu.memory_space<vmem_shared>> -> memref<40x128xf32, #tpu.memory_space<vmem_shared>>
        tpu.enqueue_dma source(%arg11 : memref<40x128xf32, #tpu.memory_space<vmem>>) target(%dma_start3A_255 : memref<40x128xf32, #tpu.memory_space<vmem_shared>>) target_semaphore(%run_scoped3A : memref<!tpu.dma_semaphore, #tpu.memory_space<semaphore_mem>>)
        %dma_wait3A_256 = arith.constant 0 : i32
        %dma_wait3A_257 = tpu.memref_slice %arg12[%mul3A_251, %dma_wait3A_256] : memref<10000x128xf32, #tpu.memory_space<vmem_shared>> -> memref<40x128xf32, #tpu.memory_space<vmem_shared>>
        %dma_wait3A_258 = arith.constant 0 : i32
        %dma_wait3A_259 = tpu.memref_slice %arg12[%mul3A_251, %dma_wait3A_258] : memref<10000x128xf32, #tpu.memory_space<vmem_shared>> -> memref<40x128xf32, #tpu.memory_space<vmem_shared>>
        tpu.wait_dma2 semaphore(%run_scoped3A : memref<!tpu.dma_semaphore, #tpu.memory_space<semaphore_mem>>) src(%arg11 : memref<40x128xf32, #tpu.memory_space<vmem>>) dst(%dma_wait3A_259 : memref<40x128xf32, #tpu.memory_space<vmem_shared>>)
        tpu.yield
      }) : () -> ()
    } else {
    }
    %add3A_31 = arith.constant 80 : i32
    %add3A_32 = arith.addi %arg1, %add3A_31 : i32
    %lt3A_33 = arith.constant 250 : i32
    %lt3A_34 = arith.cmpi slt, %add3A_32, %lt3A_33 : i32
    %convert_element_type3A_35 = arith.extui %lt3A_34 : i1 to i32
    %cond3A_36 = arith.constant 0 : i32
    %cond3A_37 = arith.cmpi ne, %convert_element_type3A_35, %cond3A_36 : i32
    scf.if %cond3A_37 {
      %mul3A_250 = arith.constant 40 : i32
      %mul3A_251 = arith.muli %add3A_32, %mul3A_250 : i32
      "tpu.region"() ({
        %run_scoped3A = tpu.sem_alloc : memref<!tpu.dma_semaphore, #tpu.memory_space<semaphore_mem>>
        %dma_start3A_252 = arith.constant 0 : i32
        %dma_start3A_253 = tpu.memref_slice %arg12[%mul3A_251, %dma_start3A_252] : memref<10000x128xf32, #tpu.memory_space<vmem_shared>> -> memref<40x128xf32, #tpu.memory_space<vmem_shared>>
        %dma_start3A_254 = arith.constant 0 : i32
        %dma_start3A_255 = tpu.memref_slice %arg12[%mul3A_251, %dma_start3A_254] : memref<10000x128xf32, #tpu.memory_space<vmem_shared>> -> memref<40x128xf32, #tpu.memory_space<vmem_shared>>
        tpu.enqueue_dma source(%arg11 : memref<40x128xf32, #tpu.memory_space<vmem>>) target(%dma_start3A_255 : memref<40x128xf32, #tpu.memory_space<vmem_shared>>) target_semaphore(%run_scoped3A : memref<!tpu.dma_semaphore, #tpu.memory_space<semaphore_mem>>)
        %dma_wait3A_256 = arith.constant 0 : i32
        %dma_wait3A_257 = tpu.memref_slice %arg12[%mul3A_251, %dma_wait3A_256] : memref<10000x128xf32, #tpu.memory_space<vmem_shared>> -> memref<40x128xf32, #tpu.memory_space<vmem_shared>>
        %dma_wait3A_258 = arith.constant 0 : i32
        %dma_wait3A_259 = tpu.memref_slice %arg12[%mul3A_251, %dma_wait3A_258] : memref<10000x128xf32, #tpu.memory_space<vmem_shared>> -> memref<40x128xf32, #tpu.memory_space<vmem_shared>>
        tpu.wait_dma2 semaphore(%run_scoped3A : memref<!tpu.dma_semaphore, #tpu.memory_space<semaphore_mem>>) src(%arg11 : memref<40x128xf32, #tpu.memory_space<vmem>>) dst(%dma_wait3A_259 : memref<40x128xf32, #tpu.memory_space<vmem_shared>>)
        tpu.yield
      }) : () -> ()
    } else {
    }
    %add3A_38 = arith.constant 96 : i32
    %add3A_39 = arith.addi %arg1, %add3A_38 : i32
    %lt3A_40 = arith.constant 250 : i32
    %lt3A_41 = arith.cmpi slt, %add3A_39, %lt3A_40 : i32
    %convert_element_type3A_42 = arith.extui %lt3A_41 : i1 to i32
    %cond3A_43 = arith.constant 0 : i32
    %cond3A_44 = arith.cmpi ne, %convert_element_type3A_42, %cond3A_43 : i32
    scf.if %cond3A_44 {
      %mul3A_250 = arith.constant 40 : i32
      %mul3A_251 = arith.muli %add3A_39, %mul3A_250 : i32
      "tpu.region"() ({
        %run_scoped3A = tpu.sem_alloc : memref<!tpu.dma_semaphore, #tpu.memory_space<semaphore_mem>>
        %dma_start3A_252 = arith.constant 0 : i32
        %dma_start3A_253 = tpu.memref_slice %arg12[%mul3A_251, %dma_start3A_252] : memref<10000x128xf32, #tpu.memory_space<vmem_shared>> -> memref<40x128xf32, #tpu.memory_space<vmem_shared>>
        %dma_start3A_254 = arith.constant 0 : i32
        %dma_start3A_255 = tpu.memref_slice %arg12[%mul3A_251, %dma_start3A_254] : memref<10000x128xf32, #tpu.memory_space<vmem_shared>> -> memref<40x128xf32, #tpu.memory_space<vmem_shared>>
        tpu.enqueue_dma source(%arg11 : memref<40x128xf32, #tpu.memory_space<vmem>>) target(%dma_start3A_255 : memref<40x128xf32, #tpu.memory_space<vmem_shared>>) target_semaphore(%run_scoped3A : memref<!tpu.dma_semaphore, #tpu.memory_space<semaphore_mem>>)
        %dma_wait3A_256 = arith.constant 0 : i32
        %dma_wait3A_257 = tpu.memref_slice %arg12[%mul3A_251, %dma_wait3A_256] : memref<10000x128xf32, #tpu.memory_space<vmem_shared>> -> memref<40x128xf32, #tpu.memory_space<vmem_shared>>
        %dma_wait3A_258 = arith.constant 0 : i32
        %dma_wait3A_259 = tpu.memref_slice %arg12[%mul3A_251, %dma_wait3A_258] : memref<10000x128xf32, #tpu.memory_space<vmem_shared>> -> memref<40x128xf32, #tpu.memory_space<vmem_shared>>
        tpu.wait_dma2 semaphore(%run_scoped3A : memref<!tpu.dma_semaphore, #tpu.memory_space<semaphore_mem>>) src(%arg11 : memref<40x128xf32, #tpu.memory_space<vmem>>) dst(%dma_wait3A_259 : memref<40x128xf32, #tpu.memory_space<vmem_shared>>)
        tpu.yield
      }) : () -> ()
    } else {
    }
    %add3A_45 = arith.constant 112 : i32
    %add3A_46 = arith.addi %arg1, %add3A_45 : i32
    %lt3A_47 = arith.constant 250 : i32
    %lt3A_48 = arith.cmpi slt, %add3A_46, %lt3A_47 : i32
    %convert_element_type3A_49 = arith.extui %lt3A_48 : i1 to i32
    %cond3A_50 = arith.constant 0 : i32
    %cond3A_51 = arith.cmpi ne, %convert_element_type3A_49, %cond3A_50 : i32
    scf.if %cond3A_51 {
      %mul3A_250 = arith.constant 40 : i32
      %mul3A_251 = arith.muli %add3A_46, %mul3A_250 : i32
      "tpu.region"() ({
        %run_scoped3A = tpu.sem_alloc : memref<!tpu.dma_semaphore, #tpu.memory_space<semaphore_mem>>
        %dma_start3A_252 = arith.constant 0 : i32
        %dma_start3A_253 = tpu.memref_slice %arg12[%mul3A_251, %dma_start3A_252] : memref<10000x128xf32, #tpu.memory_space<vmem_shared>> -> memref<40x128xf32, #tpu.memory_space<vmem_shared>>
        %dma_start3A_254 = arith.constant 0 : i32
        %dma_start3A_255 = tpu.memref_slice %arg12[%mul3A_251, %dma_start3A_254] : memref<10000x128xf32, #tpu.memory_space<vmem_shared>> -> memref<40x128xf32, #tpu.memory_space<vmem_shared>>
        tpu.enqueue_dma source(%arg11 : memref<40x128xf32, #tpu.memory_space<vmem>>) target(%dma_start3A_255 : memref<40x128xf32, #tpu.memory_space<vmem_shared>>) target_semaphore(%run_scoped3A : memref<!tpu.dma_semaphore, #tpu.memory_space<semaphore_mem>>)
        %dma_wait3A_256 = arith.constant 0 : i32
        %dma_wait3A_257 = tpu.memref_slice %arg12[%mul3A_251, %dma_wait3A_256] : memref<10000x128xf32, #tpu.memory_space<vmem_shared>> -> memref<40x128xf32, #tpu.memory_space<vmem_shared>>
        %dma_wait3A_258 = arith.constant 0 : i32
        %dma_wait3A_259 = tpu.memref_slice %arg12[%mul3A_251, %dma_wait3A_258] : memref<10000x128xf32, #tpu.memory_space<vmem_shared>> -> memref<40x128xf32, #tpu.memory_space<vmem_shared>>
        tpu.wait_dma2 semaphore(%run_scoped3A : memref<!tpu.dma_semaphore, #tpu.memory_space<semaphore_mem>>) src(%arg11 : memref<40x128xf32, #tpu.memory_space<vmem>>) dst(%dma_wait3A_259 : memref<40x128xf32, #tpu.memory_space<vmem_shared>>)
        tpu.yield
      }) : () -> ()
    } else {
    }
    %add3A_52 = arith.constant 128 : i32
    %add3A_53 = arith.addi %arg1, %add3A_52 : i32
    %lt3A_54 = arith.constant 250 : i32
    %lt3A_55 = arith.cmpi slt, %add3A_53, %lt3A_54 : i32
    %convert_element_type3A_56 = arith.extui %lt3A_55 : i1 to i32
    %cond3A_57 = arith.constant 0 : i32
    %cond3A_58 = arith.cmpi ne, %convert_element_type3A_56, %cond3A_57 : i32
    scf.if %cond3A_58 {
      %mul3A_250 = arith.constant 40 : i32
      %mul3A_251 = arith.muli %add3A_53, %mul3A_250 : i32
      "tpu.region"() ({
        %run_scoped3A = tpu.sem_alloc : memref<!tpu.dma_semaphore, #tpu.memory_space<semaphore_mem>>
        %dma_start3A_252 = arith.constant 0 : i32
        %dma_start3A_253 = tpu.memref_slice %arg12[%mul3A_251, %dma_start3A_252] : memref<10000x128xf32, #tpu.memory_space<vmem_shared>> -> memref<40x128xf32, #tpu.memory_space<vmem_shared>>
        %dma_start3A_254 = arith.constant 0 : i32
        %dma_start3A_255 = tpu.memref_slice %arg12[%mul3A_251, %dma_start3A_254] : memref<10000x128xf32, #tpu.memory_space<vmem_shared>> -> memref<40x128xf32, #tpu.memory_space<vmem_shared>>
        tpu.enqueue_dma source(%arg11 : memref<40x128xf32, #tpu.memory_space<vmem>>) target(%dma_start3A_255 : memref<40x128xf32, #tpu.memory_space<vmem_shared>>) target_semaphore(%run_scoped3A : memref<!tpu.dma_semaphore, #tpu.memory_space<semaphore_mem>>)
        %dma_wait3A_256 = arith.constant 0 : i32
        %dma_wait3A_257 = tpu.memref_slice %arg12[%mul3A_251, %dma_wait3A_256] : memref<10000x128xf32, #tpu.memory_space<vmem_shared>> -> memref<40x128xf32, #tpu.memory_space<vmem_shared>>
        %dma_wait3A_258 = arith.constant 0 : i32
        %dma_wait3A_259 = tpu.memref_slice %arg12[%mul3A_251, %dma_wait3A_258] : memref<10000x128xf32, #tpu.memory_space<vmem_shared>> -> memref<40x128xf32, #tpu.memory_space<vmem_shared>>
        tpu.wait_dma2 semaphore(%run_scoped3A : memref<!tpu.dma_semaphore, #tpu.memory_space<semaphore_mem>>) src(%arg11 : memref<40x128xf32, #tpu.memory_space<vmem>>) dst(%dma_wait3A_259 : memref<40x128xf32, #tpu.memory_space<vmem_shared>>)
        tpu.yield
      }) : () -> ()
    } else {
    }
    %add3A_59 = arith.constant 144 : i32
    %add3A_60 = arith.addi %arg1, %add3A_59 : i32
    %lt3A_61 = arith.constant 250 : i32
    %lt3A_62 = arith.cmpi slt, %add3A_60, %lt3A_61 : i32
    %convert_element_type3A_63 = arith.extui %lt3A_62 : i1 to i32
    %cond3A_64 = arith.constant 0 : i32
    %cond3A_65 = arith.cmpi ne, %convert_element_type3A_63, %cond3A_64 : i32
    scf.if %cond3A_65 {
      %mul3A_250 = arith.constant 40 : i32
      %mul3A_251 = arith.muli %add3A_60, %mul3A_250 : i32
      "tpu.region"() ({
        %run_scoped3A = tpu.sem_alloc : memref<!tpu.dma_semaphore, #tpu.memory_space<semaphore_mem>>
        %dma_start3A_252 = arith.constant 0 : i32
        %dma_start3A_253 = tpu.memref_slice %arg12[%mul3A_251, %dma_start3A_252] : memref<10000x128xf32, #tpu.memory_space<vmem_shared>> -> memref<40x128xf32, #tpu.memory_space<vmem_shared>>
        %dma_start3A_254 = arith.constant 0 : i32
        %dma_start3A_255 = tpu.memref_slice %arg12[%mul3A_251, %dma_start3A_254] : memref<10000x128xf32, #tpu.memory_space<vmem_shared>> -> memref<40x128xf32, #tpu.memory_space<vmem_shared>>
        tpu.enqueue_dma source(%arg11 : memref<40x128xf32, #tpu.memory_space<vmem>>) target(%dma_start3A_255 : memref<40x128xf32, #tpu.memory_space<vmem_shared>>) target_semaphore(%run_scoped3A : memref<!tpu.dma_semaphore, #tpu.memory_space<semaphore_mem>>)
        %dma_wait3A_256 = arith.constant 0 : i32
        %dma_wait3A_257 = tpu.memref_slice %arg12[%mul3A_251, %dma_wait3A_256] : memref<10000x128xf32, #tpu.memory_space<vmem_shared>> -> memref<40x128xf32, #tpu.memory_space<vmem_shared>>
        %dma_wait3A_258 = arith.constant 0 : i32
        %dma_wait3A_259 = tpu.memref_slice %arg12[%mul3A_251, %dma_wait3A_258] : memref<10000x128xf32, #tpu.memory_space<vmem_shared>> -> memref<40x128xf32, #tpu.memory_space<vmem_shared>>
        tpu.wait_dma2 semaphore(%run_scoped3A : memref<!tpu.dma_semaphore, #tpu.memory_space<semaphore_mem>>) src(%arg11 : memref<40x128xf32, #tpu.memory_space<vmem>>) dst(%dma_wait3A_259 : memref<40x128xf32, #tpu.memory_space<vmem_shared>>)
        tpu.yield
      }) : () -> ()
    } else {
    }
    %add3A_66 = arith.constant 160 : i32
    %add3A_67 = arith.addi %arg1, %add3A_66 : i32
    %lt3A_68 = arith.constant 250 : i32
    %lt3A_69 = arith.cmpi slt, %add3A_67, %lt3A_68 : i32
    %convert_element_type3A_70 = arith.extui %lt3A_69 : i1 to i32
    %cond3A_71 = arith.constant 0 : i32
    %cond3A_72 = arith.cmpi ne, %convert_element_type3A_70, %cond3A_71 : i32
    scf.if %cond3A_72 {
      %mul3A_250 = arith.constant 40 : i32
      %mul3A_251 = arith.muli %add3A_67, %mul3A_250 : i32
      "tpu.region"() ({
        %run_scoped3A = tpu.sem_alloc : memref<!tpu.dma_semaphore, #tpu.memory_space<semaphore_mem>>
        %dma_start3A_252 = arith.constant 0 : i32
        %dma_start3A_253 = tpu.memref_slice %arg12[%mul3A_251, %dma_start3A_252] : memref<10000x128xf32, #tpu.memory_space<vmem_shared>> -> memref<40x128xf32, #tpu.memory_space<vmem_shared>>
        %dma_start3A_254 = arith.constant 0 : i32
        %dma_start3A_255 = tpu.memref_slice %arg12[%mul3A_251, %dma_start3A_254] : memref<10000x128xf32, #tpu.memory_space<vmem_shared>> -> memref<40x128xf32, #tpu.memory_space<vmem_shared>>
        tpu.enqueue_dma source(%arg11 : memref<40x128xf32, #tpu.memory_space<vmem>>) target(%dma_start3A_255 : memref<40x128xf32, #tpu.memory_space<vmem_shared>>) target_semaphore(%run_scoped3A : memref<!tpu.dma_semaphore, #tpu.memory_space<semaphore_mem>>)
        %dma_wait3A_256 = arith.constant 0 : i32
        %dma_wait3A_257 = tpu.memref_slice %arg12[%mul3A_251, %dma_wait3A_256] : memref<10000x128xf32, #tpu.memory_space<vmem_shared>> -> memref<40x128xf32, #tpu.memory_space<vmem_shared>>
        %dma_wait3A_258 = arith.constant 0 : i32
        %dma_wait3A_259 = tpu.memref_slice %arg12[%mul3A_251, %dma_wait3A_258] : memref<10000x128xf32, #tpu.memory_space<vmem_shared>> -> memref<40x128xf32, #tpu.memory_space<vmem_shared>>
        tpu.wait_dma2 semaphore(%run_scoped3A : memref<!tpu.dma_semaphore, #tpu.memory_space<semaphore_mem>>) src(%arg11 : memref<40x128xf32, #tpu.memory_space<vmem>>) dst(%dma_wait3A_259 : memref<40x128xf32, #tpu.memory_space<vmem_shared>>)
        tpu.yield
      }) : () -> ()
    } else {
    }
    %add3A_73 = arith.constant 176 : i32
    %add3A_74 = arith.addi %arg1, %add3A_73 : i32
    %lt3A_75 = arith.constant 250 : i32
    %lt3A_76 = arith.cmpi slt, %add3A_74, %lt3A_75 : i32
    %convert_element_type3A_77 = arith.extui %lt3A_76 : i1 to i32
    %cond3A_78 = arith.constant 0 : i32
    %cond3A_79 = arith.cmpi ne, %convert_element_type3A_77, %cond3A_78 : i32
    scf.if %cond3A_79 {
      %mul3A_250 = arith.constant 40 : i32
      %mul3A_251 = arith.muli %add3A_74, %mul3A_250 : i32
      "tpu.region"() ({
        %run_scoped3A = tpu.sem_alloc : memref<!tpu.dma_semaphore, #tpu.memory_space<semaphore_mem>>
        %dma_start3A_252 = arith.constant 0 : i32
        %dma_start3A_253 = tpu.memref_slice %arg12[%mul3A_251, %dma_start3A_252] : memref<10000x128xf32, #tpu.memory_space<vmem_shared>> -> memref<40x128xf32, #tpu.memory_space<vmem_shared>>
        %dma_start3A_254 = arith.constant 0 : i32
        %dma_start3A_255 = tpu.memref_slice %arg12[%mul3A_251, %dma_start3A_254] : memref<10000x128xf32, #tpu.memory_space<vmem_shared>> -> memref<40x128xf32, #tpu.memory_space<vmem_shared>>
        tpu.enqueue_dma source(%arg11 : memref<40x128xf32, #tpu.memory_space<vmem>>) target(%dma_start3A_255 : memref<40x128xf32, #tpu.memory_space<vmem_shared>>) target_semaphore(%run_scoped3A : memref<!tpu.dma_semaphore, #tpu.memory_space<semaphore_mem>>)
        %dma_wait3A_256 = arith.constant 0 : i32
        %dma_wait3A_257 = tpu.memref_slice %arg12[%mul3A_251, %dma_wait3A_256] : memref<10000x128xf32, #tpu.memory_space<vmem_shared>> -> memref<40x128xf32, #tpu.memory_space<vmem_shared>>
        %dma_wait3A_258 = arith.constant 0 : i32
        %dma_wait3A_259 = tpu.memref_slice %arg12[%mul3A_251, %dma_wait3A_258] : memref<10000x128xf32, #tpu.memory_space<vmem_shared>> -> memref<40x128xf32, #tpu.memory_space<vmem_shared>>
        tpu.wait_dma2 semaphore(%run_scoped3A : memref<!tpu.dma_semaphore, #tpu.memory_space<semaphore_mem>>) src(%arg11 : memref<40x128xf32, #tpu.memory_space<vmem>>) dst(%dma_wait3A_259 : memref<40x128xf32, #tpu.memory_space<vmem_shared>>)
        tpu.yield
      }) : () -> ()
    } else {
    }
    %add3A_80 = arith.constant 192 : i32
    %add3A_81 = arith.addi %arg1, %add3A_80 : i32
    %lt3A_82 = arith.constant 250 : i32
    %lt3A_83 = arith.cmpi slt, %add3A_81, %lt3A_82 : i32
    %convert_element_type3A_84 = arith.extui %lt3A_83 : i1 to i32
    %cond3A_85 = arith.constant 0 : i32
    %cond3A_86 = arith.cmpi ne, %convert_element_type3A_84, %cond3A_85 : i32
    scf.if %cond3A_86 {
      %mul3A_250 = arith.constant 40 : i32
      %mul3A_251 = arith.muli %add3A_81, %mul3A_250 : i32
      "tpu.region"() ({
        %run_scoped3A = tpu.sem_alloc : memref<!tpu.dma_semaphore, #tpu.memory_space<semaphore_mem>>
        %dma_start3A_252 = arith.constant 0 : i32
        %dma_start3A_253 = tpu.memref_slice %arg12[%mul3A_251, %dma_start3A_252] : memref<10000x128xf32, #tpu.memory_space<vmem_shared>> -> memref<40x128xf32, #tpu.memory_space<vmem_shared>>
        %dma_start3A_254 = arith.constant 0 : i32
        %dma_start3A_255 = tpu.memref_slice %arg12[%mul3A_251, %dma_start3A_254] : memref<10000x128xf32, #tpu.memory_space<vmem_shared>> -> memref<40x128xf32, #tpu.memory_space<vmem_shared>>
        tpu.enqueue_dma source(%arg11 : memref<40x128xf32, #tpu.memory_space<vmem>>) target(%dma_start3A_255 : memref<40x128xf32, #tpu.memory_space<vmem_shared>>) target_semaphore(%run_scoped3A : memref<!tpu.dma_semaphore, #tpu.memory_space<semaphore_mem>>)
        %dma_wait3A_256 = arith.constant 0 : i32
        %dma_wait3A_257 = tpu.memref_slice %arg12[%mul3A_251, %dma_wait3A_256] : memref<10000x128xf32, #tpu.memory_space<vmem_shared>> -> memref<40x128xf32, #tpu.memory_space<vmem_shared>>
        %dma_wait3A_258 = arith.constant 0 : i32
        %dma_wait3A_259 = tpu.memref_slice %arg12[%mul3A_251, %dma_wait3A_258] : memref<10000x128xf32, #tpu.memory_space<vmem_shared>> -> memref<40x128xf32, #tpu.memory_space<vmem_shared>>
        tpu.wait_dma2 semaphore(%run_scoped3A : memref<!tpu.dma_semaphore, #tpu.memory_space<semaphore_mem>>) src(%arg11 : memref<40x128xf32, #tpu.memory_space<vmem>>) dst(%dma_wait3A_259 : memref<40x128xf32, #tpu.memory_space<vmem_shared>>)
        tpu.yield
      }) : () -> ()
    } else {
    }
    %add3A_87 = arith.constant 208 : i32
    %add3A_88 = arith.addi %arg1, %add3A_87 : i32
    %lt3A_89 = arith.constant 250 : i32
    %lt3A_90 = arith.cmpi slt, %add3A_88, %lt3A_89 : i32
    %convert_element_type3A_91 = arith.extui %lt3A_90 : i1 to i32
    %cond3A_92 = arith.constant 0 : i32
    %cond3A_93 = arith.cmpi ne, %convert_element_type3A_91, %cond3A_92 : i32
    scf.if %cond3A_93 {
      %mul3A_250 = arith.constant 40 : i32
      %mul3A_251 = arith.muli %add3A_88, %mul3A_250 : i32
      "tpu.region"() ({
        %run_scoped3A = tpu.sem_alloc : memref<!tpu.dma_semaphore, #tpu.memory_space<semaphore_mem>>
        %dma_start3A_252 = arith.constant 0 : i32
        %dma_start3A_253 = tpu.memref_slice %arg12[%mul3A_251, %dma_start3A_252] : memref<10000x128xf32, #tpu.memory_space<vmem_shared>> -> memref<40x128xf32, #tpu.memory_space<vmem_shared>>
        %dma_start3A_254 = arith.constant 0 : i32
        %dma_start3A_255 = tpu.memref_slice %arg12[%mul3A_251, %dma_start3A_254] : memref<10000x128xf32, #tpu.memory_space<vmem_shared>> -> memref<40x128xf32, #tpu.memory_space<vmem_shared>>
        tpu.enqueue_dma source(%arg11 : memref<40x128xf32, #tpu.memory_space<vmem>>) target(%dma_start3A_255 : memref<40x128xf32, #tpu.memory_space<vmem_shared>>) target_semaphore(%run_scoped3A : memref<!tpu.dma_semaphore, #tpu.memory_space<semaphore_mem>>)
        %dma_wait3A_256 = arith.constant 0 : i32
        %dma_wait3A_257 = tpu.memref_slice %arg12[%mul3A_251, %dma_wait3A_256] : memref<10000x128xf32, #tpu.memory_space<vmem_shared>> -> memref<40x128xf32, #tpu.memory_space<vmem_shared>>
        %dma_wait3A_258 = arith.constant 0 : i32
        %dma_wait3A_259 = tpu.memref_slice %arg12[%mul3A_251, %dma_wait3A_258] : memref<10000x128xf32, #tpu.memory_space<vmem_shared>> -> memref<40x128xf32, #tpu.memory_space<vmem_shared>>
        tpu.wait_dma2 semaphore(%run_scoped3A : memref<!tpu.dma_semaphore, #tpu.memory_space<semaphore_mem>>) src(%arg11 : memref<40x128xf32, #tpu.memory_space<vmem>>) dst(%dma_wait3A_259 : memref<40x128xf32, #tpu.memory_space<vmem_shared>>)
        tpu.yield
      }) : () -> ()
    } else {
    }
    %add3A_94 = arith.constant 224 : i32
    %add3A_95 = arith.addi %arg1, %add3A_94 : i32
    %lt3A_96 = arith.constant 250 : i32
    %lt3A_97 = arith.cmpi slt, %add3A_95, %lt3A_96 : i32
    %convert_element_type3A_98 = arith.extui %lt3A_97 : i1 to i32
    %cond3A_99 = arith.constant 0 : i32
    %cond3A_100 = arith.cmpi ne, %convert_element_type3A_98, %cond3A_99 : i32
    scf.if %cond3A_100 {
      %mul3A_250 = arith.constant 40 : i32
      %mul3A_251 = arith.muli %add3A_95, %mul3A_250 : i32
      "tpu.region"() ({
        %run_scoped3A = tpu.sem_alloc : memref<!tpu.dma_semaphore, #tpu.memory_space<semaphore_mem>>
        %dma_start3A_252 = arith.constant 0 : i32
        %dma_start3A_253 = tpu.memref_slice %arg12[%mul3A_251, %dma_start3A_252] : memref<10000x128xf32, #tpu.memory_space<vmem_shared>> -> memref<40x128xf32, #tpu.memory_space<vmem_shared>>
        %dma_start3A_254 = arith.constant 0 : i32
        %dma_start3A_255 = tpu.memref_slice %arg12[%mul3A_251, %dma_start3A_254] : memref<10000x128xf32, #tpu.memory_space<vmem_shared>> -> memref<40x128xf32, #tpu.memory_space<vmem_shared>>
        tpu.enqueue_dma source(%arg11 : memref<40x128xf32, #tpu.memory_space<vmem>>) target(%dma_start3A_255 : memref<40x128xf32, #tpu.memory_space<vmem_shared>>) target_semaphore(%run_scoped3A : memref<!tpu.dma_semaphore, #tpu.memory_space<semaphore_mem>>)
        %dma_wait3A_256 = arith.constant 0 : i32
        %dma_wait3A_257 = tpu.memref_slice %arg12[%mul3A_251, %dma_wait3A_256] : memref<10000x128xf32, #tpu.memory_space<vmem_shared>> -> memref<40x128xf32, #tpu.memory_space<vmem_shared>>
        %dma_wait3A_258 = arith.constant 0 : i32
        %dma_wait3A_259 = tpu.memref_slice %arg12[%mul3A_251, %dma_wait3A_258] : memref<10000x128xf32, #tpu.memory_space<vmem_shared>> -> memref<40x128xf32, #tpu.memory_space<vmem_shared>>
        tpu.wait_dma2 semaphore(%run_scoped3A : memref<!tpu.dma_semaphore, #tpu.memory_space<semaphore_mem>>) src(%arg11 : memref<40x128xf32, #tpu.memory_space<vmem>>) dst(%dma_wait3A_259 : memref<40x128xf32, #tpu.memory_space<vmem_shared>>)
        tpu.yield
      }) : () -> ()
    } else {
    }
    %add3A_101 = arith.constant 240 : i32
    %add3A_102 = arith.addi %arg1, %add3A_101 : i32
    %lt3A_103 = arith.constant 250 : i32
    %lt3A_104 = arith.cmpi slt, %add3A_102, %lt3A_103 : i32
    %convert_element_type3A_105 = arith.extui %lt3A_104 : i1 to i32
    %cond3A_106 = arith.constant 0 : i32
    %cond3A_107 = arith.cmpi ne, %convert_element_type3A_105, %cond3A_106 : i32
    scf.if %cond3A_107 {
      %mul3A_250 = arith.constant 40 : i32
      %mul3A_251 = arith.muli %add3A_102, %mul3A_250 : i32
      "tpu.region"() ({
        %run_scoped3A = tpu.sem_alloc : memref<!tpu.dma_semaphore, #tpu.memory_space<semaphore_mem>>
        %dma_start3A_252 = arith.constant 0 : i32
        %dma_start3A_253 = tpu.memref_slice %arg12[%mul3A_251, %dma_start3A_252] : memref<10000x128xf32, #tpu.memory_space<vmem_shared>> -> memref<40x128xf32, #tpu.memory_space<vmem_shared>>
        %dma_start3A_254 = arith.constant 0 : i32
        %dma_start3A_255 = tpu.memref_slice %arg12[%mul3A_251, %dma_start3A_254] : memref<10000x128xf32, #tpu.memory_space<vmem_shared>> -> memref<40x128xf32, #tpu.memory_space<vmem_shared>>
        tpu.enqueue_dma source(%arg11 : memref<40x128xf32, #tpu.memory_space<vmem>>) target(%dma_start3A_255 : memref<40x128xf32, #tpu.memory_space<vmem_shared>>) target_semaphore(%run_scoped3A : memref<!tpu.dma_semaphore, #tpu.memory_space<semaphore_mem>>)
        %dma_wait3A_256 = arith.constant 0 : i32
        %dma_wait3A_257 = tpu.memref_slice %arg12[%mul3A_251, %dma_wait3A_256] : memref<10000x128xf32, #tpu.memory_space<vmem_shared>> -> memref<40x128xf32, #tpu.memory_space<vmem_shared>>
        %dma_wait3A_258 = arith.constant 0 : i32
        %dma_wait3A_259 = tpu.memref_slice %arg12[%mul3A_251, %dma_wait3A_258] : memref<10000x128xf32, #tpu.memory_space<vmem_shared>> -> memref<40x128xf32, #tpu.memory_space<vmem_shared>>
        tpu.wait_dma2 semaphore(%run_scoped3A : memref<!tpu.dma_semaphore, #tpu.memory_space<semaphore_mem>>) src(%arg11 : memref<40x128xf32, #tpu.memory_space<vmem>>) dst(%dma_wait3A_259 : memref<40x128xf32, #tpu.memory_space<vmem_shared>>)
        tpu.yield
      }) : () -> ()
    } else {
    }
    "tpu.region"() ({
      %run_scoped3A = tpu.sem_alloc : memref<!tpu.dma_semaphore, #tpu.memory_space<semaphore_mem>>
      tpu.enqueue_dma source(%arg3 : memref<40x128xf32, #tpu.memory_space<hbm>>) target(%arg10 : memref<40x128xf32, #tpu.memory_space<vmem>>) target_semaphore(%run_scoped3A : memref<!tpu.dma_semaphore, #tpu.memory_space<semaphore_mem>>)
      tpu.wait_dma2 semaphore(%run_scoped3A : memref<!tpu.dma_semaphore, #tpu.memory_space<semaphore_mem>>) src(%arg3 : memref<40x128xf32, #tpu.memory_space<hbm>>) dst(%arg10 : memref<40x128xf32, #tpu.memory_space<vmem>>)
      tpu.yield
    }) : () -> ()
    %barrier3A = arith.constant 0 : index
    tpu.barrier barrier_id(%barrier3A)
    %mul3A = arith.constant 16 : i32
    %mul3A_108 = arith.muli %arg0, %mul3A : i32
    %add3A_109 = arith.addi %mul3A_108, %arg1 : i32
    %mul3A_110 = arith.constant 5000 : i32
    %mul3A_111 = arith.muli %add3A_109, %mul3A_110 : i32
    %add3A_112 = arith.constant 0 : i32
    %add3A_113 = arith.addi %mul3A_111, %add3A_112 : i32
    %multiple_of3A = tpu.assume_multiple %add3A_113, 8 : i32
    %dma_start3A = tpu.memref_slice %arg2[%multiple_of3A] : memref<160000xi32, #tpu.memory_space<hbm>> -> memref<40xi32, #tpu.memory_space<hbm>>
    %dma_start3A_114 = tpu.memref_slice %arg2[%multiple_of3A] : memref<160000xi32, #tpu.memory_space<hbm>> -> memref<40xi32, #tpu.memory_space<hbm>>
    tpu.enqueue_dma source(%dma_start3A_114 : memref<40xi32, #tpu.memory_space<hbm>>) target(%arg6 : memref<40xi32, #tpu.memory_space<vmem>>) target_semaphore(%arg13 : memref<!tpu.dma_semaphore, #tpu.memory_space<semaphore_mem>>)
    %mul3A_115 = arith.constant 5000 : i32
    %mul3A_116 = arith.muli %add3A_109, %mul3A_115 : i32
    %add3A_117 = arith.constant 40 : i32
    %add3A_118 = arith.addi %mul3A_116, %add3A_117 : i32
    %multiple_of3A_119 = tpu.assume_multiple %add3A_118, 8 : i32
    %dma_start3A_120 = tpu.memref_slice %arg2[%multiple_of3A_119] : memref<160000xi32, #tpu.memory_space<hbm>> -> memref<40xi32, #tpu.memory_space<hbm>>
    %dma_start3A_121 = tpu.memref_slice %arg2[%multiple_of3A_119] : memref<160000xi32, #tpu.memory_space<hbm>> -> memref<40xi32, #tpu.memory_space<hbm>>
    tpu.enqueue_dma source(%dma_start3A_121 : memref<40xi32, #tpu.memory_space<hbm>>) target(%arg7 : memref<40xi32, #tpu.memory_space<vmem>>) target_semaphore(%arg14 : memref<!tpu.dma_semaphore, #tpu.memory_space<semaphore_mem>>)
    %scan3A = arith.constant 0 : i32
    %scan3A_122 = arith.constant 32 : i32
    %scan3A_123 = arith.addi %scan3A, %scan3A_122 : i32
    %scan3A_124 = arith.constant 1 : i32
    scf.for %scan3A_250 = %scan3A to %scan3A_123 step %scan3A_124  : i32 {
      %mul3A_251 = arith.constant 4 : i32
      %mul3A_252 = arith.muli %scan3A_250, %mul3A_251 : i32
      %add3A_253 = arith.constant 0 : i32
      %add3A_254 = arith.addi %add3A_253, %mul3A_252 : i32
      %add3A_255 = arith.constant 0 : i32
      %add3A_256 = arith.addi %add3A_254, %add3A_255 : i32
      %lt3A_257 = arith.constant 125 : i32
      %lt3A_258 = arith.cmpi slt, %add3A_256, %lt3A_257 : i32
      %convert_element_type3A_259 = arith.extui %lt3A_258 : i1 to i32
      %cond3A_260 = arith.constant 0 : i32
      %cond3A_261 = arith.cmpi ne, %convert_element_type3A_259, %cond3A_260 : i32
      scf.if %cond3A_261 {
        %add3A_283 = arith.constant 2 : i32
        %add3A_284 = arith.addi %add3A_256, %add3A_283 : i32
        %lt3A_285 = arith.constant 125 : i32
        %lt3A_286 = arith.cmpi slt, %add3A_284, %lt3A_285 : i32
        %convert_element_type3A_287 = arith.extui %lt3A_286 : i1 to i32
        %cond3A_288 = arith.constant 0 : i32
        %cond3A_289 = arith.cmpi ne, %convert_element_type3A_287, %cond3A_288 : i32
        scf.if %cond3A_289 {
          %ge3A = arith.constant 2 : i32
          %ge3A_297 = arith.cmpi sge, %add3A_256, %ge3A : i32
          %convert_element_type3A_298 = arith.extui %ge3A_297 : i1 to i32
          %cond3A_299 = arith.constant 0 : i32
          %cond3A_300 = arith.cmpi ne, %convert_element_type3A_298, %cond3A_299 : i32
          scf.if %cond3A_300 {
            %dma_wait3A_311 = arith.constant 0 : i32
            %dma_wait3A_312 = arith.constant 0 : i32
            %dma_wait3A_313 = tpu.memref_slice %arg12[%dma_wait3A_311, %dma_wait3A_312] : memref<10000x128xf32, #tpu.memory_space<vmem_shared>> -> memref<10000x128xf32, #tpu.memory_space<vmem_shared>>
            tpu.wait_indirect_dma semaphore(%arg19 : memref<!tpu.dma_semaphore, #tpu.memory_space<semaphore_mem>>) src(%arg10 : memref<40x128xf32, #tpu.memory_space<vmem>>) dst(%dma_wait3A_313 : memref<10000x128xf32, #tpu.memory_space<vmem_shared>>)
          } else {
          }
          %add3A_301 = arith.constant 2 : i32
          %add3A_302 = arith.addi %add3A_256, %add3A_301 : i32
          %mul3A_303 = arith.constant 5000 : i32
          %mul3A_304 = arith.muli %add3A_109, %mul3A_303 : i32
          %mul3A_305 = arith.constant 40 : i32
          %mul3A_306 = arith.muli %add3A_302, %mul3A_305 : i32
          %add3A_307 = arith.addi %mul3A_304, %mul3A_306 : i32
          %multiple_of3A_308 = tpu.assume_multiple %add3A_307, 8 : i32
          %dma_start3A_309 = tpu.memref_slice %arg2[%multiple_of3A_308] : memref<160000xi32, #tpu.memory_space<hbm>> -> memref<40xi32, #tpu.memory_space<hbm>>
          %dma_start3A_310 = tpu.memref_slice %arg2[%multiple_of3A_308] : memref<160000xi32, #tpu.memory_space<hbm>> -> memref<40xi32, #tpu.memory_space<hbm>>
          tpu.enqueue_dma source(%dma_start3A_310 : memref<40xi32, #tpu.memory_space<hbm>>) target(%arg8 : memref<40xi32, #tpu.memory_space<vmem>>) target_semaphore(%arg15 : memref<!tpu.dma_semaphore, #tpu.memory_space<semaphore_mem>>)
        } else {
        }
        %dma_wait3A_290 = arith.constant 0 : i32
        %dma_wait3A_291 = tpu.memref_slice %arg2[%dma_wait3A_290] : memref<160000xi32, #tpu.memory_space<hbm>> -> memref<40xi32, #tpu.memory_space<hbm>>
        %dma_wait3A_292 = arith.constant 0 : i32
        %dma_wait3A_293 = tpu.memref_slice %arg2[%dma_wait3A_292] : memref<160000xi32, #tpu.memory_space<hbm>> -> memref<40xi32, #tpu.memory_space<hbm>>
        tpu.wait_dma2 semaphore(%arg13 : memref<!tpu.dma_semaphore, #tpu.memory_space<semaphore_mem>>) src(%dma_wait3A_293 : memref<40xi32, #tpu.memory_space<hbm>>) dst(%arg6 : memref<40xi32, #tpu.memory_space<vmem>>)
        %dma_start3A_294 = arith.constant 0 : i32
        %dma_start3A_295 = arith.constant 0 : i32
        %dma_start3A_296 = tpu.memref_slice %arg12[%dma_start3A_294, %dma_start3A_295] : memref<10000x128xf32, #tpu.memory_space<vmem_shared>> -> memref<10000x128xf32, #tpu.memory_space<vmem_shared>>
        tpu.enqueue_indirect_dma source(%arg10 : memref<40x128xf32, #tpu.memory_space<vmem>>) target(%dma_start3A_296 : memref<10000x128xf32, #tpu.memory_space<vmem_shared>>) offsets(%arg6 : memref<40xi32, #tpu.memory_space<vmem>>) semaphore(%arg17 : memref<!tpu.dma_semaphore, #tpu.memory_space<semaphore_mem>>) {add = true}
      } else {
      }
      %add3A_262 = arith.constant 1 : i32
      %add3A_263 = arith.addi %add3A_254, %add3A_262 : i32
      %lt3A_264 = arith.constant 125 : i32
      %lt3A_265 = arith.cmpi slt, %add3A_263, %lt3A_264 : i32
      %convert_element_type3A_266 = arith.extui %lt3A_265 : i1 to i32
      %cond3A_267 = arith.constant 0 : i32
      %cond3A_268 = arith.cmpi ne, %convert_element_type3A_266, %cond3A_267 : i32
      scf.if %cond3A_268 {
        %add3A_283 = arith.constant 2 : i32
        %add3A_284 = arith.addi %add3A_263, %add3A_283 : i32
        %lt3A_285 = arith.constant 125 : i32
        %lt3A_286 = arith.cmpi slt, %add3A_284, %lt3A_285 : i32
        %convert_element_type3A_287 = arith.extui %lt3A_286 : i1 to i32
        %cond3A_288 = arith.constant 0 : i32
        %cond3A_289 = arith.cmpi ne, %convert_element_type3A_287, %cond3A_288 : i32
        scf.if %cond3A_289 {
          %ge3A = arith.constant 2 : i32
          %ge3A_297 = arith.cmpi sge, %add3A_263, %ge3A : i32
          %convert_element_type3A_298 = arith.extui %ge3A_297 : i1 to i32
          %cond3A_299 = arith.constant 0 : i32
          %cond3A_300 = arith.cmpi ne, %convert_element_type3A_298, %cond3A_299 : i32
          scf.if %cond3A_300 {
            %dma_wait3A_311 = arith.constant 0 : i32
            %dma_wait3A_312 = arith.constant 0 : i32
            %dma_wait3A_313 = tpu.memref_slice %arg12[%dma_wait3A_311, %dma_wait3A_312] : memref<10000x128xf32, #tpu.memory_space<vmem_shared>> -> memref<10000x128xf32, #tpu.memory_space<vmem_shared>>
            tpu.wait_indirect_dma semaphore(%arg20 : memref<!tpu.dma_semaphore, #tpu.memory_space<semaphore_mem>>) src(%arg10 : memref<40x128xf32, #tpu.memory_space<vmem>>) dst(%dma_wait3A_313 : memref<10000x128xf32, #tpu.memory_space<vmem_shared>>)
          } else {
          }
          %add3A_301 = arith.constant 2 : i32
          %add3A_302 = arith.addi %add3A_263, %add3A_301 : i32
          %mul3A_303 = arith.constant 5000 : i32
          %mul3A_304 = arith.muli %add3A_109, %mul3A_303 : i32
          %mul3A_305 = arith.constant 40 : i32
          %mul3A_306 = arith.muli %add3A_302, %mul3A_305 : i32
          %add3A_307 = arith.addi %mul3A_304, %mul3A_306 : i32
          %multiple_of3A_308 = tpu.assume_multiple %add3A_307, 8 : i32
          %dma_start3A_309 = tpu.memref_slice %arg2[%multiple_of3A_308] : memref<160000xi32, #tpu.memory_space<hbm>> -> memref<40xi32, #tpu.memory_space<hbm>>
          %dma_start3A_310 = tpu.memref_slice %arg2[%multiple_of3A_308] : memref<160000xi32, #tpu.memory_space<hbm>> -> memref<40xi32, #tpu.memory_space<hbm>>
          tpu.enqueue_dma source(%dma_start3A_310 : memref<40xi32, #tpu.memory_space<hbm>>) target(%arg9 : memref<40xi32, #tpu.memory_space<vmem>>) target_semaphore(%arg16 : memref<!tpu.dma_semaphore, #tpu.memory_space<semaphore_mem>>)
        } else {
        }
        %dma_wait3A_290 = arith.constant 0 : i32
        %dma_wait3A_291 = tpu.memref_slice %arg2[%dma_wait3A_290] : memref<160000xi32, #tpu.memory_space<hbm>> -> memref<40xi32, #tpu.memory_space<hbm>>
        %dma_wait3A_292 = arith.constant 0 : i32
        %dma_wait3A_293 = tpu.memref_slice %arg2[%dma_wait3A_292] : memref<160000xi32, #tpu.memory_space<hbm>> -> memref<40xi32, #tpu.memory_space<hbm>>
        tpu.wait_dma2 semaphore(%arg14 : memref<!tpu.dma_semaphore, #tpu.memory_space<semaphore_mem>>) src(%dma_wait3A_293 : memref<40xi32, #tpu.memory_space<hbm>>) dst(%arg7 : memref<40xi32, #tpu.memory_space<vmem>>)
        %dma_start3A_294 = arith.constant 0 : i32
        %dma_start3A_295 = arith.constant 0 : i32
        %dma_start3A_296 = tpu.memref_slice %arg12[%dma_start3A_294, %dma_start3A_295] : memref<10000x128xf32, #tpu.memory_space<vmem_shared>> -> memref<10000x128xf32, #tpu.memory_space<vmem_shared>>
        tpu.enqueue_indirect_dma source(%arg10 : memref<40x128xf32, #tpu.memory_space<vmem>>) target(%dma_start3A_296 : memref<10000x128xf32, #tpu.memory_space<vmem_shared>>) offsets(%arg7 : memref<40xi32, #tpu.memory_space<vmem>>) semaphore(%arg18 : memref<!tpu.dma_semaphore, #tpu.memory_space<semaphore_mem>>) {add = true}
      } else {
      }
      %add3A_269 = arith.constant 2 : i32
      %add3A_270 = arith.addi %add3A_254, %add3A_269 : i32
      %lt3A_271 = arith.constant 125 : i32
      %lt3A_272 = arith.cmpi slt, %add3A_270, %lt3A_271 : i32
      %convert_element_type3A_273 = arith.extui %lt3A_272 : i1 to i32
      %cond3A_274 = arith.constant 0 : i32
      %cond3A_275 = arith.cmpi ne, %convert_element_type3A_273, %cond3A_274 : i32
      scf.if %cond3A_275 {
        %add3A_283 = arith.constant 2 : i32
        %add3A_284 = arith.addi %add3A_270, %add3A_283 : i32
        %lt3A_285 = arith.constant 125 : i32
        %lt3A_286 = arith.cmpi slt, %add3A_284, %lt3A_285 : i32
        %convert_element_type3A_287 = arith.extui %lt3A_286 : i1 to i32
        %cond3A_288 = arith.constant 0 : i32
        %cond3A_289 = arith.cmpi ne, %convert_element_type3A_287, %cond3A_288 : i32
        scf.if %cond3A_289 {
          %ge3A = arith.constant 2 : i32
          %ge3A_297 = arith.cmpi sge, %add3A_270, %ge3A : i32
          %convert_element_type3A_298 = arith.extui %ge3A_297 : i1 to i32
          %cond3A_299 = arith.constant 0 : i32
          %cond3A_300 = arith.cmpi ne, %convert_element_type3A_298, %cond3A_299 : i32
          scf.if %cond3A_300 {
            %dma_wait3A_311 = arith.constant 0 : i32
            %dma_wait3A_312 = arith.constant 0 : i32
            %dma_wait3A_313 = tpu.memref_slice %arg12[%dma_wait3A_311, %dma_wait3A_312] : memref<10000x128xf32, #tpu.memory_space<vmem_shared>> -> memref<10000x128xf32, #tpu.memory_space<vmem_shared>>
            tpu.wait_indirect_dma semaphore(%arg17 : memref<!tpu.dma_semaphore, #tpu.memory_space<semaphore_mem>>) src(%arg10 : memref<40x128xf32, #tpu.memory_space<vmem>>) dst(%dma_wait3A_313 : memref<10000x128xf32, #tpu.memory_space<vmem_shared>>)
          } else {
          }
          %add3A_301 = arith.constant 2 : i32
          %add3A_302 = arith.addi %add3A_270, %add3A_301 : i32
          %mul3A_303 = arith.constant 5000 : i32
          %mul3A_304 = arith.muli %add3A_109, %mul3A_303 : i32
          %mul3A_305 = arith.constant 40 : i32
          %mul3A_306 = arith.muli %add3A_302, %mul3A_305 : i32
          %add3A_307 = arith.addi %mul3A_304, %mul3A_306 : i32
          %multiple_of3A_308 = tpu.assume_multiple %add3A_307, 8 : i32
          %dma_start3A_309 = tpu.memref_slice %arg2[%multiple_of3A_308] : memref<160000xi32, #tpu.memory_space<hbm>> -> memref<40xi32, #tpu.memory_space<hbm>>
          %dma_start3A_310 = tpu.memref_slice %arg2[%multiple_of3A_308] : memref<160000xi32, #tpu.memory_space<hbm>> -> memref<40xi32, #tpu.memory_space<hbm>>
          tpu.enqueue_dma source(%dma_start3A_310 : memref<40xi32, #tpu.memory_space<hbm>>) target(%arg6 : memref<40xi32, #tpu.memory_space<vmem>>) target_semaphore(%arg13 : memref<!tpu.dma_semaphore, #tpu.memory_space<semaphore_mem>>)
        } else {
        }
        %dma_wait3A_290 = arith.constant 0 : i32
        %dma_wait3A_291 = tpu.memref_slice %arg2[%dma_wait3A_290] : memref<160000xi32, #tpu.memory_space<hbm>> -> memref<40xi32, #tpu.memory_space<hbm>>
        %dma_wait3A_292 = arith.constant 0 : i32
        %dma_wait3A_293 = tpu.memref_slice %arg2[%dma_wait3A_292] : memref<160000xi32, #tpu.memory_space<hbm>> -> memref<40xi32, #tpu.memory_space<hbm>>
        tpu.wait_dma2 semaphore(%arg15 : memref<!tpu.dma_semaphore, #tpu.memory_space<semaphore_mem>>) src(%dma_wait3A_293 : memref<40xi32, #tpu.memory_space<hbm>>) dst(%arg8 : memref<40xi32, #tpu.memory_space<vmem>>)
        %dma_start3A_294 = arith.constant 0 : i32
        %dma_start3A_295 = arith.constant 0 : i32
        %dma_start3A_296 = tpu.memref_slice %arg12[%dma_start3A_294, %dma_start3A_295] : memref<10000x128xf32, #tpu.memory_space<vmem_shared>> -> memref<10000x128xf32, #tpu.memory_space<vmem_shared>>
        tpu.enqueue_indirect_dma source(%arg10 : memref<40x128xf32, #tpu.memory_space<vmem>>) target(%dma_start3A_296 : memref<10000x128xf32, #tpu.memory_space<vmem_shared>>) offsets(%arg8 : memref<40xi32, #tpu.memory_space<vmem>>) semaphore(%arg19 : memref<!tpu.dma_semaphore, #tpu.memory_space<semaphore_mem>>) {add = true}
      } else {
      }
      %add3A_276 = arith.constant 3 : i32
      %add3A_277 = arith.addi %add3A_254, %add3A_276 : i32
      %lt3A_278 = arith.constant 125 : i32
      %lt3A_279 = arith.cmpi slt, %add3A_277, %lt3A_278 : i32
      %convert_element_type3A_280 = arith.extui %lt3A_279 : i1 to i32
      %cond3A_281 = arith.constant 0 : i32
      %cond3A_282 = arith.cmpi ne, %convert_element_type3A_280, %cond3A_281 : i32
      scf.if %cond3A_282 {
        %add3A_283 = arith.constant 2 : i32
        %add3A_284 = arith.addi %add3A_277, %add3A_283 : i32
        %lt3A_285 = arith.constant 125 : i32
        %lt3A_286 = arith.cmpi slt, %add3A_284, %lt3A_285 : i32
        %convert_element_type3A_287 = arith.extui %lt3A_286 : i1 to i32
        %cond3A_288 = arith.constant 0 : i32
        %cond3A_289 = arith.cmpi ne, %convert_element_type3A_287, %cond3A_288 : i32
        scf.if %cond3A_289 {
          %ge3A = arith.constant 2 : i32
          %ge3A_297 = arith.cmpi sge, %add3A_277, %ge3A : i32
          %convert_element_type3A_298 = arith.extui %ge3A_297 : i1 to i32
          %cond3A_299 = arith.constant 0 : i32
          %cond3A_300 = arith.cmpi ne, %convert_element_type3A_298, %cond3A_299 : i32
          scf.if %cond3A_300 {
            %dma_wait3A_311 = arith.constant 0 : i32
            %dma_wait3A_312 = arith.constant 0 : i32
            %dma_wait3A_313 = tpu.memref_slice %arg12[%dma_wait3A_311, %dma_wait3A_312] : memref<10000x128xf32, #tpu.memory_space<vmem_shared>> -> memref<10000x128xf32, #tpu.memory_space<vmem_shared>>
            tpu.wait_indirect_dma semaphore(%arg18 : memref<!tpu.dma_semaphore, #tpu.memory_space<semaphore_mem>>) src(%arg10 : memref<40x128xf32, #tpu.memory_space<vmem>>) dst(%dma_wait3A_313 : memref<10000x128xf32, #tpu.memory_space<vmem_shared>>)
          } else {
          }
          %add3A_301 = arith.constant 2 : i32
          %add3A_302 = arith.addi %add3A_277, %add3A_301 : i32
          %mul3A_303 = arith.constant 5000 : i32
          %mul3A_304 = arith.muli %add3A_109, %mul3A_303 : i32
          %mul3A_305 = arith.constant 40 : i32
          %mul3A_306 = arith.muli %add3A_302, %mul3A_305 : i32
          %add3A_307 = arith.addi %mul3A_304, %mul3A_306 : i32
          %multiple_of3A_308 = tpu.assume_multiple %add3A_307, 8 : i32
          %dma_start3A_309 = tpu.memref_slice %arg2[%multiple_of3A_308] : memref<160000xi32, #tpu.memory_space<hbm>> -> memref<40xi32, #tpu.memory_space<hbm>>
          %dma_start3A_310 = tpu.memref_slice %arg2[%multiple_of3A_308] : memref<160000xi32, #tpu.memory_space<hbm>> -> memref<40xi32, #tpu.memory_space<hbm>>
          tpu.enqueue_dma source(%dma_start3A_310 : memref<40xi32, #tpu.memory_space<hbm>>) target(%arg7 : memref<40xi32, #tpu.memory_space<vmem>>) target_semaphore(%arg14 : memref<!tpu.dma_semaphore, #tpu.memory_space<semaphore_mem>>)
        } else {
        }
        %dma_wait3A_290 = arith.constant 0 : i32
        %dma_wait3A_291 = tpu.memref_slice %arg2[%dma_wait3A_290] : memref<160000xi32, #tpu.memory_space<hbm>> -> memref<40xi32, #tpu.memory_space<hbm>>
        %dma_wait3A_292 = arith.constant 0 : i32
        %dma_wait3A_293 = tpu.memref_slice %arg2[%dma_wait3A_292] : memref<160000xi32, #tpu.memory_space<hbm>> -> memref<40xi32, #tpu.memory_space<hbm>>
        tpu.wait_dma2 semaphore(%arg16 : memref<!tpu.dma_semaphore, #tpu.memory_space<semaphore_mem>>) src(%dma_wait3A_293 : memref<40xi32, #tpu.memory_space<hbm>>) dst(%arg9 : memref<40xi32, #tpu.memory_space<vmem>>)
        %dma_start3A_294 = arith.constant 0 : i32
        %dma_start3A_295 = arith.constant 0 : i32
        %dma_start3A_296 = tpu.memref_slice %arg12[%dma_start3A_294, %dma_start3A_295] : memref<10000x128xf32, #tpu.memory_space<vmem_shared>> -> memref<10000x128xf32, #tpu.memory_space<vmem_shared>>
        tpu.enqueue_indirect_dma source(%arg10 : memref<40x128xf32, #tpu.memory_space<vmem>>) target(%dma_start3A_296 : memref<10000x128xf32, #tpu.memory_space<vmem_shared>>) offsets(%arg9 : memref<40xi32, #tpu.memory_space<vmem>>) semaphore(%arg20 : memref<!tpu.dma_semaphore, #tpu.memory_space<semaphore_mem>>) {add = true}
      } else {
      }
    }
    %scan3A_125 = arith.constant 32 : i32
    %dma_wait3A = arith.constant 0 : i32
    %dma_wait3A_126 = arith.constant 0 : i32
    %dma_wait3A_127 = tpu.memref_slice %arg12[%dma_wait3A, %dma_wait3A_126] : memref<10000x128xf32, #tpu.memory_space<vmem_shared>> -> memref<10000x128xf32, #tpu.memory_space<vmem_shared>>
    tpu.wait_indirect_dma semaphore(%arg18 : memref<!tpu.dma_semaphore, #tpu.memory_space<semaphore_mem>>) src(%arg10 : memref<40x128xf32, #tpu.memory_space<vmem>>) dst(%dma_wait3A_127 : memref<10000x128xf32, #tpu.memory_space<vmem_shared>>)
    %dma_wait3A_128 = arith.constant 0 : i32
    %dma_wait3A_129 = arith.constant 0 : i32
    %dma_wait3A_130 = tpu.memref_slice %arg12[%dma_wait3A_128, %dma_wait3A_129] : memref<10000x128xf32, #tpu.memory_space<vmem_shared>> -> memref<10000x128xf32, #tpu.memory_space<vmem_shared>>
    tpu.wait_indirect_dma semaphore(%arg19 : memref<!tpu.dma_semaphore, #tpu.memory_space<semaphore_mem>>) src(%arg10 : memref<40x128xf32, #tpu.memory_space<vmem>>) dst(%dma_wait3A_130 : memref<10000x128xf32, #tpu.memory_space<vmem_shared>>)
    %dma_wait3A_131 = arith.constant 0 : i32
    %dma_wait3A_132 = arith.constant 0 : i32
    %dma_wait3A_133 = tpu.memref_slice %arg12[%dma_wait3A_131, %dma_wait3A_132] : memref<10000x128xf32, #tpu.memory_space<vmem_shared>> -> memref<10000x128xf32, #tpu.memory_space<vmem_shared>>
    tpu.wait_indirect_dma semaphore(%arg20 : memref<!tpu.dma_semaphore, #tpu.memory_space<semaphore_mem>>) src(%arg10 : memref<40x128xf32, #tpu.memory_space<vmem>>) dst(%dma_wait3A_133 : memref<10000x128xf32, #tpu.memory_space<vmem_shared>>)
    %dma_wait3A_134 = arith.constant 0 : i32
    %dma_wait3A_135 = arith.constant 0 : i32
    %dma_wait3A_136 = tpu.memref_slice %arg12[%dma_wait3A_134, %dma_wait3A_135] : memref<10000x128xf32, #tpu.memory_space<vmem_shared>> -> memref<10000x128xf32, #tpu.memory_space<vmem_shared>>
    tpu.wait_indirect_dma semaphore(%arg17 : memref<!tpu.dma_semaphore, #tpu.memory_space<semaphore_mem>>) src(%arg10 : memref<40x128xf32, #tpu.memory_space<vmem>>) dst(%dma_wait3A_136 : memref<10000x128xf32, #tpu.memory_space<vmem_shared>>)
    %barrier3A_137 = arith.constant 0 : index
    tpu.barrier barrier_id(%barrier3A_137)
    %add3A_138 = arith.constant 0 : i32
    %add3A_139 = arith.addi %arg1, %add3A_138 : i32
    %lt3A_140 = arith.constant 250 : i32
    %lt3A_141 = arith.cmpi slt, %add3A_139, %lt3A_140 : i32
    %convert_element_type3A_142 = arith.extui %lt3A_141 : i1 to i32
    %cond3A_143 = arith.constant 0 : i32
    %cond3A_144 = arith.cmpi ne, %convert_element_type3A_142, %cond3A_143 : i32
    scf.if %cond3A_144 {
      %mul3A_250 = arith.constant 40 : i32
      %mul3A_251 = arith.muli %add3A_139, %mul3A_250 : i32
      "tpu.region"() ({
        %run_scoped3A = tpu.sem_alloc : memref<!tpu.dma_semaphore, #tpu.memory_space<semaphore_mem>>
        %dma_start3A_257 = arith.constant 0 : i32
        %dma_start3A_258 = tpu.memref_slice %arg12[%mul3A_251, %dma_start3A_257] : memref<10000x128xf32, #tpu.memory_space<vmem_shared>> -> memref<40x128xf32, #tpu.memory_space<vmem_shared>>
        %dma_start3A_259 = arith.constant 0 : i32
        %dma_start3A_260 = tpu.memref_slice %arg12[%mul3A_251, %dma_start3A_259] : memref<10000x128xf32, #tpu.memory_space<vmem_shared>> -> memref<40x128xf32, #tpu.memory_space<vmem_shared>>
        tpu.enqueue_dma source(%dma_start3A_260 : memref<40x128xf32, #tpu.memory_space<vmem_shared>>) target(%arg11 : memref<40x128xf32, #tpu.memory_space<vmem>>) target_semaphore(%run_scoped3A : memref<!tpu.dma_semaphore, #tpu.memory_space<semaphore_mem>>)
        %dma_wait3A_261 = arith.constant 0 : i32
        %dma_wait3A_262 = tpu.memref_slice %arg12[%mul3A_251, %dma_wait3A_261] : memref<10000x128xf32, #tpu.memory_space<vmem_shared>> -> memref<40x128xf32, #tpu.memory_space<vmem_shared>>
        %dma_wait3A_263 = arith.constant 0 : i32
        %dma_wait3A_264 = tpu.memref_slice %arg12[%mul3A_251, %dma_wait3A_263] : memref<10000x128xf32, #tpu.memory_space<vmem_shared>> -> memref<40x128xf32, #tpu.memory_space<vmem_shared>>
        tpu.wait_dma2 semaphore(%run_scoped3A : memref<!tpu.dma_semaphore, #tpu.memory_space<semaphore_mem>>) src(%dma_wait3A_264 : memref<40x128xf32, #tpu.memory_space<vmem_shared>>) dst(%arg11 : memref<40x128xf32, #tpu.memory_space<vmem>>)
        tpu.yield
      }) : () -> ()
      %mul3A_252 = arith.constant 10000 : i32
      %mul3A_253 = arith.muli %arg0, %mul3A_252 : i32
      %mul3A_254 = arith.constant 40 : i32
      %mul3A_255 = arith.muli %add3A_139, %mul3A_254 : i32
      %add3A_256 = arith.addi %mul3A_253, %mul3A_255 : i32
      "tpu.region"() ({
        %run_scoped3A = tpu.sem_alloc : memref<!tpu.dma_semaphore, #tpu.memory_space<semaphore_mem>>
        %dma_start3A_257 = arith.constant 0 : i32
        %dma_start3A_258 = tpu.memref_slice %arg5[%add3A_256, %dma_start3A_257] : memref<20000x128xf32, #tpu.memory_space<hbm>> -> memref<40x128xf32, #tpu.memory_space<hbm>>
        %dma_start3A_259 = arith.constant 0 : i32
        %dma_start3A_260 = tpu.memref_slice %arg5[%add3A_256, %dma_start3A_259] : memref<20000x128xf32, #tpu.memory_space<hbm>> -> memref<40x128xf32, #tpu.memory_space<hbm>>
        tpu.enqueue_dma source(%arg11 : memref<40x128xf32, #tpu.memory_space<vmem>>) target(%dma_start3A_260 : memref<40x128xf32, #tpu.memory_space<hbm>>) target_semaphore(%run_scoped3A : memref<!tpu.dma_semaphore, #tpu.memory_space<semaphore_mem>>)
        %dma_wait3A_261 = arith.constant 0 : i32
        %dma_wait3A_262 = tpu.memref_slice %arg5[%add3A_256, %dma_wait3A_261] : memref<20000x128xf32, #tpu.memory_space<hbm>> -> memref<40x128xf32, #tpu.memory_space<hbm>>
        %dma_wait3A_263 = arith.constant 0 : i32
        %dma_wait3A_264 = tpu.memref_slice %arg5[%add3A_256, %dma_wait3A_263] : memref<20000x128xf32, #tpu.memory_space<hbm>> -> memref<40x128xf32, #tpu.memory_space<hbm>>
        tpu.wait_dma2 semaphore(%run_scoped3A : memref<!tpu.dma_semaphore, #tpu.memory_space<semaphore_mem>>) src(%arg11 : memref<40x128xf32, #tpu.memory_space<vmem>>) dst(%dma_wait3A_264 : memref<40x128xf32, #tpu.memory_space<hbm>>)
        tpu.yield
      }) : () -> ()
    } else {
    }
    %add3A_145 = arith.constant 16 : i32
    %add3A_146 = arith.addi %arg1, %add3A_145 : i32
    %lt3A_147 = arith.constant 250 : i32
    %lt3A_148 = arith.cmpi slt, %add3A_146, %lt3A_147 : i32
    %convert_element_type3A_149 = arith.extui %lt3A_148 : i1 to i32
    %cond3A_150 = arith.constant 0 : i32
    %cond3A_151 = arith.cmpi ne, %convert_element_type3A_149, %cond3A_150 : i32
    scf.if %cond3A_151 {
      %mul3A_250 = arith.constant 40 : i32
      %mul3A_251 = arith.muli %add3A_146, %mul3A_250 : i32
      "tpu.region"() ({
        %run_scoped3A = tpu.sem_alloc : memref<!tpu.dma_semaphore, #tpu.memory_space<semaphore_mem>>
        %dma_start3A_257 = arith.constant 0 : i32
        %dma_start3A_258 = tpu.memref_slice %arg12[%mul3A_251, %dma_start3A_257] : memref<10000x128xf32, #tpu.memory_space<vmem_shared>> -> memref<40x128xf32, #tpu.memory_space<vmem_shared>>
        %dma_start3A_259 = arith.constant 0 : i32
        %dma_start3A_260 = tpu.memref_slice %arg12[%mul3A_251, %dma_start3A_259] : memref<10000x128xf32, #tpu.memory_space<vmem_shared>> -> memref<40x128xf32, #tpu.memory_space<vmem_shared>>
        tpu.enqueue_dma source(%dma_start3A_260 : memref<40x128xf32, #tpu.memory_space<vmem_shared>>) target(%arg11 : memref<40x128xf32, #tpu.memory_space<vmem>>) target_semaphore(%run_scoped3A : memref<!tpu.dma_semaphore, #tpu.memory_space<semaphore_mem>>)
        %dma_wait3A_261 = arith.constant 0 : i32
        %dma_wait3A_262 = tpu.memref_slice %arg12[%mul3A_251, %dma_wait3A_261] : memref<10000x128xf32, #tpu.memory_space<vmem_shared>> -> memref<40x128xf32, #tpu.memory_space<vmem_shared>>
        %dma_wait3A_263 = arith.constant 0 : i32
        %dma_wait3A_264 = tpu.memref_slice %arg12[%mul3A_251, %dma_wait3A_263] : memref<10000x128xf32, #tpu.memory_space<vmem_shared>> -> memref<40x128xf32, #tpu.memory_space<vmem_shared>>
        tpu.wait_dma2 semaphore(%run_scoped3A : memref<!tpu.dma_semaphore, #tpu.memory_space<semaphore_mem>>) src(%dma_wait3A_264 : memref<40x128xf32, #tpu.memory_space<vmem_shared>>) dst(%arg11 : memref<40x128xf32, #tpu.memory_space<vmem>>)
        tpu.yield
      }) : () -> ()
      %mul3A_252 = arith.constant 10000 : i32
      %mul3A_253 = arith.muli %arg0, %mul3A_252 : i32
      %mul3A_254 = arith.constant 40 : i32
      %mul3A_255 = arith.muli %add3A_146, %mul3A_254 : i32
      %add3A_256 = arith.addi %mul3A_253, %mul3A_255 : i32
      "tpu.region"() ({
        %run_scoped3A = tpu.sem_alloc : memref<!tpu.dma_semaphore, #tpu.memory_space<semaphore_mem>>
        %dma_start3A_257 = arith.constant 0 : i32
        %dma_start3A_258 = tpu.memref_slice %arg5[%add3A_256, %dma_start3A_257] : memref<20000x128xf32, #tpu.memory_space<hbm>> -> memref<40x128xf32, #tpu.memory_space<hbm>>
        %dma_start3A_259 = arith.constant 0 : i32
        %dma_start3A_260 = tpu.memref_slice %arg5[%add3A_256, %dma_start3A_259] : memref<20000x128xf32, #tpu.memory_space<hbm>> -> memref<40x128xf32, #tpu.memory_space<hbm>>
        tpu.enqueue_dma source(%arg11 : memref<40x128xf32, #tpu.memory_space<vmem>>) target(%dma_start3A_260 : memref<40x128xf32, #tpu.memory_space<hbm>>) target_semaphore(%run_scoped3A : memref<!tpu.dma_semaphore, #tpu.memory_space<semaphore_mem>>)
        %dma_wait3A_261 = arith.constant 0 : i32
        %dma_wait3A_262 = tpu.memref_slice %arg5[%add3A_256, %dma_wait3A_261] : memref<20000x128xf32, #tpu.memory_space<hbm>> -> memref<40x128xf32, #tpu.memory_space<hbm>>
        %dma_wait3A_263 = arith.constant 0 : i32
        %dma_wait3A_264 = tpu.memref_slice %arg5[%add3A_256, %dma_wait3A_263] : memref<20000x128xf32, #tpu.memory_space<hbm>> -> memref<40x128xf32, #tpu.memory_space<hbm>>
        tpu.wait_dma2 semaphore(%run_scoped3A : memref<!tpu.dma_semaphore, #tpu.memory_space<semaphore_mem>>) src(%arg11 : memref<40x128xf32, #tpu.memory_space<vmem>>) dst(%dma_wait3A_264 : memref<40x128xf32, #tpu.memory_space<hbm>>)
        tpu.yield
      }) : () -> ()
    } else {
    }
    %add3A_152 = arith.constant 32 : i32
    %add3A_153 = arith.addi %arg1, %add3A_152 : i32
    %lt3A_154 = arith.constant 250 : i32
    %lt3A_155 = arith.cmpi slt, %add3A_153, %lt3A_154 : i32
    %convert_element_type3A_156 = arith.extui %lt3A_155 : i1 to i32
    %cond3A_157 = arith.constant 0 : i32
    %cond3A_158 = arith.cmpi ne, %convert_element_type3A_156, %cond3A_157 : i32
    scf.if %cond3A_158 {
      %mul3A_250 = arith.constant 40 : i32
      %mul3A_251 = arith.muli %add3A_153, %mul3A_250 : i32
      "tpu.region"() ({
        %run_scoped3A = tpu.sem_alloc : memref<!tpu.dma_semaphore, #tpu.memory_space<semaphore_mem>>
        %dma_start3A_257 = arith.constant 0 : i32
        %dma_start3A_258 = tpu.memref_slice %arg12[%mul3A_251, %dma_start3A_257] : memref<10000x128xf32, #tpu.memory_space<vmem_shared>> -> memref<40x128xf32, #tpu.memory_space<vmem_shared>>
        %dma_start3A_259 = arith.constant 0 : i32
        %dma_start3A_260 = tpu.memref_slice %arg12[%mul3A_251, %dma_start3A_259] : memref<10000x128xf32, #tpu.memory_space<vmem_shared>> -> memref<40x128xf32, #tpu.memory_space<vmem_shared>>
        tpu.enqueue_dma source(%dma_start3A_260 : memref<40x128xf32, #tpu.memory_space<vmem_shared>>) target(%arg11 : memref<40x128xf32, #tpu.memory_space<vmem>>) target_semaphore(%run_scoped3A : memref<!tpu.dma_semaphore, #tpu.memory_space<semaphore_mem>>)
        %dma_wait3A_261 = arith.constant 0 : i32
        %dma_wait3A_262 = tpu.memref_slice %arg12[%mul3A_251, %dma_wait3A_261] : memref<10000x128xf32, #tpu.memory_space<vmem_shared>> -> memref<40x128xf32, #tpu.memory_space<vmem_shared>>
        %dma_wait3A_263 = arith.constant 0 : i32
        %dma_wait3A_264 = tpu.memref_slice %arg12[%mul3A_251, %dma_wait3A_263] : memref<10000x128xf32, #tpu.memory_space<vmem_shared>> -> memref<40x128xf32, #tpu.memory_space<vmem_shared>>
        tpu.wait_dma2 semaphore(%run_scoped3A : memref<!tpu.dma_semaphore, #tpu.memory_space<semaphore_mem>>) src(%dma_wait3A_264 : memref<40x128xf32, #tpu.memory_space<vmem_shared>>) dst(%arg11 : memref<40x128xf32, #tpu.memory_space<vmem>>)
        tpu.yield
      }) : () -> ()
      %mul3A_252 = arith.constant 10000 : i32
      %mul3A_253 = arith.muli %arg0, %mul3A_252 : i32
      %mul3A_254 = arith.constant 40 : i32
      %mul3A_255 = arith.muli %add3A_153, %mul3A_254 : i32
      %add3A_256 = arith.addi %mul3A_253, %mul3A_255 : i32
      "tpu.region"() ({
        %run_scoped3A = tpu.sem_alloc : memref<!tpu.dma_semaphore, #tpu.memory_space<semaphore_mem>>
        %dma_start3A_257 = arith.constant 0 : i32
        %dma_start3A_258 = tpu.memref_slice %arg5[%add3A_256, %dma_start3A_257] : memref<20000x128xf32, #tpu.memory_space<hbm>> -> memref<40x128xf32, #tpu.memory_space<hbm>>
        %dma_start3A_259 = arith.constant 0 : i32
        %dma_start3A_260 = tpu.memref_slice %arg5[%add3A_256, %dma_start3A_259] : memref<20000x128xf32, #tpu.memory_space<hbm>> -> memref<40x128xf32, #tpu.memory_space<hbm>>
        tpu.enqueue_dma source(%arg11 : memref<40x128xf32, #tpu.memory_space<vmem>>) target(%dma_start3A_260 : memref<40x128xf32, #tpu.memory_space<hbm>>) target_semaphore(%run_scoped3A : memref<!tpu.dma_semaphore, #tpu.memory_space<semaphore_mem>>)
        %dma_wait3A_261 = arith.constant 0 : i32
        %dma_wait3A_262 = tpu.memref_slice %arg5[%add3A_256, %dma_wait3A_261] : memref<20000x128xf32, #tpu.memory_space<hbm>> -> memref<40x128xf32, #tpu.memory_space<hbm>>
        %dma_wait3A_263 = arith.constant 0 : i32
        %dma_wait3A_264 = tpu.memref_slice %arg5[%add3A_256, %dma_wait3A_263] : memref<20000x128xf32, #tpu.memory_space<hbm>> -> memref<40x128xf32, #tpu.memory_space<hbm>>
        tpu.wait_dma2 semaphore(%run_scoped3A : memref<!tpu.dma_semaphore, #tpu.memory_space<semaphore_mem>>) src(%arg11 : memref<40x128xf32, #tpu.memory_space<vmem>>) dst(%dma_wait3A_264 : memref<40x128xf32, #tpu.memory_space<hbm>>)
        tpu.yield
      }) : () -> ()
    } else {
    }
    %add3A_159 = arith.constant 48 : i32
    %add3A_160 = arith.addi %arg1, %add3A_159 : i32
    %lt3A_161 = arith.constant 250 : i32
    %lt3A_162 = arith.cmpi slt, %add3A_160, %lt3A_161 : i32
    %convert_element_type3A_163 = arith.extui %lt3A_162 : i1 to i32
    %cond3A_164 = arith.constant 0 : i32
    %cond3A_165 = arith.cmpi ne, %convert_element_type3A_163, %cond3A_164 : i32
    scf.if %cond3A_165 {
      %mul3A_250 = arith.constant 40 : i32
      %mul3A_251 = arith.muli %add3A_160, %mul3A_250 : i32
      "tpu.region"() ({
        %run_scoped3A = tpu.sem_alloc : memref<!tpu.dma_semaphore, #tpu.memory_space<semaphore_mem>>
        %dma_start3A_257 = arith.constant 0 : i32
        %dma_start3A_258 = tpu.memref_slice %arg12[%mul3A_251, %dma_start3A_257] : memref<10000x128xf32, #tpu.memory_space<vmem_shared>> -> memref<40x128xf32, #tpu.memory_space<vmem_shared>>
        %dma_start3A_259 = arith.constant 0 : i32
        %dma_start3A_260 = tpu.memref_slice %arg12[%mul3A_251, %dma_start3A_259] : memref<10000x128xf32, #tpu.memory_space<vmem_shared>> -> memref<40x128xf32, #tpu.memory_space<vmem_shared>>
        tpu.enqueue_dma source(%dma_start3A_260 : memref<40x128xf32, #tpu.memory_space<vmem_shared>>) target(%arg11 : memref<40x128xf32, #tpu.memory_space<vmem>>) target_semaphore(%run_scoped3A : memref<!tpu.dma_semaphore, #tpu.memory_space<semaphore_mem>>)
        %dma_wait3A_261 = arith.constant 0 : i32
        %dma_wait3A_262 = tpu.memref_slice %arg12[%mul3A_251, %dma_wait3A_261] : memref<10000x128xf32, #tpu.memory_space<vmem_shared>> -> memref<40x128xf32, #tpu.memory_space<vmem_shared>>
        %dma_wait3A_263 = arith.constant 0 : i32
        %dma_wait3A_264 = tpu.memref_slice %arg12[%mul3A_251, %dma_wait3A_263] : memref<10000x128xf32, #tpu.memory_space<vmem_shared>> -> memref<40x128xf32, #tpu.memory_space<vmem_shared>>
        tpu.wait_dma2 semaphore(%run_scoped3A : memref<!tpu.dma_semaphore, #tpu.memory_space<semaphore_mem>>) src(%dma_wait3A_264 : memref<40x128xf32, #tpu.memory_space<vmem_shared>>) dst(%arg11 : memref<40x128xf32, #tpu.memory_space<vmem>>)
        tpu.yield
      }) : () -> ()
      %mul3A_252 = arith.constant 10000 : i32
      %mul3A_253 = arith.muli %arg0, %mul3A_252 : i32
      %mul3A_254 = arith.constant 40 : i32
      %mul3A_255 = arith.muli %add3A_160, %mul3A_254 : i32
      %add3A_256 = arith.addi %mul3A_253, %mul3A_255 : i32
      "tpu.region"() ({
        %run_scoped3A = tpu.sem_alloc : memref<!tpu.dma_semaphore, #tpu.memory_space<semaphore_mem>>
        %dma_start3A_257 = arith.constant 0 : i32
        %dma_start3A_258 = tpu.memref_slice %arg5[%add3A_256, %dma_start3A_257] : memref<20000x128xf32, #tpu.memory_space<hbm>> -> memref<40x128xf32, #tpu.memory_space<hbm>>
        %dma_start3A_259 = arith.constant 0 : i32
        %dma_start3A_260 = tpu.memref_slice %arg5[%add3A_256, %dma_start3A_259] : memref<20000x128xf32, #tpu.memory_space<hbm>> -> memref<40x128xf32, #tpu.memory_space<hbm>>
        tpu.enqueue_dma source(%arg11 : memref<40x128xf32, #tpu.memory_space<vmem>>) target(%dma_start3A_260 : memref<40x128xf32, #tpu.memory_space<hbm>>) target_semaphore(%run_scoped3A : memref<!tpu.dma_semaphore, #tpu.memory_space<semaphore_mem>>)
        %dma_wait3A_261 = arith.constant 0 : i32
        %dma_wait3A_262 = tpu.memref_slice %arg5[%add3A_256, %dma_wait3A_261] : memref<20000x128xf32, #tpu.memory_space<hbm>> -> memref<40x128xf32, #tpu.memory_space<hbm>>
        %dma_wait3A_263 = arith.constant 0 : i32
        %dma_wait3A_264 = tpu.memref_slice %arg5[%add3A_256, %dma_wait3A_263] : memref<20000x128xf32, #tpu.memory_space<hbm>> -> memref<40x128xf32, #tpu.memory_space<hbm>>
        tpu.wait_dma2 semaphore(%run_scoped3A : memref<!tpu.dma_semaphore, #tpu.memory_space<semaphore_mem>>) src(%arg11 : memref<40x128xf32, #tpu.memory_space<vmem>>) dst(%dma_wait3A_264 : memref<40x128xf32, #tpu.memory_space<hbm>>)
        tpu.yield
      }) : () -> ()
    } else {
    }
    %add3A_166 = arith.constant 64 : i32
    %add3A_167 = arith.addi %arg1, %add3A_166 : i32
    %lt3A_168 = arith.constant 250 : i32
    %lt3A_169 = arith.cmpi slt, %add3A_167, %lt3A_168 : i32
    %convert_element_type3A_170 = arith.extui %lt3A_169 : i1 to i32
    %cond3A_171 = arith.constant 0 : i32
    %cond3A_172 = arith.cmpi ne, %convert_element_type3A_170, %cond3A_171 : i32
    scf.if %cond3A_172 {
      %mul3A_250 = arith.constant 40 : i32
      %mul3A_251 = arith.muli %add3A_167, %mul3A_250 : i32
      "tpu.region"() ({
        %run_scoped3A = tpu.sem_alloc : memref<!tpu.dma_semaphore, #tpu.memory_space<semaphore_mem>>
        %dma_start3A_257 = arith.constant 0 : i32
        %dma_start3A_258 = tpu.memref_slice %arg12[%mul3A_251, %dma_start3A_257] : memref<10000x128xf32, #tpu.memory_space<vmem_shared>> -> memref<40x128xf32, #tpu.memory_space<vmem_shared>>
        %dma_start3A_259 = arith.constant 0 : i32
        %dma_start3A_260 = tpu.memref_slice %arg12[%mul3A_251, %dma_start3A_259] : memref<10000x128xf32, #tpu.memory_space<vmem_shared>> -> memref<40x128xf32, #tpu.memory_space<vmem_shared>>
        tpu.enqueue_dma source(%dma_start3A_260 : memref<40x128xf32, #tpu.memory_space<vmem_shared>>) target(%arg11 : memref<40x128xf32, #tpu.memory_space<vmem>>) target_semaphore(%run_scoped3A : memref<!tpu.dma_semaphore, #tpu.memory_space<semaphore_mem>>)
        %dma_wait3A_261 = arith.constant 0 : i32
        %dma_wait3A_262 = tpu.memref_slice %arg12[%mul3A_251, %dma_wait3A_261] : memref<10000x128xf32, #tpu.memory_space<vmem_shared>> -> memref<40x128xf32, #tpu.memory_space<vmem_shared>>
        %dma_wait3A_263 = arith.constant 0 : i32
        %dma_wait3A_264 = tpu.memref_slice %arg12[%mul3A_251, %dma_wait3A_263] : memref<10000x128xf32, #tpu.memory_space<vmem_shared>> -> memref<40x128xf32, #tpu.memory_space<vmem_shared>>
        tpu.wait_dma2 semaphore(%run_scoped3A : memref<!tpu.dma_semaphore, #tpu.memory_space<semaphore_mem>>) src(%dma_wait3A_264 : memref<40x128xf32, #tpu.memory_space<vmem_shared>>) dst(%arg11 : memref<40x128xf32, #tpu.memory_space<vmem>>)
        tpu.yield
      }) : () -> ()
      %mul3A_252 = arith.constant 10000 : i32
      %mul3A_253 = arith.muli %arg0, %mul3A_252 : i32
      %mul3A_254 = arith.constant 40 : i32
      %mul3A_255 = arith.muli %add3A_167, %mul3A_254 : i32
      %add3A_256 = arith.addi %mul3A_253, %mul3A_255 : i32
      "tpu.region"() ({
        %run_scoped3A = tpu.sem_alloc : memref<!tpu.dma_semaphore, #tpu.memory_space<semaphore_mem>>
        %dma_start3A_257 = arith.constant 0 : i32
        %dma_start3A_258 = tpu.memref_slice %arg5[%add3A_256, %dma_start3A_257] : memref<20000x128xf32, #tpu.memory_space<hbm>> -> memref<40x128xf32, #tpu.memory_space<hbm>>
        %dma_start3A_259 = arith.constant 0 : i32
        %dma_start3A_260 = tpu.memref_slice %arg5[%add3A_256, %dma_start3A_259] : memref<20000x128xf32, #tpu.memory_space<hbm>> -> memref<40x128xf32, #tpu.memory_space<hbm>>
        tpu.enqueue_dma source(%arg11 : memref<40x128xf32, #tpu.memory_space<vmem>>) target(%dma_start3A_260 : memref<40x128xf32, #tpu.memory_space<hbm>>) target_semaphore(%run_scoped3A : memref<!tpu.dma_semaphore, #tpu.memory_space<semaphore_mem>>)
        %dma_wait3A_261 = arith.constant 0 : i32
        %dma_wait3A_262 = tpu.memref_slice %arg5[%add3A_256, %dma_wait3A_261] : memref<20000x128xf32, #tpu.memory_space<hbm>> -> memref<40x128xf32, #tpu.memory_space<hbm>>
        %dma_wait3A_263 = arith.constant 0 : i32
        %dma_wait3A_264 = tpu.memref_slice %arg5[%add3A_256, %dma_wait3A_263] : memref<20000x128xf32, #tpu.memory_space<hbm>> -> memref<40x128xf32, #tpu.memory_space<hbm>>
        tpu.wait_dma2 semaphore(%run_scoped3A : memref<!tpu.dma_semaphore, #tpu.memory_space<semaphore_mem>>) src(%arg11 : memref<40x128xf32, #tpu.memory_space<vmem>>) dst(%dma_wait3A_264 : memref<40x128xf32, #tpu.memory_space<hbm>>)
        tpu.yield
      }) : () -> ()
    } else {
    }
    %add3A_173 = arith.constant 80 : i32
    %add3A_174 = arith.addi %arg1, %add3A_173 : i32
    %lt3A_175 = arith.constant 250 : i32
    %lt3A_176 = arith.cmpi slt, %add3A_174, %lt3A_175 : i32
    %convert_element_type3A_177 = arith.extui %lt3A_176 : i1 to i32
    %cond3A_178 = arith.constant 0 : i32
    %cond3A_179 = arith.cmpi ne, %convert_element_type3A_177, %cond3A_178 : i32
    scf.if %cond3A_179 {
      %mul3A_250 = arith.constant 40 : i32
      %mul3A_251 = arith.muli %add3A_174, %mul3A_250 : i32
      "tpu.region"() ({
        %run_scoped3A = tpu.sem_alloc : memref<!tpu.dma_semaphore, #tpu.memory_space<semaphore_mem>>
        %dma_start3A_257 = arith.constant 0 : i32
        %dma_start3A_258 = tpu.memref_slice %arg12[%mul3A_251, %dma_start3A_257] : memref<10000x128xf32, #tpu.memory_space<vmem_shared>> -> memref<40x128xf32, #tpu.memory_space<vmem_shared>>
        %dma_start3A_259 = arith.constant 0 : i32
        %dma_start3A_260 = tpu.memref_slice %arg12[%mul3A_251, %dma_start3A_259] : memref<10000x128xf32, #tpu.memory_space<vmem_shared>> -> memref<40x128xf32, #tpu.memory_space<vmem_shared>>
        tpu.enqueue_dma source(%dma_start3A_260 : memref<40x128xf32, #tpu.memory_space<vmem_shared>>) target(%arg11 : memref<40x128xf32, #tpu.memory_space<vmem>>) target_semaphore(%run_scoped3A : memref<!tpu.dma_semaphore, #tpu.memory_space<semaphore_mem>>)
        %dma_wait3A_261 = arith.constant 0 : i32
        %dma_wait3A_262 = tpu.memref_slice %arg12[%mul3A_251, %dma_wait3A_261] : memref<10000x128xf32, #tpu.memory_space<vmem_shared>> -> memref<40x128xf32, #tpu.memory_space<vmem_shared>>
        %dma_wait3A_263 = arith.constant 0 : i32
        %dma_wait3A_264 = tpu.memref_slice %arg12[%mul3A_251, %dma_wait3A_263] : memref<10000x128xf32, #tpu.memory_space<vmem_shared>> -> memref<40x128xf32, #tpu.memory_space<vmem_shared>>
        tpu.wait_dma2 semaphore(%run_scoped3A : memref<!tpu.dma_semaphore, #tpu.memory_space<semaphore_mem>>) src(%dma_wait3A_264 : memref<40x128xf32, #tpu.memory_space<vmem_shared>>) dst(%arg11 : memref<40x128xf32, #tpu.memory_space<vmem>>)
        tpu.yield
      }) : () -> ()
      %mul3A_252 = arith.constant 10000 : i32
      %mul3A_253 = arith.muli %arg0, %mul3A_252 : i32
      %mul3A_254 = arith.constant 40 : i32
      %mul3A_255 = arith.muli %add3A_174, %mul3A_254 : i32
      %add3A_256 = arith.addi %mul3A_253, %mul3A_255 : i32
      "tpu.region"() ({
        %run_scoped3A = tpu.sem_alloc : memref<!tpu.dma_semaphore, #tpu.memory_space<semaphore_mem>>
        %dma_start3A_257 = arith.constant 0 : i32
        %dma_start3A_258 = tpu.memref_slice %arg5[%add3A_256, %dma_start3A_257] : memref<20000x128xf32, #tpu.memory_space<hbm>> -> memref<40x128xf32, #tpu.memory_space<hbm>>
        %dma_start3A_259 = arith.constant 0 : i32
        %dma_start3A_260 = tpu.memref_slice %arg5[%add3A_256, %dma_start3A_259] : memref<20000x128xf32, #tpu.memory_space<hbm>> -> memref<40x128xf32, #tpu.memory_space<hbm>>
        tpu.enqueue_dma source(%arg11 : memref<40x128xf32, #tpu.memory_space<vmem>>) target(%dma_start3A_260 : memref<40x128xf32, #tpu.memory_space<hbm>>) target_semaphore(%run_scoped3A : memref<!tpu.dma_semaphore, #tpu.memory_space<semaphore_mem>>)
        %dma_wait3A_261 = arith.constant 0 : i32
        %dma_wait3A_262 = tpu.memref_slice %arg5[%add3A_256, %dma_wait3A_261] : memref<20000x128xf32, #tpu.memory_space<hbm>> -> memref<40x128xf32, #tpu.memory_space<hbm>>
        %dma_wait3A_263 = arith.constant 0 : i32
        %dma_wait3A_264 = tpu.memref_slice %arg5[%add3A_256, %dma_wait3A_263] : memref<20000x128xf32, #tpu.memory_space<hbm>> -> memref<40x128xf32, #tpu.memory_space<hbm>>
        tpu.wait_dma2 semaphore(%run_scoped3A : memref<!tpu.dma_semaphore, #tpu.memory_space<semaphore_mem>>) src(%arg11 : memref<40x128xf32, #tpu.memory_space<vmem>>) dst(%dma_wait3A_264 : memref<40x128xf32, #tpu.memory_space<hbm>>)
        tpu.yield
      }) : () -> ()
    } else {
    }
    %add3A_180 = arith.constant 96 : i32
    %add3A_181 = arith.addi %arg1, %add3A_180 : i32
    %lt3A_182 = arith.constant 250 : i32
    %lt3A_183 = arith.cmpi slt, %add3A_181, %lt3A_182 : i32
    %convert_element_type3A_184 = arith.extui %lt3A_183 : i1 to i32
    %cond3A_185 = arith.constant 0 : i32
    %cond3A_186 = arith.cmpi ne, %convert_element_type3A_184, %cond3A_185 : i32
    scf.if %cond3A_186 {
      %mul3A_250 = arith.constant 40 : i32
      %mul3A_251 = arith.muli %add3A_181, %mul3A_250 : i32
      "tpu.region"() ({
        %run_scoped3A = tpu.sem_alloc : memref<!tpu.dma_semaphore, #tpu.memory_space<semaphore_mem>>
        %dma_start3A_257 = arith.constant 0 : i32
        %dma_start3A_258 = tpu.memref_slice %arg12[%mul3A_251, %dma_start3A_257] : memref<10000x128xf32, #tpu.memory_space<vmem_shared>> -> memref<40x128xf32, #tpu.memory_space<vmem_shared>>
        %dma_start3A_259 = arith.constant 0 : i32
        %dma_start3A_260 = tpu.memref_slice %arg12[%mul3A_251, %dma_start3A_259] : memref<10000x128xf32, #tpu.memory_space<vmem_shared>> -> memref<40x128xf32, #tpu.memory_space<vmem_shared>>
        tpu.enqueue_dma source(%dma_start3A_260 : memref<40x128xf32, #tpu.memory_space<vmem_shared>>) target(%arg11 : memref<40x128xf32, #tpu.memory_space<vmem>>) target_semaphore(%run_scoped3A : memref<!tpu.dma_semaphore, #tpu.memory_space<semaphore_mem>>)
        %dma_wait3A_261 = arith.constant 0 : i32
        %dma_wait3A_262 = tpu.memref_slice %arg12[%mul3A_251, %dma_wait3A_261] : memref<10000x128xf32, #tpu.memory_space<vmem_shared>> -> memref<40x128xf32, #tpu.memory_space<vmem_shared>>
        %dma_wait3A_263 = arith.constant 0 : i32
        %dma_wait3A_264 = tpu.memref_slice %arg12[%mul3A_251, %dma_wait3A_263] : memref<10000x128xf32, #tpu.memory_space<vmem_shared>> -> memref<40x128xf32, #tpu.memory_space<vmem_shared>>
        tpu.wait_dma2 semaphore(%run_scoped3A : memref<!tpu.dma_semaphore, #tpu.memory_space<semaphore_mem>>) src(%dma_wait3A_264 : memref<40x128xf32, #tpu.memory_space<vmem_shared>>) dst(%arg11 : memref<40x128xf32, #tpu.memory_space<vmem>>)
        tpu.yield
      }) : () -> ()
      %mul3A_252 = arith.constant 10000 : i32
      %mul3A_253 = arith.muli %arg0, %mul3A_252 : i32
      %mul3A_254 = arith.constant 40 : i32
      %mul3A_255 = arith.muli %add3A_181, %mul3A_254 : i32
      %add3A_256 = arith.addi %mul3A_253, %mul3A_255 : i32
      "tpu.region"() ({
        %run_scoped3A = tpu.sem_alloc : memref<!tpu.dma_semaphore, #tpu.memory_space<semaphore_mem>>
        %dma_start3A_257 = arith.constant 0 : i32
        %dma_start3A_258 = tpu.memref_slice %arg5[%add3A_256, %dma_start3A_257] : memref<20000x128xf32, #tpu.memory_space<hbm>> -> memref<40x128xf32, #tpu.memory_space<hbm>>
        %dma_start3A_259 = arith.constant 0 : i32
        %dma_start3A_260 = tpu.memref_slice %arg5[%add3A_256, %dma_start3A_259] : memref<20000x128xf32, #tpu.memory_space<hbm>> -> memref<40x128xf32, #tpu.memory_space<hbm>>
        tpu.enqueue_dma source(%arg11 : memref<40x128xf32, #tpu.memory_space<vmem>>) target(%dma_start3A_260 : memref<40x128xf32, #tpu.memory_space<hbm>>) target_semaphore(%run_scoped3A : memref<!tpu.dma_semaphore, #tpu.memory_space<semaphore_mem>>)
        %dma_wait3A_261 = arith.constant 0 : i32
        %dma_wait3A_262 = tpu.memref_slice %arg5[%add3A_256, %dma_wait3A_261] : memref<20000x128xf32, #tpu.memory_space<hbm>> -> memref<40x128xf32, #tpu.memory_space<hbm>>
        %dma_wait3A_263 = arith.constant 0 : i32
        %dma_wait3A_264 = tpu.memref_slice %arg5[%add3A_256, %dma_wait3A_263] : memref<20000x128xf32, #tpu.memory_space<hbm>> -> memref<40x128xf32, #tpu.memory_space<hbm>>
        tpu.wait_dma2 semaphore(%run_scoped3A : memref<!tpu.dma_semaphore, #tpu.memory_space<semaphore_mem>>) src(%arg11 : memref<40x128xf32, #tpu.memory_space<vmem>>) dst(%dma_wait3A_264 : memref<40x128xf32, #tpu.memory_space<hbm>>)
        tpu.yield
      }) : () -> ()
    } else {
    }
    %add3A_187 = arith.constant 112 : i32
    %add3A_188 = arith.addi %arg1, %add3A_187 : i32
    %lt3A_189 = arith.constant 250 : i32
    %lt3A_190 = arith.cmpi slt, %add3A_188, %lt3A_189 : i32
    %convert_element_type3A_191 = arith.extui %lt3A_190 : i1 to i32
    %cond3A_192 = arith.constant 0 : i32
    %cond3A_193 = arith.cmpi ne, %convert_element_type3A_191, %cond3A_192 : i32
    scf.if %cond3A_193 {
      %mul3A_250 = arith.constant 40 : i32
      %mul3A_251 = arith.muli %add3A_188, %mul3A_250 : i32
      "tpu.region"() ({
        %run_scoped3A = tpu.sem_alloc : memref<!tpu.dma_semaphore, #tpu.memory_space<semaphore_mem>>
        %dma_start3A_257 = arith.constant 0 : i32
        %dma_start3A_258 = tpu.memref_slice %arg12[%mul3A_251, %dma_start3A_257] : memref<10000x128xf32, #tpu.memory_space<vmem_shared>> -> memref<40x128xf32, #tpu.memory_space<vmem_shared>>
        %dma_start3A_259 = arith.constant 0 : i32
        %dma_start3A_260 = tpu.memref_slice %arg12[%mul3A_251, %dma_start3A_259] : memref<10000x128xf32, #tpu.memory_space<vmem_shared>> -> memref<40x128xf32, #tpu.memory_space<vmem_shared>>
        tpu.enqueue_dma source(%dma_start3A_260 : memref<40x128xf32, #tpu.memory_space<vmem_shared>>) target(%arg11 : memref<40x128xf32, #tpu.memory_space<vmem>>) target_semaphore(%run_scoped3A : memref<!tpu.dma_semaphore, #tpu.memory_space<semaphore_mem>>)
        %dma_wait3A_261 = arith.constant 0 : i32
        %dma_wait3A_262 = tpu.memref_slice %arg12[%mul3A_251, %dma_wait3A_261] : memref<10000x128xf32, #tpu.memory_space<vmem_shared>> -> memref<40x128xf32, #tpu.memory_space<vmem_shared>>
        %dma_wait3A_263 = arith.constant 0 : i32
        %dma_wait3A_264 = tpu.memref_slice %arg12[%mul3A_251, %dma_wait3A_263] : memref<10000x128xf32, #tpu.memory_space<vmem_shared>> -> memref<40x128xf32, #tpu.memory_space<vmem_shared>>
        tpu.wait_dma2 semaphore(%run_scoped3A : memref<!tpu.dma_semaphore, #tpu.memory_space<semaphore_mem>>) src(%dma_wait3A_264 : memref<40x128xf32, #tpu.memory_space<vmem_shared>>) dst(%arg11 : memref<40x128xf32, #tpu.memory_space<vmem>>)
        tpu.yield
      }) : () -> ()
      %mul3A_252 = arith.constant 10000 : i32
      %mul3A_253 = arith.muli %arg0, %mul3A_252 : i32
      %mul3A_254 = arith.constant 40 : i32
      %mul3A_255 = arith.muli %add3A_188, %mul3A_254 : i32
      %add3A_256 = arith.addi %mul3A_253, %mul3A_255 : i32
      "tpu.region"() ({
        %run_scoped3A = tpu.sem_alloc : memref<!tpu.dma_semaphore, #tpu.memory_space<semaphore_mem>>
        %dma_start3A_257 = arith.constant 0 : i32
        %dma_start3A_258 = tpu.memref_slice %arg5[%add3A_256, %dma_start3A_257] : memref<20000x128xf32, #tpu.memory_space<hbm>> -> memref<40x128xf32, #tpu.memory_space<hbm>>
        %dma_start3A_259 = arith.constant 0 : i32
        %dma_start3A_260 = tpu.memref_slice %arg5[%add3A_256, %dma_start3A_259] : memref<20000x128xf32, #tpu.memory_space<hbm>> -> memref<40x128xf32, #tpu.memory_space<hbm>>
        tpu.enqueue_dma source(%arg11 : memref<40x128xf32, #tpu.memory_space<vmem>>) target(%dma_start3A_260 : memref<40x128xf32, #tpu.memory_space<hbm>>) target_semaphore(%run_scoped3A : memref<!tpu.dma_semaphore, #tpu.memory_space<semaphore_mem>>)
        %dma_wait3A_261 = arith.constant 0 : i32
        %dma_wait3A_262 = tpu.memref_slice %arg5[%add3A_256, %dma_wait3A_261] : memref<20000x128xf32, #tpu.memory_space<hbm>> -> memref<40x128xf32, #tpu.memory_space<hbm>>
        %dma_wait3A_263 = arith.constant 0 : i32
        %dma_wait3A_264 = tpu.memref_slice %arg5[%add3A_256, %dma_wait3A_263] : memref<20000x128xf32, #tpu.memory_space<hbm>> -> memref<40x128xf32, #tpu.memory_space<hbm>>
        tpu.wait_dma2 semaphore(%run_scoped3A : memref<!tpu.dma_semaphore, #tpu.memory_space<semaphore_mem>>) src(%arg11 : memref<40x128xf32, #tpu.memory_space<vmem>>) dst(%dma_wait3A_264 : memref<40x128xf32, #tpu.memory_space<hbm>>)
        tpu.yield
      }) : () -> ()
    } else {
    }
    %add3A_194 = arith.constant 128 : i32
    %add3A_195 = arith.addi %arg1, %add3A_194 : i32
    %lt3A_196 = arith.constant 250 : i32
    %lt3A_197 = arith.cmpi slt, %add3A_195, %lt3A_196 : i32
    %convert_element_type3A_198 = arith.extui %lt3A_197 : i1 to i32
    %cond3A_199 = arith.constant 0 : i32
    %cond3A_200 = arith.cmpi ne, %convert_element_type3A_198, %cond3A_199 : i32
    scf.if %cond3A_200 {
      %mul3A_250 = arith.constant 40 : i32
      %mul3A_251 = arith.muli %add3A_195, %mul3A_250 : i32
      "tpu.region"() ({
        %run_scoped3A = tpu.sem_alloc : memref<!tpu.dma_semaphore, #tpu.memory_space<semaphore_mem>>
        %dma_start3A_257 = arith.constant 0 : i32
        %dma_start3A_258 = tpu.memref_slice %arg12[%mul3A_251, %dma_start3A_257] : memref<10000x128xf32, #tpu.memory_space<vmem_shared>> -> memref<40x128xf32, #tpu.memory_space<vmem_shared>>
        %dma_start3A_259 = arith.constant 0 : i32
        %dma_start3A_260 = tpu.memref_slice %arg12[%mul3A_251, %dma_start3A_259] : memref<10000x128xf32, #tpu.memory_space<vmem_shared>> -> memref<40x128xf32, #tpu.memory_space<vmem_shared>>
        tpu.enqueue_dma source(%dma_start3A_260 : memref<40x128xf32, #tpu.memory_space<vmem_shared>>) target(%arg11 : memref<40x128xf32, #tpu.memory_space<vmem>>) target_semaphore(%run_scoped3A : memref<!tpu.dma_semaphore, #tpu.memory_space<semaphore_mem>>)
        %dma_wait3A_261 = arith.constant 0 : i32
        %dma_wait3A_262 = tpu.memref_slice %arg12[%mul3A_251, %dma_wait3A_261] : memref<10000x128xf32, #tpu.memory_space<vmem_shared>> -> memref<40x128xf32, #tpu.memory_space<vmem_shared>>
        %dma_wait3A_263 = arith.constant 0 : i32
        %dma_wait3A_264 = tpu.memref_slice %arg12[%mul3A_251, %dma_wait3A_263] : memref<10000x128xf32, #tpu.memory_space<vmem_shared>> -> memref<40x128xf32, #tpu.memory_space<vmem_shared>>
        tpu.wait_dma2 semaphore(%run_scoped3A : memref<!tpu.dma_semaphore, #tpu.memory_space<semaphore_mem>>) src(%dma_wait3A_264 : memref<40x128xf32, #tpu.memory_space<vmem_shared>>) dst(%arg11 : memref<40x128xf32, #tpu.memory_space<vmem>>)
        tpu.yield
      }) : () -> ()
      %mul3A_252 = arith.constant 10000 : i32
      %mul3A_253 = arith.muli %arg0, %mul3A_252 : i32
      %mul3A_254 = arith.constant 40 : i32
      %mul3A_255 = arith.muli %add3A_195, %mul3A_254 : i32
      %add3A_256 = arith.addi %mul3A_253, %mul3A_255 : i32
      "tpu.region"() ({
        %run_scoped3A = tpu.sem_alloc : memref<!tpu.dma_semaphore, #tpu.memory_space<semaphore_mem>>
        %dma_start3A_257 = arith.constant 0 : i32
        %dma_start3A_258 = tpu.memref_slice %arg5[%add3A_256, %dma_start3A_257] : memref<20000x128xf32, #tpu.memory_space<hbm>> -> memref<40x128xf32, #tpu.memory_space<hbm>>
        %dma_start3A_259 = arith.constant 0 : i32
        %dma_start3A_260 = tpu.memref_slice %arg5[%add3A_256, %dma_start3A_259] : memref<20000x128xf32, #tpu.memory_space<hbm>> -> memref<40x128xf32, #tpu.memory_space<hbm>>
        tpu.enqueue_dma source(%arg11 : memref<40x128xf32, #tpu.memory_space<vmem>>) target(%dma_start3A_260 : memref<40x128xf32, #tpu.memory_space<hbm>>) target_semaphore(%run_scoped3A : memref<!tpu.dma_semaphore, #tpu.memory_space<semaphore_mem>>)
        %dma_wait3A_261 = arith.constant 0 : i32
        %dma_wait3A_262 = tpu.memref_slice %arg5[%add3A_256, %dma_wait3A_261] : memref<20000x128xf32, #tpu.memory_space<hbm>> -> memref<40x128xf32, #tpu.memory_space<hbm>>
        %dma_wait3A_263 = arith.constant 0 : i32
        %dma_wait3A_264 = tpu.memref_slice %arg5[%add3A_256, %dma_wait3A_263] : memref<20000x128xf32, #tpu.memory_space<hbm>> -> memref<40x128xf32, #tpu.memory_space<hbm>>
        tpu.wait_dma2 semaphore(%run_scoped3A : memref<!tpu.dma_semaphore, #tpu.memory_space<semaphore_mem>>) src(%arg11 : memref<40x128xf32, #tpu.memory_space<vmem>>) dst(%dma_wait3A_264 : memref<40x128xf32, #tpu.memory_space<hbm>>)
        tpu.yield
      }) : () -> ()
    } else {
    }
    %add3A_201 = arith.constant 144 : i32
    %add3A_202 = arith.addi %arg1, %add3A_201 : i32
    %lt3A_203 = arith.constant 250 : i32
    %lt3A_204 = arith.cmpi slt, %add3A_202, %lt3A_203 : i32
    %convert_element_type3A_205 = arith.extui %lt3A_204 : i1 to i32
    %cond3A_206 = arith.constant 0 : i32
    %cond3A_207 = arith.cmpi ne, %convert_element_type3A_205, %cond3A_206 : i32
    scf.if %cond3A_207 {
      %mul3A_250 = arith.constant 40 : i32
      %mul3A_251 = arith.muli %add3A_202, %mul3A_250 : i32
      "tpu.region"() ({
        %run_scoped3A = tpu.sem_alloc : memref<!tpu.dma_semaphore, #tpu.memory_space<semaphore_mem>>
        %dma_start3A_257 = arith.constant 0 : i32
        %dma_start3A_258 = tpu.memref_slice %arg12[%mul3A_251, %dma_start3A_257] : memref<10000x128xf32, #tpu.memory_space<vmem_shared>> -> memref<40x128xf32, #tpu.memory_space<vmem_shared>>
        %dma_start3A_259 = arith.constant 0 : i32
        %dma_start3A_260 = tpu.memref_slice %arg12[%mul3A_251, %dma_start3A_259] : memref<10000x128xf32, #tpu.memory_space<vmem_shared>> -> memref<40x128xf32, #tpu.memory_space<vmem_shared>>
        tpu.enqueue_dma source(%dma_start3A_260 : memref<40x128xf32, #tpu.memory_space<vmem_shared>>) target(%arg11 : memref<40x128xf32, #tpu.memory_space<vmem>>) target_semaphore(%run_scoped3A : memref<!tpu.dma_semaphore, #tpu.memory_space<semaphore_mem>>)
        %dma_wait3A_261 = arith.constant 0 : i32
        %dma_wait3A_262 = tpu.memref_slice %arg12[%mul3A_251, %dma_wait3A_261] : memref<10000x128xf32, #tpu.memory_space<vmem_shared>> -> memref<40x128xf32, #tpu.memory_space<vmem_shared>>
        %dma_wait3A_263 = arith.constant 0 : i32
        %dma_wait3A_264 = tpu.memref_slice %arg12[%mul3A_251, %dma_wait3A_263] : memref<10000x128xf32, #tpu.memory_space<vmem_shared>> -> memref<40x128xf32, #tpu.memory_space<vmem_shared>>
        tpu.wait_dma2 semaphore(%run_scoped3A : memref<!tpu.dma_semaphore, #tpu.memory_space<semaphore_mem>>) src(%dma_wait3A_264 : memref<40x128xf32, #tpu.memory_space<vmem_shared>>) dst(%arg11 : memref<40x128xf32, #tpu.memory_space<vmem>>)
        tpu.yield
      }) : () -> ()
      %mul3A_252 = arith.constant 10000 : i32
      %mul3A_253 = arith.muli %arg0, %mul3A_252 : i32
      %mul3A_254 = arith.constant 40 : i32
      %mul3A_255 = arith.muli %add3A_202, %mul3A_254 : i32
      %add3A_256 = arith.addi %mul3A_253, %mul3A_255 : i32
      "tpu.region"() ({
        %run_scoped3A = tpu.sem_alloc : memref<!tpu.dma_semaphore, #tpu.memory_space<semaphore_mem>>
        %dma_start3A_257 = arith.constant 0 : i32
        %dma_start3A_258 = tpu.memref_slice %arg5[%add3A_256, %dma_start3A_257] : memref<20000x128xf32, #tpu.memory_space<hbm>> -> memref<40x128xf32, #tpu.memory_space<hbm>>
        %dma_start3A_259 = arith.constant 0 : i32
        %dma_start3A_260 = tpu.memref_slice %arg5[%add3A_256, %dma_start3A_259] : memref<20000x128xf32, #tpu.memory_space<hbm>> -> memref<40x128xf32, #tpu.memory_space<hbm>>
        tpu.enqueue_dma source(%arg11 : memref<40x128xf32, #tpu.memory_space<vmem>>) target(%dma_start3A_260 : memref<40x128xf32, #tpu.memory_space<hbm>>) target_semaphore(%run_scoped3A : memref<!tpu.dma_semaphore, #tpu.memory_space<semaphore_mem>>)
        %dma_wait3A_261 = arith.constant 0 : i32
        %dma_wait3A_262 = tpu.memref_slice %arg5[%add3A_256, %dma_wait3A_261] : memref<20000x128xf32, #tpu.memory_space<hbm>> -> memref<40x128xf32, #tpu.memory_space<hbm>>
        %dma_wait3A_263 = arith.constant 0 : i32
        %dma_wait3A_264 = tpu.memref_slice %arg5[%add3A_256, %dma_wait3A_263] : memref<20000x128xf32, #tpu.memory_space<hbm>> -> memref<40x128xf32, #tpu.memory_space<hbm>>
        tpu.wait_dma2 semaphore(%run_scoped3A : memref<!tpu.dma_semaphore, #tpu.memory_space<semaphore_mem>>) src(%arg11 : memref<40x128xf32, #tpu.memory_space<vmem>>) dst(%dma_wait3A_264 : memref<40x128xf32, #tpu.memory_space<hbm>>)
        tpu.yield
      }) : () -> ()
    } else {
    }
    %add3A_208 = arith.constant 160 : i32
    %add3A_209 = arith.addi %arg1, %add3A_208 : i32
    %lt3A_210 = arith.constant 250 : i32
    %lt3A_211 = arith.cmpi slt, %add3A_209, %lt3A_210 : i32
    %convert_element_type3A_212 = arith.extui %lt3A_211 : i1 to i32
    %cond3A_213 = arith.constant 0 : i32
    %cond3A_214 = arith.cmpi ne, %convert_element_type3A_212, %cond3A_213 : i32
    scf.if %cond3A_214 {
      %mul3A_250 = arith.constant 40 : i32
      %mul3A_251 = arith.muli %add3A_209, %mul3A_250 : i32
      "tpu.region"() ({
        %run_scoped3A = tpu.sem_alloc : memref<!tpu.dma_semaphore, #tpu.memory_space<semaphore_mem>>
        %dma_start3A_257 = arith.constant 0 : i32
        %dma_start3A_258 = tpu.memref_slice %arg12[%mul3A_251, %dma_start3A_257] : memref<10000x128xf32, #tpu.memory_space<vmem_shared>> -> memref<40x128xf32, #tpu.memory_space<vmem_shared>>
        %dma_start3A_259 = arith.constant 0 : i32
        %dma_start3A_260 = tpu.memref_slice %arg12[%mul3A_251, %dma_start3A_259] : memref<10000x128xf32, #tpu.memory_space<vmem_shared>> -> memref<40x128xf32, #tpu.memory_space<vmem_shared>>
        tpu.enqueue_dma source(%dma_start3A_260 : memref<40x128xf32, #tpu.memory_space<vmem_shared>>) target(%arg11 : memref<40x128xf32, #tpu.memory_space<vmem>>) target_semaphore(%run_scoped3A : memref<!tpu.dma_semaphore, #tpu.memory_space<semaphore_mem>>)
        %dma_wait3A_261 = arith.constant 0 : i32
        %dma_wait3A_262 = tpu.memref_slice %arg12[%mul3A_251, %dma_wait3A_261] : memref<10000x128xf32, #tpu.memory_space<vmem_shared>> -> memref<40x128xf32, #tpu.memory_space<vmem_shared>>
        %dma_wait3A_263 = arith.constant 0 : i32
        %dma_wait3A_264 = tpu.memref_slice %arg12[%mul3A_251, %dma_wait3A_263] : memref<10000x128xf32, #tpu.memory_space<vmem_shared>> -> memref<40x128xf32, #tpu.memory_space<vmem_shared>>
        tpu.wait_dma2 semaphore(%run_scoped3A : memref<!tpu.dma_semaphore, #tpu.memory_space<semaphore_mem>>) src(%dma_wait3A_264 : memref<40x128xf32, #tpu.memory_space<vmem_shared>>) dst(%arg11 : memref<40x128xf32, #tpu.memory_space<vmem>>)
        tpu.yield
      }) : () -> ()
      %mul3A_252 = arith.constant 10000 : i32
      %mul3A_253 = arith.muli %arg0, %mul3A_252 : i32
      %mul3A_254 = arith.constant 40 : i32
      %mul3A_255 = arith.muli %add3A_209, %mul3A_254 : i32
      %add3A_256 = arith.addi %mul3A_253, %mul3A_255 : i32
      "tpu.region"() ({
        %run_scoped3A = tpu.sem_alloc : memref<!tpu.dma_semaphore, #tpu.memory_space<semaphore_mem>>
        %dma_start3A_257 = arith.constant 0 : i32
        %dma_start3A_258 = tpu.memref_slice %arg5[%add3A_256, %dma_start3A_257] : memref<20000x128xf32, #tpu.memory_space<hbm>> -> memref<40x128xf32, #tpu.memory_space<hbm>>
        %dma_start3A_259 = arith.constant 0 : i32
        %dma_start3A_260 = tpu.memref_slice %arg5[%add3A_256, %dma_start3A_259] : memref<20000x128xf32, #tpu.memory_space<hbm>> -> memref<40x128xf32, #tpu.memory_space<hbm>>
        tpu.enqueue_dma source(%arg11 : memref<40x128xf32, #tpu.memory_space<vmem>>) target(%dma_start3A_260 : memref<40x128xf32, #tpu.memory_space<hbm>>) target_semaphore(%run_scoped3A : memref<!tpu.dma_semaphore, #tpu.memory_space<semaphore_mem>>)
        %dma_wait3A_261 = arith.constant 0 : i32
        %dma_wait3A_262 = tpu.memref_slice %arg5[%add3A_256, %dma_wait3A_261] : memref<20000x128xf32, #tpu.memory_space<hbm>> -> memref<40x128xf32, #tpu.memory_space<hbm>>
        %dma_wait3A_263 = arith.constant 0 : i32
        %dma_wait3A_264 = tpu.memref_slice %arg5[%add3A_256, %dma_wait3A_263] : memref<20000x128xf32, #tpu.memory_space<hbm>> -> memref<40x128xf32, #tpu.memory_space<hbm>>
        tpu.wait_dma2 semaphore(%run_scoped3A : memref<!tpu.dma_semaphore, #tpu.memory_space<semaphore_mem>>) src(%arg11 : memref<40x128xf32, #tpu.memory_space<vmem>>) dst(%dma_wait3A_264 : memref<40x128xf32, #tpu.memory_space<hbm>>)
        tpu.yield
      }) : () -> ()
    } else {
    }
    %add3A_215 = arith.constant 176 : i32
    %add3A_216 = arith.addi %arg1, %add3A_215 : i32
    %lt3A_217 = arith.constant 250 : i32
    %lt3A_218 = arith.cmpi slt, %add3A_216, %lt3A_217 : i32
    %convert_element_type3A_219 = arith.extui %lt3A_218 : i1 to i32
    %cond3A_220 = arith.constant 0 : i32
    %cond3A_221 = arith.cmpi ne, %convert_element_type3A_219, %cond3A_220 : i32
    scf.if %cond3A_221 {
      %mul3A_250 = arith.constant 40 : i32
      %mul3A_251 = arith.muli %add3A_216, %mul3A_250 : i32
      "tpu.region"() ({
        %run_scoped3A = tpu.sem_alloc : memref<!tpu.dma_semaphore, #tpu.memory_space<semaphore_mem>>
        %dma_start3A_257 = arith.constant 0 : i32
        %dma_start3A_258 = tpu.memref_slice %arg12[%mul3A_251, %dma_start3A_257] : memref<10000x128xf32, #tpu.memory_space<vmem_shared>> -> memref<40x128xf32, #tpu.memory_space<vmem_shared>>
        %dma_start3A_259 = arith.constant 0 : i32
        %dma_start3A_260 = tpu.memref_slice %arg12[%mul3A_251, %dma_start3A_259] : memref<10000x128xf32, #tpu.memory_space<vmem_shared>> -> memref<40x128xf32, #tpu.memory_space<vmem_shared>>
        tpu.enqueue_dma source(%dma_start3A_260 : memref<40x128xf32, #tpu.memory_space<vmem_shared>>) target(%arg11 : memref<40x128xf32, #tpu.memory_space<vmem>>) target_semaphore(%run_scoped3A : memref<!tpu.dma_semaphore, #tpu.memory_space<semaphore_mem>>)
        %dma_wait3A_261 = arith.constant 0 : i32
        %dma_wait3A_262 = tpu.memref_slice %arg12[%mul3A_251, %dma_wait3A_261] : memref<10000x128xf32, #tpu.memory_space<vmem_shared>> -> memref<40x128xf32, #tpu.memory_space<vmem_shared>>
        %dma_wait3A_263 = arith.constant 0 : i32
        %dma_wait3A_264 = tpu.memref_slice %arg12[%mul3A_251, %dma_wait3A_263] : memref<10000x128xf32, #tpu.memory_space<vmem_shared>> -> memref<40x128xf32, #tpu.memory_space<vmem_shared>>
        tpu.wait_dma2 semaphore(%run_scoped3A : memref<!tpu.dma_semaphore, #tpu.memory_space<semaphore_mem>>) src(%dma_wait3A_264 : memref<40x128xf32, #tpu.memory_space<vmem_shared>>) dst(%arg11 : memref<40x128xf32, #tpu.memory_space<vmem>>)
        tpu.yield
      }) : () -> ()
      %mul3A_252 = arith.constant 10000 : i32
      %mul3A_253 = arith.muli %arg0, %mul3A_252 : i32
      %mul3A_254 = arith.constant 40 : i32
      %mul3A_255 = arith.muli %add3A_216, %mul3A_254 : i32
      %add3A_256 = arith.addi %mul3A_253, %mul3A_255 : i32
      "tpu.region"() ({
        %run_scoped3A = tpu.sem_alloc : memref<!tpu.dma_semaphore, #tpu.memory_space<semaphore_mem>>
        %dma_start3A_257 = arith.constant 0 : i32
        %dma_start3A_258 = tpu.memref_slice %arg5[%add3A_256, %dma_start3A_257] : memref<20000x128xf32, #tpu.memory_space<hbm>> -> memref<40x128xf32, #tpu.memory_space<hbm>>
        %dma_start3A_259 = arith.constant 0 : i32
        %dma_start3A_260 = tpu.memref_slice %arg5[%add3A_256, %dma_start3A_259] : memref<20000x128xf32, #tpu.memory_space<hbm>> -> memref<40x128xf32, #tpu.memory_space<hbm>>
        tpu.enqueue_dma source(%arg11 : memref<40x128xf32, #tpu.memory_space<vmem>>) target(%dma_start3A_260 : memref<40x128xf32, #tpu.memory_space<hbm>>) target_semaphore(%run_scoped3A : memref<!tpu.dma_semaphore, #tpu.memory_space<semaphore_mem>>)
        %dma_wait3A_261 = arith.constant 0 : i32
        %dma_wait3A_262 = tpu.memref_slice %arg5[%add3A_256, %dma_wait3A_261] : memref<20000x128xf32, #tpu.memory_space<hbm>> -> memref<40x128xf32, #tpu.memory_space<hbm>>
        %dma_wait3A_263 = arith.constant 0 : i32
        %dma_wait3A_264 = tpu.memref_slice %arg5[%add3A_256, %dma_wait3A_263] : memref<20000x128xf32, #tpu.memory_space<hbm>> -> memref<40x128xf32, #tpu.memory_space<hbm>>
        tpu.wait_dma2 semaphore(%run_scoped3A : memref<!tpu.dma_semaphore, #tpu.memory_space<semaphore_mem>>) src(%arg11 : memref<40x128xf32, #tpu.memory_space<vmem>>) dst(%dma_wait3A_264 : memref<40x128xf32, #tpu.memory_space<hbm>>)
        tpu.yield
      }) : () -> ()
    } else {
    }
    %add3A_222 = arith.constant 192 : i32
    %add3A_223 = arith.addi %arg1, %add3A_222 : i32
    %lt3A_224 = arith.constant 250 : i32
    %lt3A_225 = arith.cmpi slt, %add3A_223, %lt3A_224 : i32
    %convert_element_type3A_226 = arith.extui %lt3A_225 : i1 to i32
    %cond3A_227 = arith.constant 0 : i32
    %cond3A_228 = arith.cmpi ne, %convert_element_type3A_226, %cond3A_227 : i32
    scf.if %cond3A_228 {
      %mul3A_250 = arith.constant 40 : i32
      %mul3A_251 = arith.muli %add3A_223, %mul3A_250 : i32
      "tpu.region"() ({
        %run_scoped3A = tpu.sem_alloc : memref<!tpu.dma_semaphore, #tpu.memory_space<semaphore_mem>>
        %dma_start3A_257 = arith.constant 0 : i32
        %dma_start3A_258 = tpu.memref_slice %arg12[%mul3A_251, %dma_start3A_257] : memref<10000x128xf32, #tpu.memory_space<vmem_shared>> -> memref<40x128xf32, #tpu.memory_space<vmem_shared>>
        %dma_start3A_259 = arith.constant 0 : i32
        %dma_start3A_260 = tpu.memref_slice %arg12[%mul3A_251, %dma_start3A_259] : memref<10000x128xf32, #tpu.memory_space<vmem_shared>> -> memref<40x128xf32, #tpu.memory_space<vmem_shared>>
        tpu.enqueue_dma source(%dma_start3A_260 : memref<40x128xf32, #tpu.memory_space<vmem_shared>>) target(%arg11 : memref<40x128xf32, #tpu.memory_space<vmem>>) target_semaphore(%run_scoped3A : memref<!tpu.dma_semaphore, #tpu.memory_space<semaphore_mem>>)
        %dma_wait3A_261 = arith.constant 0 : i32
        %dma_wait3A_262 = tpu.memref_slice %arg12[%mul3A_251, %dma_wait3A_261] : memref<10000x128xf32, #tpu.memory_space<vmem_shared>> -> memref<40x128xf32, #tpu.memory_space<vmem_shared>>
        %dma_wait3A_263 = arith.constant 0 : i32
        %dma_wait3A_264 = tpu.memref_slice %arg12[%mul3A_251, %dma_wait3A_263] : memref<10000x128xf32, #tpu.memory_space<vmem_shared>> -> memref<40x128xf32, #tpu.memory_space<vmem_shared>>
        tpu.wait_dma2 semaphore(%run_scoped3A : memref<!tpu.dma_semaphore, #tpu.memory_space<semaphore_mem>>) src(%dma_wait3A_264 : memref<40x128xf32, #tpu.memory_space<vmem_shared>>) dst(%arg11 : memref<40x128xf32, #tpu.memory_space<vmem>>)
        tpu.yield
      }) : () -> ()
      %mul3A_252 = arith.constant 10000 : i32
      %mul3A_253 = arith.muli %arg0, %mul3A_252 : i32
      %mul3A_254 = arith.constant 40 : i32
      %mul3A_255 = arith.muli %add3A_223, %mul3A_254 : i32
      %add3A_256 = arith.addi %mul3A_253, %mul3A_255 : i32
      "tpu.region"() ({
        %run_scoped3A = tpu.sem_alloc : memref<!tpu.dma_semaphore, #tpu.memory_space<semaphore_mem>>
        %dma_start3A_257 = arith.constant 0 : i32
        %dma_start3A_258 = tpu.memref_slice %arg5[%add3A_256, %dma_start3A_257] : memref<20000x128xf32, #tpu.memory_space<hbm>> -> memref<40x128xf32, #tpu.memory_space<hbm>>
        %dma_start3A_259 = arith.constant 0 : i32
        %dma_start3A_260 = tpu.memref_slice %arg5[%add3A_256, %dma_start3A_259] : memref<20000x128xf32, #tpu.memory_space<hbm>> -> memref<40x128xf32, #tpu.memory_space<hbm>>
        tpu.enqueue_dma source(%arg11 : memref<40x128xf32, #tpu.memory_space<vmem>>) target(%dma_start3A_260 : memref<40x128xf32, #tpu.memory_space<hbm>>) target_semaphore(%run_scoped3A : memref<!tpu.dma_semaphore, #tpu.memory_space<semaphore_mem>>)
        %dma_wait3A_261 = arith.constant 0 : i32
        %dma_wait3A_262 = tpu.memref_slice %arg5[%add3A_256, %dma_wait3A_261] : memref<20000x128xf32, #tpu.memory_space<hbm>> -> memref<40x128xf32, #tpu.memory_space<hbm>>
        %dma_wait3A_263 = arith.constant 0 : i32
        %dma_wait3A_264 = tpu.memref_slice %arg5[%add3A_256, %dma_wait3A_263] : memref<20000x128xf32, #tpu.memory_space<hbm>> -> memref<40x128xf32, #tpu.memory_space<hbm>>
        tpu.wait_dma2 semaphore(%run_scoped3A : memref<!tpu.dma_semaphore, #tpu.memory_space<semaphore_mem>>) src(%arg11 : memref<40x128xf32, #tpu.memory_space<vmem>>) dst(%dma_wait3A_264 : memref<40x128xf32, #tpu.memory_space<hbm>>)
        tpu.yield
      }) : () -> ()
    } else {
    }
    %add3A_229 = arith.constant 208 : i32
    %add3A_230 = arith.addi %arg1, %add3A_229 : i32
    %lt3A_231 = arith.constant 250 : i32
    %lt3A_232 = arith.cmpi slt, %add3A_230, %lt3A_231 : i32
    %convert_element_type3A_233 = arith.extui %lt3A_232 : i1 to i32
    %cond3A_234 = arith.constant 0 : i32
    %cond3A_235 = arith.cmpi ne, %convert_element_type3A_233, %cond3A_234 : i32
    scf.if %cond3A_235 {
      %mul3A_250 = arith.constant 40 : i32
      %mul3A_251 = arith.muli %add3A_230, %mul3A_250 : i32
      "tpu.region"() ({
        %run_scoped3A = tpu.sem_alloc : memref<!tpu.dma_semaphore, #tpu.memory_space<semaphore_mem>>
        %dma_start3A_257 = arith.constant 0 : i32
        %dma_start3A_258 = tpu.memref_slice %arg12[%mul3A_251, %dma_start3A_257] : memref<10000x128xf32, #tpu.memory_space<vmem_shared>> -> memref<40x128xf32, #tpu.memory_space<vmem_shared>>
        %dma_start3A_259 = arith.constant 0 : i32
        %dma_start3A_260 = tpu.memref_slice %arg12[%mul3A_251, %dma_start3A_259] : memref<10000x128xf32, #tpu.memory_space<vmem_shared>> -> memref<40x128xf32, #tpu.memory_space<vmem_shared>>
        tpu.enqueue_dma source(%dma_start3A_260 : memref<40x128xf32, #tpu.memory_space<vmem_shared>>) target(%arg11 : memref<40x128xf32, #tpu.memory_space<vmem>>) target_semaphore(%run_scoped3A : memref<!tpu.dma_semaphore, #tpu.memory_space<semaphore_mem>>)
        %dma_wait3A_261 = arith.constant 0 : i32
        %dma_wait3A_262 = tpu.memref_slice %arg12[%mul3A_251, %dma_wait3A_261] : memref<10000x128xf32, #tpu.memory_space<vmem_shared>> -> memref<40x128xf32, #tpu.memory_space<vmem_shared>>
        %dma_wait3A_263 = arith.constant 0 : i32
        %dma_wait3A_264 = tpu.memref_slice %arg12[%mul3A_251, %dma_wait3A_263] : memref<10000x128xf32, #tpu.memory_space<vmem_shared>> -> memref<40x128xf32, #tpu.memory_space<vmem_shared>>
        tpu.wait_dma2 semaphore(%run_scoped3A : memref<!tpu.dma_semaphore, #tpu.memory_space<semaphore_mem>>) src(%dma_wait3A_264 : memref<40x128xf32, #tpu.memory_space<vmem_shared>>) dst(%arg11 : memref<40x128xf32, #tpu.memory_space<vmem>>)
        tpu.yield
      }) : () -> ()
      %mul3A_252 = arith.constant 10000 : i32
      %mul3A_253 = arith.muli %arg0, %mul3A_252 : i32
      %mul3A_254 = arith.constant 40 : i32
      %mul3A_255 = arith.muli %add3A_230, %mul3A_254 : i32
      %add3A_256 = arith.addi %mul3A_253, %mul3A_255 : i32
      "tpu.region"() ({
        %run_scoped3A = tpu.sem_alloc : memref<!tpu.dma_semaphore, #tpu.memory_space<semaphore_mem>>
        %dma_start3A_257 = arith.constant 0 : i32
        %dma_start3A_258 = tpu.memref_slice %arg5[%add3A_256, %dma_start3A_257] : memref<20000x128xf32, #tpu.memory_space<hbm>> -> memref<40x128xf32, #tpu.memory_space<hbm>>
        %dma_start3A_259 = arith.constant 0 : i32
        %dma_start3A_260 = tpu.memref_slice %arg5[%add3A_256, %dma_start3A_259] : memref<20000x128xf32, #tpu.memory_space<hbm>> -> memref<40x128xf32, #tpu.memory_space<hbm>>
        tpu.enqueue_dma source(%arg11 : memref<40x128xf32, #tpu.memory_space<vmem>>) target(%dma_start3A_260 : memref<40x128xf32, #tpu.memory_space<hbm>>) target_semaphore(%run_scoped3A : memref<!tpu.dma_semaphore, #tpu.memory_space<semaphore_mem>>)
        %dma_wait3A_261 = arith.constant 0 : i32
        %dma_wait3A_262 = tpu.memref_slice %arg5[%add3A_256, %dma_wait3A_261] : memref<20000x128xf32, #tpu.memory_space<hbm>> -> memref<40x128xf32, #tpu.memory_space<hbm>>
        %dma_wait3A_263 = arith.constant 0 : i32
        %dma_wait3A_264 = tpu.memref_slice %arg5[%add3A_256, %dma_wait3A_263] : memref<20000x128xf32, #tpu.memory_space<hbm>> -> memref<40x128xf32, #tpu.memory_space<hbm>>
        tpu.wait_dma2 semaphore(%run_scoped3A : memref<!tpu.dma_semaphore, #tpu.memory_space<semaphore_mem>>) src(%arg11 : memref<40x128xf32, #tpu.memory_space<vmem>>) dst(%dma_wait3A_264 : memref<40x128xf32, #tpu.memory_space<hbm>>)
        tpu.yield
      }) : () -> ()
    } else {
    }
    %add3A_236 = arith.constant 224 : i32
    %add3A_237 = arith.addi %arg1, %add3A_236 : i32
    %lt3A_238 = arith.constant 250 : i32
    %lt3A_239 = arith.cmpi slt, %add3A_237, %lt3A_238 : i32
    %convert_element_type3A_240 = arith.extui %lt3A_239 : i1 to i32
    %cond3A_241 = arith.constant 0 : i32
    %cond3A_242 = arith.cmpi ne, %convert_element_type3A_240, %cond3A_241 : i32
    scf.if %cond3A_242 {
      %mul3A_250 = arith.constant 40 : i32
      %mul3A_251 = arith.muli %add3A_237, %mul3A_250 : i32
      "tpu.region"() ({
        %run_scoped3A = tpu.sem_alloc : memref<!tpu.dma_semaphore, #tpu.memory_space<semaphore_mem>>
        %dma_start3A_257 = arith.constant 0 : i32
        %dma_start3A_258 = tpu.memref_slice %arg12[%mul3A_251, %dma_start3A_257] : memref<10000x128xf32, #tpu.memory_space<vmem_shared>> -> memref<40x128xf32, #tpu.memory_space<vmem_shared>>
        %dma_start3A_259 = arith.constant 0 : i32
        %dma_start3A_260 = tpu.memref_slice %arg12[%mul3A_251, %dma_start3A_259] : memref<10000x128xf32, #tpu.memory_space<vmem_shared>> -> memref<40x128xf32, #tpu.memory_space<vmem_shared>>
        tpu.enqueue_dma source(%dma_start3A_260 : memref<40x128xf32, #tpu.memory_space<vmem_shared>>) target(%arg11 : memref<40x128xf32, #tpu.memory_space<vmem>>) target_semaphore(%run_scoped3A : memref<!tpu.dma_semaphore, #tpu.memory_space<semaphore_mem>>)
        %dma_wait3A_261 = arith.constant 0 : i32
        %dma_wait3A_262 = tpu.memref_slice %arg12[%mul3A_251, %dma_wait3A_261] : memref<10000x128xf32, #tpu.memory_space<vmem_shared>> -> memref<40x128xf32, #tpu.memory_space<vmem_shared>>
        %dma_wait3A_263 = arith.constant 0 : i32
        %dma_wait3A_264 = tpu.memref_slice %arg12[%mul3A_251, %dma_wait3A_263] : memref<10000x128xf32, #tpu.memory_space<vmem_shared>> -> memref<40x128xf32, #tpu.memory_space<vmem_shared>>
        tpu.wait_dma2 semaphore(%run_scoped3A : memref<!tpu.dma_semaphore, #tpu.memory_space<semaphore_mem>>) src(%dma_wait3A_264 : memref<40x128xf32, #tpu.memory_space<vmem_shared>>) dst(%arg11 : memref<40x128xf32, #tpu.memory_space<vmem>>)
        tpu.yield
      }) : () -> ()
      %mul3A_252 = arith.constant 10000 : i32
      %mul3A_253 = arith.muli %arg0, %mul3A_252 : i32
      %mul3A_254 = arith.constant 40 : i32
      %mul3A_255 = arith.muli %add3A_237, %mul3A_254 : i32
      %add3A_256 = arith.addi %mul3A_253, %mul3A_255 : i32
      "tpu.region"() ({
        %run_scoped3A = tpu.sem_alloc : memref<!tpu.dma_semaphore, #tpu.memory_space<semaphore_mem>>
        %dma_start3A_257 = arith.constant 0 : i32
        %dma_start3A_258 = tpu.memref_slice %arg5[%add3A_256, %dma_start3A_257] : memref<20000x128xf32, #tpu.memory_space<hbm>> -> memref<40x128xf32, #tpu.memory_space<hbm>>
        %dma_start3A_259 = arith.constant 0 : i32
        %dma_start3A_260 = tpu.memref_slice %arg5[%add3A_256, %dma_start3A_259] : memref<20000x128xf32, #tpu.memory_space<hbm>> -> memref<40x128xf32, #tpu.memory_space<hbm>>
        tpu.enqueue_dma source(%arg11 : memref<40x128xf32, #tpu.memory_space<vmem>>) target(%dma_start3A_260 : memref<40x128xf32, #tpu.memory_space<hbm>>) target_semaphore(%run_scoped3A : memref<!tpu.dma_semaphore, #tpu.memory_space<semaphore_mem>>)
        %dma_wait3A_261 = arith.constant 0 : i32
        %dma_wait3A_262 = tpu.memref_slice %arg5[%add3A_256, %dma_wait3A_261] : memref<20000x128xf32, #tpu.memory_space<hbm>> -> memref<40x128xf32, #tpu.memory_space<hbm>>
        %dma_wait3A_263 = arith.constant 0 : i32
        %dma_wait3A_264 = tpu.memref_slice %arg5[%add3A_256, %dma_wait3A_263] : memref<20000x128xf32, #tpu.memory_space<hbm>> -> memref<40x128xf32, #tpu.memory_space<hbm>>
        tpu.wait_dma2 semaphore(%run_scoped3A : memref<!tpu.dma_semaphore, #tpu.memory_space<semaphore_mem>>) src(%arg11 : memref<40x128xf32, #tpu.memory_space<vmem>>) dst(%dma_wait3A_264 : memref<40x128xf32, #tpu.memory_space<hbm>>)
        tpu.yield
      }) : () -> ()
    } else {
    }
    %add3A_243 = arith.constant 240 : i32
    %add3A_244 = arith.addi %arg1, %add3A_243 : i32
    %lt3A_245 = arith.constant 250 : i32
    %lt3A_246 = arith.cmpi slt, %add3A_244, %lt3A_245 : i32
    %convert_element_type3A_247 = arith.extui %lt3A_246 : i1 to i32
    %cond3A_248 = arith.constant 0 : i32
    %cond3A_249 = arith.cmpi ne, %convert_element_type3A_247, %cond3A_248 : i32
    scf.if %cond3A_249 {
      %mul3A_250 = arith.constant 40 : i32
      %mul3A_251 = arith.muli %add3A_244, %mul3A_250 : i32
      "tpu.region"() ({
        %run_scoped3A = tpu.sem_alloc : memref<!tpu.dma_semaphore, #tpu.memory_space<semaphore_mem>>
        %dma_start3A_257 = arith.constant 0 : i32
        %dma_start3A_258 = tpu.memref_slice %arg12[%mul3A_251, %dma_start3A_257] : memref<10000x128xf32, #tpu.memory_space<vmem_shared>> -> memref<40x128xf32, #tpu.memory_space<vmem_shared>>
        %dma_start3A_259 = arith.constant 0 : i32
        %dma_start3A_260 = tpu.memref_slice %arg12[%mul3A_251, %dma_start3A_259] : memref<10000x128xf32, #tpu.memory_space<vmem_shared>> -> memref<40x128xf32, #tpu.memory_space<vmem_shared>>
        tpu.enqueue_dma source(%dma_start3A_260 : memref<40x128xf32, #tpu.memory_space<vmem_shared>>) target(%arg11 : memref<40x128xf32, #tpu.memory_space<vmem>>) target_semaphore(%run_scoped3A : memref<!tpu.dma_semaphore, #tpu.memory_space<semaphore_mem>>)
        %dma_wait3A_261 = arith.constant 0 : i32
        %dma_wait3A_262 = tpu.memref_slice %arg12[%mul3A_251, %dma_wait3A_261] : memref<10000x128xf32, #tpu.memory_space<vmem_shared>> -> memref<40x128xf32, #tpu.memory_space<vmem_shared>>
        %dma_wait3A_263 = arith.constant 0 : i32
        %dma_wait3A_264 = tpu.memref_slice %arg12[%mul3A_251, %dma_wait3A_263] : memref<10000x128xf32, #tpu.memory_space<vmem_shared>> -> memref<40x128xf32, #tpu.memory_space<vmem_shared>>
        tpu.wait_dma2 semaphore(%run_scoped3A : memref<!tpu.dma_semaphore, #tpu.memory_space<semaphore_mem>>) src(%dma_wait3A_264 : memref<40x128xf32, #tpu.memory_space<vmem_shared>>) dst(%arg11 : memref<40x128xf32, #tpu.memory_space<vmem>>)
        tpu.yield
      }) : () -> ()
      %mul3A_252 = arith.constant 10000 : i32
      %mul3A_253 = arith.muli %arg0, %mul3A_252 : i32
      %mul3A_254 = arith.constant 40 : i32
      %mul3A_255 = arith.muli %add3A_244, %mul3A_254 : i32
      %add3A_256 = arith.addi %mul3A_253, %mul3A_255 : i32
      "tpu.region"() ({
        %run_scoped3A = tpu.sem_alloc : memref<!tpu.dma_semaphore, #tpu.memory_space<semaphore_mem>>
        %dma_start3A_257 = arith.constant 0 : i32
        %dma_start3A_258 = tpu.memref_slice %arg5[%add3A_256, %dma_start3A_257] : memref<20000x128xf32, #tpu.memory_space<hbm>> -> memref<40x128xf32, #tpu.memory_space<hbm>>
        %dma_start3A_259 = arith.constant 0 : i32
        %dma_start3A_260 = tpu.memref_slice %arg5[%add3A_256, %dma_start3A_259] : memref<20000x128xf32, #tpu.memory_space<hbm>> -> memref<40x128xf32, #tpu.memory_space<hbm>>
        tpu.enqueue_dma source(%arg11 : memref<40x128xf32, #tpu.memory_space<vmem>>) target(%dma_start3A_260 : memref<40x128xf32, #tpu.memory_space<hbm>>) target_semaphore(%run_scoped3A : memref<!tpu.dma_semaphore, #tpu.memory_space<semaphore_mem>>)
        %dma_wait3A_261 = arith.constant 0 : i32
        %dma_wait3A_262 = tpu.memref_slice %arg5[%add3A_256, %dma_wait3A_261] : memref<20000x128xf32, #tpu.memory_space<hbm>> -> memref<40x128xf32, #tpu.memory_space<hbm>>
        %dma_wait3A_263 = arith.constant 0 : i32
        %dma_wait3A_264 = tpu.memref_slice %arg5[%add3A_256, %dma_wait3A_263] : memref<20000x128xf32, #tpu.memory_space<hbm>> -> memref<40x128xf32, #tpu.memory_space<hbm>>
        tpu.wait_dma2 semaphore(%run_scoped3A : memref<!tpu.dma_semaphore, #tpu.memory_space<semaphore_mem>>) src(%arg11 : memref<40x128xf32, #tpu.memory_space<vmem>>) dst(%dma_wait3A_264 : memref<40x128xf32, #tpu.memory_space<hbm>>)
        tpu.yield
      }) : () -> ()
    } else {
    }
    return
  }
}

module attributes {stable_mosaic.version = 14 : i64} {
  func.func @body(%arg0: memref<10000x256xf32, #tpu.memory_space<vmem>>, %arg1: memref<256x256xf32, #tpu.memory_space<vmem>>, %arg2: memref<20008x128xf32, #tpu.memory_space<vmem>>) attributes {dimension_semantics = [], scalar_prefetch = 0 : i64, scratch_operands = 0 : i64, tpu.core_type = #tpu.core_type<tc>} {
    %get3A = arith.constant 0 : index
    %get3A_0 = arith.constant 0 : index
    %get3A_1 = vector.load %arg0[%get3A, %get3A_0] : memref<10000x256xf32, #tpu.memory_space<vmem>>, vector<10000x256xf32>
    %get3A_2 = arith.constant 0 : index
    %get3A_3 = arith.constant 0 : index
    %get3A_4 = vector.load %arg1[%get3A_2, %get3A_3] : memref<256x256xf32, #tpu.memory_space<vmem>>, vector<256x128xf32>
    %dot_general3A = arith.constant dense<0.000000e+00> : vector<10000x128xf32>
    %dot_general3A_5 = tpu.matmul %get3A_1, %get3A_4, %dot_general3A {dimension_numbers = #tpu.dot_dimension_numbers<[1], [0], [0], [1], [0, 0, 1, 1], [], []>, transpose_lhs_hint = false} : vector<10000x256xf32>, vector<256x128xf32>, vector<10000x128xf32> -> vector<10000x128xf32>
    %swap3A = arith.constant 0 : index
    %swap3A_6 = arith.constant 0 : index
    %swap3A_7 = vector.load %arg2[%swap3A, %swap3A_6] : memref<20008x128xf32, #tpu.memory_space<vmem>>, vector<10000x128xf32>
    tpu.vector_store %arg2[%swap3A, %swap3A_6], %dot_general3A_5 {strides = array<i32>} : memref<20008x128xf32, #tpu.memory_space<vmem>>, vector<10000x128xf32>,
    %get3A_8 = arith.constant 0 : index
    %get3A_9 = arith.constant 128 : index
    %get3A_10 = vector.load %arg1[%get3A_8, %get3A_9] : memref<256x256xf32, #tpu.memory_space<vmem>>, vector<256x128xf32>
    %dot_general3A_11 = arith.constant dense<0.000000e+00> : vector<10000x128xf32>
    %dot_general3A_12 = tpu.matmul %get3A_1, %get3A_10, %dot_general3A_11 {dimension_numbers = #tpu.dot_dimension_numbers<[1], [0], [0], [1], [0, 0, 1, 1], [], []>, transpose_lhs_hint = false} : vector<10000x256xf32>, vector<256x128xf32>, vector<10000x128xf32> -> vector<10000x128xf32>
    %swap3A_13 = arith.constant 10000 : index
    %swap3A_14 = arith.constant 0 : index
    %swap3A_15 = vector.load %arg2[%swap3A_13, %swap3A_14] : memref<20008x128xf32, #tpu.memory_space<vmem>>, vector<10000x128xf32>
    tpu.vector_store %arg2[%swap3A_13, %swap3A_14], %dot_general3A_12 {strides = array<i32>} : memref<20008x128xf32, #tpu.memory_space<vmem>>, vector<10000x128xf32>,
    %broadcast_in_dim3A = arith.constant 0.000000e+00 : f32
    %broadcast_in_dim3A_16 = vector.broadcast %broadcast_in_dim3A : f32 to vector<8x128xf32>
    %swap3A_17 = arith.constant 20000 : index
    %swap3A_18 = arith.constant 0 : index
    %swap3A_19 = vector.load %arg2[%swap3A_17, %swap3A_18] : memref<20008x128xf32, #tpu.memory_space<vmem>>, vector<8x128xf32>
    tpu.vector_store %arg2[%swap3A_17, %swap3A_18], %broadcast_in_dim3A_16 {strides = array<i32>} : memref<20008x128xf32, #tpu.memory_space<vmem>>, vector<8x128xf32>,
    return
  }
}

module attributes {stable_mosaic.version = 14 : i64} {
  func.func @body(%arg0: memref<10000x256xf32, #tpu.memory_space<vmem>>, %arg1: memref<20000x128xf32, #tpu.memory_space<vmem>>, %arg2: memref<20000x128xf32, #tpu.memory_space<vmem>>, %arg3: memref<256x256xf32, #tpu.memory_space<vmem>>, %arg4: memref<1x256xf32, #tpu.memory_space<vmem>>, %arg5: memref<10000x256xf32, #tpu.memory_space<vmem>>) attributes {dimension_semantics = [], scalar_prefetch = 0 : i64, scratch_operands = 0 : i64, tpu.core_type = #tpu.core_type<tc>} {
    %get3A = arith.constant 0 : index
    %get3A_0 = arith.constant 0 : index
    %get3A_1 = vector.load %arg0[%get3A, %get3A_0] : memref<10000x256xf32, #tpu.memory_space<vmem>>, vector<10000x256xf32>
    %get3A_2 = arith.constant 0 : index
    %get3A_3 = arith.constant 0 : index
    %get3A_4 = vector.load %arg3[%get3A_2, %get3A_3] : memref<256x256xf32, #tpu.memory_space<vmem>>, vector<256x256xf32>
    %dot_general3A = arith.constant dense<0.000000e+00> : vector<10000x256xf32>
    %dot_general3A_5 = tpu.matmul %get3A_1, %get3A_4, %dot_general3A {dimension_numbers = #tpu.dot_dimension_numbers<[1], [0], [0], [1], [0, 0, 1, 1], [], []>, transpose_lhs_hint = false} : vector<10000x256xf32>, vector<256x256xf32>, vector<10000x256xf32> -> vector<10000x256xf32>
    %get3A_6 = arith.constant 0 : index
    %get3A_7 = arith.constant 0 : index
    %get3A_8 = vector.load %arg4[%get3A_6, %get3A_7] : memref<1x256xf32, #tpu.memory_space<vmem>>, vector<1x256xf32>
    %add3A = vector.broadcast %get3A_8 : vector<1x256xf32> to vector<10000x256xf32>
    %add3A_9 = arith.addf %dot_general3A_5, %add3A : vector<10000x256xf32>
    %get3A_10 = arith.constant 0 : index
    %get3A_11 = arith.constant 0 : index
    %get3A_12 = vector.load %arg2[%get3A_10, %get3A_11] : memref<20000x128xf32, #tpu.memory_space<vmem>>, vector<10000x1xf32>
    %get3A_13 = arith.constant 10000 : index
    %get3A_14 = arith.constant 0 : index
    %get3A_15 = vector.load %arg2[%get3A_13, %get3A_14] : memref<20000x128xf32, #tpu.memory_space<vmem>>, vector<10000x1xf32>
    %add3A_16 = arith.addf %get3A_12, %get3A_15 : vector<10000x1xf32>
    %max3A = arith.constant 1.000000e+00 : f32
    %max3A_17 = vector.broadcast %max3A : f32 to vector<10000x1xf32>
    %max3A_18 = arith.maximumf %add3A_16, %max3A_17 : vector<10000x1xf32>
    %div3A = arith.constant 1.000000e+00 : f32
    %div3A_19 = vector.broadcast %div3A : f32 to vector<10000x1xf32>
    %div3A_20 = arith.divf %div3A_19, %max3A_18 : vector<10000x1xf32>
    %slice3A = vector.extract_strided_slice %add3A_9 {offsets = [0, 0], sizes = [10000, 128], strides = [1, 1]} : vector<10000x256xf32> to vector<10000x128xf32>
    %get3A_21 = arith.constant 0 : index
    %get3A_22 = arith.constant 0 : index
    %get3A_23 = vector.load %arg1[%get3A_21, %get3A_22] : memref<20000x128xf32, #tpu.memory_space<vmem>>, vector<10000x128xf32>
    %mul3A = vector.broadcast %div3A_20 : vector<10000x1xf32> to vector<10000x128xf32>
    %mul3A_24 = arith.mulf %get3A_23, %mul3A : vector<10000x128xf32>
    %add3A_25 = arith.addf %slice3A, %mul3A_24 : vector<10000x128xf32>
    %slice3A_26 = vector.extract_strided_slice %add3A_9 {offsets = [0, 128], sizes = [10000, 128], strides = [1, 1]} : vector<10000x256xf32> to vector<10000x128xf32>
    %get3A_27 = arith.constant 10000 : index
    %get3A_28 = arith.constant 0 : index
    %get3A_29 = vector.load %arg1[%get3A_27, %get3A_28] : memref<20000x128xf32, #tpu.memory_space<vmem>>, vector<10000x128xf32>
    %mul3A_30 = vector.broadcast %div3A_20 : vector<10000x1xf32> to vector<10000x128xf32>
    %mul3A_31 = arith.mulf %get3A_29, %mul3A_30 : vector<10000x128xf32>
    %add3A_32 = arith.addf %slice3A_26, %mul3A_31 : vector<10000x128xf32>
    %max3A_33 = arith.constant 0.000000e+00 : f32
    %max3A_34 = vector.broadcast %max3A_33 : f32 to vector<10000x128xf32>
    %max3A_35 = arith.maximumf %add3A_25, %max3A_34 : vector<10000x128xf32>
    %max3A_36 = arith.constant 0.000000e+00 : f32
    %max3A_37 = vector.broadcast %max3A_36 : f32 to vector<10000x128xf32>
    %max3A_38 = arith.maximumf %add3A_32, %max3A_37 : vector<10000x128xf32>
    %swap3A = arith.constant 0 : index
    %swap3A_39 = arith.constant 0 : index
    %swap3A_40 = vector.load %arg5[%swap3A, %swap3A_39] : memref<10000x256xf32, #tpu.memory_space<vmem>>, vector<10000x128xf32>
    tpu.vector_store %arg5[%swap3A, %swap3A_39], %max3A_35 {strides = array<i32>} : memref<10000x256xf32, #tpu.memory_space<vmem>>, vector<10000x128xf32>,
    %swap3A_41 = arith.constant 0 : index
    %swap3A_42 = arith.constant 128 : index
    %swap3A_43 = vector.load %arg5[%swap3A_41, %swap3A_42] : memref<10000x256xf32, #tpu.memory_space<vmem>>, vector<10000x128xf32>
    tpu.vector_store %arg5[%swap3A_41, %swap3A_42], %max3A_38 {strides = array<i32>} : memref<10000x256xf32, #tpu.memory_space<vmem>>, vector<10000x128xf32>,
    return
  }
}

module attributes {stable_mosaic.version = 14 : i64} {
  func.func @body(%arg0: memref<10000x256xf32, #tpu.memory_space<vmem>>, %arg1: memref<20000x128xf32, #tpu.memory_space<vmem>>, %arg2: memref<20000x128xf32, #tpu.memory_space<vmem>>, %arg3: memref<256x256xf32, #tpu.memory_space<vmem>>, %arg4: memref<1x256xf32, #tpu.memory_space<vmem>>, %arg5: memref<10000x256xf32, #tpu.memory_space<vmem>>) attributes {dimension_semantics = [], scalar_prefetch = 0 : i64, scratch_operands = 0 : i64, tpu.core_type = #tpu.core_type<tc>} {
    %get3A = arith.constant 0 : index
    %get3A_0 = arith.constant 0 : index
    %get3A_1 = vector.load %arg0[%get3A, %get3A_0] : memref<10000x256xf32, #tpu.memory_space<vmem>>, vector<10000x256xf32>
    %get3A_2 = arith.constant 0 : index
    %get3A_3 = arith.constant 0 : index
    %get3A_4 = vector.load %arg3[%get3A_2, %get3A_3] : memref<256x256xf32, #tpu.memory_space<vmem>>, vector<256x256xf32>
    %dot_general3A = arith.constant dense<0.000000e+00> : vector<10000x256xf32>
    %dot_general3A_5 = tpu.matmul %get3A_1, %get3A_4, %dot_general3A {dimension_numbers = #tpu.dot_dimension_numbers<[1], [0], [0], [1], [0, 0, 1, 1], [], []>, transpose_lhs_hint = false} : vector<10000x256xf32>, vector<256x256xf32>, vector<10000x256xf32> -> vector<10000x256xf32>
    %get3A_6 = arith.constant 0 : index
    %get3A_7 = arith.constant 0 : index
    %get3A_8 = vector.load %arg4[%get3A_6, %get3A_7] : memref<1x256xf32, #tpu.memory_space<vmem>>, vector<1x256xf32>
    %add3A = vector.broadcast %get3A_8 : vector<1x256xf32> to vector<10000x256xf32>
    %add3A_9 = arith.addf %dot_general3A_5, %add3A : vector<10000x256xf32>
    %get3A_10 = arith.constant 0 : index
    %get3A_11 = arith.constant 0 : index
    %get3A_12 = vector.load %arg2[%get3A_10, %get3A_11] : memref<20000x128xf32, #tpu.memory_space<vmem>>, vector<10000x1xf32>
    %get3A_13 = arith.constant 10000 : index
    %get3A_14 = arith.constant 0 : index
    %get3A_15 = vector.load %arg2[%get3A_13, %get3A_14] : memref<20000x128xf32, #tpu.memory_space<vmem>>, vector<10000x1xf32>
    %add3A_16 = arith.addf %get3A_12, %get3A_15 : vector<10000x1xf32>
    %max3A = arith.constant 1.000000e+00 : f32
    %max3A_17 = vector.broadcast %max3A : f32 to vector<10000x1xf32>
    %max3A_18 = arith.maximumf %add3A_16, %max3A_17 : vector<10000x1xf32>
    %div3A = arith.constant 1.000000e+00 : f32
    %div3A_19 = vector.broadcast %div3A : f32 to vector<10000x1xf32>
    %div3A_20 = arith.divf %div3A_19, %max3A_18 : vector<10000x1xf32>
    %slice3A = vector.extract_strided_slice %add3A_9 {offsets = [0, 0], sizes = [10000, 128], strides = [1, 1]} : vector<10000x256xf32> to vector<10000x128xf32>
    %get3A_21 = arith.constant 0 : index
    %get3A_22 = arith.constant 0 : index
    %get3A_23 = vector.load %arg1[%get3A_21, %get3A_22] : memref<20000x128xf32, #tpu.memory_space<vmem>>, vector<10000x128xf32>
    %mul3A = vector.broadcast %div3A_20 : vector<10000x1xf32> to vector<10000x128xf32>
    %mul3A_24 = arith.mulf %get3A_23, %mul3A : vector<10000x128xf32>
    %add3A_25 = arith.addf %slice3A, %mul3A_24 : vector<10000x128xf32>
    %slice3A_26 = vector.extract_strided_slice %add3A_9 {offsets = [0, 128], sizes = [10000, 128], strides = [1, 1]} : vector<10000x256xf32> to vector<10000x128xf32>
    %get3A_27 = arith.constant 10000 : index
    %get3A_28 = arith.constant 0 : index
    %get3A_29 = vector.load %arg1[%get3A_27, %get3A_28] : memref<20000x128xf32, #tpu.memory_space<vmem>>, vector<10000x128xf32>
    %mul3A_30 = vector.broadcast %div3A_20 : vector<10000x1xf32> to vector<10000x128xf32>
    %mul3A_31 = arith.mulf %get3A_29, %mul3A_30 : vector<10000x128xf32>
    %add3A_32 = arith.addf %slice3A_26, %mul3A_31 : vector<10000x128xf32>
    %swap3A = arith.constant 0 : index
    %swap3A_33 = arith.constant 0 : index
    %swap3A_34 = vector.load %arg5[%swap3A, %swap3A_33] : memref<10000x256xf32, #tpu.memory_space<vmem>>, vector<10000x128xf32>
    tpu.vector_store %arg5[%swap3A, %swap3A_33], %add3A_25 {strides = array<i32>} : memref<10000x256xf32, #tpu.memory_space<vmem>>, vector<10000x128xf32>,
    %swap3A_35 = arith.constant 0 : index
    %swap3A_36 = arith.constant 128 : index
    %swap3A_37 = vector.load %arg5[%swap3A_35, %swap3A_36] : memref<10000x256xf32, #tpu.memory_space<vmem>>, vector<10000x128xf32>
    tpu.vector_store %arg5[%swap3A_35, %swap3A_36], %add3A_32 {strides = array<i32>} : memref<10000x256xf32, #tpu.memory_space<vmem>>, vector<10000x128xf32>,
    return
  }
}

</mosaic_0001>

<sc_bundles>
// kernel: kernel.12.cloned.1.call-start
scs
__scs_entry_jumppad:
0x0: {  	(pc) =	sbr.rel $0x88, $3  }
0x1: {  	(tag) =	ssettag $0x0;
	lr =	simm.s32 $0x1  }
0x2: {  	[smem:$0x3F99] =	sst lr;
	_ =	strace $0xD0000000  }
0x3: {  	_ = 	snop  }
0x4: {  	_ = 	snop  }
0x5: {  	_ = 	snop  }
0x6: {  	_ = 	snop  }
0x7: {  	_ = 	snop  }
__scs_overlays_trampoline_lowered:
0x8: {  	[smem:$0x3FA8] =	sst s0  }
0x9: {  	[smem:$0x3FA9] =	sst s1  }
0xa: {  	[smem:$0x3FAA] =	sst s2  }
0xb: {  	[smem:$0x3FAB] =	sst s3  }
0xc: {  	[smem:$0x3FAC] =	sst s4  }
0xd: {  	[smem:$0x3FAD] =	sst s5  }
0xe: {  	[smem:$0x3FAE] =	sst s6  }
0xf: {  	[smem:$0x3FAF] =	sst s7  }
0x10: {  	[smem:$0x3FB0] =	sst s8  }
0x11: {  	[smem:$0x3FB1] =	sst s9;
	s0 =	simm.s32 @!p0 $0x0  }
0x12: {  	s1 =	sld [smem:$0x3F97];
	s0 =	simm.s32 @p0 $0x1  }
0x13: {  	[smem:$0x3FB2] =	sst s0;
	s0 =	simm.s32 @!p1 $0x0  }
0x14: {  	s2 =	sld [smem:$0x3F96];
	s0 =	simm.s32 @p1 $0x1  }
0x15: {  	[smem:$0x3FB3] =	sst s0;
	s0 =	simm.s32 @!p2 $0x0  }
0x16: {  	s3 =	sld [smem:$0x3FDB];
	s0 =	simm.s32 @p2 $0x1  }
0x17: {  	s4 =	simm.s32 $0x1BF5;
	[smem:$0x3FB5] =	sst s0  }
0x18: {  	s0 =	sld [smem:$0x3F98];
	_ =	swait.ge [sflag:s4], $0x0  }
0x19: {  	s7 =	sld [smem:$0x3F99]  }
0x1a: {  	s8 =	sadd.s32 $0xFFFFE003, lr  }
0x1b: {  	s9 =	sadd.s32 $0xFFFFFEF7, lr;
	s5 =	simm.s32 $0xFFFFFFFF;
	p2 =	slt.u32 s8, $0xFFFFF086  }
0x1c: {  	p1 =	slt.u32 s9, $0xF7A;
	s5 =	simm.s32 @!p2 $0x0  }
0x1d: {  	s5 =	simm.s32 @p1 $0x1;
	p0 =	seq.s32 s7, s2  }
0x1e: {  	s7 =	smul.u32 @!p0 $0xF7A, s2;
	p2 =	seq.s32 @!p0 s5, $0x0  }
0x1f: {  	s9 =	smul.u32 $0xF7A, s1;
	s8 =	simm.s32 @!p0 $0x1BF5;
	p2 =	por !p2, p0  }
0x20: {  	[sflag:s8] =	ssyncset.s32 @!p0 $0xFFFFF086;
	s6 =	sadd.s32 @!p0 s3, s7;
	s7 =	simm.s32 @!p0 $0x108  }
0x21: {  	s3 =	sadd.s32 s3, s9;
	s6 =	sadd.s32 @!p0 $0x88, s6;
	s7 =	simm.s32 @p2 $0x1082  }
0x22: {  	[simem:s7], [sflag:s8] =	dma.local @!p0 [hbm:s6], $0xF7A  }
0x23: {  	s9 =	sor.u32 $0xD0000000, s2;
	s6 =	simm.s32 $0x108;
	_ =	swait.ge @!p0 [sflag:s8], $0x0  }
0x24: {  	s3 =	sadd.s32 $0x88, s3;
	s6 =	simm.s32 @!p1 $0x1082;
	[sflag:s4] =	ssyncset.s32 $0xFFFFF086  }
0x25: {  	[simem:s6], [sflag:s4] =	dma.local [hbm:s3], $0xF7A  }
0x26: {  	[smem:$0x3F99] =	sst s1;
	(tag) =	ssettag s2;
	_ =	strace s9  }
0x27: {  	s1 =	sld [smem:$0x3FA9]  }
0x28: {  	s2 =	sld [smem:$0x3FAA]  }
0x29: {  	s4 =	sld [smem:$0x3FAC]  }
0x2a: {  	p0 =	seq.s32 s5, $0x0;
	s5 =	sld [smem:$0x3FAD]  }
0x2b: {  	s6 =	sld [smem:$0x3FAE]  }
0x2c: {  	s7 =	sld [smem:$0x3FAF]  }
0x2d: {  	s3 =	simm.s32 $0x108;
	s8 =	sld [smem:$0x3FB0]  }
0x2e: {  	s3 =	simm.s32 @!p0 $0x1082;
	s9 =	sld [smem:$0x3FB1]  }
0x2f: {  	lr =	sadd.s32 s0, s3;
	s0 =	sld [smem:$0x3FA8]  }
0x30: {  	s3 =	sld [smem:$0x3FAB]  }
0x31: {  	[smem:$0x3FB4] =	sst s10  }
0x32: {  	s10 =	sld [smem:$0x3FB2];
	_ =	sdelay $0x3  }
0x33: {  	p0 =	seq.s32 s10, $0x1;
	s10 =	sld [smem:$0x3FB4];
	_ =	sdelay $0x3  }
0x34: {  	[smem:$0x3FB4] =	sst s10  }
0x35: {  	s10 =	sld [smem:$0x3FB3];
	_ =	sdelay $0x3  }
0x36: {  	p1 =	seq.s32 s10, $0x1;
	s10 =	sld [smem:$0x3FB4];
	_ =	sdelay $0x3  }
0x37: {  	[smem:$0x3FB4] =	sst s10  }
0x38: {  	s10 =	sld [smem:$0x3FB5]  }
0x39: {  	_ = 	snop;
	(pc) =	sbr.ind lr, $3  }
0x3a: {  	_ = 	snop  }
0x3b: {  	_ = 	snop  }
0x3c: {  	p2 =	seq.s32 s10, $0x1;
	s10 =	sld [smem:$0x3FB4]  }
0x3d: {  	_ =	shalt  }
0x3e: {  	_ =	shalt  }
0x3f: {  	_ =	shalt  }
0x40: {  	_ =	shalt  }
0x41: {  	_ =	shalt  }
0x42: {  	_ =	shalt  }
0x43: {  	_ =	shalt  }
0x44: {  	_ =	shalt  }
0x45: {  	_ =	shalt  }
0x46: {  	_ =	shalt  }
0x47: {  	_ =	shalt  }
0x48: {  	_ =	shalt  }
0x49: {  	_ =	shalt  }
0x4a: {  	_ =	shalt  }
0x4b: {  	_ =	shalt  }
0x4c: {  	_ =	shalt  }
0x4d: {  	_ =	shalt  }
0x4e: {  	_ =	shalt  }
0x4f: {  	_ =	shalt  }
0x50: {  	_ =	shalt  }
0x51: {  	_ =	shalt  }
0x52: {  	_ =	shalt  }
0x53: {  	_ =	shalt  }
0x54: {  	_ =	shalt  }
0x55: {  	_ =	shalt  }
0x56: {  	_ =	shalt  }
0x57: {  	_ =	shalt  }
0x58: {  	_ =	shalt  }
0x59: {  	_ =	shalt  }
0x5a: {  	_ =	shalt  }
0x5b: {  	_ =	shalt  }
0x5c: {  	_ =	shalt  }
0x5d: {  	_ =	shalt  }
0x5e: {  	_ =	shalt  }
0x5f: {  	_ =	shalt  }
0x60: {  	_ =	shalt  }
0x61: {  	_ =	shalt  }
0x62: {  	_ =	shalt  }
0x63: {  	_ =	shalt  }
0x64: {  	_ =	shalt  }
0x65: {  	_ =	shalt  }
0x66: {  	_ =	shalt  }
0x67: {  	_ =	shalt  }
0x68: {  	_ =	shalt  }
0x69: {  	_ =	shalt  }
0x6a: {  	_ =	shalt  }
0x6b: {  	_ =	shalt  }
0x6c: {  	_ =	shalt  }
0x6d: {  	_ =	shalt  }
0x6e: {  	_ =	shalt  }
0x6f: {  	_ =	shalt  }
0x70: {  	_ =	shalt  }
0x71: {  	_ =	shalt  }
0x72: {  	_ =	shalt  }
0x73: {  	_ =	shalt  }
0x74: {  	_ =	shalt  }
0x75: {  	_ =	shalt  }
0x76: {  	_ =	shalt  }
0x77: {  	_ =	shalt  }
0x78: {  	_ =	shalt  }
0x79: {  	_ =	shalt  }
0x7a: {  	_ =	shalt  }
0x7b: {  	_ =	shalt  }
0x7c: {  	_ =	shalt  }
0x7d: {  	_ =	shalt  }
0x7e: {  	_ =	shalt  }
0x7f: {  	_ =	shalt  }
0x80: {  	_ =	shalt  }
0x81: {  	_ =	shalt  }
0x82: {  	_ =	shalt  }
0x83: {  	_ =	shalt  }
0x84: {  	_ =	shalt  }
0x85: {  	_ =	shalt  }
0x86: {  	_ =	shalt  }
0x87: {  	_ =	shalt  }
.Lfunc_end0:
.L_simem_size_0:
called_computation.1_lowered:
.L_overlay_start_0:
0x88: {  	s2 =	sld [smem:$0x3FD9]  }
0x89: {  	s3 =	sld [smem:$0x3FFE];
	_ =	sdelay $0x1  }
0x8a: {  	s1 =	srdreg.scid  }
0x8b: {  	s0 =	sand.u32 $0x1, s1  }
0x8c: {  	s17 =	sshll.u32 s0, $0xA;
	s2 =	sadd.s32 s3, s2  }
0x8d: {  	s2 =	sadd.s32 s2, s17  }
0x8e: {  	[smem:$0x3FC0] =	sst s2  }
0x8f: {  	_ = 	snop  }
0x90: {  	s2 =	sld [smem:$0x3FD0];
	(tm) =	ssettm $0x1  }
0x91: {  	s18 =	sld [smem:$0x3FFB];
	_ =	sdelay $0x3  }
0x92: {  	_ =	strace s18  }
0x93: {  	s3 =	sld [smem:$0x3FFC];
	_ =	sdelay $0x3  }
0x94: {  	_ =	strace s3  }
0x95: {  	s3 =	sld [smem:$0x3FFD];
	_ =	sdelay $0x3  }
0x96: {  	_ =	strace s3  }
0x97: {  	_ =	strace $0x8FFFFFFF  }
0x98: {  	s19 =	sld [smem:$0x3FDB];
	_ =	sdelay $0x1  }
0x99: {  	s4 =	simm.s32 $_scs_section_size  }
0x9a: {  	s5 =	simm.s32 $_size__tile_overlayer_lowered;
	s6 =	simm.s32 $_tile_overlayer_lowered  }
0x9b: {  	s22 =	simm.s32 $0x1BFF;
	s21 =	sshll.u32 s6, $0x1;
	s3 =	sadd.s32 s4, s19  }
0x9c: {  	s7 =	simm.s32 $0x0;
	s20 =	sshll.u32 s5, $0x1;
	s5 =	sadd.s32 s21, s3  }
0x9d: {  	[timem:s7], [sflag:s22] =	dma.local [hbm:s5], s20  }
0x9e: {  	_ =	swait.ge [sflag:s22], s20  }
0x9f: {  	s4 =	ssub.s32 $0x0, s20;
	[sflag:s22] =	ssyncset.done $0x0  }
0xa0: {  	[sflag:s22] =	ssyncadd.s32 s4;
	_ =	sdelay $0x1  }
0xa1: {  	s23 =	simm.s32 $0x1B8B  }
0xa2: {  	_ =	swait.ge [sflag:s23], $0x1  }
0xa3: {  	[sflag:s23] =	ssyncset.done $0x0  }
0xa4: {  	s25 =	simm.s32 $0x1B8E;
	s24 =	sld [smem:$0x3FFE];
	[sflag:s23] =	ssyncadd.s32 $0xFFFFFFFF  }
0xa5: {  	s26 =	simm.s32 $execute0_lowered;
	[smem:$0x3FD2] =	sst s25  }
0xa6: {  	s5 =	sshll.u32 s26, $0x1;
	_ =	strace $0x80000046;
	[dreg:$0x1] =	wrdreg $0xFFFFFFFF  }
0xa7: {  	s28 =	simm.s32 $_size_execute0_lowered;
	s3 =	sadd.s32 s3, s5;
	[dreg:$0x0] =	wrdreg $0x0  }
0xa8: {  	s5 =	sshll.u32 s28, $0x1;
	[dreg:$0x2] =	wrdreg s3  }
0xa9: {  	[dreg:$0x3] =	wrdreg s5  }
0xaa: {  	[dreg:$0x4] =	wrdreg $0xC0  }
0xab: {  	_ =	task [dreg:s7], $0x5FFFF  }
0xac: {  	[dreg:$0x1] =	wrdreg $0xFFFFFFFF  }
0xad: {  	[dreg:$0x0] =	wrdreg $0x60  }
0xae: {  	[dreg:$0x2] =	wrdreg s24  }
0xaf: {  	[dreg:$0x3] =	wrdreg s2  }
0xb0: {  	[dreg:$0x4] =	wrdreg $0xA4000  }
0xb1: {  	[dreg:$0x5] =	wrdreg $0xA  }
0xb2: {  	_ =	task.clear_ibuf [dreg:s7], $0x6FFFF;
	_ =	strace $0x90000046  }
0xb3: {  	s29 =	simm.s32 $0xA;
	_ =	strace $0x80000048  }
0xb4: {  	_ =	swait.ge [sflag:s29], $0x1  }
0xb5: {  	[sflag:s29] =	ssyncadd.s32 $0xFFFFFFFF  }
0xb6: {  	_ =	strace $0x90000048  }
0xb7: {  	_ =	sfence  }
0xb8: {  	s30 =	sld [smem:$0x0];
	_ =	sdelay $0x2  }
0xb9: {  	s31 =	sshll.u32 s1, $0xD;
	s1 =	sshrl.u32 s1, $0x2  }
0xba: {  	s3 =	sand.u32 $0x4000, s31;
	s1 =	sadd.s32 s1, s30  }
0xbb: {  	s0 =	sor.u32 s3, s0;
	s1 =	sshll.u32 s1, $0x11  }
0xbc: {  	s0 =	sor.u32 s1, s0  }
0xbd: {  	s0 =	sadd.s32 $0x8F2B, s0  }
0xbe: {  	[sflag:s0] =	ssyncadd.remote.s32 $0x1  }
0xbf: {  	_ =	sfence.sel $0xFFFF  }
0xc0: {  	[dreg:$0x0] =	wrdreg $0xFFFFFFFF;
	(pc) =	sbr.abs _section_cstart, $3  }
0xc1: {  	[dreg:$0x1] =	wrdreg $0xFFFFFFFF  }
0xc2: {  	_ =	task.clear_ibuf [dreg:s7], $0x2FFFF;
	_ =	strace $0x9FFFFFFF  }
0xc3: {  	(tm) =	ssettm $0x7FFFFFFF  }
tec
execute0_lowered:
.L_overlay_start_1:
0x0: {  	(tag) =	ssettag $0x1  }
0x1: {  	s21 =	stileid.u32  }
0x2: {  	s0 =	srdreg.scid;
	s13 =	smul.u32 $0x2710, s21  }
0x3: {  	s1 =	sand.u32 $0x1, s0;
	s6 =	smul.u32 $0x50, s21  }
0x4: {  	s12 =	smul.u32 $0x2710, s1  }
0x5: {  	s14 =	sor.u32 $0x10, s21;
	s15 =	smul.u32 $0x27100, s1  }
0x6: {  	s10 =	sor.u32 $0x20, s21;
	s16 =	smul.u32 $0x50, s14  }
0x7: {  	s4 =	rddreg [dreg:$0x0];
	s9 =	sor.u32 $0x30, s21;
	s18 =	smul.u32 $0x50, s10  }
0x8: {  	s11 =	rddreg [dreg:$0x1];
	s8 =	sor.u32 $0x40, s21;
	s24 =	smul.u32 $0x50, s9  }
0x9: {  	s2 =	rddreg [dreg:$0x2];
	s7 =	sor.u32 $0x70, s21;
	s19 =	smul.u32 $0x50, s8  }
0xa: {  	s3 =	simm.s32 $0x0;
	s31 =	simm.s32 $0x400;
	s20 =	smul.u32 $0x50, s7  }
0xb: {  	[smem:$0x7FF] =	sst s3;
	s0 =	ssub.s32 $0x2, s1;
	s9 =	smul.u32 $0xA000, s9  }
0xc: {  	p0 =	sgt.u32 s21, $0xC;
	s8 =	smul.u32 $0xA000, s8;
	s5 =	sshrl.u32 s0, $0x1  }
0xd: {  	s7 =	smul.u32 $0xA000, s7;
	s0 =	ssub.s32 s0, s5;
	s5 =	sor.u32 $0x50, s21  }
0xe: {  	s22 =	sadd.s32 s6, s12;
	s6 =	sor.u32 $0x60, s21;
	s1 =	sadd.s32 s13, s15  }
0xf: {  	s16 =	sadd.s32 s12, s16;
	s23 =	sadd.s32 s12, s18;
	s28 =	sadd.s32 s12, s24  }
0x10: {  	s29 =	sadd.s32 s12, s19;
	s24 =	smul.u32 $0xA000, s14;
	s9 =	sshrl.u32 s9, $0x2  }
0x11: {  	s17 =	sshll.u32 s22, $0x4;
	s16 =	sshll.u32 s16, $0x4;
	s26 =	smul.u32 $0x50, s5  }
0x12: {  	s30 =	smul.u32 $0x50, s6;
	s18 =	sshll.u32 s29, $0x4;
	s22 =	sadd.s32 $0x190, s1  }
0x13: {  	s29 =	sadd.s32 $0x2400, s4;
	s5 =	smul.u32 $0xA000, s5;
	s17 =	sadd.s32 s11, s17  }
0x14: {  	s0 =	smax.u32 s0, $0x1;
	s16 =	sadd.s32 s11, s16;
	[dreg:$0x7] =	wrdreg s17  }
0x15: {  	s18 =	sadd.s32 s11, s18;
	s17 =	sshll.u32 s23, $0x4;
	[dreg:$0x8] =	wrdreg s16  }
0x16: {  	[dreg:$0xb] =	wrdreg s18;
	s16 =	sadd.s32 s12, s26;
	s19 =	sadd.s32 s12, s30  }
0x17: {  	s12 =	sadd.s32 s12, s20;
	s23 =	sadd.s32 $0xF0, s1;
	s26 =	sshrl.u32 s13, $0x3  }
0x18: {  	s13 =	sadd.s32 $0x50, s13;
	s30 =	smul.u32 $0x4E2, s21;
	s18 =	sadd.s32 s9, s2  }
0x19: {  	s5 =	sshrl.u32 s5, $0x2;
	s25 =	sadd.s32 s11, s17;
	s17 =	sshll.u32 s28, $0x4  }
0x1a: {  	s16 =	sshll.u32 s16, $0x4;
	s20 =	sshll.u32 s19, $0x4;
	s12 =	sshll.u32 s12, $0x4  }
0x1b: {  	s28 =	sadd.s32 $0xA0, s1;
	[dreg:$0x9] =	wrdreg s25;
	s17 =	sadd.s32 s11, s17  }
0x1c: {  	s14 =	sadd.s32 s29, s26;
	s16 =	sadd.s32 s11, s16;
	[dreg:$0xa] =	wrdreg s17  }
0x1d: {  	s19 =	smul.u32 $0xA000, s21;
	s26 =	sshrl.u32 s1, $0x3;
	[dreg:$0xc] =	wrdreg s16  }
0x1e: {  	s16 =	sadd.s32 s11, s20;
	s11 =	sadd.s32 s11, s12;
	s12 =	sadd.s32 $0x7400, s4  }
0x1f: {  	s17 =	sadd.s32 s15, s13;
	s13 =	sshrl.u32 s13, $0x3;
	[dreg:$0xd] =	wrdreg s16  }
0x20: {  	s15 =	sshrl.u32 s28, $0x3;
	s20 =	smul.u32 $0xA000, s10;
	[dreg:$0xe] =	wrdreg s11  }
0x21: {  	s13 =	sadd.s32 s29, s13;
	_ =	strace $0x80000047;
	[dreg:$0xf] =	wrdreg s14  }
0x22: {  	s11 =	sshrl.u32 s22, $0x3;
	s28 =	sadd.s32 s12, s26;
	[dreg:$0x10] =	wrdreg s13  }
0x23: {  	s16 =	sshrl.u32 s23, $0x3;
	s22 =	sshrl.u32 s19, $0x2;
	[dreg:$0x17] =	wrdreg s28  }
0x24: {  	s23 =	smul.u32 $0xA000, s6;
	s6 =	simm.s32 $0x50;
	[dreg:$0x19] =	wrdreg s0  }
0x25: {  	s11 =	sadd.s32 s11, s12;
	s25 =	sadd.s32 s16, s12;
	[dreg:$0x12] =	wrdreg s18  }
0x26: {  	s14 =	sadd.s32 s15, s12;
	s15 =	sadd.s32 s30, s29;
	[dreg:$0x6] =	wrdreg s11  }
0x27: {  	s16 =	sadd.s32 $0x11200, s4;
	s4 =	sadd.s32 $0x5F600, s4;
	[dreg:$0x5] =	wrdreg s25  }
0x28: {  	s10 =	sadd.s32 s22, s2;
	s29 =	sshrl.u32 s17, $0x3;
	[dreg:$0x4] =	wrdreg s14  }
0x29: {  	s30 =	sadd.s32 $0x140, s1;
	s0 =	simm.s32 $0x11;
	[dreg:$0x11] =	wrdreg s4  }
0x2a: {  	s11 =	sshrl.u32 s24, $0x2;
	s4 =	sshrl.u32 s20, $0x2;
	s24 =	sshrl.u32 s8, $0x2  }
0x2b: {  	s20 =	sadd.s32 s5, s2;
	s25 =	sshrl.u32 s7, $0x2;
	[dreg:$0x1a] =	wrdreg s30  }
0x2c: {  	s14 =	sadd.s32 s4, s2;
	s19 =	sadd.s32 s24, s2;
	[dreg:$0x14] =	wrdreg s20  }
0x2d: {  	s4 =	sshrl.u32 s23, $0x2;
	s23 =	sadd.s32 s25, s2;
	[dreg:$0x13] =	wrdreg s19  }
0x2e: {  	s22 =	sadd.s32 s4, s2;
	s4 =	sadd.s32 s12, s29;
	[dreg:$0x16] =	wrdreg s23  }
0x2f: {  	s1 =	simm.s32 $0x200;
	s13 =	simm.s32 $0x0;
	[dreg:$0x18] =	wrdreg s4  }
0x30: {  	s7 =	simm.s32 $0x9;
	s11 =	sadd.s32 s11, s2;
	[dreg:$0x15] =	wrdreg s22  }
.LBB2_1:
0x31: {  	s4 =	rddreg [dreg:$0x11]  }
0x32: {  	[tilespmem:s31], [sflag:$0x11] =	stream.linear.gather [hbm4b:s4+s3], $0x2800, $0x38;
	[tilespmem:$0x1DC80] =	vst v63  }
0x33: {  	_ =	swait.ge [sflag:s0], $0x2800  }
0x34: {  	[sflag:s0] =	ssyncset.done $0x0  }
0x35: {  	[sflag:s0] =	ssyncadd.s32 $0xFFFFD800  }
0x36: {  	[spmem:s10] =	stream.linear.scatter [tilespmem:s31], [sflag:$0x11], $0x2800, $0x38;
	[tilespmem:$0x1DC80] =	vst v63  }
0x37: {  	_ =	swait.ge [sflag:s0], $0x2800  }
0x38: {  	[sflag:s0] =	ssyncset.done $0x0  }
0x39: {  	[sflag:s0] =	ssyncadd.s32 $0xFFFFD800  }
0x3a: {  	[spmem:s11] =	stream.linear.scatter [tilespmem:s31], [sflag:$0x11], $0x2800, $0x38;
	[tilespmem:$0x1DC80] =	vst v63  }
0x3b: {  	_ =	swait.ge [sflag:s0], $0x2800  }
0x3c: {  	[sflag:s0] =	ssyncset.done $0x0  }
0x3d: {  	[sflag:s0] =	ssyncadd.s32 $0xFFFFD800  }
0x3e: {  	[spmem:s14] =	stream.linear.scatter [tilespmem:s31], [sflag:$0x11], $0x2800, $0x38;
	[tilespmem:$0x1DC80] =	vst v63  }
0x3f: {  	_ =	swait.ge [sflag:s0], $0x2800  }
0x40: {  	[sflag:s0] =	ssyncset.done $0x0  }
0x41: {  	[sflag:s0] =	ssyncadd.s32 $0xFFFFD800  }
0x42: {  	[spmem:s18] =	stream.linear.scatter [tilespmem:s31], [sflag:$0x11], $0x2800, $0x38;
	[tilespmem:$0x1DC80] =	vst v63  }
0x43: {  	_ =	swait.ge [sflag:s0], $0x2800  }
0x44: {  	[sflag:s0] =	ssyncset.done $0x0  }
0x45: {  	[sflag:s0] =	ssyncadd.s32 $0xFFFFD800  }
0x46: {  	[spmem:s19] =	stream.linear.scatter [tilespmem:s31], [sflag:$0x11], $0x2800, $0x38;
	[tilespmem:$0x1DC80] =	vst v63  }
0x47: {  	_ =	swait.ge [sflag:s0], $0x2800  }
0x48: {  	[sflag:s0] =	ssyncset.done $0x0  }
0x49: {  	[sflag:s0] =	ssyncadd.s32 $0xFFFFD800  }
0x4a: {  	[spmem:s20] =	stream.linear.scatter [tilespmem:s31], [sflag:$0x11], $0x2800, $0x38;
	[tilespmem:$0x1DC80] =	vst v63  }
0x4b: {  	_ =	swait.ge [sflag:s0], $0x2800  }
0x4c: {  	[sflag:s0] =	ssyncset.done $0x0  }
0x4d: {  	[sflag:s0] =	ssyncadd.s32 $0xFFFFD800  }
0x4e: {  	[spmem:s22] =	stream.linear.scatter [tilespmem:s31], [sflag:$0x11], $0x2800, $0x38;
	[tilespmem:$0x1DC80] =	vst v63  }
0x4f: {  	_ =	swait.ge [sflag:s0], $0x2800  }
0x50: {  	[sflag:s0] =	ssyncset.done $0x0  }
0x51: {  	s4 =	simm.s32 @!p0 $0x400;
	[sflag:s0] =	ssyncadd.s32 $0xFFFFD800  }
0x52: {  	[spmem:s23] =	stream.linear.scatter @!p0 [tilespmem:s4], [sflag:$0x11], $0x2800, $0x38;
	[tilespmem:$0x1DC80] =	vst v63  }
0x53: {  	s4 =	simm.s32 @!p0 $0x11  }
0x54: {  	_ =	swait.ge @!p0 [sflag:s4], $0x2800  }
0x55: {  	[sflag:s4] =	ssyncset.done @!p0 $0x0  }
0x56: {  	[sflag:s4] =	ssyncadd.s32 @!p0 $0xFFFFD800  }
0x57: {  	[bflag:$0x0] =	sbarrier.arrive $0xFFFF  }
0x58: {  	s18 =	rddreg [dreg:$0x17]  }
0x59: {  	[tilespmem:s3], [sflag:$0x1] =	stream.linear.gather [hbm4b:s18+s3], $0x50, $0x38;
	[tilespmem:$0x1DC80] =	vst v63  }
0x5a: {  	s19 =	rddreg [dreg:$0xf]  }
0x5b: {  	[tilespmem:s1], [sflag:$0x5] =	stream.linear.gather [hbm4b:s19+s3], $0x50, $0x38;
	[tilespmem:$0x1DC80] =	vst v63  }
0x5c: {  	s5 =	simm.s32 $0x80;
	s20 =	rddreg [dreg:$0x18]  }
0x5d: {  	[tilespmem:s5], [sflag:$0x2] =	stream.linear.gather [hbm4b:s20+s3], $0x50, $0x38;
	[tilespmem:$0x1DC80] =	vst v63  }
0x5e: {  	s22 =	simm.s32 $0x280;
	s23 =	simm.s32 $0x1;
	s21 =	rddreg [dreg:$0x10]  }
0x5f: {  	[tilespmem:s22], [sflag:$0x6] =	stream.linear.gather [hbm4b:s21+s3], $0x50, $0x38;
	[tilespmem:$0x1DC80] =	vst v63  }
0x60: {  	_ =	swait.ge [sflag:s23], $0x50  }
0x61: {  	[sflag:s23] =	ssyncset.done $0x0  }
0x62: {  	s26 =	simm.s32 $0x5;
	p2 =	por $0x0, $0x0;
	[sflag:s23] =	ssyncadd.s32 $0xFFFFFFB0  }
0x63: {  	p1 =	por @!p2 $0x1, $0x1;
	_ =	swait.ge [sflag:s26], $0x50  }
0x64: {  	p1 =	por p1, p2;
	[sflag:s26] =	ssyncset.done $0x0  }
0x65: {  	s4 =	simm.s32 @!p1 $0xF;
	[sflag:s26] =	ssyncadd.s32 $0xFFFFFFB0  }
0x66: {  	[tilespmem:s31], [sflag:$0x9] =	stream.indirect.gather [hbm4b:s16+s6], $0x80, s3, s6, $0xb8;
	[tilespmem:$0x1DC80] =	vst v63  }
0x67: {  	s24 =	smov.u32 s10;
	s9 =	simm.s32 @!p2 $0x0;
	_ =	swait.ge @!p1 [sflag:s4], $0x2800  }
0x68: {  	s10 =	sadd.s32 @!p2 $0x0, s15;
	s5 =	rddreg [dreg:$0x4];
	[sflag:s4] =	ssyncset.done @!p1 $0x0  }
0x69: {  	[sflag:s4] =	ssyncadd.s32 @!p1 $0xFFFFD800;
	s4 =	simm.s32 @!p2 $0x100;
	s5 =	sadd.s32 @!p2 $0x0, s5  }
0x6a: {  	[tilespmem:s4], [sflag:$0x3] =	stream.linear.gather @!p2 [hbm4b:s5+s9], $0x50, $0x38;
	[tilespmem:$0x1DC80] =	vst v63  }
0x6b: {  	p3 =	por $0x0, $0x0;
	s5 =	sadd.s32 @!p2 $0x14, s10;
	s4 =	simm.s32 @!p2 $0x300  }
0x6c: {  	[tilespmem:s4], [sflag:$0x7] =	stream.linear.gather @!p2 [hbm4b:s5+s9], $0x50, $0x38;
	[tilespmem:$0x1DC80] =	vst v63  }
0x6d: {  	s5 =	simm.s32 @!p3 $0x2  }
0x6e: {  	_ =	swait.ge @!p3 [sflag:s5], $0x50  }
0x6f: {  	[sflag:s5] =	ssyncset.done @!p3 $0x0  }
0x70: {  	s8 =	simm.s32 @!p3 $0x6;
	[sflag:s5] =	ssyncadd.s32 @!p3 $0xFFFFFFB0  }
0x71: {  	s25 =	smov.u32 s11;
	s30 =	smov.u32 s14;
	_ =	swait.ge @!p3 [sflag:s8], $0x50  }
0x72: {  	s11 =	simm.s32 @!p3 $0x50;
	s14 =	simm.s32 @!p3 $0x80;
	[sflag:s8] =	ssyncset.done @!p3 $0x0  }
0x73: {  	p1 =	por $0x0, $0x0;
	s5 =	simm.s32 @!p3 $0x2C00;
	[sflag:s8] =	ssyncadd.s32 @!p3 $0xFFFFFFB0  }
0x74: {  	[tilespmem:s5], [sflag:$0xA] =	stream.indirect.gather @!p3 [hbm4b:s16+s11], $0x80, s14, s11, $0xb8;
	[tilespmem:$0x1DC80] =	vst v63  }
0x75: {  	p3 =	por @!p1 $0x1, $0x1;
	_ =	swait.ge [sflag:s7], $0x2800  }
0x76: {  	p3 =	por p3, p1;
	[sflag:s7] =	ssyncset.done $0x0  }
0x77: {  	s5 =	simm.s32 @!p3 $0x10;
	[sflag:s7] =	ssyncadd.s32 $0xFFFFD800  }
0x78: {  	[spmem:s2] =	stream.indirect.scatter.add.f32 [tilespmem:s31], [sflag:$0xD], $0x80, s1, s6, $0xb8;
	[tilespmem:$0x1DC80] =	vst v63  }
0x79: {  	_ =	swait.ge @!p3 [sflag:s5], $0x2800  }
0x7a: {  	p4 =	por @!p1 $0x0, $0x0;
	s8 =	simm.s32 @!p1 $0x0;
	[sflag:s5] =	ssyncset.done @!p3 $0x0  }
0x7b: {  	s14 =	sadd.s32 @!p1 $0x0, s15;
	s11 =	rddreg [dreg:$0x5];
	[sflag:s5] =	ssyncadd.s32 @!p3 $0xFFFFD800  }
0x7c: {  	s5 =	simm.s32 @!p1 $0x180;
	s11 =	sadd.s32 @!p1 $0x0, s11;
	p3 =	por p4, p1  }
0x7d: {  	[tilespmem:s5], [sflag:$0x4] =	stream.linear.gather @!p1 [hbm4b:s11+s8], $0x50, $0x38;
	[tilespmem:$0x1DC80] =	vst v63  }
0x7e: {  	s29 =	simm.s32 @!p1 $0x380;
	s5 =	sadd.s32 @!p1 $0x1E, s14;
	s11 =	simm.s32 @!p3 $0x3  }
0x7f: {  	[tilespmem:s29], [sflag:$0x8] =	stream.linear.gather @!p1 [hbm4b:s5+s8], $0x50, $0x38;
	[tilespmem:$0x1DC80] =	vst v63  }
0x80: {  	_ =	swait.ge @!p3 [sflag:s11], $0x50  }
0x81: {  	[sflag:s11] =	ssyncset.done @!p3 $0x0  }
0x82: {  	s5 =	simm.s32 @!p3 $0x7;
	[sflag:s11] =	ssyncadd.s32 @!p3 $0xFFFFFFB0  }
0x83: {  	_ =	swait.ge @!p3 [sflag:s5], $0x50  }
0x84: {  	s18 =	simm.s32 @!p1 $0xA;
	s14 =	simm.s32 @!p3 $0x50;
	[sflag:s5] =	ssyncset.done @!p3 $0x0  }
0x85: {  	s17 =	simm.s32 @!p3 $0x100;
	s11 =	simm.s32 @!p3 $0x5400;
	[sflag:s5] =	ssyncadd.s32 @!p3 $0xFFFFFFB0  }
0x86: {  	[tilespmem:s11], [sflag:$0xB] =	stream.indirect.gather @!p3 [hbm4b:s16+s14], $0x80, s17, s14, $0xb8;
	[tilespmem:$0x1DC80] =	vst v63  }
0x87: {  	_ =	swait.ge @!p1 [sflag:s18], $0x2800  }
0x88: {  	s5 =	simm.s32 @!p1 $0x50;
	s11 =	simm.s32 @!p1 $0x2C00;
	[sflag:s18] =	ssyncset.done @!p1 $0x0  }
0x89: {  	s14 =	simm.s32 @!p2 $0xD;
	s17 =	simm.s32 @!p1 $0x280;
	[sflag:s18] =	ssyncadd.s32 @!p1 $0xFFFFD800  }
0x8a: {  	[spmem:s2] =	stream.indirect.scatter.add.f32 @!p1 [tilespmem:s11], [sflag:$0xE], $0x80, s17, s5, $0xb8;
	[tilespmem:$0x1DC80] =	vst v63  }
0x8b: {  	_ =	swait.ge @!p2 [sflag:s14], $0x2800  }
0x8c: {  	s18 =	rddreg [dreg:$0x1a]  }
0x8d: {  	[sflag:s14] =	ssyncset.done @!p2 $0x0;
	s11 =	sshrl.u32 @!p2 s18, $0x3  }
0x8e: {  	[sflag:s14] =	ssyncadd.s32 @!p2 $0xFFFFD800;
	s11 =	sadd.s32 @!p2 s12, s11  }
0x8f: {  	[tilespmem:s9], [sflag:$0x1] =	stream.linear.gather @!p2 [hbm4b:s11+s9], $0x50, $0x38;
	[tilespmem:$0x1DC80] =	vst v63  }
0x90: {  	s10 =	sadd.s32 @!p2 $0x28, s10;
	s14 =	simm.s32 @!p2 $0x4;
	s11 =	simm.s32 @!p2 $0x200  }
0x91: {  	[tilespmem:s11], [sflag:$0x5] =	stream.linear.gather @!p2 [hbm4b:s10+s9], $0x50, $0x38;
	[tilespmem:$0x1DC80] =	vst v63  }
0x92: {  	_ =	swait.ge @!p2 [sflag:s14], $0x50  }
0x93: {  	[sflag:s14] =	ssyncset.done @!p2 $0x0  }
0x94: {  	s9 =	simm.s32 @!p2 $0x8;
	[sflag:s14] =	ssyncadd.s32 @!p2 $0xFFFFFFB0  }
0x95: {  	_ =	swait.ge @!p2 [sflag:s9], $0x50  }
0x96: {  	s17 =	simm.s32 @!p2 $0x180;
	s10 =	simm.s32 @!p2 $0x7C00;
	[sflag:s9] =	ssyncset.done @!p2 $0x0  }
0x97: {  	s11 =	simm.s32 @!p2 $0xB;
	s14 =	simm.s32 @!p2 $0x50;
	[sflag:s9] =	ssyncadd.s32 @!p2 $0xFFFFFFB0  }
0x98: {  	[tilespmem:s10], [sflag:$0xC] =	stream.indirect.gather @!p2 [hbm4b:s16+s14], $0x80, s17, s14, $0xb8;
	[tilespmem:$0x1DC80] =	vst v63  }
0x99: {  	p3 =	por @!p1 $0x0, $0x0;
	_ =	swait.ge @!p2 [sflag:s11], $0x2800  }
0x9a: {  	p3 =	por p3, p1;
	[sflag:s11] =	ssyncset.done @!p2 $0x0  }
0x9b: {  	s9 =	simm.s32 @!p2 $0x5400;
	s10 =	simm.s32 @!p3 $0xE;
	[sflag:s11] =	ssyncadd.s32 @!p2 $0xFFFFD800  }
0x9c: {  	[spmem:s2] =	stream.indirect.scatter.add.f32 @!p2 [tilespmem:s9], [sflag:$0xF], $0x80, s4, s14, $0xb8;
	[tilespmem:$0x1DC80] =	vst v63  }
0x9d: {  	s11 =	simm.s32 @!p3 $0x80;
	_ =	swait.ge @!p3 [sflag:s10], $0x2800  }
0x9e: {  	s9 =	sadd.s32 @!p3 $0x0, s15;
	s4 =	rddreg [dreg:$0x6];
	[sflag:s10] =	ssyncset.done @!p3 $0x0  }
0x9f: {  	[sflag:s10] =	ssyncadd.s32 @!p3 $0xFFFFD800;
	s10 =	simm.s32 @!p3 $0x0;
	s4 =	sadd.s32 @!p3 $0x0, s4  }
0xa0: {  	[tilespmem:s11], [sflag:$0x2] =	stream.linear.gather @!p3 [hbm4b:s4+s10], $0x50, $0x38;
	[tilespmem:$0x1DC80] =	vst v63  }
0xa1: {  	s4 =	sadd.s32 @!p3 $0x32, s9;
	s9 =	simm.s32 @!p3 $0x280;
	s11 =	simm.s32 @!p1 $0x1  }
0xa2: {  	[tilespmem:s9], [sflag:$0x6] =	stream.linear.gather @!p3 [hbm4b:s4+s10], $0x50, $0x38;
	[tilespmem:$0x1DC80] =	vst v63  }
0xa3: {  	_ =	swait.ge @!p1 [sflag:s11], $0x50  }
0xa4: {  	s28 =	simm.s32 $0x1;
	[sflag:s11] =	ssyncset.done @!p1 $0x0  }
0xa5: {  	s26 =	simm.s32 $0x6;
	s9 =	simm.s32 @!p1 $0x5;
	[sflag:s11] =	ssyncadd.s32 @!p1 $0xFFFFFFB0  }
0xa6: {  	s19 =	simm.s32 @!p1 $0x7C00;
	s17 =	sadd.s32 $0x140, s18;
	_ =	swait.ge @!p1 [sflag:s9], $0x50  }
0xa7: {  	s14 =	simm.s32 $0x28;
	p2 =	por $0x0, $0x0;
	[sflag:s9] =	ssyncset.done @!p1 $0x0  }
0xa8: {  	p4 =	por @!p2 $0x0, $0x0;
	s10 =	simm.s32 @!p1 $0x400;
	[sflag:s9] =	ssyncadd.s32 @!p1 $0xFFFFFFB0  }
0xa9: {  	[tilespmem:s10], [sflag:$0x9] =	stream.indirect.gather @!p1 [hbm4b:s16+s5], $0x80, s8, s5, $0xb8;
	[tilespmem:$0x1DC80] =	vst v63  }
0xaa: {  	s4 =	simm.s32 $0x50;
	s9 =	simm.s32 @!p1 $0xC;
	s8 =	sadd.s32 @!p2 $0x28, s15  }
.LBB2_2:
0xab: {  	_ =	swait.ge @!p1 [sflag:s9], $0x2800  }
0xac: {  	p4 =	por p4, p2;
	[sflag:s9] =	ssyncset.done @!p1 $0x0  }
0xad: {  	s10 =	sshrl.u32 @!p2 s17, $0x3;
	s20 =	simm.s32 @!p4 $0xF;
	[sflag:s9] =	ssyncadd.s32 @!p1 $0xFFFFD800  }
0xae: {  	[spmem:s2] =	stream.indirect.scatter.add.f32 @!p1 [tilespmem:s19], [sflag:$0x10], $0x80, s29, s5, $0xb8;
	[tilespmem:$0x1DC80] =	vst v63  }
0xaf: {  	s11 =	sadd.s32 @!p2 s12, s10;
	s9 =	simm.s32 @!p2 $0x100;
	_ =	swait.ge @!p4 [sflag:s20], $0x2800  }
0xb0: {  	s19 =	simm.s32 @!p2 $0x0;
	[sflag:s20] =	ssyncset.done @!p4 $0x0;
	s5 =	rddreg [dreg:$0x4]  }
0xb1: {  	[sflag:s20] =	ssyncadd.s32 @!p4 $0xFFFFD800;
	s5 =	sadd.s32 @!p2 s14, s5;
	p4 =	seq.s32 s14, $0x4D8  }
0xb2: {  	[tilespmem:s9], [sflag:$0x3] =	stream.linear.gather @!p2 [hbm4b:s5+s19], $0x50, $0x38;
	[tilespmem:$0x1DC80] =	vst v63  }
0xb3: {  	s10 =	sadd.s32 @!p2 $0x14, s8;
	s9 =	simm.s32 @!p2 $0x300;
	s5 =	simm.s32 @!p4 $0x2  }
0xb4: {  	[tilespmem:s9], [sflag:$0x7] =	stream.linear.gather @!p2 [hbm4b:s10+s19], $0x50, $0x38;
	[tilespmem:$0x1DC80] =	vst v63  }
0xb5: {  	_ =	swait.ge @!p4 [sflag:s5], $0x50  }
0xb6: {  	[sflag:s5] =	ssyncset.done @!p4 $0x0  }
0xb7: {  	s10 =	simm.s32 @!p4 $0x6;
	[sflag:s5] =	ssyncadd.s32 @!p4 $0xFFFFFFB0  }
0xb8: {  	_ =	swait.ge @!p4 [sflag:s10], $0x50  }
0xb9: {  	p1 =	sgt.u32 s28, $0x1E;
	s20 =	simm.s32 @!p4 $0x50;
	[sflag:s10] =	ssyncset.done @!p4 $0x0  }
0xba: {  	s29 =	simm.s32 @!p4 $0x80;
	s5 =	simm.s32 @!p4 $0x2C00;
	[sflag:s10] =	ssyncadd.s32 @!p4 $0xFFFFFFB0  }
0xbb: {  	[tilespmem:s5], [sflag:$0xA] =	stream.indirect.gather @!p4 [hbm4b:s16+s20], $0x80, s29, s20, $0xb8;
	[tilespmem:$0x1DC80] =	vst v63  }
0xbc: {  	p5 =	seq.s32 @!p1 s14, $0x0;
	_ =	swait.ge [sflag:s7], $0x2800  }
0xbd: {  	p5 =	por p5, p1;
	[sflag:s7] =	ssyncset.done $0x0  }
0xbe: {  	s21 =	simm.s32 @!p1 $0x180;
	s10 =	simm.s32 @!p5 $0x10;
	[sflag:s7] =	ssyncadd.s32 $0xFFFFD800  }
0xbf: {  	[spmem:s2] =	stream.indirect.scatter.add.f32 [tilespmem:s31], [sflag:$0xD], $0x80, s1, s6, $0xb8;
	[tilespmem:$0x1DC80] =	vst v63  }
0xc0: {  	p4 =	sgt.u32 @!p1 s26, $0x7C;
	s5 =	sadd.s32 @!p1 s14, s15;
	_ =	swait.ge @!p5 [sflag:s10], $0x2800  }
0xc1: {  	p4 =	por p4, p1;
	[sflag:s10] =	ssyncset.done @!p5 $0x0;
	s20 =	rddreg [dreg:$0x5]  }
0xc2: {  	[sflag:s10] =	ssyncadd.s32 @!p5 $0xFFFFD800;
	s10 =	simm.s32 @!p1 $0x0;
	s20 =	sadd.s32 @!p1 s14, s20  }
0xc3: {  	[tilespmem:s21], [sflag:$0x4] =	stream.linear.gather @!p1 [hbm4b:s20+s10], $0x50, $0x38;
	[tilespmem:$0x1DC80] =	vst v63  }
0xc4: {  	s29 =	simm.s32 @!p1 $0x380;
	s5 =	sadd.s32 @!p1 $0x1E, s5;
	s20 =	simm.s32 @!p4 $0x3  }
0xc5: {  	[tilespmem:s29], [sflag:$0x8] =	stream.linear.gather @!p1 [hbm4b:s5+s10], $0x50, $0x38;
	[tilespmem:$0x1DC80] =	vst v63  }
0xc6: {  	_ =	swait.ge @!p4 [sflag:s20], $0x50  }
0xc7: {  	[sflag:s20] =	ssyncset.done @!p4 $0x0  }
0xc8: {  	s5 =	simm.s32 @!p4 $0x7;
	[sflag:s20] =	ssyncadd.s32 @!p4 $0xFFFFFFB0  }
0xc9: {  	_ =	swait.ge @!p4 [sflag:s5], $0x50  }
0xca: {  	s23 =	simm.s32 @!p1 $0xA;
	s22 =	simm.s32 @!p4 $0x100;
	[sflag:s5] =	ssyncset.done @!p4 $0x0  }
0xcb: {  	s21 =	simm.s32 @!p4 $0x50;
	s20 =	simm.s32 @!p4 $0x5400;
	[sflag:s5] =	ssyncadd.s32 @!p4 $0xFFFFFFB0  }
0xcc: {  	[tilespmem:s20], [sflag:$0xB] =	stream.indirect.gather @!p4 [hbm4b:s16+s21], $0x80, s22, s21, $0xb8;
	[tilespmem:$0x1DC80] =	vst v63  }
0xcd: {  	_ =	swait.ge @!p1 [sflag:s23], $0x2800  }
0xce: {  	s5 =	simm.s32 @!p1 $0x50;
	s20 =	simm.s32 @!p1 $0x2C00;
	[sflag:s23] =	ssyncset.done @!p1 $0x0  }
0xcf: {  	s21 =	simm.s32 @!p2 $0xD;
	s22 =	simm.s32 @!p1 $0x280;
	[sflag:s23] =	ssyncadd.s32 @!p1 $0xFFFFD800  }
0xd0: {  	[spmem:s2] =	stream.indirect.scatter.add.f32 @!p1 [tilespmem:s20], [sflag:$0xE], $0x80, s22, s5, $0xb8;
	[tilespmem:$0x1DC80] =	vst v63  }
0xd1: {  	_ =	swait.ge @!p2 [sflag:s21], $0x2800  }
0xd2: {  	[sflag:s21] =	ssyncset.done @!p2 $0x0  }
0xd3: {  	[sflag:s21] =	ssyncadd.s32 @!p2 $0xFFFFD800  }
0xd4: {  	[tilespmem:s19], [sflag:$0x1] =	stream.linear.gather @!p2 [hbm4b:s11+s19], $0x50, $0x38;
	[tilespmem:$0x1DC80] =	vst v63  }
0xd5: {  	s18 =	sadd.s32 @!p2 $0x28, s8;
	s20 =	simm.s32 @!p2 $0x200;
	s11 =	simm.s32 @!p2 $0x4  }
0xd6: {  	[tilespmem:s20], [sflag:$0x5] =	stream.linear.gather @!p2 [hbm4b:s18+s19], $0x50, $0x38;
	[tilespmem:$0x1DC80] =	vst v63  }
0xd7: {  	_ =	swait.ge @!p2 [sflag:s11], $0x50  }
0xd8: {  	[sflag:s11] =	ssyncset.done @!p2 $0x0  }
0xd9: {  	s18 =	simm.s32 @!p2 $0x8;
	[sflag:s11] =	ssyncadd.s32 @!p2 $0xFFFFFFB0  }
0xda: {  	p4 =	seq.s32 @!p1 s14, $0x4B0;
	_ =	swait.ge @!p2 [sflag:s18], $0x50  }
0xdb: {  	s21 =	simm.s32 @!p2 $0x180;
	s19 =	simm.s32 @!p2 $0xB;
	[sflag:s18] =	ssyncset.done @!p2 $0x0  }
0xdc: {  	s20 =	simm.s32 @!p2 $0x50;
	s11 =	simm.s32 @!p2 $0x7C00;
	[sflag:s18] =	ssyncadd.s32 @!p2 $0xFFFFFFB0  }
0xdd: {  	[tilespmem:s11], [sflag:$0xC] =	stream.indirect.gather @!p2 [hbm4b:s16+s20], $0x80, s21, s20, $0xb8;
	[tilespmem:$0x1DC80] =	vst v63  }
0xde: {  	p4 =	por p4, p1;
	_ =	swait.ge @!p2 [sflag:s19], $0x2800  }
0xdf: {  	s8 =	smov.u32 s4;
	s18 =	simm.s32 @!p4 $0xE;
	[sflag:s19] =	ssyncset.done @!p2 $0x0  }
0xe0: {  	s11 =	simm.s32 @!p2 $0x5400;
	[sflag:s19] =	ssyncadd.s32 @!p2 $0xFFFFD800;
	s19 =	sadd.s32 @!p4 s14, s15  }
0xe1: {  	[spmem:s2] =	stream.indirect.scatter.add.f32 @!p2 [tilespmem:s11], [sflag:$0xF], $0x80, s9, s20, $0xb8;
	[tilespmem:$0x1DC80] =	vst v63  }
0xe2: {  	s4 =	sadd.s32 $0x28, s4;
	s9 =	sadd.s32 @!p4 $0x32, s19;
	_ =	swait.ge @!p4 [sflag:s18], $0x2800  }
0xe3: {  	s19 =	simm.s32 @!p4 $0x80;
	[sflag:s18] =	ssyncset.done @!p4 $0x0;
	s11 =	rddreg [dreg:$0x6]  }
0xe4: {  	[sflag:s18] =	ssyncadd.s32 @!p4 $0xFFFFD800;
	s18 =	simm.s32 @!p4 $0x0;
	s11 =	sadd.s32 @!p4 s14, s11  }
0xe5: {  	[tilespmem:s19], [sflag:$0x2] =	stream.linear.gather @!p4 [hbm4b:s11+s18], $0x50, $0x38;
	[tilespmem:$0x1DC80] =	vst v63  }
0xe6: {  	s20 =	simm.s32 @!p4 $0x280;
	s14 =	smov.u32 s8;
	s8 =	simm.s32 @!p1 $0x1  }
0xe7: {  	[tilespmem:s20], [sflag:$0x6] =	stream.linear.gather @!p4 [hbm4b:s9+s18], $0x50, $0x38;
	[tilespmem:$0x1DC80] =	vst v63  }
0xe8: {  	s17 =	sadd.s32 $0x140, s17;
	p3 =	sne.s32 s4, $0x500;
	_ =	swait.ge @!p1 [sflag:s8], $0x50  }
0xe9: {  	s28 =	sadd.s32 $0x1, s28;
	s26 =	sadd.s32 $0x4, s26;
	[sflag:s8] =	ssyncset.done @!p1 $0x0  }
.Ltmp0:
0xea: {  	s11 =	simm.s32 @!p1 $0x5;
	[sflag:s8] =	ssyncadd.s32 @!p1 $0xFFFFFFB0;
	(pc) =	sbr.rel @p3 .LBB2_2-.Ltmp0, $4  }
0xeb: {  	p2 =	sgt.u32 s26, $0x7C;
	s19 =	simm.s32 @!p1 $0x7C00;
	_ =	swait.ge @!p1 [sflag:s11], $0x50  }
0xec: {  	s9 =	simm.s32 @!p1 $0xC;
	s18 =	simm.s32 @!p1 $0x400;
	[sflag:s11] =	ssyncset.done @!p1 $0x0  }
0xed: {  	p4 =	seq.s32 @!p2 s14, $0x0;
	s8 =	sadd.s32 @!p2 s14, s15;
	[sflag:s11] =	ssyncadd.s32 @!p1 $0xFFFFFFB0  }
0xee: {  	[tilespmem:s18], [sflag:$0x9] =	stream.indirect.gather @!p1 [hbm4b:s16+s5], $0x80, s10, s5, $0xb8;
	[tilespmem:$0x1DC80] =	vst v63  }
0xef: {  	_ =	swait.ge @!p1 [sflag:s9], $0x2800  }
0xf0: {  	p3 =	por p4, p2;
	[sflag:s9] =	ssyncset.done @!p1 $0x0  }
0xf1: {  	s4 =	simm.s32 @!p3 $0xF;
	[sflag:s9] =	ssyncadd.s32 @!p1 $0xFFFFD800  }
0xf2: {  	[spmem:s2] =	stream.indirect.scatter.add.f32 @!p1 [tilespmem:s19], [sflag:$0x10], $0x80, s29, s5, $0xb8;
	[tilespmem:$0x1DC80] =	vst v63  }
0xf3: {  	_ =	swait.ge @!p3 [sflag:s4], $0x2800  }
0xf4: {  	s10 =	simm.s32 @!p2 $0x0;
	s5 =	rddreg [dreg:$0x4];
	[sflag:s4] =	ssyncset.done @!p3 $0x0  }
0xf5: {  	[sflag:s4] =	ssyncadd.s32 @!p3 $0xFFFFD800;
	s4 =	simm.s32 @!p2 $0x100;
	s5 =	sadd.s32 @!p2 s14, s5  }
0xf6: {  	[tilespmem:s4], [sflag:$0x3] =	stream.linear.gather @!p2 [hbm4b:s5+s10], $0x50, $0x38;
	[tilespmem:$0x1DC80] =	vst v63  }
0xf7: {  	p3 =	seq.s32 s14, $0x4D8;
	s5 =	sadd.s32 @!p2 $0x14, s8;
	s4 =	simm.s32 @!p2 $0x300  }
0xf8: {  	[tilespmem:s4], [sflag:$0x7] =	stream.linear.gather @!p2 [hbm4b:s5+s10], $0x50, $0x38;
	[tilespmem:$0x1DC80] =	vst v63  }
0xf9: {  	s5 =	simm.s32 @!p3 $0x2  }
0xfa: {  	_ =	swait.ge @!p3 [sflag:s5], $0x50  }
0xfb: {  	[sflag:s5] =	ssyncset.done @!p3 $0x0  }
0xfc: {  	s9 =	simm.s32 @!p3 $0x6;
	[sflag:s5] =	ssyncadd.s32 @!p3 $0xFFFFFFB0  }
0xfd: {  	_ =	swait.ge @!p3 [sflag:s9], $0x50  }
0xfe: {  	p1 =	sgt.u32 s28, $0x1E;
	s11 =	simm.s32 @!p3 $0x50;
	[sflag:s9] =	ssyncset.done @!p3 $0x0  }
0xff: {  	s5 =	simm.s32 @!p3 $0x2C00;
	[sflag:s9] =	ssyncadd.s32 @!p3 $0xFFFFFFB0;
	s9 =	simm.s32 @!p3 $0x80  }
0x100: {  	[tilespmem:s5], [sflag:$0xA] =	stream.indirect.gather @!p3 [hbm4b:s16+s11], $0x80, s9, s11, $0xb8;
	[tilespmem:$0x1DC80] =	vst v63  }
0x101: {  	p3 =	seq.s32 @!p1 s14, $0x0;
	_ =	swait.ge [sflag:s7], $0x2800  }
0x102: {  	p3 =	por p3, p1;
	[sflag:s7] =	ssyncset.done $0x0  }
0x103: {  	s5 =	simm.s32 @!p3 $0x10;
	[sflag:s7] =	ssyncadd.s32 $0xFFFFD800  }
0x104: {  	[spmem:s2] =	stream.indirect.scatter.add.f32 [tilespmem:s31], [sflag:$0xD], $0x80, s1, s6, $0xb8;
	[tilespmem:$0x1DC80] =	vst v63  }
0x105: {  	_ =	swait.ge @!p3 [sflag:s5], $0x2800  }
0x106: {  	p4 =	sgt.u32 @!p1 s26, $0x7C;
	s18 =	sadd.s32 @!p1 s14, s15;
	[sflag:s5] =	ssyncset.done @!p3 $0x0  }
0x107: {  	s9 =	simm.s32 @!p1 $0x0;
	s11 =	rddreg [dreg:$0x5];
	[sflag:s5] =	ssyncadd.s32 @!p3 $0xFFFFD800  }
0x108: {  	s5 =	simm.s32 @!p1 $0x180;
	s11 =	sadd.s32 @!p1 s14, s11;
	p3 =	por p4, p1  }
0x109: {  	[tilespmem:s5], [sflag:$0x4] =	stream.linear.gather @!p1 [hbm4b:s11+s9], $0x50, $0x38;
	[tilespmem:$0x1DC80] =	vst v63  }
0x10a: {  	s5 =	simm.s32 @!p1 $0x380;
	s11 =	sadd.s32 @!p1 $0x1E, s18;
	s18 =	simm.s32 @!p3 $0x3  }
0x10b: {  	[tilespmem:s5], [sflag:$0x8] =	stream.linear.gather @!p1 [hbm4b:s11+s9], $0x50, $0x38;
	[tilespmem:$0x1DC80] =	vst v63  }
0x10c: {  	_ =	swait.ge @!p3 [sflag:s18], $0x50  }
0x10d: {  	[sflag:s18] =	ssyncset.done @!p3 $0x0  }
0x10e: {  	s11 =	simm.s32 @!p3 $0x7;
	[sflag:s18] =	ssyncadd.s32 @!p3 $0xFFFFFFB0  }
0x10f: {  	_ =	swait.ge @!p3 [sflag:s11], $0x50  }
0x110: {  	s19 =	simm.s32 @!p3 $0x50;
	[sflag:s11] =	ssyncset.done @!p3 $0x0  }
0x111: {  	s18 =	simm.s32 @!p3 $0x5400;
	[sflag:s11] =	ssyncadd.s32 @!p3 $0xFFFFFFB0;
	s11 =	simm.s32 @!p3 $0x100  }
0x112: {  	[tilespmem:s18], [sflag:$0xB] =	stream.indirect.gather @!p3 [hbm4b:s16+s19], $0x80, s11, s19, $0xb8;
	[tilespmem:$0x1DC80] =	vst v63  }
0x113: {  	s11 =	simm.s32 @!p1 $0xA  }
0x114: {  	_ =	swait.ge @!p1 [sflag:s11], $0x2800  }
0x115: {  	s18 =	simm.s32 @!p1 $0x2C00;
	[sflag:s11] =	ssyncset.done @!p1 $0x0  }
0x116: {  	s19 =	simm.s32 @!p1 $0x50;
	[sflag:s11] =	ssyncadd.s32 @!p1 $0xFFFFD800;
	s11 =	simm.s32 @!p1 $0x280  }
0x117: {  	[spmem:s2] =	stream.indirect.scatter.add.f32 @!p1 [tilespmem:s18], [sflag:$0xE], $0x80, s11, s19, $0xb8;
	[tilespmem:$0x1DC80] =	vst v63  }
0x118: {  	s11 =	simm.s32 @!p2 $0xD  }
0x119: {  	_ =	swait.ge @!p2 [sflag:s11], $0x2800  }
0x11a: {  	s17 =	sshrl.u32 @!p2 s17, $0x3;
	[sflag:s11] =	ssyncset.done @!p2 $0x0  }
0x11b: {  	[sflag:s11] =	ssyncadd.s32 @!p2 $0xFFFFD800;
	s11 =	sadd.s32 @!p2 s12, s17  }
0x11c: {  	[tilespmem:s10], [sflag:$0x1] =	stream.linear.gather @!p2 [hbm4b:s11+s10], $0x50, $0x38;
	[tilespmem:$0x1DC80] =	vst v63  }
0x11d: {  	s8 =	sadd.s32 @!p2 $0x28, s8;
	s11 =	simm.s32 @!p2 $0x200  }
0x11e: {  	[tilespmem:s11], [sflag:$0x5] =	stream.linear.gather @!p2 [hbm4b:s8+s10], $0x50, $0x38;
	[tilespmem:$0x1DC80] =	vst v63  }
0x11f: {  	s8 =	simm.s32 @!p2 $0x4  }
0x120: {  	_ =	swait.ge @!p2 [sflag:s8], $0x50  }
0x121: {  	[sflag:s8] =	ssyncset.done @!p2 $0x0  }
0x122: {  	s10 =	simm.s32 @!p2 $0x8;
	[sflag:s8] =	ssyncadd.s32 @!p2 $0xFFFFFFB0  }
0x123: {  	_ =	swait.ge @!p2 [sflag:s10], $0x50  }
0x124: {  	s11 =	simm.s32 @!p2 $0x50;
	[sflag:s10] =	ssyncset.done @!p2 $0x0  }
0x125: {  	s8 =	simm.s32 @!p2 $0x7C00;
	[sflag:s10] =	ssyncadd.s32 @!p2 $0xFFFFFFB0;
	s10 =	simm.s32 @!p2 $0x180  }
0x126: {  	[tilespmem:s8], [sflag:$0xC] =	stream.indirect.gather @!p2 [hbm4b:s16+s11], $0x80, s10, s11, $0xb8;
	[tilespmem:$0x1DC80] =	vst v63  }
0x127: {  	s8 =	simm.s32 @!p2 $0xB  }
0x128: {  	_ =	swait.ge @!p2 [sflag:s8], $0x2800  }
0x129: {  	p3 =	seq.s32 @!p1 s14, $0x4B0;
	[sflag:s8] =	ssyncset.done @!p2 $0x0  }
0x12a: {  	p3 =	por p3, p1;
	[sflag:s8] =	ssyncadd.s32 @!p2 $0xFFFFD800;
	s8 =	simm.s32 @!p2 $0x5400  }
0x12b: {  	[spmem:s2] =	stream.indirect.scatter.add.f32 @!p2 [tilespmem:s8], [sflag:$0xF], $0x80, s4, s11, $0xb8;
	[tilespmem:$0x1DC80] =	vst v63  }
0x12c: {  	s4 =	simm.s32 @!p3 $0xE  }
0x12d: {  	_ =	swait.ge @!p3 [sflag:s4], $0x2800  }
0x12e: {  	s10 =	simm.s32 @!p3 $0x80;
	s8 =	rddreg [dreg:$0x6];
	[sflag:s4] =	ssyncset.done @!p3 $0x0  }
0x12f: {  	[sflag:s4] =	ssyncadd.s32 @!p3 $0xFFFFD800;
	s4 =	simm.s32 @!p3 $0x0;
	s8 =	sadd.s32 @!p3 s14, s8  }
0x130: {  	[tilespmem:s10], [sflag:$0x2] =	stream.linear.gather @!p3 [hbm4b:s8+s4], $0x50, $0x38;
	[tilespmem:$0x1DC80] =	vst v63  }
0x131: {  	s8 =	sadd.s32 @!p3 s14, s15  }
0x132: {  	s10 =	simm.s32 @!p3 $0x280;
	s8 =	sadd.s32 @!p3 $0x32, s8  }
0x133: {  	[tilespmem:s10], [sflag:$0x6] =	stream.linear.gather @!p3 [hbm4b:s8+s4], $0x50, $0x38;
	[tilespmem:$0x1DC80] =	vst v63  }
0x134: {  	s4 =	simm.s32 @!p1 $0x1  }
0x135: {  	_ =	swait.ge @!p1 [sflag:s4], $0x50  }
0x136: {  	[sflag:s4] =	ssyncset.done @!p1 $0x0  }
0x137: {  	[sflag:s4] =	ssyncadd.s32 @!p1 $0xFFFFFFB0;
	s4 =	simm.s32 @!p1 $0x5  }
0x138: {  	_ =	swait.ge @!p1 [sflag:s4], $0x50  }
0x139: {  	[sflag:s4] =	ssyncset.done @!p1 $0x0  }
0x13a: {  	[sflag:s4] =	ssyncadd.s32 @!p1 $0xFFFFFFB0;
	s4 =	simm.s32 @!p1 $0x400  }
0x13b: {  	[tilespmem:s4], [sflag:$0x9] =	stream.indirect.gather @!p1 [hbm4b:s16+s19], $0x80, s9, s19, $0xb8;
	[tilespmem:$0x1DC80] =	vst v63  }
0x13c: {  	s4 =	simm.s32 @!p1 $0xC  }
0x13d: {  	_ =	swait.ge @!p1 [sflag:s4], $0x2800  }
0x13e: {  	[sflag:s4] =	ssyncset.done @!p1 $0x0  }
0x13f: {  	s18 =	simm.s32 $0xE;
	[sflag:s4] =	ssyncadd.s32 @!p1 $0xFFFFD800;
	s4 =	simm.s32 @!p1 $0x7C00  }
0x140: {  	[spmem:s2] =	stream.indirect.scatter.add.f32 @!p1 [tilespmem:s4], [sflag:$0x10], $0x80, s5, s19, $0xb8;
	[tilespmem:$0x1DC80] =	vst v63  }
0x141: {  	_ =	swait.ge [sflag:s18], $0x2800  }
0x142: {  	[sflag:s18] =	ssyncset.done $0x0  }
0x143: {  	s19 =	simm.s32 $0xF;
	[sflag:s18] =	ssyncadd.s32 $0xFFFFD800  }
0x144: {  	_ =	swait.ge [sflag:s19], $0x2800  }
0x145: {  	[sflag:s19] =	ssyncset.done $0x0  }
0x146: {  	s20 =	simm.s32 $0x10;
	[sflag:s19] =	ssyncadd.s32 $0xFFFFD800  }
0x147: {  	_ =	swait.ge [sflag:s20], $0x2800  }
0x148: {  	[sflag:s20] =	ssyncset.done $0x0  }
0x149: {  	s21 =	simm.s32 $0xD;
	[sflag:s20] =	ssyncadd.s32 $0xFFFFD800  }
0x14a: {  	_ =	swait.ge [sflag:s21], $0x2800  }
0x14b: {  	[sflag:s21] =	ssyncset.done $0x0  }
0x14c: {  	[sflag:s21] =	ssyncadd.s32 $0xFFFFD800  }
0x14d: {  	[bflag:$0x0] =	sbarrier.arrive $0xFFFF  }
0x14e: {  	[tilespmem:s31], [sflag:$0x11] =	stream.linear.gather [spmem:s24], $0x2800, $0x38;
	[tilespmem:$0x1DC80] =	vst v63  }
0x14f: {  	_ =	swait.ge [sflag:s0], $0x2800  }
0x150: {  	[sflag:s0] =	ssyncset.done $0x0  }
0x151: {  	s22 =	rddreg [dreg:$0x7];
	[sflag:s0] =	ssyncadd.s32 $0xFFFFD800  }
0x152: {  	[hbm4b:s22+s3] =	stream.linear.scatter [tilespmem:s31], [sflag:$0x11], $0x2800, $0x38;
	[tilespmem:$0x1DC80] =	vst v63  }
0x153: {  	_ =	swait.ge [sflag:s0], $0x2800  }
0x154: {  	[sflag:s0] =	ssyncset.done $0x0  }
0x155: {  	[sflag:s0] =	ssyncadd.s32 $0xFFFFD800  }
0x156: {  	[tilespmem:s31], [sflag:$0x11] =	stream.linear.gather [spmem:s25], $0x2800, $0x38;
	[tilespmem:$0x1DC80] =	vst v63  }
0x157: {  	_ =	swait.ge [sflag:s0], $0x2800  }
0x158: {  	[sflag:s0] =	ssyncset.done $0x0  }
0x159: {  	s23 =	rddreg [dreg:$0x8];
	[sflag:s0] =	ssyncadd.s32 $0xFFFFD800  }
0x15a: {  	[hbm4b:s23+s3] =	stream.linear.scatter [tilespmem:s31], [sflag:$0x11], $0x2800, $0x38;
	[tilespmem:$0x1DC80] =	vst v63  }
0x15b: {  	_ =	swait.ge [sflag:s0], $0x2800  }
0x15c: {  	[sflag:s0] =	ssyncset.done $0x0  }
0x15d: {  	[sflag:s0] =	ssyncadd.s32 $0xFFFFD800  }
0x15e: {  	[tilespmem:s31], [sflag:$0x11] =	stream.linear.gather [spmem:s30], $0x2800, $0x38;
	[tilespmem:$0x1DC80] =	vst v63  }
0x15f: {  	_ =	swait.ge [sflag:s0], $0x2800  }
0x160: {  	[sflag:s0] =	ssyncset.done $0x0  }
0x161: {  	s10 =	smov.u32 s24;
	s24 =	rddreg [dreg:$0x9];
	[sflag:s0] =	ssyncadd.s32 $0xFFFFD800  }
0x162: {  	[hbm4b:s24+s3] =	stream.linear.scatter [tilespmem:s31], [sflag:$0x11], $0x2800, $0x38;
	[tilespmem:$0x1DC80] =	vst v63  }
0x163: {  	_ =	swait.ge [sflag:s0], $0x2800  }
0x164: {  	[sflag:s0] =	ssyncset.done $0x0  }
0x165: {  	s18 =	rddreg [dreg:$0x12];
	[sflag:s0] =	ssyncadd.s32 $0xFFFFD800  }
0x166: {  	[tilespmem:s31], [sflag:$0x11] =	stream.linear.gather [spmem:s18], $0x2800, $0x38;
	[tilespmem:$0x1DC80] =	vst v63  }
0x167: {  	_ =	swait.ge [sflag:s0], $0x2800  }
0x168: {  	[sflag:s0] =	ssyncset.done $0x0  }
0x169: {  	s11 =	smov.u32 s25;
	s25 =	rddreg [dreg:$0xa];
	[sflag:s0] =	ssyncadd.s32 $0xFFFFD800  }
0x16a: {  	[hbm4b:s25+s3] =	stream.linear.scatter [tilespmem:s31], [sflag:$0x11], $0x2800, $0x38;
	[tilespmem:$0x1DC80] =	vst v63  }
0x16b: {  	_ =	swait.ge [sflag:s0], $0x2800  }
0x16c: {  	[sflag:s0] =	ssyncset.done $0x0  }
0x16d: {  	s19 =	rddreg [dreg:$0x13];
	[sflag:s0] =	ssyncadd.s32 $0xFFFFD800  }
0x16e: {  	[tilespmem:s31], [sflag:$0x11] =	stream.linear.gather [spmem:s19], $0x2800, $0x38;
	[tilespmem:$0x1DC80] =	vst v63  }
0x16f: {  	_ =	swait.ge [sflag:s0], $0x2800  }
0x170: {  	[sflag:s0] =	ssyncset.done $0x0  }
0x171: {  	s26 =	rddreg [dreg:$0xb];
	[sflag:s0] =	ssyncadd.s32 $0xFFFFD800  }
0x172: {  	[hbm4b:s26+s3] =	stream.linear.scatter [tilespmem:s31], [sflag:$0x11], $0x2800, $0x38;
	[tilespmem:$0x1DC80] =	vst v63  }
0x173: {  	_ =	swait.ge [sflag:s0], $0x2800  }
0x174: {  	[sflag:s0] =	ssyncset.done $0x0  }
0x175: {  	s20 =	rddreg [dreg:$0x14];
	[sflag:s0] =	ssyncadd.s32 $0xFFFFD800  }
0x176: {  	[tilespmem:s31], [sflag:$0x11] =	stream.linear.gather [spmem:s20], $0x2800, $0x38;
	[tilespmem:$0x1DC80] =	vst v63  }
0x177: {  	_ =	swait.ge [sflag:s0], $0x2800  }
0x178: {  	[sflag:s0] =	ssyncset.done $0x0  }
0x179: {  	s28 =	rddreg [dreg:$0xc];
	[sflag:s0] =	ssyncadd.s32 $0xFFFFD800  }
0x17a: {  	[hbm4b:s28+s3] =	stream.linear.scatter [tilespmem:s31], [sflag:$0x11], $0x2800, $0x38;
	[tilespmem:$0x1DC80] =	vst v63  }
0x17b: {  	_ =	swait.ge [sflag:s0], $0x2800  }
0x17c: {  	[sflag:s0] =	ssyncset.done $0x0  }
0x17d: {  	s22 =	rddreg [dreg:$0x15];
	[sflag:s0] =	ssyncadd.s32 $0xFFFFD800  }
0x17e: {  	[tilespmem:s31], [sflag:$0x11] =	stream.linear.gather [spmem:s22], $0x2800, $0x38;
	[tilespmem:$0x1DC80] =	vst v63  }
0x17f: {  	_ =	swait.ge [sflag:s0], $0x2800  }
0x180: {  	[sflag:s0] =	ssyncset.done $0x0  }
0x181: {  	s29 =	rddreg [dreg:$0xd];
	[sflag:s0] =	ssyncadd.s32 $0xFFFFD800  }
0x182: {  	[hbm4b:s29+s3] =	stream.linear.scatter [tilespmem:s31], [sflag:$0x11], $0x2800, $0x38;
	[tilespmem:$0x1DC80] =	vst v63  }
0x183: {  	_ =	swait.ge [sflag:s0], $0x2800  }
0x184: {  	s4 =	simm.s32 @!p0 $0x400;
	[sflag:s0] =	ssyncset.done $0x0  }
0x185: {  	s5 =	simm.s32 @!p0 $0x11;
	s23 =	rddreg [dreg:$0x16];
	[sflag:s0] =	ssyncadd.s32 $0xFFFFD800  }
0x186: {  	[tilespmem:s4], [sflag:$0x11] =	stream.linear.gather @!p0 [spmem:s23], $0x2800, $0x38;
	[tilespmem:$0x1DC80] =	vst v63  }
0x187: {  	_ =	swait.ge @!p0 [sflag:s5], $0x2800  }
0x188: {  	[sflag:s5] =	ssyncset.done @!p0 $0x0  }
0x189: {  	s8 =	simm.s32 @!p0 $0x0;
	s9 =	rddreg [dreg:$0xe];
	[sflag:s5] =	ssyncadd.s32 @!p0 $0xFFFFD800  }
0x18a: {  	[hbm4b:s9+s8] =	stream.linear.scatter @!p0 [tilespmem:s4], [sflag:$0x11], $0x2800, $0x38;
	[tilespmem:$0x1DC80] =	vst v63  }
0x18b: {  	_ =	swait.ge @!p0 [sflag:s5], $0x2800  }
0x18c: {  	s13 =	sadd.s32 $0x1, s13;
	s14 =	smov.u32 s30;
	s30 =	rddreg [dreg:$0x19]  }
0x18d: {  	p1 =	sne.s32 s13, s30  }
.Ltmp1:
0x18e: {  	_ = 	snop;
	(pc) =	sbr.rel @p1 .LBB2_1-.Ltmp1, $3  }
0x18f: {  	_ =	sdelay $0x1  }
0x190: {  	[sflag:s5] =	ssyncset.done @!p0 $0x0  }
0x191: {  	[sflag:s5] =	ssyncadd.s32 @!p0 $0xFFFFD800  }
0x192: {  	_ =	sfence.sel $0x180000  }
0x193: {  	[bflag:$0x0] =	sbarrier.arrive $0xFFFF  }
0x194: {  	_ =	strace $0x90000047  }
0x195: {  	s0 =	stileid.u32;
	[bflag:$0x2] =	sbarrier.arrive $0xFFFF  }
0x196: {  	p0 =	sne.s32 s0, $0x0;
	s0 =	rddreg [dreg:$0x3]  }
0x197: {  	s0 =	sadd.s32 @!p0 $0x100000, s0  }
0x198: {  	[sflag:s0] =	ssyncadd.tile.s32 @!p0 $0x1;
	_ =	shalt  }
.Lfunc_end2:
_tile_overlayer_lowered:
.L_overlay_start_2:
0x199: {  	(tag) =	ssettag $0x2  }
0x19a: {  	s0 =	rddreg [dreg:$0x0];
	s2 =	stileid.u32  }
0x19b: {  	s1 =	rddreg [dreg:$0x1];
	p0 =	sne.s32 s2, $0x0  }
0x19c: {  	s3 =	rddreg [dreg:$0x2];
	[bflag:$0x3] =	sbarrier.arrive $0xFFFF;
	s2 =	simm.s32 @!p0 $0x1C11  }
0x19d: {  	[timem:s3], [sflag:s2] =	dma.local @!p0 [hbm:s0], s1  }
0x19e: {  	s0 =	simm.s32 @!p0 $0x11  }
0x19f: {  	_ =	swait.ge @!p0 [sflag:s0], s1  }
0x1a0: {  	s1 =	ssub.s32 @!p0 $0x0, s1;
	[sflag:s0] =	ssyncset.done @!p0 $0x0  }
0x1a1: {  	[sflag:s0] =	ssyncadd.s32 @!p0 s1  }
0x1a2: {  	[bflag:$0x3] =	sbarrier.arrive $0xFFFF  }
0x1a3: {  	_ =	shalt  }

// kernel: kernel.15.cloned.1.call-start
scs
__scs_entry_jumppad:
0x0: {  	(pc) =	sbr.rel $0x88, $3  }
0x1: {  	(tag) =	ssettag $0x0;
	lr =	simm.s32 $0x1  }
0x2: {  	[smem:$0x3F99] =	sst lr;
	_ =	strace $0xD0000000  }
0x3: {  	_ = 	snop  }
0x4: {  	_ = 	snop  }
0x5: {  	_ = 	snop  }
0x6: {  	_ = 	snop  }
0x7: {  	_ = 	snop  }
__scs_overlays_trampoline_lowered:
0x8: {  	[smem:$0x3FA8] =	sst s0  }
0x9: {  	[smem:$0x3FA9] =	sst s1  }
0xa: {  	[smem:$0x3FAA] =	sst s2  }
0xb: {  	[smem:$0x3FAB] =	sst s3  }
0xc: {  	[smem:$0x3FAC] =	sst s4  }
0xd: {  	[smem:$0x3FAD] =	sst s5  }
0xe: {  	[smem:$0x3FAE] =	sst s6  }
0xf: {  	[smem:$0x3FAF] =	sst s7  }
0x10: {  	[smem:$0x3FB0] =	sst s8  }
0x11: {  	[smem:$0x3FB1] =	sst s9;
	s0 =	simm.s32 @!p0 $0x0  }
0x12: {  	s1 =	sld [smem:$0x3F97];
	s0 =	simm.s32 @p0 $0x1  }
0x13: {  	[smem:$0x3FB2] =	sst s0;
	s0 =	simm.s32 @!p1 $0x0  }
0x14: {  	s2 =	sld [smem:$0x3F96];
	s0 =	simm.s32 @p1 $0x1  }
0x15: {  	[smem:$0x3FB3] =	sst s0;
	s0 =	simm.s32 @!p2 $0x0  }
0x16: {  	s3 =	sld [smem:$0x3FDB];
	s0 =	simm.s32 @p2 $0x1  }
0x17: {  	s4 =	simm.s32 $0x1BF5;
	[smem:$0x3FB5] =	sst s0  }
0x18: {  	s0 =	sld [smem:$0x3F98];
	_ =	swait.ge [sflag:s4], $0x0  }
0x19: {  	s7 =	sld [smem:$0x3F99]  }
0x1a: {  	s8 =	sadd.s32 $0xFFFFE003, lr  }
0x1b: {  	s9 =	sadd.s32 $0xFFFFFEF7, lr;
	s5 =	simm.s32 $0xFFFFFFFF;
	p2 =	slt.u32 s8, $0xFFFFF086  }
0x1c: {  	p1 =	slt.u32 s9, $0xF7A;
	s5 =	simm.s32 @!p2 $0x0  }
0x1d: {  	s5 =	simm.s32 @p1 $0x1;
	p0 =	seq.s32 s7, s2  }
0x1e: {  	s7 =	smul.u32 @!p0 $0xF7A, s2;
	p2 =	seq.s32 @!p0 s5, $0x0  }
0x1f: {  	s9 =	smul.u32 $0xF7A, s1;
	s8 =	simm.s32 @!p0 $0x1BF5;
	p2 =	por !p2, p0  }
0x20: {  	[sflag:s8] =	ssyncset.s32 @!p0 $0xFFFFF086;
	s6 =	sadd.s32 @!p0 s3, s7;
	s7 =	simm.s32 @!p0 $0x108  }
0x21: {  	s3 =	sadd.s32 s3, s9;
	s6 =	sadd.s32 @!p0 $0x88, s6;
	s7 =	simm.s32 @p2 $0x1082  }
0x22: {  	[simem:s7], [sflag:s8] =	dma.local @!p0 [hbm:s6], $0xF7A  }
0x23: {  	s9 =	sor.u32 $0xD0000000, s2;
	s6 =	simm.s32 $0x108;
	_ =	swait.ge @!p0 [sflag:s8], $0x0  }
0x24: {  	s3 =	sadd.s32 $0x88, s3;
	s6 =	simm.s32 @!p1 $0x1082;
	[sflag:s4] =	ssyncset.s32 $0xFFFFF086  }
0x25: {  	[simem:s6], [sflag:s4] =	dma.local [hbm:s3], $0xF7A  }
0x26: {  	[smem:$0x3F99] =	sst s1;
	(tag) =	ssettag s2;
	_ =	strace s9  }
0x27: {  	s1 =	sld [smem:$0x3FA9]  }
0x28: {  	s2 =	sld [smem:$0x3FAA]  }
0x29: {  	s4 =	sld [smem:$0x3FAC]  }
0x2a: {  	p0 =	seq.s32 s5, $0x0;
	s5 =	sld [smem:$0x3FAD]  }
0x2b: {  	s6 =	sld [smem:$0x3FAE]  }
0x2c: {  	s7 =	sld [smem:$0x3FAF]  }
0x2d: {  	s3 =	simm.s32 $0x108;
	s8 =	sld [smem:$0x3FB0]  }
0x2e: {  	s3 =	simm.s32 @!p0 $0x1082;
	s9 =	sld [smem:$0x3FB1]  }
0x2f: {  	lr =	sadd.s32 s0, s3;
	s0 =	sld [smem:$0x3FA8]  }
0x30: {  	s3 =	sld [smem:$0x3FAB]  }
0x31: {  	[smem:$0x3FB4] =	sst s10  }
0x32: {  	s10 =	sld [smem:$0x3FB2];
	_ =	sdelay $0x3  }
0x33: {  	p0 =	seq.s32 s10, $0x1;
	s10 =	sld [smem:$0x3FB4];
	_ =	sdelay $0x3  }
0x34: {  	[smem:$0x3FB4] =	sst s10  }
0x35: {  	s10 =	sld [smem:$0x3FB3];
	_ =	sdelay $0x3  }
0x36: {  	p1 =	seq.s32 s10, $0x1;
	s10 =	sld [smem:$0x3FB4];
	_ =	sdelay $0x3  }
0x37: {  	[smem:$0x3FB4] =	sst s10  }
0x38: {  	s10 =	sld [smem:$0x3FB5]  }
0x39: {  	_ = 	snop;
	(pc) =	sbr.ind lr, $3  }
0x3a: {  	_ = 	snop  }
0x3b: {  	_ = 	snop  }
0x3c: {  	p2 =	seq.s32 s10, $0x1;
	s10 =	sld [smem:$0x3FB4]  }
0x3d: {  	_ =	shalt  }
0x3e: {  	_ =	shalt  }
0x3f: {  	_ =	shalt  }
0x40: {  	_ =	shalt  }
0x41: {  	_ =	shalt  }
0x42: {  	_ =	shalt  }
0x43: {  	_ =	shalt  }
0x44: {  	_ =	shalt  }
0x45: {  	_ =	shalt  }
0x46: {  	_ =	shalt  }
0x47: {  	_ =	shalt  }
0x48: {  	_ =	shalt  }
0x49: {  	_ =	shalt  }
0x4a: {  	_ =	shalt  }
0x4b: {  	_ =	shalt  }
0x4c: {  	_ =	shalt  }
0x4d: {  	_ =	shalt  }
0x4e: {  	_ =	shalt  }
0x4f: {  	_ =	shalt  }
0x50: {  	_ =	shalt  }
0x51: {  	_ =	shalt  }
0x52: {  	_ =	shalt  }
0x53: {  	_ =	shalt  }
0x54: {  	_ =	shalt  }
0x55: {  	_ =	shalt  }
0x56: {  	_ =	shalt  }
0x57: {  	_ =	shalt  }
0x58: {  	_ =	shalt  }
0x59: {  	_ =	shalt  }
0x5a: {  	_ =	shalt  }
0x5b: {  	_ =	shalt  }
0x5c: {  	_ =	shalt  }
0x5d: {  	_ =	shalt  }
0x5e: {  	_ =	shalt  }
0x5f: {  	_ =	shalt  }
0x60: {  	_ =	shalt  }
0x61: {  	_ =	shalt  }
0x62: {  	_ =	shalt  }
0x63: {  	_ =	shalt  }
0x64: {  	_ =	shalt  }
0x65: {  	_ =	shalt  }
0x66: {  	_ =	shalt  }
0x67: {  	_ =	shalt  }
0x68: {  	_ =	shalt  }
0x69: {  	_ =	shalt  }
0x6a: {  	_ =	shalt  }
0x6b: {  	_ =	shalt  }
0x6c: {  	_ =	shalt  }
0x6d: {  	_ =	shalt  }
0x6e: {  	_ =	shalt  }
0x6f: {  	_ =	shalt  }
0x70: {  	_ =	shalt  }
0x71: {  	_ =	shalt  }
0x72: {  	_ =	shalt  }
0x73: {  	_ =	shalt  }
0x74: {  	_ =	shalt  }
0x75: {  	_ =	shalt  }
0x76: {  	_ =	shalt  }
0x77: {  	_ =	shalt  }
0x78: {  	_ =	shalt  }
0x79: {  	_ =	shalt  }
0x7a: {  	_ =	shalt  }
0x7b: {  	_ =	shalt  }
0x7c: {  	_ =	shalt  }
0x7d: {  	_ =	shalt  }
0x7e: {  	_ =	shalt  }
0x7f: {  	_ =	shalt  }
0x80: {  	_ =	shalt  }
0x81: {  	_ =	shalt  }
0x82: {  	_ =	shalt  }
0x83: {  	_ =	shalt  }
0x84: {  	_ =	shalt  }
0x85: {  	_ =	shalt  }
0x86: {  	_ =	shalt  }
0x87: {  	_ =	shalt  }
.Lfunc_end0:
.L_simem_size_0:
called_computation.2_lowered:
.L_overlay_start_0:
0x88: {  	s2 =	sld [smem:$0x3FD9]  }
0x89: {  	s3 =	sld [smem:$0x3FFE];
	_ =	sdelay $0x1  }
0x8a: {  	s1 =	srdreg.scid  }
0x8b: {  	s0 =	sand.u32 $0x1, s1  }
0x8c: {  	s17 =	sshll.u32 s0, $0xA;
	s2 =	sadd.s32 s3, s2  }
0x8d: {  	s2 =	sadd.s32 s2, s17  }
0x8e: {  	[smem:$0x3FC0] =	sst s2  }
0x8f: {  	_ = 	snop  }
0x90: {  	s2 =	sld [smem:$0x3FD0];
	(tm) =	ssettm $0x1  }
0x91: {  	s18 =	sld [smem:$0x3FFB];
	_ =	sdelay $0x3  }
0x92: {  	_ =	strace s18  }
0x93: {  	s3 =	sld [smem:$0x3FFC];
	_ =	sdelay $0x3  }
0x94: {  	_ =	strace s3  }
0x95: {  	s3 =	sld [smem:$0x3FFD];
	_ =	sdelay $0x3  }
0x96: {  	_ =	strace s3  }
0x97: {  	_ =	strace $0x8FFFFFFF  }
0x98: {  	s19 =	sld [smem:$0x3FDB];
	_ =	sdelay $0x1  }
0x99: {  	s4 =	simm.s32 $_scs_section_size  }
0x9a: {  	s5 =	simm.s32 $_size__tile_overlayer_lowered;
	s6 =	simm.s32 $_tile_overlayer_lowered  }
0x9b: {  	s22 =	simm.s32 $0x1BFF;
	s21 =	sshll.u32 s6, $0x1;
	s3 =	sadd.s32 s4, s19  }
0x9c: {  	s7 =	simm.s32 $0x0;
	s20 =	sshll.u32 s5, $0x1;
	s5 =	sadd.s32 s21, s3  }
0x9d: {  	[timem:s7], [sflag:s22] =	dma.local [hbm:s5], s20  }
0x9e: {  	_ =	swait.ge [sflag:s22], s20  }
0x9f: {  	s4 =	ssub.s32 $0x0, s20;
	[sflag:s22] =	ssyncset.done $0x0  }
0xa0: {  	[sflag:s22] =	ssyncadd.s32 s4;
	_ =	sdelay $0x1  }
0xa1: {  	s23 =	simm.s32 $0x1B8B  }
0xa2: {  	_ =	swait.ge [sflag:s23], $0x1  }
0xa3: {  	[sflag:s23] =	ssyncset.done $0x0  }
0xa4: {  	s25 =	simm.s32 $0x1B8E;
	s24 =	sld [smem:$0x3FFE];
	[sflag:s23] =	ssyncadd.s32 $0xFFFFFFFF  }
0xa5: {  	s26 =	simm.s32 $execute0_lowered;
	[smem:$0x3FD2] =	sst s25  }
0xa6: {  	s5 =	sshll.u32 s26, $0x1;
	_ =	strace $0x8000004C;
	[dreg:$0x1] =	wrdreg $0xFFFFFFFF  }
0xa7: {  	s28 =	simm.s32 $_size_execute0_lowered;
	s3 =	sadd.s32 s3, s5;
	[dreg:$0x0] =	wrdreg $0x0  }
0xa8: {  	s5 =	sshll.u32 s28, $0x1;
	[dreg:$0x2] =	wrdreg s3  }
0xa9: {  	[dreg:$0x3] =	wrdreg s5  }
0xaa: {  	[dreg:$0x4] =	wrdreg $0xC0  }
0xab: {  	_ =	task [dreg:s7], $0x5FFFF  }
0xac: {  	[dreg:$0x1] =	wrdreg $0xFFFFFFFF  }
0xad: {  	[dreg:$0x0] =	wrdreg $0x60  }
0xae: {  	[dreg:$0x2] =	wrdreg s24  }
0xaf: {  	[dreg:$0x3] =	wrdreg s2  }
0xb0: {  	[dreg:$0x4] =	wrdreg $0xA4000  }
0xb1: {  	[dreg:$0x5] =	wrdreg $0x9  }
0xb2: {  	_ =	task.clear_ibuf [dreg:s7], $0x6FFFF;
	_ =	strace $0x9000004C  }
0xb3: {  	s29 =	simm.s32 $0x9;
	_ =	strace $0x8000004E  }
0xb4: {  	_ =	swait.ge [sflag:s29], $0x1  }
0xb5: {  	[sflag:s29] =	ssyncadd.s32 $0xFFFFFFFF  }
0xb6: {  	_ =	strace $0x9000004E  }
0xb7: {  	_ =	sfence  }
0xb8: {  	s30 =	sld [smem:$0x0];
	_ =	sdelay $0x2  }
0xb9: {  	s31 =	sshll.u32 s1, $0xD;
	s1 =	sshrl.u32 s1, $0x2  }
0xba: {  	s3 =	sand.u32 $0x4000, s31;
	s1 =	sadd.s32 s1, s30  }
0xbb: {  	s0 =	sor.u32 s3, s0;
	s1 =	sshll.u32 s1, $0x11  }
0xbc: {  	s0 =	sor.u32 s1, s0  }
0xbd: {  	s0 =	sadd.s32 $0x8F2B, s0  }
0xbe: {  	[sflag:s0] =	ssyncadd.remote.s32 $0x1  }
0xbf: {  	_ =	sfence.sel $0xFFFF  }
0xc0: {  	[dreg:$0x0] =	wrdreg $0xFFFFFFFF;
	(pc) =	sbr.abs _section_cstart, $3  }
0xc1: {  	[dreg:$0x1] =	wrdreg $0xFFFFFFFF  }
0xc2: {  	_ =	task.clear_ibuf [dreg:s7], $0x2FFFF;
	_ =	strace $0x9FFFFFFF  }
0xc3: {  	(tm) =	ssettm $0x7FFFFFFF  }
tec
execute0_lowered:
.L_overlay_start_1:
0x0: {  	(tag) =	ssettag $0x1  }
0x1: {  	s21 =	stileid.u32  }
0x2: {  	s0 =	srdreg.scid;
	s13 =	smul.u32 $0x2710, s21  }
0x3: {  	s1 =	sand.u32 $0x1, s0;
	s6 =	smul.u32 $0x50, s21  }
0x4: {  	s12 =	smul.u32 $0x2710, s1  }
0x5: {  	s14 =	sor.u32 $0x10, s21;
	s15 =	smul.u32 $0x27100, s1  }
0x6: {  	s10 =	sor.u32 $0x20, s21;
	s16 =	smul.u32 $0x50, s14  }
0x7: {  	s4 =	rddreg [dreg:$0x0];
	s9 =	sor.u32 $0x30, s21;
	s18 =	smul.u32 $0x50, s10  }
0x8: {  	s11 =	rddreg [dreg:$0x1];
	s8 =	sor.u32 $0x40, s21;
	s24 =	smul.u32 $0x50, s9  }
0x9: {  	s2 =	rddreg [dreg:$0x2];
	s7 =	sor.u32 $0x70, s21;
	s19 =	smul.u32 $0x50, s8  }
0xa: {  	s3 =	simm.s32 $0x0;
	s31 =	simm.s32 $0x400;
	s20 =	smul.u32 $0x50, s7  }
0xb: {  	[smem:$0x7FF] =	sst s3;
	s0 =	ssub.s32 $0x2, s1;
	s9 =	smul.u32 $0xA000, s9  }
0xc: {  	p0 =	sgt.u32 s21, $0xC;
	s8 =	smul.u32 $0xA000, s8;
	s5 =	sshrl.u32 s0, $0x1  }
0xd: {  	s7 =	smul.u32 $0xA000, s7;
	s0 =	ssub.s32 s0, s5;
	s5 =	sor.u32 $0x50, s21  }
0xe: {  	s22 =	sadd.s32 s6, s12;
	s6 =	sor.u32 $0x60, s21;
	s1 =	sadd.s32 s13, s15  }
0xf: {  	s16 =	sadd.s32 s12, s16;
	s23 =	sadd.s32 s12, s18;
	s28 =	sadd.s32 s12, s24  }
0x10: {  	s29 =	sadd.s32 s12, s19;
	s24 =	smul.u32 $0xA000, s14;
	s9 =	sshrl.u32 s9, $0x2  }
0x11: {  	s17 =	sshll.u32 s22, $0x4;
	s16 =	sshll.u32 s16, $0x4;
	s26 =	smul.u32 $0x50, s5  }
0x12: {  	s30 =	smul.u32 $0x50, s6;
	s18 =	sshll.u32 s29, $0x4;
	s22 =	sadd.s32 $0x190, s1  }
0x13: {  	s29 =	sadd.s32 $0x2400, s4;
	s5 =	smul.u32 $0xA000, s5;
	s17 =	sadd.s32 s11, s17  }
0x14: {  	s0 =	smax.u32 s0, $0x1;
	s16 =	sadd.s32 s11, s16;
	[dreg:$0x7] =	wrdreg s17  }
0x15: {  	s18 =	sadd.s32 s11, s18;
	s17 =	sshll.u32 s23, $0x4;
	[dreg:$0x8] =	wrdreg s16  }
0x16: {  	[dreg:$0xb] =	wrdreg s18;
	s16 =	sadd.s32 s12, s26;
	s19 =	sadd.s32 s12, s30  }
0x17: {  	s12 =	sadd.s32 s12, s20;
	s23 =	sadd.s32 $0xF0, s1;
	s26 =	sshrl.u32 s13, $0x3  }
0x18: {  	s13 =	sadd.s32 $0x50, s13;
	s30 =	smul.u32 $0x4E2, s21;
	s18 =	sadd.s32 s9, s2  }
0x19: {  	s5 =	sshrl.u32 s5, $0x2;
	s25 =	sadd.s32 s11, s17;
	s17 =	sshll.u32 s28, $0x4  }
0x1a: {  	s16 =	sshll.u32 s16, $0x4;
	s20 =	sshll.u32 s19, $0x4;
	s12 =	sshll.u32 s12, $0x4  }
0x1b: {  	s28 =	sadd.s32 $0xA0, s1;
	[dreg:$0x9] =	wrdreg s25;
	s17 =	sadd.s32 s11, s17  }
0x1c: {  	s14 =	sadd.s32 s29, s26;
	s16 =	sadd.s32 s11, s16;
	[dreg:$0xa] =	wrdreg s17  }
0x1d: {  	s19 =	smul.u32 $0xA000, s21;
	s26 =	sshrl.u32 s1, $0x3;
	[dreg:$0xc] =	wrdreg s16  }
0x1e: {  	s16 =	sadd.s32 s11, s20;
	s11 =	sadd.s32 s11, s12;
	s12 =	sadd.s32 $0x7400, s4  }
0x1f: {  	s17 =	sadd.s32 s15, s13;
	s13 =	sshrl.u32 s13, $0x3;
	[dreg:$0xd] =	wrdreg s16  }
0x20: {  	s15 =	sshrl.u32 s28, $0x3;
	s20 =	smul.u32 $0xA000, s10;
	[dreg:$0xe] =	wrdreg s11  }
0x21: {  	s13 =	sadd.s32 s29, s13;
	_ =	strace $0x8000004D;
	[dreg:$0xf] =	wrdreg s14  }
0x22: {  	s11 =	sshrl.u32 s22, $0x3;
	s28 =	sadd.s32 s12, s26;
	[dreg:$0x10] =	wrdreg s13  }
0x23: {  	s16 =	sshrl.u32 s23, $0x3;
	s22 =	sshrl.u32 s19, $0x2;
	[dreg:$0x17] =	wrdreg s28  }
0x24: {  	s23 =	smul.u32 $0xA000, s6;
	s6 =	simm.s32 $0x50;
	[dreg:$0x19] =	wrdreg s0  }
0x25: {  	s11 =	sadd.s32 s11, s12;
	s25 =	sadd.s32 s16, s12;
	[dreg:$0x12] =	wrdreg s18  }
0x26: {  	s14 =	sadd.s32 s15, s12;
	s15 =	sadd.s32 s30, s29;
	[dreg:$0x6] =	wrdreg s11  }
0x27: {  	s16 =	sadd.s32 $0x11200, s4;
	s4 =	sadd.s32 $0x5F600, s4;
	[dreg:$0x5] =	wrdreg s25  }
0x28: {  	s10 =	sadd.s32 s22, s2;
	s29 =	sshrl.u32 s17, $0x3;
	[dreg:$0x4] =	wrdreg s14  }
0x29: {  	s30 =	sadd.s32 $0x140, s1;
	s0 =	simm.s32 $0x11;
	[dreg:$0x11] =	wrdreg s4  }
0x2a: {  	s11 =	sshrl.u32 s24, $0x2;
	s4 =	sshrl.u32 s20, $0x2;
	s24 =	sshrl.u32 s8, $0x2  }
0x2b: {  	s20 =	sadd.s32 s5, s2;
	s25 =	sshrl.u32 s7, $0x2;
	[dreg:$0x1a] =	wrdreg s30  }
0x2c: {  	s14 =	sadd.s32 s4, s2;
	s19 =	sadd.s32 s24, s2;
	[dreg:$0x14] =	wrdreg s20  }
0x2d: {  	s4 =	sshrl.u32 s23, $0x2;
	s23 =	sadd.s32 s25, s2;
	[dreg:$0x13] =	wrdreg s19  }
0x2e: {  	s22 =	sadd.s32 s4, s2;
	s4 =	sadd.s32 s12, s29;
	[dreg:$0x16] =	wrdreg s23  }
0x2f: {  	s1 =	simm.s32 $0x200;
	s13 =	simm.s32 $0x0;
	[dreg:$0x18] =	wrdreg s4  }
0x30: {  	s7 =	simm.s32 $0x9;
	s11 =	sadd.s32 s11, s2;
	[dreg:$0x15] =	wrdreg s22  }
.LBB2_1:
0x31: {  	s4 =	rddreg [dreg:$0x11]  }
0x32: {  	[tilespmem:s31], [sflag:$0x11] =	stream.linear.gather [hbm4b:s4+s3], $0x2800, $0x38;
	[tilespmem:$0x1DC80] =	vst v63  }
0x33: {  	_ =	swait.ge [sflag:s0], $0x2800  }
0x34: {  	[sflag:s0] =	ssyncset.done $0x0  }
0x35: {  	[sflag:s0] =	ssyncadd.s32 $0xFFFFD800  }
0x36: {  	[spmem:s10] =	stream.linear.scatter [tilespmem:s31], [sflag:$0x11], $0x2800, $0x38;
	[tilespmem:$0x1DC80] =	vst v63  }
0x37: {  	_ =	swait.ge [sflag:s0], $0x2800  }
0x38: {  	[sflag:s0] =	ssyncset.done $0x0  }
0x39: {  	[sflag:s0] =	ssyncadd.s32 $0xFFFFD800  }
0x3a: {  	[spmem:s11] =	stream.linear.scatter [tilespmem:s31], [sflag:$0x11], $0x2800, $0x38;
	[tilespmem:$0x1DC80] =	vst v63  }
0x3b: {  	_ =	swait.ge [sflag:s0], $0x2800  }
0x3c: {  	[sflag:s0] =	ssyncset.done $0x0  }
0x3d: {  	[sflag:s0] =	ssyncadd.s32 $0xFFFFD800  }
0x3e: {  	[spmem:s14] =	stream.linear.scatter [tilespmem:s31], [sflag:$0x11], $0x2800, $0x38;
	[tilespmem:$0x1DC80] =	vst v63  }
0x3f: {  	_ =	swait.ge [sflag:s0], $0x2800  }
0x40: {  	[sflag:s0] =	ssyncset.done $0x0  }
0x41: {  	[sflag:s0] =	ssyncadd.s32 $0xFFFFD800  }
0x42: {  	[spmem:s18] =	stream.linear.scatter [tilespmem:s31], [sflag:$0x11], $0x2800, $0x38;
	[tilespmem:$0x1DC80] =	vst v63  }
0x43: {  	_ =	swait.ge [sflag:s0], $0x2800  }
0x44: {  	[sflag:s0] =	ssyncset.done $0x0  }
0x45: {  	[sflag:s0] =	ssyncadd.s32 $0xFFFFD800  }
0x46: {  	[spmem:s19] =	stream.linear.scatter [tilespmem:s31], [sflag:$0x11], $0x2800, $0x38;
	[tilespmem:$0x1DC80] =	vst v63  }
0x47: {  	_ =	swait.ge [sflag:s0], $0x2800  }
0x48: {  	[sflag:s0] =	ssyncset.done $0x0  }
0x49: {  	[sflag:s0] =	ssyncadd.s32 $0xFFFFD800  }
0x4a: {  	[spmem:s20] =	stream.linear.scatter [tilespmem:s31], [sflag:$0x11], $0x2800, $0x38;
	[tilespmem:$0x1DC80] =	vst v63  }
0x4b: {  	_ =	swait.ge [sflag:s0], $0x2800  }
0x4c: {  	[sflag:s0] =	ssyncset.done $0x0  }
0x4d: {  	[sflag:s0] =	ssyncadd.s32 $0xFFFFD800  }
0x4e: {  	[spmem:s22] =	stream.linear.scatter [tilespmem:s31], [sflag:$0x11], $0x2800, $0x38;
	[tilespmem:$0x1DC80] =	vst v63  }
0x4f: {  	_ =	swait.ge [sflag:s0], $0x2800  }
0x50: {  	[sflag:s0] =	ssyncset.done $0x0  }
0x51: {  	s4 =	simm.s32 @!p0 $0x400;
	[sflag:s0] =	ssyncadd.s32 $0xFFFFD800  }
0x52: {  	[spmem:s23] =	stream.linear.scatter @!p0 [tilespmem:s4], [sflag:$0x11], $0x2800, $0x38;
	[tilespmem:$0x1DC80] =	vst v63  }
0x53: {  	s4 =	simm.s32 @!p0 $0x11  }
0x54: {  	_ =	swait.ge @!p0 [sflag:s4], $0x2800  }
0x55: {  	[sflag:s4] =	ssyncset.done @!p0 $0x0  }
0x56: {  	[sflag:s4] =	ssyncadd.s32 @!p0 $0xFFFFD800  }
0x57: {  	[bflag:$0x0] =	sbarrier.arrive $0xFFFF  }
0x58: {  	s18 =	rddreg [dreg:$0x17]  }
0x59: {  	[tilespmem:s3], [sflag:$0x1] =	stream.linear.gather [hbm4b:s18+s3], $0x50, $0x38;
	[tilespmem:$0x1DC80] =	vst v63  }
0x5a: {  	s19 =	rddreg [dreg:$0xf]  }
0x5b: {  	[tilespmem:s1], [sflag:$0x5] =	stream.linear.gather [hbm4b:s19+s3], $0x50, $0x38;
	[tilespmem:$0x1DC80] =	vst v63  }
0x5c: {  	s5 =	simm.s32 $0x80;
	s20 =	rddreg [dreg:$0x18]  }
0x5d: {  	[tilespmem:s5], [sflag:$0x2] =	stream.linear.gather [hbm4b:s20+s3], $0x50, $0x38;
	[tilespmem:$0x1DC80] =	vst v63  }
0x5e: {  	s22 =	simm.s32 $0x280;
	s23 =	simm.s32 $0x1;
	s21 =	rddreg [dreg:$0x10]  }
0x5f: {  	[tilespmem:s22], [sflag:$0x6] =	stream.linear.gather [hbm4b:s21+s3], $0x50, $0x38;
	[tilespmem:$0x1DC80] =	vst v63  }
0x60: {  	_ =	swait.ge [sflag:s23], $0x50  }
0x61: {  	[sflag:s23] =	ssyncset.done $0x0  }
0x62: {  	s26 =	simm.s32 $0x5;
	p2 =	por $0x0, $0x0;
	[sflag:s23] =	ssyncadd.s32 $0xFFFFFFB0  }
0x63: {  	p1 =	por @!p2 $0x1, $0x1;
	_ =	swait.ge [sflag:s26], $0x50  }
0x64: {  	p1 =	por p1, p2;
	[sflag:s26] =	ssyncset.done $0x0  }
0x65: {  	s4 =	simm.s32 @!p1 $0xF;
	[sflag:s26] =	ssyncadd.s32 $0xFFFFFFB0  }
0x66: {  	[tilespmem:s31], [sflag:$0x9] =	stream.indirect.gather [hbm4b:s16+s6], $0x80, s3, s6, $0xb8;
	[tilespmem:$0x1DC80] =	vst v63  }
0x67: {  	s24 =	smov.u32 s10;
	s9 =	simm.s32 @!p2 $0x0;
	_ =	swait.ge @!p1 [sflag:s4], $0x2800  }
0x68: {  	s10 =	sadd.s32 @!p2 $0x0, s15;
	s5 =	rddreg [dreg:$0x4];
	[sflag:s4] =	ssyncset.done @!p1 $0x0  }
0x69: {  	[sflag:s4] =	ssyncadd.s32 @!p1 $0xFFFFD800;
	s4 =	simm.s32 @!p2 $0x100;
	s5 =	sadd.s32 @!p2 $0x0, s5  }
0x6a: {  	[tilespmem:s4], [sflag:$0x3] =	stream.linear.gather @!p2 [hbm4b:s5+s9], $0x50, $0x38;
	[tilespmem:$0x1DC80] =	vst v63  }
0x6b: {  	p3 =	por $0x0, $0x0;
	s5 =	sadd.s32 @!p2 $0x14, s10;
	s4 =	simm.s32 @!p2 $0x300  }
0x6c: {  	[tilespmem:s4], [sflag:$0x7] =	stream.linear.gather @!p2 [hbm4b:s5+s9], $0x50, $0x38;
	[tilespmem:$0x1DC80] =	vst v63  }
0x6d: {  	s5 =	simm.s32 @!p3 $0x2  }
0x6e: {  	_ =	swait.ge @!p3 [sflag:s5], $0x50  }
0x6f: {  	[sflag:s5] =	ssyncset.done @!p3 $0x0  }
0x70: {  	s8 =	simm.s32 @!p3 $0x6;
	[sflag:s5] =	ssyncadd.s32 @!p3 $0xFFFFFFB0  }
0x71: {  	s25 =	smov.u32 s11;
	s30 =	smov.u32 s14;
	_ =	swait.ge @!p3 [sflag:s8], $0x50  }
0x72: {  	s11 =	simm.s32 @!p3 $0x50;
	s14 =	simm.s32 @!p3 $0x80;
	[sflag:s8] =	ssyncset.done @!p3 $0x0  }
0x73: {  	p1 =	por $0x0, $0x0;
	s5 =	simm.s32 @!p3 $0x2C00;
	[sflag:s8] =	ssyncadd.s32 @!p3 $0xFFFFFFB0  }
0x74: {  	[tilespmem:s5], [sflag:$0xA] =	stream.indirect.gather @!p3 [hbm4b:s16+s11], $0x80, s14, s11, $0xb8;
	[tilespmem:$0x1DC80] =	vst v63  }
0x75: {  	p3 =	por @!p1 $0x1, $0x1;
	_ =	swait.ge [sflag:s7], $0x2800  }
0x76: {  	p3 =	por p3, p1;
	[sflag:s7] =	ssyncset.done $0x0  }
0x77: {  	s5 =	simm.s32 @!p3 $0x10;
	[sflag:s7] =	ssyncadd.s32 $0xFFFFD800  }
0x78: {  	[spmem:s2] =	stream.indirect.scatter.add.f32 [tilespmem:s31], [sflag:$0xD], $0x80, s1, s6, $0xb8;
	[tilespmem:$0x1DC80] =	vst v63  }
0x79: {  	_ =	swait.ge @!p3 [sflag:s5], $0x2800  }
0x7a: {  	p4 =	por @!p1 $0x0, $0x0;
	s8 =	simm.s32 @!p1 $0x0;
	[sflag:s5] =	ssyncset.done @!p3 $0x0  }
0x7b: {  	s14 =	sadd.s32 @!p1 $0x0, s15;
	s11 =	rddreg [dreg:$0x5];
	[sflag:s5] =	ssyncadd.s32 @!p3 $0xFFFFD800  }
0x7c: {  	s5 =	simm.s32 @!p1 $0x180;
	s11 =	sadd.s32 @!p1 $0x0, s11;
	p3 =	por p4, p1  }
0x7d: {  	[tilespmem:s5], [sflag:$0x4] =	stream.linear.gather @!p1 [hbm4b:s11+s8], $0x50, $0x38;
	[tilespmem:$0x1DC80] =	vst v63  }
0x7e: {  	s29 =	simm.s32 @!p1 $0x380;
	s5 =	sadd.s32 @!p1 $0x1E, s14;
	s11 =	simm.s32 @!p3 $0x3  }
0x7f: {  	[tilespmem:s29], [sflag:$0x8] =	stream.linear.gather @!p1 [hbm4b:s5+s8], $0x50, $0x38;
	[tilespmem:$0x1DC80] =	vst v63  }
0x80: {  	_ =	swait.ge @!p3 [sflag:s11], $0x50  }
0x81: {  	[sflag:s11] =	ssyncset.done @!p3 $0x0  }
0x82: {  	s5 =	simm.s32 @!p3 $0x7;
	[sflag:s11] =	ssyncadd.s32 @!p3 $0xFFFFFFB0  }
0x83: {  	_ =	swait.ge @!p3 [sflag:s5], $0x50  }
0x84: {  	s18 =	simm.s32 @!p1 $0xA;
	s14 =	simm.s32 @!p3 $0x50;
	[sflag:s5] =	ssyncset.done @!p3 $0x0  }
0x85: {  	s17 =	simm.s32 @!p3 $0x100;
	s11 =	simm.s32 @!p3 $0x5400;
	[sflag:s5] =	ssyncadd.s32 @!p3 $0xFFFFFFB0  }
0x86: {  	[tilespmem:s11], [sflag:$0xB] =	stream.indirect.gather @!p3 [hbm4b:s16+s14], $0x80, s17, s14, $0xb8;
	[tilespmem:$0x1DC80] =	vst v63  }
0x87: {  	_ =	swait.ge @!p1 [sflag:s18], $0x2800  }
0x88: {  	s5 =	simm.s32 @!p1 $0x50;
	s11 =	simm.s32 @!p1 $0x2C00;
	[sflag:s18] =	ssyncset.done @!p1 $0x0  }
0x89: {  	s14 =	simm.s32 @!p2 $0xD;
	s17 =	simm.s32 @!p1 $0x280;
	[sflag:s18] =	ssyncadd.s32 @!p1 $0xFFFFD800  }
0x8a: {  	[spmem:s2] =	stream.indirect.scatter.add.f32 @!p1 [tilespmem:s11], [sflag:$0xE], $0x80, s17, s5, $0xb8;
	[tilespmem:$0x1DC80] =	vst v63  }
0x8b: {  	_ =	swait.ge @!p2 [sflag:s14], $0x2800  }
0x8c: {  	s18 =	rddreg [dreg:$0x1a]  }
0x8d: {  	[sflag:s14] =	ssyncset.done @!p2 $0x0;
	s11 =	sshrl.u32 @!p2 s18, $0x3  }
0x8e: {  	[sflag:s14] =	ssyncadd.s32 @!p2 $0xFFFFD800;
	s11 =	sadd.s32 @!p2 s12, s11  }
0x8f: {  	[tilespmem:s9], [sflag:$0x1] =	stream.linear.gather @!p2 [hbm4b:s11+s9], $0x50, $0x38;
	[tilespmem:$0x1DC80] =	vst v63  }
0x90: {  	s10 =	sadd.s32 @!p2 $0x28, s10;
	s14 =	simm.s32 @!p2 $0x4;
	s11 =	simm.s32 @!p2 $0x200  }
0x91: {  	[tilespmem:s11], [sflag:$0x5] =	stream.linear.gather @!p2 [hbm4b:s10+s9], $0x50, $0x38;
	[tilespmem:$0x1DC80] =	vst v63  }
0x92: {  	_ =	swait.ge @!p2 [sflag:s14], $0x50  }
0x93: {  	[sflag:s14] =	ssyncset.done @!p2 $0x0  }
0x94: {  	s9 =	simm.s32 @!p2 $0x8;
	[sflag:s14] =	ssyncadd.s32 @!p2 $0xFFFFFFB0  }
0x95: {  	_ =	swait.ge @!p2 [sflag:s9], $0x50  }
0x96: {  	s17 =	simm.s32 @!p2 $0x180;
	s10 =	simm.s32 @!p2 $0x7C00;
	[sflag:s9] =	ssyncset.done @!p2 $0x0  }
0x97: {  	s11 =	simm.s32 @!p2 $0xB;
	s14 =	simm.s32 @!p2 $0x50;
	[sflag:s9] =	ssyncadd.s32 @!p2 $0xFFFFFFB0  }
0x98: {  	[tilespmem:s10], [sflag:$0xC] =	stream.indirect.gather @!p2 [hbm4b:s16+s14], $0x80, s17, s14, $0xb8;
	[tilespmem:$0x1DC80] =	vst v63  }
0x99: {  	p3 =	por @!p1 $0x0, $0x0;
	_ =	swait.ge @!p2 [sflag:s11], $0x2800  }
0x9a: {  	p3 =	por p3, p1;
	[sflag:s11] =	ssyncset.done @!p2 $0x0  }
0x9b: {  	s9 =	simm.s32 @!p2 $0x5400;
	s10 =	simm.s32 @!p3 $0xE;
	[sflag:s11] =	ssyncadd.s32 @!p2 $0xFFFFD800  }
0x9c: {  	[spmem:s2] =	stream.indirect.scatter.add.f32 @!p2 [tilespmem:s9], [sflag:$0xF], $0x80, s4, s14, $0xb8;
	[tilespmem:$0x1DC80] =	vst v63  }
0x9d: {  	s11 =	simm.s32 @!p3 $0x80;
	_ =	swait.ge @!p3 [sflag:s10], $0x2800  }
0x9e: {  	s9 =	sadd.s32 @!p3 $0x0, s15;
	s4 =	rddreg [dreg:$0x6];
	[sflag:s10] =	ssyncset.done @!p3 $0x0  }
0x9f: {  	[sflag:s10] =	ssyncadd.s32 @!p3 $0xFFFFD800;
	s10 =	simm.s32 @!p3 $0x0;
	s4 =	sadd.s32 @!p3 $0x0, s4  }
0xa0: {  	[tilespmem:s11], [sflag:$0x2] =	stream.linear.gather @!p3 [hbm4b:s4+s10], $0x50, $0x38;
	[tilespmem:$0x1DC80] =	vst v63  }
0xa1: {  	s4 =	sadd.s32 @!p3 $0x32, s9;
	s9 =	simm.s32 @!p3 $0x280;
	s11 =	simm.s32 @!p1 $0x1  }
0xa2: {  	[tilespmem:s9], [sflag:$0x6] =	stream.linear.gather @!p3 [hbm4b:s4+s10], $0x50, $0x38;
	[tilespmem:$0x1DC80] =	vst v63  }
0xa3: {  	_ =	swait.ge @!p1 [sflag:s11], $0x50  }
0xa4: {  	s28 =	simm.s32 $0x1;
	[sflag:s11] =	ssyncset.done @!p1 $0x0  }
0xa5: {  	s26 =	simm.s32 $0x6;
	s9 =	simm.s32 @!p1 $0x5;
	[sflag:s11] =	ssyncadd.s32 @!p1 $0xFFFFFFB0  }
0xa6: {  	s19 =	simm.s32 @!p1 $0x7C00;
	s17 =	sadd.s32 $0x140, s18;
	_ =	swait.ge @!p1 [sflag:s9], $0x50  }
0xa7: {  	s14 =	simm.s32 $0x28;
	p2 =	por $0x0, $0x0;
	[sflag:s9] =	ssyncset.done @!p1 $0x0  }
0xa8: {  	p4 =	por @!p2 $0x0, $0x0;
	s10 =	simm.s32 @!p1 $0x400;
	[sflag:s9] =	ssyncadd.s32 @!p1 $0xFFFFFFB0  }
0xa9: {  	[tilespmem:s10], [sflag:$0x9] =	stream.indirect.gather @!p1 [hbm4b:s16+s5], $0x80, s8, s5, $0xb8;
	[tilespmem:$0x1DC80] =	vst v63  }
0xaa: {  	s4 =	simm.s32 $0x50;
	s9 =	simm.s32 @!p1 $0xC;
	s8 =	sadd.s32 @!p2 $0x28, s15  }
.LBB2_2:
0xab: {  	_ =	swait.ge @!p1 [sflag:s9], $0x2800  }
0xac: {  	p4 =	por p4, p2;
	[sflag:s9] =	ssyncset.done @!p1 $0x0  }
0xad: {  	s10 =	sshrl.u32 @!p2 s17, $0x3;
	s20 =	simm.s32 @!p4 $0xF;
	[sflag:s9] =	ssyncadd.s32 @!p1 $0xFFFFD800  }
0xae: {  	[spmem:s2] =	stream.indirect.scatter.add.f32 @!p1 [tilespmem:s19], [sflag:$0x10], $0x80, s29, s5, $0xb8;
	[tilespmem:$0x1DC80] =	vst v63  }
0xaf: {  	s11 =	sadd.s32 @!p2 s12, s10;
	s9 =	simm.s32 @!p2 $0x100;
	_ =	swait.ge @!p4 [sflag:s20], $0x2800  }
0xb0: {  	s19 =	simm.s32 @!p2 $0x0;
	[sflag:s20] =	ssyncset.done @!p4 $0x0;
	s5 =	rddreg [dreg:$0x4]  }
0xb1: {  	[sflag:s20] =	ssyncadd.s32 @!p4 $0xFFFFD800;
	s5 =	sadd.s32 @!p2 s14, s5;
	p4 =	seq.s32 s14, $0x4D8  }
0xb2: {  	[tilespmem:s9], [sflag:$0x3] =	stream.linear.gather @!p2 [hbm4b:s5+s19], $0x50, $0x38;
	[tilespmem:$0x1DC80] =	vst v63  }
0xb3: {  	s10 =	sadd.s32 @!p2 $0x14, s8;
	s9 =	simm.s32 @!p2 $0x300;
	s5 =	simm.s32 @!p4 $0x2  }
0xb4: {  	[tilespmem:s9], [sflag:$0x7] =	stream.linear.gather @!p2 [hbm4b:s10+s19], $0x50, $0x38;
	[tilespmem:$0x1DC80] =	vst v63  }
0xb5: {  	_ =	swait.ge @!p4 [sflag:s5], $0x50  }
0xb6: {  	[sflag:s5] =	ssyncset.done @!p4 $0x0  }
0xb7: {  	s10 =	simm.s32 @!p4 $0x6;
	[sflag:s5] =	ssyncadd.s32 @!p4 $0xFFFFFFB0  }
0xb8: {  	_ =	swait.ge @!p4 [sflag:s10], $0x50  }
0xb9: {  	p1 =	sgt.u32 s28, $0x1E;
	s20 =	simm.s32 @!p4 $0x50;
	[sflag:s10] =	ssyncset.done @!p4 $0x0  }
0xba: {  	s29 =	simm.s32 @!p4 $0x80;
	s5 =	simm.s32 @!p4 $0x2C00;
	[sflag:s10] =	ssyncadd.s32 @!p4 $0xFFFFFFB0  }
0xbb: {  	[tilespmem:s5], [sflag:$0xA] =	stream.indirect.gather @!p4 [hbm4b:s16+s20], $0x80, s29, s20, $0xb8;
	[tilespmem:$0x1DC80] =	vst v63  }
0xbc: {  	p5 =	seq.s32 @!p1 s14, $0x0;
	_ =	swait.ge [sflag:s7], $0x2800  }
0xbd: {  	p5 =	por p5, p1;
	[sflag:s7] =	ssyncset.done $0x0  }
0xbe: {  	s21 =	simm.s32 @!p1 $0x180;
	s10 =	simm.s32 @!p5 $0x10;
	[sflag:s7] =	ssyncadd.s32 $0xFFFFD800  }
0xbf: {  	[spmem:s2] =	stream.indirect.scatter.add.f32 [tilespmem:s31], [sflag:$0xD], $0x80, s1, s6, $0xb8;
	[tilespmem:$0x1DC80] =	vst v63  }
0xc0: {  	p4 =	sgt.u32 @!p1 s26, $0x7C;
	s5 =	sadd.s32 @!p1 s14, s15;
	_ =	swait.ge @!p5 [sflag:s10], $0x2800  }
0xc1: {  	p4 =	por p4, p1;
	[sflag:s10] =	ssyncset.done @!p5 $0x0;
	s20 =	rddreg [dreg:$0x5]  }
0xc2: {  	[sflag:s10] =	ssyncadd.s32 @!p5 $0xFFFFD800;
	s10 =	simm.s32 @!p1 $0x0;
	s20 =	sadd.s32 @!p1 s14, s20  }
0xc3: {  	[tilespmem:s21], [sflag:$0x4] =	stream.linear.gather @!p1 [hbm4b:s20+s10], $0x50, $0x38;
	[tilespmem:$0x1DC80] =	vst v63  }
0xc4: {  	s29 =	simm.s32 @!p1 $0x380;
	s5 =	sadd.s32 @!p1 $0x1E, s5;
	s20 =	simm.s32 @!p4 $0x3  }
0xc5: {  	[tilespmem:s29], [sflag:$0x8] =	stream.linear.gather @!p1 [hbm4b:s5+s10], $0x50, $0x38;
	[tilespmem:$0x1DC80] =	vst v63  }
0xc6: {  	_ =	swait.ge @!p4 [sflag:s20], $0x50  }
0xc7: {  	[sflag:s20] =	ssyncset.done @!p4 $0x0  }
0xc8: {  	s5 =	simm.s32 @!p4 $0x7;
	[sflag:s20] =	ssyncadd.s32 @!p4 $0xFFFFFFB0  }
0xc9: {  	_ =	swait.ge @!p4 [sflag:s5], $0x50  }
0xca: {  	s23 =	simm.s32 @!p1 $0xA;
	s22 =	simm.s32 @!p4 $0x100;
	[sflag:s5] =	ssyncset.done @!p4 $0x0  }
0xcb: {  	s21 =	simm.s32 @!p4 $0x50;
	s20 =	simm.s32 @!p4 $0x5400;
	[sflag:s5] =	ssyncadd.s32 @!p4 $0xFFFFFFB0  }
0xcc: {  	[tilespmem:s20], [sflag:$0xB] =	stream.indirect.gather @!p4 [hbm4b:s16+s21], $0x80, s22, s21, $0xb8;
	[tilespmem:$0x1DC80] =	vst v63  }
0xcd: {  	_ =	swait.ge @!p1 [sflag:s23], $0x2800  }
0xce: {  	s5 =	simm.s32 @!p1 $0x50;
	s20 =	simm.s32 @!p1 $0x2C00;
	[sflag:s23] =	ssyncset.done @!p1 $0x0  }
0xcf: {  	s21 =	simm.s32 @!p2 $0xD;
	s22 =	simm.s32 @!p1 $0x280;
	[sflag:s23] =	ssyncadd.s32 @!p1 $0xFFFFD800  }
0xd0: {  	[spmem:s2] =	stream.indirect.scatter.add.f32 @!p1 [tilespmem:s20], [sflag:$0xE], $0x80, s22, s5, $0xb8;
	[tilespmem:$0x1DC80] =	vst v63  }
0xd1: {  	_ =	swait.ge @!p2 [sflag:s21], $0x2800  }
0xd2: {  	[sflag:s21] =	ssyncset.done @!p2 $0x0  }
0xd3: {  	[sflag:s21] =	ssyncadd.s32 @!p2 $0xFFFFD800  }
0xd4: {  	[tilespmem:s19], [sflag:$0x1] =	stream.linear.gather @!p2 [hbm4b:s11+s19], $0x50, $0x38;
	[tilespmem:$0x1DC80] =	vst v63  }
0xd5: {  	s18 =	sadd.s32 @!p2 $0x28, s8;
	s20 =	simm.s32 @!p2 $0x200;
	s11 =	simm.s32 @!p2 $0x4  }
0xd6: {  	[tilespmem:s20], [sflag:$0x5] =	stream.linear.gather @!p2 [hbm4b:s18+s19], $0x50, $0x38;
	[tilespmem:$0x1DC80] =	vst v63  }
0xd7: {  	_ =	swait.ge @!p2 [sflag:s11], $0x50  }
0xd8: {  	[sflag:s11] =	ssyncset.done @!p2 $0x0  }
0xd9: {  	s18 =	simm.s32 @!p2 $0x8;
	[sflag:s11] =	ssyncadd.s32 @!p2 $0xFFFFFFB0  }
0xda: {  	p4 =	seq.s32 @!p1 s14, $0x4B0;
	_ =	swait.ge @!p2 [sflag:s18], $0x50  }
0xdb: {  	s21 =	simm.s32 @!p2 $0x180;
	s19 =	simm.s32 @!p2 $0xB;
	[sflag:s18] =	ssyncset.done @!p2 $0x0  }
0xdc: {  	s20 =	simm.s32 @!p2 $0x50;
	s11 =	simm.s32 @!p2 $0x7C00;
	[sflag:s18] =	ssyncadd.s32 @!p2 $0xFFFFFFB0  }
0xdd: {  	[tilespmem:s11], [sflag:$0xC] =	stream.indirect.gather @!p2 [hbm4b:s16+s20], $0x80, s21, s20, $0xb8;
	[tilespmem:$0x1DC80] =	vst v63  }
0xde: {  	p4 =	por p4, p1;
	_ =	swait.ge @!p2 [sflag:s19], $0x2800  }
0xdf: {  	s8 =	smov.u32 s4;
	s18 =	simm.s32 @!p4 $0xE;
	[sflag:s19] =	ssyncset.done @!p2 $0x0  }
0xe0: {  	s11 =	simm.s32 @!p2 $0x5400;
	[sflag:s19] =	ssyncadd.s32 @!p2 $0xFFFFD800;
	s19 =	sadd.s32 @!p4 s14, s15  }
0xe1: {  	[spmem:s2] =	stream.indirect.scatter.add.f32 @!p2 [tilespmem:s11], [sflag:$0xF], $0x80, s9, s20, $0xb8;
	[tilespmem:$0x1DC80] =	vst v63  }
0xe2: {  	s4 =	sadd.s32 $0x28, s4;
	s9 =	sadd.s32 @!p4 $0x32, s19;
	_ =	swait.ge @!p4 [sflag:s18], $0x2800  }
0xe3: {  	s19 =	simm.s32 @!p4 $0x80;
	[sflag:s18] =	ssyncset.done @!p4 $0x0;
	s11 =	rddreg [dreg:$0x6]  }
0xe4: {  	[sflag:s18] =	ssyncadd.s32 @!p4 $0xFFFFD800;
	s18 =	simm.s32 @!p4 $0x0;
	s11 =	sadd.s32 @!p4 s14, s11  }
0xe5: {  	[tilespmem:s19], [sflag:$0x2] =	stream.linear.gather @!p4 [hbm4b:s11+s18], $0x50, $0x38;
	[tilespmem:$0x1DC80] =	vst v63  }
0xe6: {  	s20 =	simm.s32 @!p4 $0x280;
	s14 =	smov.u32 s8;
	s8 =	simm.s32 @!p1 $0x1  }
0xe7: {  	[tilespmem:s20], [sflag:$0x6] =	stream.linear.gather @!p4 [hbm4b:s9+s18], $0x50, $0x38;
	[tilespmem:$0x1DC80] =	vst v63  }
0xe8: {  	s17 =	sadd.s32 $0x140, s17;
	p3 =	sne.s32 s4, $0x500;
	_ =	swait.ge @!p1 [sflag:s8], $0x50  }
0xe9: {  	s28 =	sadd.s32 $0x1, s28;
	s26 =	sadd.s32 $0x4, s26;
	[sflag:s8] =	ssyncset.done @!p1 $0x0  }
.Ltmp0:
0xea: {  	s11 =	simm.s32 @!p1 $0x5;
	[sflag:s8] =	ssyncadd.s32 @!p1 $0xFFFFFFB0;
	(pc) =	sbr.rel @p3 .LBB2_2-.Ltmp0, $4  }
0xeb: {  	p2 =	sgt.u32 s26, $0x7C;
	s19 =	simm.s32 @!p1 $0x7C00;
	_ =	swait.ge @!p1 [sflag:s11], $0x50  }
0xec: {  	s9 =	simm.s32 @!p1 $0xC;
	s18 =	simm.s32 @!p1 $0x400;
	[sflag:s11] =	ssyncset.done @!p1 $0x0  }
0xed: {  	p4 =	seq.s32 @!p2 s14, $0x0;
	s8 =	sadd.s32 @!p2 s14, s15;
	[sflag:s11] =	ssyncadd.s32 @!p1 $0xFFFFFFB0  }
0xee: {  	[tilespmem:s18], [sflag:$0x9] =	stream.indirect.gather @!p1 [hbm4b:s16+s5], $0x80, s10, s5, $0xb8;
	[tilespmem:$0x1DC80] =	vst v63  }
0xef: {  	_ =	swait.ge @!p1 [sflag:s9], $0x2800  }
0xf0: {  	p3 =	por p4, p2;
	[sflag:s9] =	ssyncset.done @!p1 $0x0  }
0xf1: {  	s4 =	simm.s32 @!p3 $0xF;
	[sflag:s9] =	ssyncadd.s32 @!p1 $0xFFFFD800  }
0xf2: {  	[spmem:s2] =	stream.indirect.scatter.add.f32 @!p1 [tilespmem:s19], [sflag:$0x10], $0x80, s29, s5, $0xb8;
	[tilespmem:$0x1DC80] =	vst v63  }
0xf3: {  	_ =	swait.ge @!p3 [sflag:s4], $0x2800  }
0xf4: {  	s10 =	simm.s32 @!p2 $0x0;
	s5 =	rddreg [dreg:$0x4];
	[sflag:s4] =	ssyncset.done @!p3 $0x0  }
0xf5: {  	[sflag:s4] =	ssyncadd.s32 @!p3 $0xFFFFD800;
	s4 =	simm.s32 @!p2 $0x100;
	s5 =	sadd.s32 @!p2 s14, s5  }
0xf6: {  	[tilespmem:s4], [sflag:$0x3] =	stream.linear.gather @!p2 [hbm4b:s5+s10], $0x50, $0x38;
	[tilespmem:$0x1DC80] =	vst v63  }
0xf7: {  	p3 =	seq.s32 s14, $0x4D8;
	s5 =	sadd.s32 @!p2 $0x14, s8;
	s4 =	simm.s32 @!p2 $0x300  }
0xf8: {  	[tilespmem:s4], [sflag:$0x7] =	stream.linear.gather @!p2 [hbm4b:s5+s10], $0x50, $0x38;
	[tilespmem:$0x1DC80] =	vst v63  }
0xf9: {  	s5 =	simm.s32 @!p3 $0x2  }
0xfa: {  	_ =	swait.ge @!p3 [sflag:s5], $0x50  }
0xfb: {  	[sflag:s5] =	ssyncset.done @!p3 $0x0  }
0xfc: {  	s9 =	simm.s32 @!p3 $0x6;
	[sflag:s5] =	ssyncadd.s32 @!p3 $0xFFFFFFB0  }
0xfd: {  	_ =	swait.ge @!p3 [sflag:s9], $0x50  }
0xfe: {  	p1 =	sgt.u32 s28, $0x1E;
	s11 =	simm.s32 @!p3 $0x50;
	[sflag:s9] =	ssyncset.done @!p3 $0x0  }
0xff: {  	s5 =	simm.s32 @!p3 $0x2C00;
	[sflag:s9] =	ssyncadd.s32 @!p3 $0xFFFFFFB0;
	s9 =	simm.s32 @!p3 $0x80  }
0x100: {  	[tilespmem:s5], [sflag:$0xA] =	stream.indirect.gather @!p3 [hbm4b:s16+s11], $0x80, s9, s11, $0xb8;
	[tilespmem:$0x1DC80] =	vst v63  }
0x101: {  	p3 =	seq.s32 @!p1 s14, $0x0;
	_ =	swait.ge [sflag:s7], $0x2800  }
0x102: {  	p3 =	por p3, p1;
	[sflag:s7] =	ssyncset.done $0x0  }
0x103: {  	s5 =	simm.s32 @!p3 $0x10;
	[sflag:s7] =	ssyncadd.s32 $0xFFFFD800  }
0x104: {  	[spmem:s2] =	stream.indirect.scatter.add.f32 [tilespmem:s31], [sflag:$0xD], $0x80, s1, s6, $0xb8;
	[tilespmem:$0x1DC80] =	vst v63  }
0x105: {  	_ =	swait.ge @!p3 [sflag:s5], $0x2800  }
0x106: {  	p4 =	sgt.u32 @!p1 s26, $0x7C;
	s18 =	sadd.s32 @!p1 s14, s15;
	[sflag:s5] =	ssyncset.done @!p3 $0x0  }
0x107: {  	s9 =	simm.s32 @!p1 $0x0;
	s11 =	rddreg [dreg:$0x5];
	[sflag:s5] =	ssyncadd.s32 @!p3 $0xFFFFD800  }
0x108: {  	s5 =	simm.s32 @!p1 $0x180;
	s11 =	sadd.s32 @!p1 s14, s11;
	p3 =	por p4, p1  }
0x109: {  	[tilespmem:s5], [sflag:$0x4] =	stream.linear.gather @!p1 [hbm4b:s11+s9], $0x50, $0x38;
	[tilespmem:$0x1DC80] =	vst v63  }
0x10a: {  	s5 =	simm.s32 @!p1 $0x380;
	s11 =	sadd.s32 @!p1 $0x1E, s18;
	s18 =	simm.s32 @!p3 $0x3  }
0x10b: {  	[tilespmem:s5], [sflag:$0x8] =	stream.linear.gather @!p1 [hbm4b:s11+s9], $0x50, $0x38;
	[tilespmem:$0x1DC80] =	vst v63  }
0x10c: {  	_ =	swait.ge @!p3 [sflag:s18], $0x50  }
0x10d: {  	[sflag:s18] =	ssyncset.done @!p3 $0x0  }
0x10e: {  	s11 =	simm.s32 @!p3 $0x7;
	[sflag:s18] =	ssyncadd.s32 @!p3 $0xFFFFFFB0  }
0x10f: {  	_ =	swait.ge @!p3 [sflag:s11], $0x50  }
0x110: {  	s19 =	simm.s32 @!p3 $0x50;
	[sflag:s11] =	ssyncset.done @!p3 $0x0  }
0x111: {  	s18 =	simm.s32 @!p3 $0x5400;
	[sflag:s11] =	ssyncadd.s32 @!p3 $0xFFFFFFB0;
	s11 =	simm.s32 @!p3 $0x100  }
0x112: {  	[tilespmem:s18], [sflag:$0xB] =	stream.indirect.gather @!p3 [hbm4b:s16+s19], $0x80, s11, s19, $0xb8;
	[tilespmem:$0x1DC80] =	vst v63  }
0x113: {  	s11 =	simm.s32 @!p1 $0xA  }
0x114: {  	_ =	swait.ge @!p1 [sflag:s11], $0x2800  }
0x115: {  	s18 =	simm.s32 @!p1 $0x2C00;
	[sflag:s11] =	ssyncset.done @!p1 $0x0  }
0x116: {  	s19 =	simm.s32 @!p1 $0x50;
	[sflag:s11] =	ssyncadd.s32 @!p1 $0xFFFFD800;
	s11 =	simm.s32 @!p1 $0x280  }
0x117: {  	[spmem:s2] =	stream.indirect.scatter.add.f32 @!p1 [tilespmem:s18], [sflag:$0xE], $0x80, s11, s19, $0xb8;
	[tilespmem:$0x1DC80] =	vst v63  }
0x118: {  	s11 =	simm.s32 @!p2 $0xD  }
0x119: {  	_ =	swait.ge @!p2 [sflag:s11], $0x2800  }
0x11a: {  	s17 =	sshrl.u32 @!p2 s17, $0x3;
	[sflag:s11] =	ssyncset.done @!p2 $0x0  }
0x11b: {  	[sflag:s11] =	ssyncadd.s32 @!p2 $0xFFFFD800;
	s11 =	sadd.s32 @!p2 s12, s17  }
0x11c: {  	[tilespmem:s10], [sflag:$0x1] =	stream.linear.gather @!p2 [hbm4b:s11+s10], $0x50, $0x38;
	[tilespmem:$0x1DC80] =	vst v63  }
0x11d: {  	s8 =	sadd.s32 @!p2 $0x28, s8;
	s11 =	simm.s32 @!p2 $0x200  }
0x11e: {  	[tilespmem:s11], [sflag:$0x5] =	stream.linear.gather @!p2 [hbm4b:s8+s10], $0x50, $0x38;
	[tilespmem:$0x1DC80] =	vst v63  }
0x11f: {  	s8 =	simm.s32 @!p2 $0x4  }
0x120: {  	_ =	swait.ge @!p2 [sflag:s8], $0x50  }
0x121: {  	[sflag:s8] =	ssyncset.done @!p2 $0x0  }
0x122: {  	s10 =	simm.s32 @!p2 $0x8;
	[sflag:s8] =	ssyncadd.s32 @!p2 $0xFFFFFFB0  }
0x123: {  	_ =	swait.ge @!p2 [sflag:s10], $0x50  }
0x124: {  	s11 =	simm.s32 @!p2 $0x50;
	[sflag:s10] =	ssyncset.done @!p2 $0x0  }
0x125: {  	s8 =	simm.s32 @!p2 $0x7C00;
	[sflag:s10] =	ssyncadd.s32 @!p2 $0xFFFFFFB0;
	s10 =	simm.s32 @!p2 $0x180  }
0x126: {  	[tilespmem:s8], [sflag:$0xC] =	stream.indirect.gather @!p2 [hbm4b:s16+s11], $0x80, s10, s11, $0xb8;
	[tilespmem:$0x1DC80] =	vst v63  }
0x127: {  	s8 =	simm.s32 @!p2 $0xB  }
0x128: {  	_ =	swait.ge @!p2 [sflag:s8], $0x2800  }
0x129: {  	p3 =	seq.s32 @!p1 s14, $0x4B0;
	[sflag:s8] =	ssyncset.done @!p2 $0x0  }
0x12a: {  	p3 =	por p3, p1;
	[sflag:s8] =	ssyncadd.s32 @!p2 $0xFFFFD800;
	s8 =	simm.s32 @!p2 $0x5400  }
0x12b: {  	[spmem:s2] =	stream.indirect.scatter.add.f32 @!p2 [tilespmem:s8], [sflag:$0xF], $0x80, s4, s11, $0xb8;
	[tilespmem:$0x1DC80] =	vst v63  }
0x12c: {  	s4 =	simm.s32 @!p3 $0xE  }
0x12d: {  	_ =	swait.ge @!p3 [sflag:s4], $0x2800  }
0x12e: {  	s10 =	simm.s32 @!p3 $0x80;
	s8 =	rddreg [dreg:$0x6];
	[sflag:s4] =	ssyncset.done @!p3 $0x0  }
0x12f: {  	[sflag:s4] =	ssyncadd.s32 @!p3 $0xFFFFD800;
	s4 =	simm.s32 @!p3 $0x0;
	s8 =	sadd.s32 @!p3 s14, s8  }
0x130: {  	[tilespmem:s10], [sflag:$0x2] =	stream.linear.gather @!p3 [hbm4b:s8+s4], $0x50, $0x38;
	[tilespmem:$0x1DC80] =	vst v63  }
0x131: {  	s8 =	sadd.s32 @!p3 s14, s15  }
0x132: {  	s10 =	simm.s32 @!p3 $0x280;
	s8 =	sadd.s32 @!p3 $0x32, s8  }
0x133: {  	[tilespmem:s10], [sflag:$0x6] =	stream.linear.gather @!p3 [hbm4b:s8+s4], $0x50, $0x38;
	[tilespmem:$0x1DC80] =	vst v63  }
0x134: {  	s4 =	simm.s32 @!p1 $0x1  }
0x135: {  	_ =	swait.ge @!p1 [sflag:s4], $0x50  }
0x136: {  	[sflag:s4] =	ssyncset.done @!p1 $0x0  }
0x137: {  	[sflag:s4] =	ssyncadd.s32 @!p1 $0xFFFFFFB0;
	s4 =	simm.s32 @!p1 $0x5  }
0x138: {  	_ =	swait.ge @!p1 [sflag:s4], $0x50  }
0x139: {  	[sflag:s4] =	ssyncset.done @!p1 $0x0  }
0x13a: {  	[sflag:s4] =	ssyncadd.s32 @!p1 $0xFFFFFFB0;
	s4 =	simm.s32 @!p1 $0x400  }
0x13b: {  	[tilespmem:s4], [sflag:$0x9] =	stream.indirect.gather @!p1 [hbm4b:s16+s19], $0x80, s9, s19, $0xb8;
	[tilespmem:$0x1DC80] =	vst v63  }
0x13c: {  	s4 =	simm.s32 @!p1 $0xC  }
0x13d: {  	_ =	swait.ge @!p1 [sflag:s4], $0x2800  }
0x13e: {  	[sflag:s4] =	ssyncset.done @!p1 $0x0  }
0x13f: {  	s18 =	simm.s32 $0xE;
	[sflag:s4] =	ssyncadd.s32 @!p1 $0xFFFFD800;
	s4 =	simm.s32 @!p1 $0x7C00  }
0x140: {  	[spmem:s2] =	stream.indirect.scatter.add.f32 @!p1 [tilespmem:s4], [sflag:$0x10], $0x80, s5, s19, $0xb8;
	[tilespmem:$0x1DC80] =	vst v63  }
0x141: {  	_ =	swait.ge [sflag:s18], $0x2800  }
0x142: {  	[sflag:s18] =	ssyncset.done $0x0  }
0x143: {  	s19 =	simm.s32 $0xF;
	[sflag:s18] =	ssyncadd.s32 $0xFFFFD800  }
0x144: {  	_ =	swait.ge [sflag:s19], $0x2800  }
0x145: {  	[sflag:s19] =	ssyncset.done $0x0  }
0x146: {  	s20 =	simm.s32 $0x10;
	[sflag:s19] =	ssyncadd.s32 $0xFFFFD800  }
0x147: {  	_ =	swait.ge [sflag:s20], $0x2800  }
0x148: {  	[sflag:s20] =	ssyncset.done $0x0  }
0x149: {  	s21 =	simm.s32 $0xD;
	[sflag:s20] =	ssyncadd.s32 $0xFFFFD800  }
0x14a: {  	_ =	swait.ge [sflag:s21], $0x2800  }
0x14b: {  	[sflag:s21] =	ssyncset.done $0x0  }
0x14c: {  	[sflag:s21] =	ssyncadd.s32 $0xFFFFD800  }
0x14d: {  	[bflag:$0x0] =	sbarrier.arrive $0xFFFF  }
0x14e: {  	[tilespmem:s31], [sflag:$0x11] =	stream.linear.gather [spmem:s24], $0x2800, $0x38;
	[tilespmem:$0x1DC80] =	vst v63  }
0x14f: {  	_ =	swait.ge [sflag:s0], $0x2800  }
0x150: {  	[sflag:s0] =	ssyncset.done $0x0  }
0x151: {  	s22 =	rddreg [dreg:$0x7];
	[sflag:s0] =	ssyncadd.s32 $0xFFFFD800  }
0x152: {  	[hbm4b:s22+s3] =	stream.linear.scatter [tilespmem:s31], [sflag:$0x11], $0x2800, $0x38;
	[tilespmem:$0x1DC80] =	vst v63  }
0x153: {  	_ =	swait.ge [sflag:s0], $0x2800  }
0x154: {  	[sflag:s0] =	ssyncset.done $0x0  }
0x155: {  	[sflag:s0] =	ssyncadd.s32 $0xFFFFD800  }
0x156: {  	[tilespmem:s31], [sflag:$0x11] =	stream.linear.gather [spmem:s25], $0x2800, $0x38;
	[tilespmem:$0x1DC80] =	vst v63  }
0x157: {  	_ =	swait.ge [sflag:s0], $0x2800  }
0x158: {  	[sflag:s0] =	ssyncset.done $0x0  }
0x159: {  	s23 =	rddreg [dreg:$0x8];
	[sflag:s0] =	ssyncadd.s32 $0xFFFFD800  }
0x15a: {  	[hbm4b:s23+s3] =	stream.linear.scatter [tilespmem:s31], [sflag:$0x11], $0x2800, $0x38;
	[tilespmem:$0x1DC80] =	vst v63  }
0x15b: {  	_ =	swait.ge [sflag:s0], $0x2800  }
0x15c: {  	[sflag:s0] =	ssyncset.done $0x0  }
0x15d: {  	[sflag:s0] =	ssyncadd.s32 $0xFFFFD800  }
0x15e: {  	[tilespmem:s31], [sflag:$0x11] =	stream.linear.gather [spmem:s30], $0x2800, $0x38;
	[tilespmem:$0x1DC80] =	vst v63  }
0x15f: {  	_ =	swait.ge [sflag:s0], $0x2800  }
0x160: {  	[sflag:s0] =	ssyncset.done $0x0  }
0x161: {  	s10 =	smov.u32 s24;
	s24 =	rddreg [dreg:$0x9];
	[sflag:s0] =	ssyncadd.s32 $0xFFFFD800  }
0x162: {  	[hbm4b:s24+s3] =	stream.linear.scatter [tilespmem:s31], [sflag:$0x11], $0x2800, $0x38;
	[tilespmem:$0x1DC80] =	vst v63  }
0x163: {  	_ =	swait.ge [sflag:s0], $0x2800  }
0x164: {  	[sflag:s0] =	ssyncset.done $0x0  }
0x165: {  	s18 =	rddreg [dreg:$0x12];
	[sflag:s0] =	ssyncadd.s32 $0xFFFFD800  }
0x166: {  	[tilespmem:s31], [sflag:$0x11] =	stream.linear.gather [spmem:s18], $0x2800, $0x38;
	[tilespmem:$0x1DC80] =	vst v63  }
0x167: {  	_ =	swait.ge [sflag:s0], $0x2800  }
0x168: {  	[sflag:s0] =	ssyncset.done $0x0  }
0x169: {  	s11 =	smov.u32 s25;
	s25 =	rddreg [dreg:$0xa];
	[sflag:s0] =	ssyncadd.s32 $0xFFFFD800  }
0x16a: {  	[hbm4b:s25+s3] =	stream.linear.scatter [tilespmem:s31], [sflag:$0x11], $0x2800, $0x38;
	[tilespmem:$0x1DC80] =	vst v63  }
0x16b: {  	_ =	swait.ge [sflag:s0], $0x2800  }
0x16c: {  	[sflag:s0] =	ssyncset.done $0x0  }
0x16d: {  	s19 =	rddreg [dreg:$0x13];
	[sflag:s0] =	ssyncadd.s32 $0xFFFFD800  }
0x16e: {  	[tilespmem:s31], [sflag:$0x11] =	stream.linear.gather [spmem:s19], $0x2800, $0x38;
	[tilespmem:$0x1DC80] =	vst v63  }
0x16f: {  	_ =	swait.ge [sflag:s0], $0x2800  }
0x170: {  	[sflag:s0] =	ssyncset.done $0x0  }
0x171: {  	s26 =	rddreg [dreg:$0xb];
	[sflag:s0] =	ssyncadd.s32 $0xFFFFD800  }
0x172: {  	[hbm4b:s26+s3] =	stream.linear.scatter [tilespmem:s31], [sflag:$0x11], $0x2800, $0x38;
	[tilespmem:$0x1DC80] =	vst v63  }
0x173: {  	_ =	swait.ge [sflag:s0], $0x2800  }
0x174: {  	[sflag:s0] =	ssyncset.done $0x0  }
0x175: {  	s20 =	rddreg [dreg:$0x14];
	[sflag:s0] =	ssyncadd.s32 $0xFFFFD800  }
0x176: {  	[tilespmem:s31], [sflag:$0x11] =	stream.linear.gather [spmem:s20], $0x2800, $0x38;
	[tilespmem:$0x1DC80] =	vst v63  }
0x177: {  	_ =	swait.ge [sflag:s0], $0x2800  }
0x178: {  	[sflag:s0] =	ssyncset.done $0x0  }
0x179: {  	s28 =	rddreg [dreg:$0xc];
	[sflag:s0] =	ssyncadd.s32 $0xFFFFD800  }
0x17a: {  	[hbm4b:s28+s3] =	stream.linear.scatter [tilespmem:s31], [sflag:$0x11], $0x2800, $0x38;
	[tilespmem:$0x1DC80] =	vst v63  }
0x17b: {  	_ =	swait.ge [sflag:s0], $0x2800  }
0x17c: {  	[sflag:s0] =	ssyncset.done $0x0  }
0x17d: {  	s22 =	rddreg [dreg:$0x15];
	[sflag:s0] =	ssyncadd.s32 $0xFFFFD800  }
0x17e: {  	[tilespmem:s31], [sflag:$0x11] =	stream.linear.gather [spmem:s22], $0x2800, $0x38;
	[tilespmem:$0x1DC80] =	vst v63  }
0x17f: {  	_ =	swait.ge [sflag:s0], $0x2800  }
0x180: {  	[sflag:s0] =	ssyncset.done $0x0  }
0x181: {  	s29 =	rddreg [dreg:$0xd];
	[sflag:s0] =	ssyncadd.s32 $0xFFFFD800  }
0x182: {  	[hbm4b:s29+s3] =	stream.linear.scatter [tilespmem:s31], [sflag:$0x11], $0x2800, $0x38;
	[tilespmem:$0x1DC80] =	vst v63  }
0x183: {  	_ =	swait.ge [sflag:s0], $0x2800  }
0x184: {  	s4 =	simm.s32 @!p0 $0x400;
	[sflag:s0] =	ssyncset.done $0x0  }
0x185: {  	s5 =	simm.s32 @!p0 $0x11;
	s23 =	rddreg [dreg:$0x16];
	[sflag:s0] =	ssyncadd.s32 $0xFFFFD800  }
0x186: {  	[tilespmem:s4], [sflag:$0x11] =	stream.linear.gather @!p0 [spmem:s23], $0x2800, $0x38;
	[tilespmem:$0x1DC80] =	vst v63  }
0x187: {  	_ =	swait.ge @!p0 [sflag:s5], $0x2800  }
0x188: {  	[sflag:s5] =	ssyncset.done @!p0 $0x0  }
0x189: {  	s8 =	simm.s32 @!p0 $0x0;
	s9 =	rddreg [dreg:$0xe];
	[sflag:s5] =	ssyncadd.s32 @!p0 $0xFFFFD800  }
0x18a: {  	[hbm4b:s9+s8] =	stream.linear.scatter @!p0 [tilespmem:s4], [sflag:$0x11], $0x2800, $0x38;
	[tilespmem:$0x1DC80] =	vst v63  }
0x18b: {  	_ =	swait.ge @!p0 [sflag:s5], $0x2800  }
0x18c: {  	s13 =	sadd.s32 $0x1, s13;
	s14 =	smov.u32 s30;
	s30 =	rddreg [dreg:$0x19]  }
0x18d: {  	p1 =	sne.s32 s13, s30  }
.Ltmp1:
0x18e: {  	_ = 	snop;
	(pc) =	sbr.rel @p1 .LBB2_1-.Ltmp1, $3  }
0x18f: {  	_ =	sdelay $0x1  }
0x190: {  	[sflag:s5] =	ssyncset.done @!p0 $0x0  }
0x191: {  	[sflag:s5] =	ssyncadd.s32 @!p0 $0xFFFFD800  }
0x192: {  	_ =	sfence.sel $0x180000  }
0x193: {  	[bflag:$0x0] =	sbarrier.arrive $0xFFFF  }
0x194: {  	_ =	strace $0x9000004D  }
0x195: {  	s0 =	stileid.u32;
	[bflag:$0x2] =	sbarrier.arrive $0xFFFF  }
0x196: {  	p0 =	sne.s32 s0, $0x0;
	s0 =	rddreg [dreg:$0x3]  }
0x197: {  	s0 =	sadd.s32 @!p0 $0x100000, s0  }
0x198: {  	[sflag:s0] =	ssyncadd.tile.s32 @!p0 $0x1;
	_ =	shalt  }
.Lfunc_end2:
_tile_overlayer_lowered:
.L_overlay_start_2:
0x199: {  	(tag) =	ssettag $0x2  }
0x19a: {  	s0 =	rddreg [dreg:$0x0];
	s2 =	stileid.u32  }
0x19b: {  	s1 =	rddreg [dreg:$0x1];
	p0 =	sne.s32 s2, $0x0  }
0x19c: {  	s3 =	rddreg [dreg:$0x2];
	[bflag:$0x3] =	sbarrier.arrive $0xFFFF;
	s2 =	simm.s32 @!p0 $0x1C11  }
0x19d: {  	[timem:s3], [sflag:s2] =	dma.local @!p0 [hbm:s0], s1  }
0x19e: {  	s0 =	simm.s32 @!p0 $0x11  }
0x19f: {  	_ =	swait.ge @!p0 [sflag:s0], s1  }
0x1a0: {  	s1 =	ssub.s32 @!p0 $0x0, s1;
	[sflag:s0] =	ssyncset.done @!p0 $0x0  }
0x1a1: {  	[sflag:s0] =	ssyncadd.s32 @!p0 s1  }
0x1a2: {  	[bflag:$0x3] =	sbarrier.arrive $0xFFFF  }
0x1a3: {  	_ =	shalt  }

// kernel: kernel.9.cloned.1.call-start
scs
__scs_entry_jumppad:
0x0: {  	(pc) =	sbr.rel $0x88, $3  }
0x1: {  	(tag) =	ssettag $0x0;
	lr =	simm.s32 $0x1  }
0x2: {  	[smem:$0x3F99] =	sst lr;
	_ =	strace $0xD0000000  }
0x3: {  	_ = 	snop  }
0x4: {  	_ = 	snop  }
0x5: {  	_ = 	snop  }
0x6: {  	_ = 	snop  }
0x7: {  	_ = 	snop  }
__scs_overlays_trampoline_lowered:
0x8: {  	[smem:$0x3FA8] =	sst s0  }
0x9: {  	[smem:$0x3FA9] =	sst s1  }
0xa: {  	[smem:$0x3FAA] =	sst s2  }
0xb: {  	[smem:$0x3FAB] =	sst s3  }
0xc: {  	[smem:$0x3FAC] =	sst s4  }
0xd: {  	[smem:$0x3FAD] =	sst s5  }
0xe: {  	[smem:$0x3FAE] =	sst s6  }
0xf: {  	[smem:$0x3FAF] =	sst s7  }
0x10: {  	[smem:$0x3FB0] =	sst s8  }
0x11: {  	[smem:$0x3FB1] =	sst s9;
	s0 =	simm.s32 @!p0 $0x0  }
0x12: {  	s1 =	sld [smem:$0x3F97];
	s0 =	simm.s32 @p0 $0x1  }
0x13: {  	[smem:$0x3FB2] =	sst s0;
	s0 =	simm.s32 @!p1 $0x0  }
0x14: {  	s2 =	sld [smem:$0x3F96];
	s0 =	simm.s32 @p1 $0x1  }
0x15: {  	[smem:$0x3FB3] =	sst s0;
	s0 =	simm.s32 @!p2 $0x0  }
0x16: {  	s3 =	sld [smem:$0x3FDB];
	s0 =	simm.s32 @p2 $0x1  }
0x17: {  	s4 =	simm.s32 $0x1BF5;
	[smem:$0x3FB5] =	sst s0  }
0x18: {  	s0 =	sld [smem:$0x3F98];
	_ =	swait.ge [sflag:s4], $0x0  }
0x19: {  	s7 =	sld [smem:$0x3F99]  }
0x1a: {  	s8 =	sadd.s32 $0xFFFFE003, lr  }
0x1b: {  	s9 =	sadd.s32 $0xFFFFFEF7, lr;
	s5 =	simm.s32 $0xFFFFFFFF;
	p2 =	slt.u32 s8, $0xFFFFF086  }
0x1c: {  	p1 =	slt.u32 s9, $0xF7A;
	s5 =	simm.s32 @!p2 $0x0  }
0x1d: {  	s5 =	simm.s32 @p1 $0x1;
	p0 =	seq.s32 s7, s2  }
0x1e: {  	s7 =	smul.u32 @!p0 $0xF7A, s2;
	p2 =	seq.s32 @!p0 s5, $0x0  }
0x1f: {  	s9 =	smul.u32 $0xF7A, s1;
	s8 =	simm.s32 @!p0 $0x1BF5;
	p2 =	por !p2, p0  }
0x20: {  	[sflag:s8] =	ssyncset.s32 @!p0 $0xFFFFF086;
	s6 =	sadd.s32 @!p0 s3, s7;
	s7 =	simm.s32 @!p0 $0x108  }
0x21: {  	s3 =	sadd.s32 s3, s9;
	s6 =	sadd.s32 @!p0 $0x88, s6;
	s7 =	simm.s32 @p2 $0x1082  }
0x22: {  	[simem:s7], [sflag:s8] =	dma.local @!p0 [hbm:s6], $0xF7A  }
0x23: {  	s9 =	sor.u32 $0xD0000000, s2;
	s6 =	simm.s32 $0x108;
	_ =	swait.ge @!p0 [sflag:s8], $0x0  }
0x24: {  	s3 =	sadd.s32 $0x88, s3;
	s6 =	simm.s32 @!p1 $0x1082;
	[sflag:s4] =	ssyncset.s32 $0xFFFFF086  }
0x25: {  	[simem:s6], [sflag:s4] =	dma.local [hbm:s3], $0xF7A  }
0x26: {  	[smem:$0x3F99] =	sst s1;
	(tag) =	ssettag s2;
	_ =	strace s9  }
0x27: {  	s1 =	sld [smem:$0x3FA9]  }
0x28: {  	s2 =	sld [smem:$0x3FAA]  }
0x29: {  	s4 =	sld [smem:$0x3FAC]  }
0x2a: {  	p0 =	seq.s32 s5, $0x0;
	s5 =	sld [smem:$0x3FAD]  }
0x2b: {  	s6 =	sld [smem:$0x3FAE]  }
0x2c: {  	s7 =	sld [smem:$0x3FAF]  }
0x2d: {  	s3 =	simm.s32 $0x108;
	s8 =	sld [smem:$0x3FB0]  }
0x2e: {  	s3 =	simm.s32 @!p0 $0x1082;
	s9 =	sld [smem:$0x3FB1]  }
0x2f: {  	lr =	sadd.s32 s0, s3;
	s0 =	sld [smem:$0x3FA8]  }
0x30: {  	s3 =	sld [smem:$0x3FAB]  }
0x31: {  	[smem:$0x3FB4] =	sst s10  }
0x32: {  	s10 =	sld [smem:$0x3FB2];
	_ =	sdelay $0x3  }
0x33: {  	p0 =	seq.s32 s10, $0x1;
	s10 =	sld [smem:$0x3FB4];
	_ =	sdelay $0x3  }
0x34: {  	[smem:$0x3FB4] =	sst s10  }
0x35: {  	s10 =	sld [smem:$0x3FB3];
	_ =	sdelay $0x3  }
0x36: {  	p1 =	seq.s32 s10, $0x1;
	s10 =	sld [smem:$0x3FB4];
	_ =	sdelay $0x3  }
0x37: {  	[smem:$0x3FB4] =	sst s10  }
0x38: {  	s10 =	sld [smem:$0x3FB5]  }
0x39: {  	_ = 	snop;
	(pc) =	sbr.ind lr, $3  }
0x3a: {  	_ = 	snop  }
0x3b: {  	_ = 	snop  }
0x3c: {  	p2 =	seq.s32 s10, $0x1;
	s10 =	sld [smem:$0x3FB4]  }
0x3d: {  	_ =	shalt  }
0x3e: {  	_ =	shalt  }
0x3f: {  	_ =	shalt  }
0x40: {  	_ =	shalt  }
0x41: {  	_ =	shalt  }
0x42: {  	_ =	shalt  }
0x43: {  	_ =	shalt  }
0x44: {  	_ =	shalt  }
0x45: {  	_ =	shalt  }
0x46: {  	_ =	shalt  }
0x47: {  	_ =	shalt  }
0x48: {  	_ =	shalt  }
0x49: {  	_ =	shalt  }
0x4a: {  	_ =	shalt  }
0x4b: {  	_ =	shalt  }
0x4c: {  	_ =	shalt  }
0x4d: {  	_ =	shalt  }
0x4e: {  	_ =	shalt  }
0x4f: {  	_ =	shalt  }
0x50: {  	_ =	shalt  }
0x51: {  	_ =	shalt  }
0x52: {  	_ =	shalt  }
0x53: {  	_ =	shalt  }
0x54: {  	_ =	shalt  }
0x55: {  	_ =	shalt  }
0x56: {  	_ =	shalt  }
0x57: {  	_ =	shalt  }
0x58: {  	_ =	shalt  }
0x59: {  	_ =	shalt  }
0x5a: {  	_ =	shalt  }
0x5b: {  	_ =	shalt  }
0x5c: {  	_ =	shalt  }
0x5d: {  	_ =	shalt  }
0x5e: {  	_ =	shalt  }
0x5f: {  	_ =	shalt  }
0x60: {  	_ =	shalt  }
0x61: {  	_ =	shalt  }
0x62: {  	_ =	shalt  }
0x63: {  	_ =	shalt  }
0x64: {  	_ =	shalt  }
0x65: {  	_ =	shalt  }
0x66: {  	_ =	shalt  }
0x67: {  	_ =	shalt  }
0x68: {  	_ =	shalt  }
0x69: {  	_ =	shalt  }
0x6a: {  	_ =	shalt  }
0x6b: {  	_ =	shalt  }
0x6c: {  	_ =	shalt  }
0x6d: {  	_ =	shalt  }
0x6e: {  	_ =	shalt  }
0x6f: {  	_ =	shalt  }
0x70: {  	_ =	shalt  }
0x71: {  	_ =	shalt  }
0x72: {  	_ =	shalt  }
0x73: {  	_ =	shalt  }
0x74: {  	_ =	shalt  }
0x75: {  	_ =	shalt  }
0x76: {  	_ =	shalt  }
0x77: {  	_ =	shalt  }
0x78: {  	_ =	shalt  }
0x79: {  	_ =	shalt  }
0x7a: {  	_ =	shalt  }
0x7b: {  	_ =	shalt  }
0x7c: {  	_ =	shalt  }
0x7d: {  	_ =	shalt  }
0x7e: {  	_ =	shalt  }
0x7f: {  	_ =	shalt  }
0x80: {  	_ =	shalt  }
0x81: {  	_ =	shalt  }
0x82: {  	_ =	shalt  }
0x83: {  	_ =	shalt  }
0x84: {  	_ =	shalt  }
0x85: {  	_ =	shalt  }
0x86: {  	_ =	shalt  }
0x87: {  	_ =	shalt  }
.Lfunc_end0:
.L_simem_size_0:
called_computation_lowered:
.L_overlay_start_0:
0x88: {  	s2 =	sld [smem:$0x3FD9]  }
0x89: {  	s3 =	sld [smem:$0x3FFE];
	_ =	sdelay $0x1  }
0x8a: {  	s1 =	srdreg.scid  }
0x8b: {  	s0 =	sand.u32 $0x1, s1  }
0x8c: {  	s17 =	sshll.u32 s0, $0xA;
	s2 =	sadd.s32 s3, s2  }
0x8d: {  	s2 =	sadd.s32 s2, s17  }
0x8e: {  	[smem:$0x3FC0] =	sst s2  }
0x8f: {  	_ = 	snop  }
0x90: {  	(tm) =	ssettm $0x1  }
0x91: {  	s18 =	sld [smem:$0x3FFB];
	_ =	sdelay $0x3  }
0x92: {  	_ =	strace s18  }
0x93: {  	s2 =	sld [smem:$0x3FFC];
	_ =	sdelay $0x3  }
0x94: {  	_ =	strace s2  }
0x95: {  	s2 =	sld [smem:$0x3FFD];
	_ =	sdelay $0x3  }
0x96: {  	_ =	strace s2  }
0x97: {  	_ =	strace $0x8FFFFFFF  }
0x98: {  	s19 =	sld [smem:$0x3FDB];
	_ =	sdelay $0x1  }
0x99: {  	s20 =	simm.s32 $_scs_section_size  }
0x9a: {  	s4 =	simm.s32 $_size__tile_overlayer_lowered;
	s5 =	simm.s32 $_tile_overlayer_lowered  }
0x9b: {  	s6 =	simm.s32 $0x1BFF;
	s21 =	sshll.u32 s5, $0x1;
	s3 =	sadd.s32 s20, s19  }
0x9c: {  	s22 =	simm.s32 $0x0;
	s4 =	sshll.u32 s4, $0x1;
	s5 =	sadd.s32 s21, s3  }
0x9d: {  	[timem:s22], [sflag:s6] =	dma.local [hbm:s5], s4  }
0x9e: {  	_ =	swait.ge [sflag:s6], s4  }
0x9f: {  	s4 =	ssub.s32 $0x0, s4;
	[sflag:s6] =	ssyncset.done $0x0  }
0xa0: {  	[sflag:s6] =	ssyncadd.s32 s4;
	_ =	sdelay $0x1  }
0xa1: {  	s23 =	simm.s32 $0x1B8B  }
0xa2: {  	_ =	swait.ge [sflag:s23], $0x1  }
0xa3: {  	[sflag:s23] =	ssyncset.done $0x0  }
0xa4: {  	[sflag:s23] =	ssyncadd.s32 $0xFFFFFFFF  }
0xa5: {  	s4 =	sld [smem:$0x0]  }
0xa6: {  	s5 =	sand.u32 $0xFFFFFFFE, s1  }
0xa7: {  	p0 =	sne.s32 s1, s5  }
0xa8: {  	s5 =	sshll.u32 @p0 s5, $0xE  }
0xa9: {  	s5 =	sadd.s32 @p0 $0x11B8D, s5;
	s6 =	sshll.u32 @p0 s4, $0x11  }
0xaa: {  	s5 =	sor.u32 @p0 s6, s5  }
0xab: {  	[sflag:s5] =	ssyncadd.remote.s32 @p0 $0x1;
	_ =	sdelay $0x1  }
0xac: {  	s5 =	simm.s32 @p0 $0x1B8D  }
0xad: {  	_ =	swait.eq @p0 [sflag:s5], $0x1  }
0xae: {  	[sflag:s5] =	ssyncadd.s32 @p0 $0xFFFFFFFF  }
0xaf: {  	s6 =	sshll.u32 @!p0 s1, $0xE  }
0xb0: {  	s6 =	sor.u32 @!p0 $0x4000, s6;
	s5 =	simm.s32 @!p0 $0x1B8D  }
0xb1: {  	s4 =	sshll.u32 @!p0 s4, $0x11;
	s6 =	sadd.s32 @!p0 $0x11B8D, s6;
	_ =	swait.eq @!p0 [sflag:s5], $0x1  }
0xb2: {  	s4 =	sor.u32 @!p0 s4, s6;
	[sflag:s5] =	ssyncadd.s32 @!p0 $0xFFFFFFFF  }
0xb3: {  	s25 =	simm.s32 $0x1B8E;
	s24 =	sld [smem:$0x3FFE];
	[sflag:s4] =	ssyncadd.remote.s32 @!p0 $0x1  }
0xb4: {  	s26 =	simm.s32 $execute0_lowered;
	[smem:$0x3FD2] =	sst s25  }
0xb5: {  	s5 =	sshll.u32 s26, $0x1;
	_ =	strace $0x80000049;
	[dreg:$0x1] =	wrdreg $0xFFFFFFFF  }
0xb6: {  	s28 =	simm.s32 $_size_execute0_lowered;
	s3 =	sadd.s32 s3, s5;
	[dreg:$0x0] =	wrdreg $0x0  }
0xb7: {  	s5 =	sshll.u32 s28, $0x1;
	[dreg:$0x2] =	wrdreg s3  }
0xb8: {  	[dreg:$0x3] =	wrdreg s5  }
0xb9: {  	[dreg:$0x4] =	wrdreg $0xC0  }
0xba: {  	_ =	task [dreg:s22], $0x5FFFF  }
0xbb: {  	[dreg:$0x1] =	wrdreg $0xFFFFFFFF  }
0xbc: {  	[dreg:$0x0] =	wrdreg $0x60  }
0xbd: {  	[dreg:$0x2] =	wrdreg s24  }
0xbe: {  	[dreg:$0x3] =	wrdreg $0x2A000  }
0xbf: {  	[dreg:$0x4] =	wrdreg $0x9  }
0xc0: {  	_ =	task.clear_ibuf [dreg:s22], $0x5FFFF;
	_ =	strace $0x90000049  }
0xc1: {  	s29 =	simm.s32 $0x9;
	_ =	strace $0x8000004B  }
0xc2: {  	_ =	swait.ge [sflag:s29], $0x1  }
0xc3: {  	[sflag:s29] =	ssyncadd.s32 $0xFFFFFFFF  }
0xc4: {  	_ =	strace $0x9000004B  }
0xc5: {  	_ =	sfence  }
0xc6: {  	s30 =	sld [smem:$0x0];
	_ =	sdelay $0x2  }
0xc7: {  	s31 =	sshll.u32 s1, $0xD;
	s1 =	sshrl.u32 s1, $0x2  }
0xc8: {  	s4 =	sand.u32 $0x4000, s31;
	s1 =	sadd.s32 s1, s30  }
0xc9: {  	s0 =	sor.u32 s4, s0;
	s1 =	sshll.u32 s1, $0x11  }
0xca: {  	s0 =	sor.u32 s1, s0  }
0xcb: {  	s0 =	sadd.s32 $0x8F2B, s0  }
0xcc: {  	[sflag:s0] =	ssyncadd.remote.s32 $0x1  }
0xcd: {  	_ =	sfence.sel $0xFFFF  }
0xce: {  	[dreg:$0x0] =	wrdreg $0xFFFFFFFF;
	(pc) =	sbr.abs _section_cstart, $3  }
0xcf: {  	[dreg:$0x1] =	wrdreg $0xFFFFFFFF  }
0xd0: {  	_ =	task.clear_ibuf [dreg:s22], $0x2FFFF;
	_ =	strace $0x9FFFFFFF  }
0xd1: {  	(tm) =	ssettm $0x7FFFFFFF  }
tec
execute0_lowered:
.L_overlay_start_1:
0x0: {  	(tag) =	ssettag $0x1  }
0x1: {  	s0 =	rddreg [dreg:$0x0]  }
0x2: {  	s1 =	rddreg [dreg:$0x1]  }
0x3: {  	s2 =	simm.s32 $0x0;
	s3 =	srdreg.scid;
	s12 =	stileid.u32  }
0x4: {  	[smem:$0x7FF] =	sst s2;
	s13 =	sand.u32 $0x1, s3;
	s4 =	sadd.s32 $0x2400, s0  }
0x5: {  	s6 =	sor.u32 $0x10, s12;
	s19 =	smul.u32 $0x28, s12;
	s7 =	sor.u32 $0x20, s12  }
0x6: {  	s9 =	sor.u32 $0x30, s12;
	s8 =	sor.u32 $0x40, s12;
	s18 =	smul.u32 $0x1388, s12  }
0x7: {  	_ =	strace $0x8000004A;
	s22 =	smul.u32 $0x2710, s13;
	[smem:$0x7F1] =	sst s6  }
0x8: {  	s20 =	sor.u32 $0x50, s12;
	[smem:$0x7F2] =	sst s7;
	s15 =	smul.u32 $0x28, s6  }
0x9: {  	s21 =	sor.u32 $0x60, s12;
	[smem:$0x7F3] =	sst s9;
	s16 =	smul.u32 $0x28, s7  }
0xa: {  	s10 =	sor.u32 $0x80, s12;
	[smem:$0x7F4] =	sst s8;
	s17 =	smul.u32 $0x13880, s13  }
0xb: {  	s3 =	ssub.s32 $0x2, s13;
	[smem:$0x7F5] =	sst s20;
	s11 =	smul.u32 $0x28, s8  }
0xc: {  	[smem:$0x7F6] =	sst s21;
	s20 =	smul.u32 $0x28, s20;
	s5 =	sshrl.u32 s3, $0x1  }
0xd: {  	[smem:$0x7F8] =	sst s10;
	s21 =	smul.u32 $0x28, s21;
	s3 =	ssub.s32 s3, s5  }
0xe: {  	s23 =	sadd.s32 s19, s22;
	s19 =	smul.u32 $0x28, s9;
	s24 =	sadd.s32 s22, s15  }
0xf: {  	s14 =	sadd.s32 s18, s17;
	s25 =	sadd.s32 s22, s16;
	s28 =	sadd.s32 s22, s11  }
0x10: {  	s29 =	sadd.s32 s22, s20;
	s30 =	sadd.s32 s22, s21;
	s21 =	sor.u32 $0xE0, s12  }
0x11: {  	[smem:$0x7FB] =	sst s3;
	s3 =	sor.u32 $0x70, s12;
	s17 =	sadd.s32 $0xC8, s14  }
0x12: {  	[smem:$0x7F7] =	sst s3;
	s26 =	sadd.s32 s22, s19;
	s0 =	smul.u32 $0x28, s3  }
0x13: {  	s18 =	sshrl.u32 s17, $0x3;
	s19 =	sadd.s32 $0x78, s14;
	s3 =	smul.u32 $0x28, s10  }
0x14: {  	s17 =	sor.u32 $0xB0, s12;
	s15 =	sadd.s32 s18, s4;
	s16 =	sshrl.u32 s19, $0x3  }
0x15: {  	s18 =	sor.u32 $0xC0, s12;
	s20 =	smul.u32 $0x28, s17;
	s19 =	sor.u32 $0xD0, s12  }
0x16: {  	[dreg:$0x6] =	wrdreg s15;
	s16 =	sadd.s32 s16, s4;
	s15 =	sor.u32 $0x90, s12  }
0x17: {  	s31 =	sadd.s32 s22, s0;
	s10 =	sadd.s32 s22, s3;
	s7 =	smul.u32 $0x28, s18  }
0x18: {  	s0 =	sadd.s32 $0x50, s14;
	[dreg:$0x5] =	wrdreg s16;
	s16 =	sor.u32 $0xA0, s12  }
0x19: {  	s5 =	smul.u32 $0x28, s15;
	s8 =	sadd.s32 s22, s20;
	s20 =	sor.u32 $0xF0, s12  }
0x1a: {  	s0 =	sshrl.u32 s0, $0x3;
	s6 =	smul.u32 $0x28, s16;
	s7 =	sadd.s32 s22, s7  }
0x1b: {  	s3 =	smul.u32 $0x28, s20;
	s0 =	sadd.s32 s0, s4;
	s11 =	sadd.s32 s22, s5  }
0x1c: {  	s5 =	smul.u32 $0x28, s21;
	[dreg:$0x3] =	wrdreg s0;
	s0 =	sshll.u32 s23, $0x4  }
0x1d: {  	s23 =	sshll.u32 s25, $0x4;
	s9 =	sadd.s32 s22, s6;
	s6 =	smul.u32 $0x28, s19  }
0x1e: {  	s25 =	rddreg [dreg:$0x0];
	s3 =	sadd.s32 s22, s3;
	s5 =	sadd.s32 s22, s5  }
0x1f: {  	s6 =	sadd.s32 s22, s6;
	s22 =	sshll.u32 s24, $0x4;
	s24 =	sadd.s32 $0x60400, s25  }
0x20: {  	s0 =	sadd.s32 s24, s0  }
0x21: {  	s22 =	sadd.s32 s24, s22;
	[dreg:$0x7] =	wrdreg s0  }
0x22: {  	s10 =	sshll.u32 s10, $0x4;
	s23 =	sadd.s32 s24, s23;
	[dreg:$0x8] =	wrdreg s22  }
0x23: {  	s10 =	sadd.s32 s24, s10;
	[dreg:$0x9] =	wrdreg s23;
	s22 =	sshll.u32 s26, $0x4  }
0x24: {  	s23 =	sshll.u32 s28, $0x4;
	[dreg:$0xf] =	wrdreg s10;
	s0 =	sadd.s32 s24, s22  }
0x25: {  	s26 =	sshll.u32 s29, $0x4;
	s22 =	sadd.s32 s24, s23;
	[dreg:$0xa] =	wrdreg s0  }
0x26: {  	s26 =	sadd.s32 s24, s26;
	s23 =	sshll.u32 s31, $0x4;
	[dreg:$0xb] =	wrdreg s22  }
0x27: {  	s9 =	sshll.u32 s9, $0x4;
	[dreg:$0xc] =	wrdreg s26;
	s26 =	sadd.s32 s24, s23  }
0x28: {  	s5 =	sshll.u32 s5, $0x4;
	s23 =	sadd.s32 s24, s9;
	[dreg:$0xe] =	wrdreg s26  }
0x29: {  	s9 =	sadd.s32 s24, s5;
	[dreg:$0x11] =	wrdreg s23  }
0x2a: {  	[dreg:$0x15] =	wrdreg s9  }
0x2b: {  	s22 =	sshll.u32 s30, $0x4;
	s23 =	sld [smem:$0x7F1]  }
0x2c: {  	s8 =	sshll.u32 s8, $0x4;
	s0 =	sadd.s32 s24, s22;
	s9 =	sld [smem:$0x7F4]  }
0x2d: {  	s6 =	sshll.u32 s6, $0x4;
	s26 =	sadd.s32 s24, s8;
	[dreg:$0xd] =	wrdreg s0  }
0x2e: {  	s8 =	sadd.s32 s24, s6;
	[dreg:$0x12] =	wrdreg s26  }
0x2f: {  	s22 =	sshll.u32 s11, $0x4;
	[dreg:$0x14] =	wrdreg s8  }
0x30: {  	s0 =	sadd.s32 s24, s22;
	s8 =	sld [smem:$0x7F3]  }
0x31: {  	s22 =	simm.s32 $0x28;
	[dreg:$0x10] =	wrdreg s0  }
0x32: {  	s26 =	sadd.s32 $0x60000, s25;
	[dreg:$0x4] =	wrdreg s22  }
0x33: {  	s7 =	sshll.u32 s7, $0x4;
	[dreg:$0x17] =	wrdreg s26  }
0x34: {  	s16 =	smul.u32 $0x5000, s16;
	s0 =	sadd.s32 s24, s7;
	s26 =	sld [smem:$0x7F6]  }
0x35: {  	s10 =	sshll.u32 s3, $0x4;
	s11 =	smul.u32 $0x5000, s12;
	[dreg:$0x13] =	wrdreg s0  }
0x36: {  	s7 =	sadd.s32 $0x5FC00, s25;
	s0 =	sadd.s32 s24, s10;
	s24 =	sld [smem:$0x7F2]  }
0x37: {  	[dreg:$0x18] =	wrdreg s7;
	s6 =	smul.u32 $0x5000, s9  }
0x38: {  	s3 =	sshrl.u32 s11, $0x2;
	[dreg:$0x16] =	wrdreg s0;
	s0 =	smul.u32 $0x5000, s23  }
0x39: {  	s22 =	sadd.s32 s3, s1;
	s10 =	sld [smem:$0x7F5];
	s3 =	smul.u32 $0x5000, s8  }
0x3a: {  	s7 =	sld [smem:$0x7F7];
	s11 =	sshrl.u32 s6, $0x2;
	s6 =	smul.u32 $0x5000, s26  }
0x3b: {  	s9 =	sld [smem:$0x7F8];
	s5 =	smul.u32 $0x5000, s24;
	s0 =	sshrl.u32 s0, $0x2  }
0x3c: {  	s3 =	sshrl.u32 s3, $0x2;
	s23 =	sadd.s32 s0, s1;
	s0 =	smul.u32 $0x5000, s10  }
0x3d: {  	s25 =	sadd.s32 s3, s1;
	s3 =	smul.u32 $0x5000, s7  }
0x3e: {  	s26 =	sadd.s32 s11, s1;
	s8 =	sshrl.u32 s6, $0x2;
	s6 =	smul.u32 $0x5000, s9  }
0x3f: {  	s10 =	smul.u32 $0x5000, s15;
	s9 =	sshrl.u32 s16, $0x2;
	s5 =	sshrl.u32 s5, $0x2  }
0x40: {  	s29 =	sadd.s32 s8, s1;
	s24 =	sadd.s32 s5, s1;
	s0 =	sshrl.u32 s0, $0x2  }
0x41: {  	s11 =	sshrl.u32 s3, $0x2;
	s8 =	sshrl.u32 s10, $0x2;
	s10 =	smul.u32 $0x5000, s18  }
0x42: {  	s15 =	sshrl.u32 s6, $0x2;
	s28 =	sadd.s32 s0, s1;
	s0 =	smul.u32 $0x5000, s17  }
0x43: {  	s3 =	sadd.s32 s9, s1;
	s31 =	sadd.s32 s15, s1;
	s15 =	smul.u32 $0x5000, s19  }
0x44: {  	s18 =	sshll.u32 s13, $0x4;
	s30 =	sadd.s32 s11, s1;
	s17 =	smul.u32 $0x5000, s21  }
0x45: {  	s11 =	sadd.s32 s8, s1;
	s19 =	smul.u32 $0x5000, s20;
	s7 =	sor.u32 s12, s18  }
0x46: {  	[dreg:$0x1a] =	wrdreg s3;
	s21 =	smov.u32 s11;
	s8 =	sshrl.u32 s10, $0x2  }
0x47: {  	s20 =	smul.u32 $0x1388, s7;
	s16 =	sshrl.u32 s0, $0x2;
	s9 =	sshrl.u32 s15, $0x2  }
0x48: {  	s5 =	sadd.s32 s8, s1;
	s15 =	sshrl.u32 s19, $0x2;
	s19 =	sld [smem:$0x7FB]  }
0x49: {  	[dreg:$0x19] =	wrdreg s21;
	s0 =	sadd.s32 s16, s1;
	s16 =	sadd.s32 $0x28, s20  }
0x4a: {  	s13 =	sshrl.u32 s20, $0x3;
	s20 =	sadd.s32 $0xA0, s14;
	[dreg:$0x1c] =	wrdreg s5  }
0x4b: {  	[smem:$0x7FD] =	sst s20  }
0x4c: {  	s10 =	sshrl.u32 s17, $0x2;
	s6 =	sadd.s32 s9, s1;
	[dreg:$0x1b] =	wrdreg s0  }
0x4d: {  	p0 =	sgt.u32 s12, $0x9;
	s7 =	sadd.s32 s10, s1;
	[dreg:$0x1d] =	wrdreg s6  }
0x4e: {  	s8 =	sadd.s32 s15, s1;
	s15 =	simm.s32 $0x1600;
	[dreg:$0x1e] =	wrdreg s7  }
0x4f: {  	s11 =	sshrl.u32 s16, $0x3;
	s17 =	sadd.s32 s4, s13;
	[dreg:$0x1f] =	wrdreg s8  }
0x50: {  	s16 =	simm.s32 $0x9;
	[smem:$0x7F9] =	sst s17;
	s18 =	sadd.s32 s4, s11  }
0x51: {  	s9 =	smax.u32 s19, $0x1;
	s17 =	simm.s32 $0x200;
	[smem:$0x7FA] =	sst s18  }
0x52: {  	s11 =	simm.s32 $0x0;
	[smem:$0x7FC] =	sst s9;
	s18 =	simm.s32 $0x1  }
.LBB2_1:
0x53: {  	s12 =	rddreg [dreg:$0x18]  }
0x54: {  	[tilespmem:s15], [sflag:$0x9] =	stream.linear.gather [hbm4b:s12+s2], $0x1400, $0x38;
	[tilespmem:$0x16280] =	vst v63  }
0x55: {  	_ =	swait.ge [sflag:s16], $0x1400  }
0x56: {  	[sflag:s16] =	ssyncset.done $0x0  }
0x57: {  	[sflag:s16] =	ssyncadd.s32 $0xFFFFEC00  }
0x58: {  	[spmem:s22] =	stream.linear.scatter [tilespmem:s15], [sflag:$0x9], $0x1400, $0x38;
	[tilespmem:$0x16280] =	vst v63  }
0x59: {  	_ =	swait.ge [sflag:s16], $0x1400  }
0x5a: {  	[sflag:s16] =	ssyncset.done $0x0  }
0x5b: {  	[sflag:s16] =	ssyncadd.s32 $0xFFFFEC00  }
0x5c: {  	[spmem:s23] =	stream.linear.scatter [tilespmem:s15], [sflag:$0x9], $0x1400, $0x38;
	[tilespmem:$0x16280] =	vst v63  }
0x5d: {  	_ =	swait.ge [sflag:s16], $0x1400  }
0x5e: {  	[sflag:s16] =	ssyncset.done $0x0  }
0x5f: {  	[sflag:s16] =	ssyncadd.s32 $0xFFFFEC00  }
0x60: {  	[spmem:s24] =	stream.linear.scatter [tilespmem:s15], [sflag:$0x9], $0x1400, $0x38;
	[tilespmem:$0x16280] =	vst v63  }
0x61: {  	_ =	swait.ge [sflag:s16], $0x1400  }
0x62: {  	[sflag:s16] =	ssyncset.done $0x0  }
0x63: {  	[sflag:s16] =	ssyncadd.s32 $0xFFFFEC00  }
0x64: {  	[spmem:s25] =	stream.linear.scatter [tilespmem:s15], [sflag:$0x9], $0x1400, $0x38;
	[tilespmem:$0x16280] =	vst v63  }
0x65: {  	_ =	swait.ge [sflag:s16], $0x1400  }
0x66: {  	[sflag:s16] =	ssyncset.done $0x0  }
0x67: {  	[sflag:s16] =	ssyncadd.s32 $0xFFFFEC00  }
0x68: {  	[spmem:s26] =	stream.linear.scatter [tilespmem:s15], [sflag:$0x9], $0x1400, $0x38;
	[tilespmem:$0x16280] =	vst v63  }
0x69: {  	_ =	swait.ge [sflag:s16], $0x1400  }
0x6a: {  	[sflag:s16] =	ssyncset.done $0x0  }
0x6b: {  	[sflag:s16] =	ssyncadd.s32 $0xFFFFEC00  }
0x6c: {  	[spmem:s28] =	stream.linear.scatter [tilespmem:s15], [sflag:$0x9], $0x1400, $0x38;
	[tilespmem:$0x16280] =	vst v63  }
0x6d: {  	_ =	swait.ge [sflag:s16], $0x1400  }
0x6e: {  	[sflag:s16] =	ssyncset.done $0x0  }
0x6f: {  	[sflag:s16] =	ssyncadd.s32 $0xFFFFEC00  }
0x70: {  	[spmem:s29] =	stream.linear.scatter [tilespmem:s15], [sflag:$0x9], $0x1400, $0x38;
	[tilespmem:$0x16280] =	vst v63  }
0x71: {  	_ =	swait.ge [sflag:s16], $0x1400  }
0x72: {  	[sflag:s16] =	ssyncset.done $0x0  }
0x73: {  	[sflag:s16] =	ssyncadd.s32 $0xFFFFEC00  }
0x74: {  	[spmem:s30] =	stream.linear.scatter [tilespmem:s15], [sflag:$0x9], $0x1400, $0x38;
	[tilespmem:$0x16280] =	vst v63  }
0x75: {  	_ =	swait.ge [sflag:s16], $0x1400  }
0x76: {  	[sflag:s16] =	ssyncset.done $0x0  }
0x77: {  	[sflag:s16] =	ssyncadd.s32 $0xFFFFEC00  }
0x78: {  	[spmem:s31] =	stream.linear.scatter [tilespmem:s15], [sflag:$0x9], $0x1400, $0x38;
	[tilespmem:$0x16280] =	vst v63  }
0x79: {  	_ =	swait.ge [sflag:s16], $0x1400  }
0x7a: {  	[sflag:s16] =	ssyncset.done $0x0  }
0x7b: {  	[sflag:s16] =	ssyncadd.s32 $0xFFFFEC00  }
0x7c: {  	[spmem:s21] =	stream.linear.scatter [tilespmem:s15], [sflag:$0x9], $0x1400, $0x38;
	[tilespmem:$0x16280] =	vst v63  }
0x7d: {  	_ =	swait.ge [sflag:s16], $0x1400  }
0x7e: {  	s13 =	smov.u32 s0;
	[sflag:s16] =	ssyncset.done $0x0  }
0x7f: {  	s0 =	smov.u32 s22;
	s22 =	smov.u32 s3;
	[sflag:s16] =	ssyncadd.s32 $0xFFFFEC00  }
0x80: {  	[spmem:s22] =	stream.linear.scatter [tilespmem:s15], [sflag:$0x9], $0x1400, $0x38;
	[tilespmem:$0x16280] =	vst v63  }
0x81: {  	_ =	swait.ge [sflag:s16], $0x1400  }
0x82: {  	[sflag:s16] =	ssyncset.done $0x0  }
0x83: {  	[sflag:s16] =	ssyncadd.s32 $0xFFFFEC00  }
0x84: {  	[spmem:s13] =	stream.linear.scatter [tilespmem:s15], [sflag:$0x9], $0x1400, $0x38;
	[tilespmem:$0x16280] =	vst v63  }
0x85: {  	_ =	swait.ge [sflag:s16], $0x1400  }
0x86: {  	[sflag:s16] =	ssyncset.done $0x0  }
0x87: {  	s19 =	smov.u32 s5;
	[sflag:s16] =	ssyncadd.s32 $0xFFFFEC00  }
0x88: {  	[spmem:s19] =	stream.linear.scatter [tilespmem:s15], [sflag:$0x9], $0x1400, $0x38;
	[tilespmem:$0x16280] =	vst v63  }
0x89: {  	_ =	swait.ge [sflag:s16], $0x1400  }
0x8a: {  	[sflag:s16] =	ssyncset.done $0x0  }
0x8b: {  	s20 =	smov.u32 s6;
	[sflag:s16] =	ssyncadd.s32 $0xFFFFEC00  }
0x8c: {  	[spmem:s20] =	stream.linear.scatter [tilespmem:s15], [sflag:$0x9], $0x1400, $0x38;
	[tilespmem:$0x16280] =	vst v63  }
0x8d: {  	_ =	swait.ge [sflag:s16], $0x1400  }
0x8e: {  	[sflag:s16] =	ssyncset.done $0x0  }
0x8f: {  	s5 =	smov.u32 s24;
	s24 =	smov.u32 s7;
	[sflag:s16] =	ssyncadd.s32 $0xFFFFEC00  }
0x90: {  	[spmem:s24] =	stream.linear.scatter [tilespmem:s15], [sflag:$0x9], $0x1400, $0x38;
	[tilespmem:$0x16280] =	vst v63  }
0x91: {  	_ =	swait.ge [sflag:s16], $0x1400  }
0x92: {  	s12 =	simm.s32 @!p0 $0x1600;
	[sflag:s16] =	ssyncset.done $0x0  }
0x93: {  	s3 =	smov.u32 s23;
	s23 =	smov.u32 s8;
	[sflag:s16] =	ssyncadd.s32 $0xFFFFEC00  }
0x94: {  	[spmem:s23] =	stream.linear.scatter @!p0 [tilespmem:s12], [sflag:$0x9], $0x1400, $0x38;
	[tilespmem:$0x16280] =	vst v63  }
0x95: {  	s12 =	simm.s32 @!p0 $0x9  }
0x96: {  	_ =	swait.ge @!p0 [sflag:s12], $0x1400  }
0x97: {  	[sflag:s12] =	ssyncset.done @!p0 $0x0  }
0x98: {  	s6 =	smov.u32 s25;
	s25 =	rddreg [dreg:$0x17];
	[sflag:s12] =	ssyncadd.s32 @!p0 $0xFFFFEC00  }
0x99: {  	[tilespmem:s17], [sflag:$0x9] =	stream.linear.gather [hbm4b:s25+s2], $0x1400, $0x38;
	[tilespmem:$0x16280] =	vst v63  }
0x9a: {  	_ =	swait.ge [sflag:s16], $0x1400  }
0x9b: {  	[sflag:s16] =	ssyncset.done $0x0  }
0x9c: {  	[sflag:s16] =	ssyncadd.s32 $0xFFFFEC00  }
0x9d: {  	[bflag:$0x0] =	sbarrier.arrive $0xFFFF  }
0x9e: {  	p1 =	por $0x0, $0x0;
	s7 =	smov.u32 s26;
	s26 =	sld [smem:$0x7F9]  }
0x9f: {  	p2 =	por @!p1 $0x1, $0x1  }
0xa0: {  	s9 =	smov.u32 s29;
	p2 =	por p2, p1;
	s29 =	sld [smem:$0x7FA]  }
0xa1: {  	[tilespmem:s2], [sflag:$0x1] =	stream.linear.gather [hbm4b:s26+s2], $0x28, $0x38;
	[tilespmem:$0x16280] =	vst v63  }
0xa2: {  	s10 =	smov.u32 s30;
	s30 =	simm.s32 $0x80;
	s12 =	simm.s32 @!p2 $0x7  }
0xa3: {  	[tilespmem:s30], [sflag:$0x2] =	stream.linear.gather [hbm4b:s29+s2], $0x28, $0x38;
	[tilespmem:$0x16280] =	vst v63  }
0xa4: {  	_ =	swait.ge @!p2 [sflag:s12], $0x1400  }
0xa5: {  	[sflag:s12] =	ssyncset.done @!p2 $0x0  }
0xa6: {  	s19 =	simm.s32 @!p1 $0x100;
	s13 =	rddreg [dreg:$0x3];
	[sflag:s12] =	ssyncadd.s32 @!p2 $0xFFFFEC00  }
0xa7: {  	s12 =	simm.s32 @!p1 $0x0;
	s13 =	sadd.s32 @!p1 $0x0, s13;
	p2 =	por $0x0, $0x0  }
0xa8: {  	[tilespmem:s19], [sflag:$0x3] =	stream.linear.gather @!p1 [hbm4b:s13+s12], $0x28, $0x38;
	[tilespmem:$0x16280] =	vst v63  }
0xa9: {  	p3 =	por @!p2 $0x1, $0x1;
	_ =	swait.ge [sflag:s18], $0x28  }
0xaa: {  	s14 =	smov.u32 s31;
	p3 =	por p3, p2;
	[sflag:s18] =	ssyncset.done $0x0  }
0xab: {  	s31 =	rddreg [dreg:$0x4];
	s20 =	simm.s32 @!p3 $0x8;
	[sflag:s18] =	ssyncadd.s32 $0xFFFFFFD8  }
0xac: {  	[spmem:s1] =	stream.indirect.scatter.add.f32 [tilespmem:s17], [sflag:$0x5], $0x80, s2, s31, $0xb8;
	[tilespmem:$0x16280] =	vst v63  }
0xad: {  	s21 =	simm.s32 @!p2 $0x180;
	_ =	swait.ge @!p3 [sflag:s20], $0x1400  }
0xae: {  	s22 =	simm.s32 @!p2 $0x2;
	s13 =	rddreg [dreg:$0x5];
	[sflag:s20] =	ssyncset.done @!p3 $0x0  }
0xaf: {  	[sflag:s20] =	ssyncadd.s32 @!p3 $0xFFFFEC00;
	s20 =	simm.s32 @!p2 $0x0;
	s13 =	sadd.s32 @!p2 $0x0, s13  }
0xb0: {  	[tilespmem:s21], [sflag:$0x4] =	stream.linear.gather @!p2 [hbm4b:s13+s20], $0x28, $0x38;
	[tilespmem:$0x16280] =	vst v63  }
0xb1: {  	_ =	swait.ge @!p2 [sflag:s22], $0x28  }
0xb2: {  	s24 =	simm.s32 @!p2 $0x200;
	s25 =	simm.s32 @!p2 $0x28;
	[sflag:s22] =	ssyncset.done @!p2 $0x0  }
0xb3: {  	s13 =	simm.s32 @!p2 $0x80;
	s20 =	simm.s32 @!p1 $0x5;
	[sflag:s22] =	ssyncadd.s32 @!p2 $0xFFFFFFD8  }
0xb4: {  	[spmem:s1] =	stream.indirect.scatter.add.f32 @!p2 [tilespmem:s24], [sflag:$0x6], $0x80, s13, s25, $0xb8;
	[tilespmem:$0x16280] =	vst v63  }
0xb5: {  	_ =	swait.ge @!p1 [sflag:s20], $0x1400  }
0xb6: {  	s8 =	smov.u32 s28;
	s28 =	sld [smem:$0x7FD];
	_ =	sdelay $0x2  }
0xb7: {  	p3 =	por @!p2 $0x0, $0x0;
	[sflag:s20] =	ssyncset.done @!p1 $0x0;
	s13 =	sshrl.u32 @!p1 s28, $0x3  }
0xb8: {  	[sflag:s20] =	ssyncadd.s32 @!p1 $0xFFFFEC00;
	s20 =	simm.s32 @!p1 $0x3;
	s13 =	sadd.s32 @!p1 s4, s13  }
0xb9: {  	[tilespmem:s12], [sflag:$0x1] =	stream.linear.gather @!p1 [hbm4b:s13+s12], $0x28, $0x38;
	[tilespmem:$0x16280] =	vst v63  }
0xba: {  	p3 =	por p3, p2;
	_ =	swait.ge @!p1 [sflag:s20], $0x28  }
0xbb: {  	s26 =	simm.s32 @!p3 $0x80;
	[sflag:s20] =	ssyncset.done @!p1 $0x0  }
0xbc: {  	s12 =	simm.s32 @!p1 $0x200;
	s13 =	simm.s32 @!p1 $0x28;
	[sflag:s20] =	ssyncadd.s32 @!p1 $0xFFFFFFD8  }
0xbd: {  	[spmem:s1] =	stream.indirect.scatter.add.f32 @!p1 [tilespmem:s12], [sflag:$0x7], $0x80, s19, s13, $0xb8;
	[tilespmem:$0x16280] =	vst v63  }
0xbe: {  	s22 =	simm.s32 @!p3 $0x6;
	s20 =	simm.s32 $0x6;
	s12 =	simm.s32 $0x14  }
0xbf: {  	s19 =	simm.s32 $0x28;
	s13 =	simm.s32 $0x1;
	_ =	swait.ge @!p3 [sflag:s22], $0x1400  }
0xc0: {  	p1 =	por $0x0, $0x0;
	s23 =	rddreg [dreg:$0x6];
	[sflag:s22] =	ssyncset.done @!p3 $0x0  }
0xc1: {  	[sflag:s22] =	ssyncadd.s32 @!p3 $0xFFFFEC00;
	s22 =	simm.s32 @!p3 $0x0;
	s23 =	sadd.s32 @!p3 $0x0, s23  }
0xc2: {  	[tilespmem:s26], [sflag:$0x2] =	stream.linear.gather @!p3 [hbm4b:s23+s22], $0x28, $0x38;
	[tilespmem:$0x16280] =	vst v63  }
0xc3: {  	s22 =	sadd.s32 $0xA0, s28;
	p3 =	por @!p1 $0x0, $0x0;
	s28 =	simm.s32 @!p2 $0x4  }
0xc4: {  	p4 =	por p3, p1;
	s23 =	sshrl.u32 @!p1 s22, $0x3;
	_ =	swait.ge @!p2 [sflag:s28], $0x28  }
.LBB2_2:
0xc5: {  	[sflag:s28] =	ssyncset.done @!p2 $0x0  }
0xc6: {  	s29 =	simm.s32 @!p4 $0x7;
	[sflag:s28] =	ssyncadd.s32 @!p2 $0xFFFFFFD8  }
0xc7: {  	[spmem:s1] =	stream.indirect.scatter.add.f32 @!p2 [tilespmem:s24], [sflag:$0x8], $0x80, s21, s25, $0xb8;
	[tilespmem:$0x16280] =	vst v63  }
0xc8: {  	s26 =	smov.u32 s12;
	s28 =	simm.s32 @!p1 $0x100;
	_ =	swait.ge @!p4 [sflag:s29], $0x1400  }
0xc9: {  	p2 =	sgt.u32 s13, $0x1E;
	[sflag:s29] =	ssyncset.done @!p4 $0x0;
	s21 =	rddreg [dreg:$0x3]  }
0xca: {  	[sflag:s29] =	ssyncadd.s32 @!p4 $0xFFFFEC00;
	s29 =	simm.s32 @!p1 $0x0;
	s21 =	sadd.s32 @!p1 s26, s21  }
0xcb: {  	[tilespmem:s28], [sflag:$0x3] =	stream.linear.gather @!p1 [hbm4b:s21+s29], $0x28, $0x38;
	[tilespmem:$0x16280] =	vst v63  }
0xcc: {  	p4 =	seq.s32 @!p2 s26, $0x0;
	_ =	swait.ge [sflag:s18], $0x28  }
0xcd: {  	p5 =	por p4, p2;
	[sflag:s18] =	ssyncset.done $0x0  }
0xce: {  	s24 =	simm.s32 @!p5 $0x8;
	s31 =	rddreg [dreg:$0x4];
	[sflag:s18] =	ssyncadd.s32 $0xFFFFFFD8  }
0xcf: {  	[spmem:s1] =	stream.indirect.scatter.add.f32 [tilespmem:s17], [sflag:$0x5], $0x80, s2, s31, $0xb8;
	[tilespmem:$0x16280] =	vst v63  }
0xd0: {  	s30 =	simm.s32 @!p2 $0x2;
	_ =	swait.ge @!p5 [sflag:s24], $0x1400  }
0xd1: {  	s21 =	simm.s32 @!p2 $0x180;
	[sflag:s24] =	ssyncset.done @!p5 $0x0;
	s25 =	rddreg [dreg:$0x5]  }
0xd2: {  	[sflag:s24] =	ssyncadd.s32 @!p5 $0xFFFFEC00;
	s24 =	simm.s32 @!p2 $0x0;
	s25 =	sadd.s32 @!p2 s26, s25  }
0xd3: {  	[tilespmem:s21], [sflag:$0x4] =	stream.linear.gather @!p2 [hbm4b:s25+s24], $0x28, $0x38;
	[tilespmem:$0x16280] =	vst v63  }
0xd4: {  	_ =	swait.ge @!p2 [sflag:s30], $0x28  }
0xd5: {  	s31 =	simm.s32 @!p2 $0x80;
	s24 =	simm.s32 @!p2 $0x200;
	[sflag:s30] =	ssyncset.done @!p2 $0x0  }
0xd6: {  	s25 =	simm.s32 @!p2 $0x28;
	[sflag:s30] =	ssyncadd.s32 @!p2 $0xFFFFFFD8;
	s30 =	simm.s32 @!p1 $0x5  }
0xd7: {  	[spmem:s1] =	stream.indirect.scatter.add.f32 @!p2 [tilespmem:s24], [sflag:$0x6], $0x80, s31, s25, $0xb8;
	[tilespmem:$0x16280] =	vst v63  }
0xd8: {  	s12 =	smov.u32 s19;
	s19 =	sadd.s32 $0x14, s19;
	_ =	swait.ge @!p1 [sflag:s30], $0x1400  }
0xd9: {  	s23 =	sadd.s32 @!p1 s4, s23;
	s20 =	sadd.s32 $0x4, s20;
	[sflag:s30] =	ssyncset.done @!p1 $0x0  }
0xda: {  	s22 =	sadd.s32 $0xA0, s22;
	[sflag:s30] =	ssyncadd.s32 @!p1 $0xFFFFEC00;
	s30 =	simm.s32 @!p1 $0x3  }
0xdb: {  	[tilespmem:s29], [sflag:$0x1] =	stream.linear.gather @!p1 [hbm4b:s23+s29], $0x28, $0x38;
	[tilespmem:$0x16280] =	vst v63  }
0xdc: {  	p3 =	sne.s32 s19, $0x280;
	p4 =	seq.s32 @!p2 s26, $0x258;
	_ =	swait.ge @!p1 [sflag:s30], $0x28  }
0xdd: {  	s13 =	sadd.s32 $0x1, s13;
	p4 =	por p4, p2;
	[sflag:s30] =	ssyncset.done @!p1 $0x0  }
0xde: {  	s23 =	simm.s32 @!p1 $0x200;
	s29 =	simm.s32 @!p1 $0x28;
	[sflag:s30] =	ssyncadd.s32 @!p1 $0xFFFFFFD8  }
0xdf: {  	[spmem:s1] =	stream.indirect.scatter.add.f32 @!p1 [tilespmem:s23], [sflag:$0x7], $0x80, s28, s29, $0xb8;
	[tilespmem:$0x16280] =	vst v63  }
0xe0: {  	s30 =	simm.s32 @!p4 $0x6;
	s29 =	simm.s32 @!p4 $0x80;
	p1 =	sgt.u32 s20, $0x7C  }
.Ltmp0:
0xe1: {  	s28 =	simm.s32 @!p2 $0x4;
	_ =	swait.ge @!p4 [sflag:s30], $0x1400;
	(pc) =	sbr.rel @p3 .LBB2_2-.Ltmp0, $4  }
0xe2: {  	p5 =	seq.s32 @!p1 s12, $0x0;
	s23 =	rddreg [dreg:$0x6];
	[sflag:s30] =	ssyncset.done @!p4 $0x0  }
0xe3: {  	[sflag:s30] =	ssyncadd.s32 @!p4 $0xFFFFEC00;
	s30 =	simm.s32 @!p4 $0x0;
	s23 =	sadd.s32 @!p4 s26, s23  }
0xe4: {  	[tilespmem:s29], [sflag:$0x2] =	stream.linear.gather @!p4 [hbm4b:s23+s30], $0x28, $0x38;
	[tilespmem:$0x16280] =	vst v63  }
0xe5: {  	p4 =	por p5, p1;
	s23 =	sshrl.u32 @!p1 s22, $0x3;
	_ =	swait.ge @!p2 [sflag:s28], $0x28  }
0xe6: {  	[sflag:s28] =	ssyncset.done @!p2 $0x0  }
0xe7: {  	s19 =	simm.s32 @!p4 $0x7;
	[sflag:s28] =	ssyncadd.s32 @!p2 $0xFFFFFFD8  }
0xe8: {  	[spmem:s1] =	stream.indirect.scatter.add.f32 @!p2 [tilespmem:s24], [sflag:$0x8], $0x80, s21, s25, $0xb8;
	[tilespmem:$0x16280] =	vst v63  }
0xe9: {  	s21 =	simm.s32 @!p1 $0x100;
	_ =	swait.ge @!p4 [sflag:s19], $0x1400  }
0xea: {  	p2 =	sgt.u32 s13, $0x1E;
	s20 =	rddreg [dreg:$0x3];
	[sflag:s19] =	ssyncset.done @!p4 $0x0  }
0xeb: {  	[sflag:s19] =	ssyncadd.s32 @!p4 $0xFFFFEC00;
	s19 =	simm.s32 @!p1 $0x0;
	s20 =	sadd.s32 @!p1 s12, s20  }
0xec: {  	[tilespmem:s21], [sflag:$0x3] =	stream.linear.gather @!p1 [hbm4b:s20+s19], $0x28, $0x38;
	[tilespmem:$0x16280] =	vst v63  }
0xed: {  	p3 =	seq.s32 @!p2 s12, $0x0;
	_ =	swait.ge [sflag:s18], $0x28  }
0xee: {  	p3 =	por p3, p2;
	[sflag:s18] =	ssyncset.done $0x0  }
0xef: {  	s20 =	simm.s32 @!p3 $0x8;
	s26 =	rddreg [dreg:$0x4];
	[sflag:s18] =	ssyncadd.s32 $0xFFFFFFD8  }
0xf0: {  	[spmem:s1] =	stream.indirect.scatter.add.f32 [tilespmem:s17], [sflag:$0x5], $0x80, s2, s26, $0xb8;
	[tilespmem:$0x16280] =	vst v63  }
0xf1: {  	s22 =	simm.s32 @!p2 $0x180;
	_ =	swait.ge @!p3 [sflag:s20], $0x1400  }
0xf2: {  	s24 =	simm.s32 @!p2 $0x2;
	s13 =	rddreg [dreg:$0x5];
	[sflag:s20] =	ssyncset.done @!p3 $0x0  }
0xf3: {  	[sflag:s20] =	ssyncadd.s32 @!p3 $0xFFFFEC00;
	s20 =	simm.s32 @!p2 $0x0;
	s13 =	sadd.s32 @!p2 s12, s13  }
0xf4: {  	[tilespmem:s22], [sflag:$0x4] =	stream.linear.gather @!p2 [hbm4b:s13+s20], $0x28, $0x38;
	[tilespmem:$0x16280] =	vst v63  }
0xf5: {  	_ =	swait.ge @!p2 [sflag:s24], $0x28  }
0xf6: {  	s13 =	simm.s32 @!p2 $0x200;
	[sflag:s24] =	ssyncset.done @!p2 $0x0  }
0xf7: {  	s20 =	simm.s32 @!p2 $0x28;
	[sflag:s24] =	ssyncadd.s32 @!p2 $0xFFFFFFD8;
	s24 =	simm.s32 @!p2 $0x80  }
0xf8: {  	[spmem:s1] =	stream.indirect.scatter.add.f32 @!p2 [tilespmem:s13], [sflag:$0x6], $0x80, s24, s20, $0xb8;
	[tilespmem:$0x16280] =	vst v63  }
0xf9: {  	s24 =	simm.s32 @!p1 $0x5  }
0xfa: {  	_ =	swait.ge @!p1 [sflag:s24], $0x1400  }
0xfb: {  	[sflag:s24] =	ssyncset.done @!p1 $0x0  }
0xfc: {  	s23 =	sadd.s32 @!p1 s4, s23;
	[sflag:s24] =	ssyncadd.s32 @!p1 $0xFFFFEC00  }
0xfd: {  	[tilespmem:s19], [sflag:$0x1] =	stream.linear.gather @!p1 [hbm4b:s23+s19], $0x28, $0x38;
	[tilespmem:$0x16280] =	vst v63  }
0xfe: {  	s19 =	simm.s32 @!p1 $0x3  }
0xff: {  	_ =	swait.ge @!p1 [sflag:s19], $0x28  }
0x100: {  	[sflag:s19] =	ssyncset.done @!p1 $0x0  }
0x101: {  	s23 =	simm.s32 @!p1 $0x200;
	[sflag:s19] =	ssyncadd.s32 @!p1 $0xFFFFFFD8;
	s19 =	simm.s32 @!p1 $0x28  }
0x102: {  	[spmem:s1] =	stream.indirect.scatter.add.f32 @!p1 [tilespmem:s23], [sflag:$0x7], $0x80, s21, s19, $0xb8;
	[tilespmem:$0x16280] =	vst v63  }
0x103: {  	p1 =	seq.s32 @!p2 s12, $0x258  }
0x104: {  	p1 =	por p1, p2  }
0x105: {  	s19 =	simm.s32 @!p1 $0x6  }
0x106: {  	_ =	swait.ge @!p1 [sflag:s19], $0x1400  }
0x107: {  	[sflag:s19] =	ssyncset.done @!p1 $0x0  }
0x108: {  	s21 =	rddreg [dreg:$0x6];
	[sflag:s19] =	ssyncadd.s32 @!p1 $0xFFFFEC00  }
0x109: {  	s19 =	simm.s32 @!p1 $0x80;
	s12 =	sadd.s32 @!p1 s12, s21;
	s21 =	simm.s32 @!p1 $0x0  }
0x10a: {  	[tilespmem:s19], [sflag:$0x2] =	stream.linear.gather @!p1 [hbm4b:s12+s21], $0x28, $0x38;
	[tilespmem:$0x16280] =	vst v63  }
0x10b: {  	s12 =	simm.s32 @!p2 $0x4  }
0x10c: {  	_ =	swait.ge @!p2 [sflag:s12], $0x28  }
0x10d: {  	[sflag:s12] =	ssyncset.done @!p2 $0x0  }
0x10e: {  	s19 =	simm.s32 $0x6;
	[sflag:s12] =	ssyncadd.s32 @!p2 $0xFFFFFFD8  }
0x10f: {  	[spmem:s1] =	stream.indirect.scatter.add.f32 @!p2 [tilespmem:s13], [sflag:$0x8], $0x80, s22, s20, $0xb8;
	[tilespmem:$0x16280] =	vst v63  }
0x110: {  	_ =	swait.ge [sflag:s19], $0x1400  }
0x111: {  	[sflag:s19] =	ssyncset.done $0x0  }
0x112: {  	s20 =	simm.s32 $0x7;
	[sflag:s19] =	ssyncadd.s32 $0xFFFFEC00  }
0x113: {  	_ =	swait.ge [sflag:s20], $0x1400  }
0x114: {  	[sflag:s20] =	ssyncset.done $0x0  }
0x115: {  	s21 =	simm.s32 $0x8;
	[sflag:s20] =	ssyncadd.s32 $0xFFFFEC00  }
0x116: {  	_ =	swait.ge [sflag:s21], $0x1400  }
0x117: {  	[sflag:s21] =	ssyncset.done $0x0  }
0x118: {  	s22 =	simm.s32 $0x5;
	[sflag:s21] =	ssyncadd.s32 $0xFFFFEC00  }
0x119: {  	_ =	swait.ge [sflag:s22], $0x1400  }
0x11a: {  	[sflag:s22] =	ssyncset.done $0x0  }
0x11b: {  	[sflag:s22] =	ssyncadd.s32 $0xFFFFEC00  }
0x11c: {  	[bflag:$0x0] =	sbarrier.arrive $0xFFFF  }
0x11d: {  	[tilespmem:s15], [sflag:$0x9] =	stream.linear.gather [spmem:s0], $0x1400, $0x38;
	[tilespmem:$0x16280] =	vst v63  }
0x11e: {  	_ =	swait.ge [sflag:s16], $0x1400  }
0x11f: {  	[sflag:s16] =	ssyncset.done $0x0  }
0x120: {  	s23 =	rddreg [dreg:$0x7];
	[sflag:s16] =	ssyncadd.s32 $0xFFFFEC00  }
0x121: {  	[hbm4b:s23+s2] =	stream.linear.scatter [tilespmem:s15], [sflag:$0x9], $0x1400, $0x38;
	[tilespmem:$0x16280] =	vst v63  }
0x122: {  	_ =	swait.ge [sflag:s16], $0x1400  }
0x123: {  	[sflag:s16] =	ssyncset.done $0x0  }
0x124: {  	[sflag:s16] =	ssyncadd.s32 $0xFFFFEC00  }
0x125: {  	[tilespmem:s15], [sflag:$0x9] =	stream.linear.gather [spmem:s3], $0x1400, $0x38;
	[tilespmem:$0x16280] =	vst v63  }
0x126: {  	_ =	swait.ge [sflag:s16], $0x1400  }
0x127: {  	[sflag:s16] =	ssyncset.done $0x0  }
0x128: {  	s24 =	rddreg [dreg:$0x8];
	[sflag:s16] =	ssyncadd.s32 $0xFFFFEC00  }
0x129: {  	[hbm4b:s24+s2] =	stream.linear.scatter [tilespmem:s15], [sflag:$0x9], $0x1400, $0x38;
	[tilespmem:$0x16280] =	vst v63  }
0x12a: {  	_ =	swait.ge [sflag:s16], $0x1400  }
0x12b: {  	[sflag:s16] =	ssyncset.done $0x0  }
0x12c: {  	[sflag:s16] =	ssyncadd.s32 $0xFFFFEC00  }
0x12d: {  	[tilespmem:s15], [sflag:$0x9] =	stream.linear.gather [spmem:s5], $0x1400, $0x38;
	[tilespmem:$0x16280] =	vst v63  }
0x12e: {  	_ =	swait.ge [sflag:s16], $0x1400  }
0x12f: {  	[sflag:s16] =	ssyncset.done $0x0  }
0x130: {  	s25 =	rddreg [dreg:$0x9];
	[sflag:s16] =	ssyncadd.s32 $0xFFFFEC00  }
0x131: {  	[hbm4b:s25+s2] =	stream.linear.scatter [tilespmem:s15], [sflag:$0x9], $0x1400, $0x38;
	[tilespmem:$0x16280] =	vst v63  }
0x132: {  	_ =	swait.ge [sflag:s16], $0x1400  }
0x133: {  	[sflag:s16] =	ssyncset.done $0x0  }
0x134: {  	[sflag:s16] =	ssyncadd.s32 $0xFFFFEC00  }
0x135: {  	[tilespmem:s15], [sflag:$0x9] =	stream.linear.gather [spmem:s6], $0x1400, $0x38;
	[tilespmem:$0x16280] =	vst v63  }
0x136: {  	_ =	swait.ge [sflag:s16], $0x1400  }
0x137: {  	[sflag:s16] =	ssyncset.done $0x0  }
0x138: {  	s26 =	rddreg [dreg:$0xa];
	[sflag:s16] =	ssyncadd.s32 $0xFFFFEC00  }
0x139: {  	[hbm4b:s26+s2] =	stream.linear.scatter [tilespmem:s15], [sflag:$0x9], $0x1400, $0x38;
	[tilespmem:$0x16280] =	vst v63  }
0x13a: {  	_ =	swait.ge [sflag:s16], $0x1400  }
0x13b: {  	[sflag:s16] =	ssyncset.done $0x0  }
0x13c: {  	[sflag:s16] =	ssyncadd.s32 $0xFFFFEC00  }
0x13d: {  	[tilespmem:s15], [sflag:$0x9] =	stream.linear.gather [spmem:s7], $0x1400, $0x38;
	[tilespmem:$0x16280] =	vst v63  }
0x13e: {  	_ =	swait.ge [sflag:s16], $0x1400  }
0x13f: {  	[sflag:s16] =	ssyncset.done $0x0  }
0x140: {  	s22 =	smov.u32 s0;
	s0 =	rddreg [dreg:$0xb];
	[sflag:s16] =	ssyncadd.s32 $0xFFFFEC00  }
0x141: {  	[hbm4b:s0+s2] =	stream.linear.scatter [tilespmem:s15], [sflag:$0x9], $0x1400, $0x38;
	[tilespmem:$0x16280] =	vst v63  }
0x142: {  	_ =	swait.ge [sflag:s16], $0x1400  }
0x143: {  	[sflag:s16] =	ssyncset.done $0x0  }
0x144: {  	[sflag:s16] =	ssyncadd.s32 $0xFFFFEC00  }
0x145: {  	[tilespmem:s15], [sflag:$0x9] =	stream.linear.gather [spmem:s8], $0x1400, $0x38;
	[tilespmem:$0x16280] =	vst v63  }
0x146: {  	_ =	swait.ge [sflag:s16], $0x1400  }
0x147: {  	[sflag:s16] =	ssyncset.done $0x0  }
0x148: {  	s23 =	smov.u32 s3;
	s3 =	rddreg [dreg:$0xc];
	[sflag:s16] =	ssyncadd.s32 $0xFFFFEC00  }
0x149: {  	[hbm4b:s3+s2] =	stream.linear.scatter [tilespmem:s15], [sflag:$0x9], $0x1400, $0x38;
	[tilespmem:$0x16280] =	vst v63  }
0x14a: {  	_ =	swait.ge [sflag:s16], $0x1400  }
0x14b: {  	[sflag:s16] =	ssyncset.done $0x0  }
0x14c: {  	[sflag:s16] =	ssyncadd.s32 $0xFFFFEC00  }
0x14d: {  	[tilespmem:s15], [sflag:$0x9] =	stream.linear.gather [spmem:s9], $0x1400, $0x38;
	[tilespmem:$0x16280] =	vst v63  }
0x14e: {  	_ =	swait.ge [sflag:s16], $0x1400  }
0x14f: {  	[sflag:s16] =	ssyncset.done $0x0  }
0x150: {  	s24 =	smov.u32 s5;
	s5 =	rddreg [dreg:$0xd];
	[sflag:s16] =	ssyncadd.s32 $0xFFFFEC00  }
0x151: {  	[hbm4b:s5+s2] =	stream.linear.scatter [tilespmem:s15], [sflag:$0x9], $0x1400, $0x38;
	[tilespmem:$0x16280] =	vst v63  }
0x152: {  	_ =	swait.ge [sflag:s16], $0x1400  }
0x153: {  	[sflag:s16] =	ssyncset.done $0x0  }
0x154: {  	[sflag:s16] =	ssyncadd.s32 $0xFFFFEC00  }
0x155: {  	[tilespmem:s15], [sflag:$0x9] =	stream.linear.gather [spmem:s10], $0x1400, $0x38;
	[tilespmem:$0x16280] =	vst v63  }
0x156: {  	_ =	swait.ge [sflag:s16], $0x1400  }
0x157: {  	[sflag:s16] =	ssyncset.done $0x0  }
0x158: {  	s25 =	smov.u32 s6;
	s6 =	rddreg [dreg:$0xe];
	[sflag:s16] =	ssyncadd.s32 $0xFFFFEC00  }
0x159: {  	[hbm4b:s6+s2] =	stream.linear.scatter [tilespmem:s15], [sflag:$0x9], $0x1400, $0x38;
	[tilespmem:$0x16280] =	vst v63  }
0x15a: {  	_ =	swait.ge [sflag:s16], $0x1400  }
0x15b: {  	[sflag:s16] =	ssyncset.done $0x0  }
0x15c: {  	[sflag:s16] =	ssyncadd.s32 $0xFFFFEC00  }
0x15d: {  	[tilespmem:s15], [sflag:$0x9] =	stream.linear.gather [spmem:s14], $0x1400, $0x38;
	[tilespmem:$0x16280] =	vst v63  }
0x15e: {  	_ =	swait.ge [sflag:s16], $0x1400  }
0x15f: {  	[sflag:s16] =	ssyncset.done $0x0  }
0x160: {  	s26 =	smov.u32 s7;
	s7 =	rddreg [dreg:$0xf];
	[sflag:s16] =	ssyncadd.s32 $0xFFFFEC00  }
0x161: {  	[hbm4b:s7+s2] =	stream.linear.scatter [tilespmem:s15], [sflag:$0x9], $0x1400, $0x38;
	[tilespmem:$0x16280] =	vst v63  }
0x162: {  	_ =	swait.ge [sflag:s16], $0x1400  }
0x163: {  	[sflag:s16] =	ssyncset.done $0x0  }
0x164: {  	s21 =	rddreg [dreg:$0x19];
	[sflag:s16] =	ssyncadd.s32 $0xFFFFEC00  }
0x165: {  	[tilespmem:s15], [sflag:$0x9] =	stream.linear.gather [spmem:s21], $0x1400, $0x38;
	[tilespmem:$0x16280] =	vst v63  }
0x166: {  	_ =	swait.ge [sflag:s16], $0x1400  }
0x167: {  	[sflag:s16] =	ssyncset.done $0x0  }
0x168: {  	s28 =	smov.u32 s8;
	s8 =	rddreg [dreg:$0x10];
	[sflag:s16] =	ssyncadd.s32 $0xFFFFEC00  }
0x169: {  	[hbm4b:s8+s2] =	stream.linear.scatter [tilespmem:s15], [sflag:$0x9], $0x1400, $0x38;
	[tilespmem:$0x16280] =	vst v63  }
0x16a: {  	_ =	swait.ge [sflag:s16], $0x1400  }
0x16b: {  	[sflag:s16] =	ssyncset.done $0x0  }
0x16c: {  	s3 =	rddreg [dreg:$0x1a];
	[sflag:s16] =	ssyncadd.s32 $0xFFFFEC00  }
0x16d: {  	[tilespmem:s15], [sflag:$0x9] =	stream.linear.gather [spmem:s3], $0x1400, $0x38;
	[tilespmem:$0x16280] =	vst v63  }
0x16e: {  	_ =	swait.ge [sflag:s16], $0x1400  }
0x16f: {  	[sflag:s16] =	ssyncset.done $0x0  }
0x170: {  	s29 =	smov.u32 s9;
	s9 =	rddreg [dreg:$0x11];
	[sflag:s16] =	ssyncadd.s32 $0xFFFFEC00  }
0x171: {  	[hbm4b:s9+s2] =	stream.linear.scatter [tilespmem:s15], [sflag:$0x9], $0x1400, $0x38;
	[tilespmem:$0x16280] =	vst v63  }
0x172: {  	_ =	swait.ge [sflag:s16], $0x1400  }
0x173: {  	[sflag:s16] =	ssyncset.done $0x0  }
0x174: {  	s0 =	rddreg [dreg:$0x1b];
	[sflag:s16] =	ssyncadd.s32 $0xFFFFEC00  }
0x175: {  	[tilespmem:s15], [sflag:$0x9] =	stream.linear.gather [spmem:s0], $0x1400, $0x38;
	[tilespmem:$0x16280] =	vst v63  }
0x176: {  	_ =	swait.ge [sflag:s16], $0x1400  }
0x177: {  	[sflag:s16] =	ssyncset.done $0x0  }
0x178: {  	s30 =	smov.u32 s10;
	s10 =	rddreg [dreg:$0x12];
	[sflag:s16] =	ssyncadd.s32 $0xFFFFEC00  }
0x179: {  	[hbm4b:s10+s2] =	stream.linear.scatter [tilespmem:s15], [sflag:$0x9], $0x1400, $0x38;
	[tilespmem:$0x16280] =	vst v63  }
0x17a: {  	_ =	swait.ge [sflag:s16], $0x1400  }
0x17b: {  	[sflag:s16] =	ssyncset.done $0x0  }
0x17c: {  	s5 =	rddreg [dreg:$0x1c];
	[sflag:s16] =	ssyncadd.s32 $0xFFFFEC00  }
0x17d: {  	[tilespmem:s15], [sflag:$0x9] =	stream.linear.gather [spmem:s5], $0x1400, $0x38;
	[tilespmem:$0x16280] =	vst v63  }
0x17e: {  	_ =	swait.ge [sflag:s16], $0x1400  }
0x17f: {  	[sflag:s16] =	ssyncset.done $0x0  }
0x180: {  	s13 =	rddreg [dreg:$0x13];
	[sflag:s16] =	ssyncadd.s32 $0xFFFFEC00  }
0x181: {  	[hbm4b:s13+s2] =	stream.linear.scatter [tilespmem:s15], [sflag:$0x9], $0x1400, $0x38;
	[tilespmem:$0x16280] =	vst v63  }
0x182: {  	_ =	swait.ge [sflag:s16], $0x1400  }
0x183: {  	[sflag:s16] =	ssyncset.done $0x0  }
0x184: {  	s6 =	rddreg [dreg:$0x1d];
	[sflag:s16] =	ssyncadd.s32 $0xFFFFEC00  }
0x185: {  	[tilespmem:s15], [sflag:$0x9] =	stream.linear.gather [spmem:s6], $0x1400, $0x38;
	[tilespmem:$0x16280] =	vst v63  }
0x186: {  	_ =	swait.ge [sflag:s16], $0x1400  }
0x187: {  	[sflag:s16] =	ssyncset.done $0x0  }
0x188: {  	s31 =	smov.u32 s14;
	s14 =	rddreg [dreg:$0x14];
	[sflag:s16] =	ssyncadd.s32 $0xFFFFEC00  }
0x189: {  	[hbm4b:s14+s2] =	stream.linear.scatter [tilespmem:s15], [sflag:$0x9], $0x1400, $0x38;
	[tilespmem:$0x16280] =	vst v63  }
0x18a: {  	_ =	swait.ge [sflag:s16], $0x1400  }
0x18b: {  	[sflag:s16] =	ssyncset.done $0x0  }
0x18c: {  	s7 =	rddreg [dreg:$0x1e];
	[sflag:s16] =	ssyncadd.s32 $0xFFFFEC00  }
0x18d: {  	[tilespmem:s15], [sflag:$0x9] =	stream.linear.gather [spmem:s7], $0x1400, $0x38;
	[tilespmem:$0x16280] =	vst v63  }
0x18e: {  	_ =	swait.ge [sflag:s16], $0x1400  }
0x18f: {  	[sflag:s16] =	ssyncset.done $0x0  }
0x190: {  	s19 =	rddreg [dreg:$0x15];
	[sflag:s16] =	ssyncadd.s32 $0xFFFFEC00  }
0x191: {  	[hbm4b:s19+s2] =	stream.linear.scatter [tilespmem:s15], [sflag:$0x9], $0x1400, $0x38;
	[tilespmem:$0x16280] =	vst v63  }
0x192: {  	_ =	swait.ge [sflag:s16], $0x1400  }
0x193: {  	s12 =	simm.s32 @!p0 $0x1600;
	[sflag:s16] =	ssyncset.done $0x0  }
0x194: {  	s13 =	simm.s32 @!p0 $0x9;
	s8 =	rddreg [dreg:$0x1f];
	[sflag:s16] =	ssyncadd.s32 $0xFFFFEC00  }
0x195: {  	[tilespmem:s12], [sflag:$0x9] =	stream.linear.gather @!p0 [spmem:s8], $0x1400, $0x38;
	[tilespmem:$0x16280] =	vst v63  }
0x196: {  	_ =	swait.ge @!p0 [sflag:s13], $0x1400  }
0x197: {  	[sflag:s13] =	ssyncset.done @!p0 $0x0  }
0x198: {  	s19 =	simm.s32 @!p0 $0x0;
	s20 =	rddreg [dreg:$0x16];
	[sflag:s13] =	ssyncadd.s32 @!p0 $0xFFFFEC00  }
0x199: {  	[hbm4b:s20+s19] =	stream.linear.scatter @!p0 [tilespmem:s12], [sflag:$0x9], $0x1400, $0x38;
	[tilespmem:$0x16280] =	vst v63  }
0x19a: {  	_ =	swait.ge @!p0 [sflag:s13], $0x1400  }
0x19b: {  	s20 =	sld [smem:$0x7FC];
	_ =	sdelay $0x1  }
0x19c: {  	s11 =	sadd.s32 $0x1, s11  }
0x19d: {  	p1 =	sne.s32 s11, s20  }
.Ltmp1:
0x19e: {  	_ = 	snop;
	(pc) =	sbr.rel @p1 .LBB2_1-.Ltmp1, $3  }
0x19f: {  	_ =	sdelay $0x1  }
0x1a0: {  	[sflag:s13] =	ssyncset.done @!p0 $0x0  }
0x1a1: {  	[sflag:s13] =	ssyncadd.s32 @!p0 $0xFFFFEC00  }
0x1a2: {  	_ =	sfence.sel $0x180000  }
0x1a3: {  	[bflag:$0x0] =	sbarrier.arrive $0xFFFF  }
0x1a4: {  	_ =	strace $0x9000004A  }
0x1a5: {  	s0 =	stileid.u32;
	[bflag:$0x2] =	sbarrier.arrive $0xFFFF  }
0x1a6: {  	p0 =	sne.s32 s0, $0x0;
	s0 =	rddreg [dreg:$0x2]  }
0x1a7: {  	s0 =	sadd.s32 @!p0 $0x100000, s0  }
0x1a8: {  	[sflag:s0] =	ssyncadd.tile.s32 @!p0 $0x1;
	_ =	shalt  }
.Lfunc_end2:
_tile_overlayer_lowered:
.L_overlay_start_2:
0x1a9: {  	(tag) =	ssettag $0x2  }
0x1aa: {  	s0 =	rddreg [dreg:$0x0];
	s2 =	stileid.u32  }
0x1ab: {  	s1 =	rddreg [dreg:$0x1];
	p0 =	sne.s32 s2, $0x0  }
0x1ac: {  	s3 =	rddreg [dreg:$0x2];
	[bflag:$0x3] =	sbarrier.arrive $0xFFFF;
	s2 =	simm.s32 @!p0 $0x1C09  }
0x1ad: {  	[timem:s3], [sflag:s2] =	dma.local @!p0 [hbm:s0], s1  }
0x1ae: {  	s0 =	simm.s32 @!p0 $0x9  }
0x1af: {  	_ =	swait.ge @!p0 [sflag:s0], s1  }
0x1b0: {  	s1 =	ssub.s32 @!p0 $0x0, s1;
	[sflag:s0] =	ssyncset.done @!p0 $0x0  }
0x1b1: {  	[sflag:s0] =	ssyncadd.s32 @!p0 s1  }
0x1b2: {  	[bflag:$0x3] =	sbarrier.arrive $0xFFFF  }
0x1b3: {  	_ =	shalt  }

</sc_bundles>
